<compile_context>
chip_gen: v7x
topology: tpu7x:2x2x1
jax: 0.10.2.dev20260603
libtpu: 0.0.44.dev20260713+nightly
codegen_flags: <defaults>
</compile_context>

<pallas_src>
import jax
import jax.numpy as jnp
from jax import lax
from jax.experimental import pallas as pl
from jax.experimental.pallas import tpu as pltpu
from jax.experimental.pallas import tpu_sc as plsc

NC = 2
NS = 16
NW = NC * NS

BPW = 3328
SEG = 512
FLUSH = 256
NFLUSH = BPW // FLUSH


def _vext(ref, k):
    iota = lax.iota(jnp.int32, 16)
    v = ref[pl.ds((k // 16) * 16, 16)]
    return lax.reduce_max(jnp.where(iota == k % 16, v, 0), (0,))


def _body(wt_hbm, sidx_hbm, perm_hbm, out_hbm,
          sidx_v, perm2d, runs_seg, runs_start, blk0, blk1, rowbuf,
          sA, sB, osem):
    wid = lax.axis_index("s") * NC + lax.axis_index("c")
    base = wid * BPW
    i32 = jnp.int32
    iota = lax.iota(i32, 16)

    pltpu.sync_copy(sidx_hbm.at[pl.ds(base, BPW)], sidx_v)
    for k in range(NFLUSH):
        pltpu.sync_copy(perm_hbm.at[pl.ds(base + k * FLUSH, FLUSH)],
                        perm2d.at[k, 0])

    def p1(v, carry):
        cnt, prev_last = carry
        r = sidx_v[pl.ds(v * 16, 16)]
        seg = lax.shift_right_logical(r, 9)
        pos = jnp.full((16,), v * 16, i32) + iota
        prev_r = plsc.load_gather(sidx_v, [jnp.maximum(pos - 1, 0)])
        prev = lax.shift_right_logical(prev_r, 9)
        first = jnp.logical_or(seg != prev, pos == 0)
        plsc.store_compressed(runs_seg.at[pl.ds(cnt, 16)], seg, mask=first)
        plsc.store_compressed(runs_start.at[pl.ds(cnt, 16)], pos, mask=first)
        n = lax.reduce_max(plsc.all_reduce_population_count(first), (0,))
        last = lax.reduce_max(jnp.where(iota == 15, seg, 0), (0,))
        return cnt + n, last

    nruns, _ = lax.fori_loop(0, BPW // 16, p1,
                             (jnp.int32(0), jnp.int32(-1)))
    runs_start[pl.ds(nruns, 16)] = jnp.full((16,), BPW, i32)

    blks = (blk0, blk1)
    sems = (sA, sB)

    def stage(k, b):
        s = _vext(runs_seg, jnp.minimum(k, nruns - 1))
        pltpu.async_copy(wt_hbm.at[:, pl.ds(s * SEG, SEG)], blks[b], sems[b])

    stage(jnp.int32(0), 0)

    def run_body(k, b):
        pltpu.make_async_copy(wt_hbm.at[:, pl.ds(0, SEG)],
                              blks[b], sems[b]).wait()
        stage(k + 1, 1 - b)
        kc = jnp.minimum(k, nruns - 1)
        s = _vext(runs_seg, kc)
        lo = jnp.where(k < nruns, _vext(runs_start, kc), 0)
        hi = jnp.where(k < nruns, _vext(runs_start, kc + 1), 0)
        sbase = s * SEG

        def group(g, carry):
            slo = jnp.maximum(lo, g * FLUSH)
            shi = jnp.minimum(hi, (g + 1) * FLUSH)

            @plsc.parallel_loop(slo, shi, unroll=8)
            def _hits(j):
                rb = plsc.load_gather(sidx_v, [jnp.full((16,), j, i32)])
                colv = rb - sbase
                jmv = jnp.full((16,), j % FLUSH, i32)
                for c0 in range(0, 64, 16):
                    v = plsc.load_gather(blks[b], [iota + c0, colv])
                    plsc.store_scatter(rowbuf, [jmv, iota + c0], v)

            @pl.when(shi == (g + 1) * FLUSH)
            def _flush():
                pltpu.async_copy(rowbuf, out_hbm.at[perm2d.at[g, 0]],
                                 osem).wait()

            return carry

        lax.fori_loop(lo // FLUSH, (hi + FLUSH - 1) // FLUSH, group,
                      jnp.int32(0))
        return None

    def pair(kk, carry):
        run_body(2 * kk, 0)
        run_body(2 * kk + 1, 1)
        return carry

    lax.fori_loop(0, (nruns + 1) // 2, pair, jnp.int32(0))
    pltpu.make_async_copy(wt_hbm.at[:, pl.ds(0, SEG)], blks[0], sems[0]).wait()


def kernel(x, weight):
    B = x.size
    D = weight.shape[1]
    idx = x.reshape(B).astype(jnp.int32)
    pos = lax.iota(jnp.int32, B)
    sidx, perm = lax.sort((idx, pos), num_keys=1)
    wt = weight.T

    mesh = plsc.VectorSubcoreMesh(core_axis_name="c", subcore_axis_name="s",
                                  num_cores=NC, num_subcores=NS)
    out = pl.kernel(
        _body,
        out_type=jax.ShapeDtypeStruct((B, 128), jnp.float32),
        mesh=mesh,
        scratch_types=[
            pltpu.VMEM((BPW,), jnp.int32),
            pltpu.VMEM((NFLUSH, 1, FLUSH), jnp.int32),
            pltpu.VMEM((BPW + 32,), jnp.int32),
            pltpu.VMEM((BPW + 32,), jnp.int32),
            pltpu.VMEM((64, SEG), jnp.float32),
            pltpu.VMEM((64, SEG), jnp.float32),
            pltpu.VMEM((FLUSH, 128), jnp.float32),
            pltpu.SemaphoreType.DMA,
            pltpu.SemaphoreType.DMA,
            pltpu.SemaphoreType.DMA,
        ],
        compiler_params=pltpu.CompilerParams(use_tc_tiling_on_sc=True,
                                             needs_layout_passes=False),
    )(wt, sidx, perm)
    return out[:, :D].reshape(x.shape + (D,))

# --- scband reference (transcript-rebuilt; emitter-appended) ---
"""Pipeline reference for scband-embedding-489626271768 (READ-ONLY COPY).

The authoritative reference and input builder live on the scoring server;
editing this copy changes nothing except your own understanding.
"""

import jax, jax.numpy as jnp
import numpy as np

NUM_EMBEDDINGS = 1000000
EMBEDDING_DIM = 64
BATCH = 4096
FIELDS = 26

def setup_inputs(seed: int = 0) -> dict:
    key = jax.random.key(seed)
    k_idx, k_w = jax.random.split(key)
    x = jax.random.randint(k_idx, (BATCH, FIELDS), 0, NUM_EMBEDDINGS, dtype=jnp.int64 if jax.config.read('jax_enable_x64') else jnp.int32)
    weight = jax.random.normal(k_w, (NUM_EMBEDDINGS, EMBEDDING_DIM), dtype=jnp.float32) * 0.02
    return {"x": x, "weight": weight}

def reference(x, weight):
    # Faithful translation of Embedding.forward with quant=False:
    # output = F.embedding(x, weight) -> gather rows of weight
    output = jnp.take(weight, x, axis=0)
    return output

if __name__ == "__main__":
    import jax
    _d = setup_inputs()
    print(jax.jit(kernel)(*tuple(_d.values())))

</pallas_src>

<mosaic_0001>
#map = affine_map<(d0, d1) -> (0, 0)>
#map1 = affine_map<(d0, d1) -> (0)>
module attributes {stable_mosaic.version = 14 : i64} {
  func.func @_body(%arg0: i32, %arg1: i32, %arg2: memref<64x1000000xf32, #tpu.memory_space<hbm>>, %arg3: memref<106496xi32, #tpu.memory_space<hbm>>, %arg4: memref<106496xi32, #tpu.memory_space<hbm>>, %arg5: memref<106496x128xf32, #tpu.memory_space<hbm>>, %arg6: memref<3328xi32, #tpu.memory_space<vmem>>, %arg7: memref<13x1x256xi32, #tpu.memory_space<vmem>>, %arg8: memref<3360xi32, #tpu.memory_space<vmem>>, %arg9: memref<3360xi32, #tpu.memory_space<vmem>>, %arg10: memref<64x512xf32, #tpu.memory_space<vmem>>, %arg11: memref<64x512xf32, #tpu.memory_space<vmem>>, %arg12: memref<256x128xf32, #tpu.memory_space<vmem>>, %arg13: memref<!tpu.dma_semaphore, #tpu.memory_space<semaphore_mem>>, %arg14: memref<!tpu.dma_semaphore, #tpu.memory_space<semaphore_mem>>, %arg15: memref<!tpu.dma_semaphore, #tpu.memory_space<semaphore_mem>>) attributes {dimension_semantics = [#tpu.dimension_semantics<core_parallel>, #tpu.dimension_semantics<subcore_parallel>], iteration_bounds = array<i64: 2, 16>, scalar_prefetch = 0 : i64, scratch_operands = 10 : i64, tpu.core_type = #tpu.core_type<sc_vector_subcore>, window_params = [{transform_indices = #map}, {transform_indices = #map1}, {transform_indices = #map1}, {transform_indices = #map}]} {
    %mul3A = arith.constant 2 : i32
    %mul3A_0 = arith.muli %arg1, %mul3A : i32
    %add3A = arith.addi %mul3A_0, %arg0 : i32
    %mul3A_1 = arith.constant 3328 : i32
    %mul3A_2 = arith.muli %add3A, %mul3A_1 : i32
    %iota3A = tpu.iota {dimensions = array<i32: 0>} : vector<16xi32>
    "tpu.region"() ({
      %run_scoped3A_157 = tpu.sem_alloc : memref<!tpu.dma_semaphore, #tpu.memory_space<semaphore_mem>>
      %dma_start3A_158 = tpu.memref_slice %arg3[%mul3A_2] : memref<106496xi32, #tpu.memory_space<hbm>> -> memref<3328xi32, #tpu.memory_space<hbm>>
      %dma_start3A_159 = tpu.memref_slice %arg3[%mul3A_2] : memref<106496xi32, #tpu.memory_space<hbm>> -> memref<3328xi32, #tpu.memory_space<hbm>>
      tpu.enqueue_dma source(%dma_start3A_159 : memref<3328xi32, #tpu.memory_space<hbm>>) target(%arg6 : memref<3328xi32, #tpu.memory_space<vmem>>) target_semaphore(%run_scoped3A_157 : memref<!tpu.dma_semaphore, #tpu.memory_space<semaphore_mem>>)
      %dma_wait3A_160 = tpu.memref_slice %arg3[%mul3A_2] : memref<106496xi32, #tpu.memory_space<hbm>> -> memref<3328xi32, #tpu.memory_space<hbm>>
      %dma_wait3A_161 = tpu.memref_slice %arg3[%mul3A_2] : memref<106496xi32, #tpu.memory_space<hbm>> -> memref<3328xi32, #tpu.memory_space<hbm>>
      tpu.wait_dma2 semaphore(%run_scoped3A_157 : memref<!tpu.dma_semaphore, #tpu.memory_space<semaphore_mem>>) src(%dma_wait3A_161 : memref<3328xi32, #tpu.memory_space<hbm>>) dst(%arg6 : memref<3328xi32, #tpu.memory_space<vmem>>)
      tpu.yield
    }) : () -> ()
    %add3A_3 = arith.constant 0 : i32
    %add3A_4 = arith.addi %mul3A_2, %add3A_3 : i32
    %run_scoped3A = arith.constant 0 : i32
    %run_scoped3A_5 = arith.constant 0 : i32
    "tpu.region"() ({
      %run_scoped3A_157 = tpu.sem_alloc : memref<!tpu.dma_semaphore, #tpu.memory_space<semaphore_mem>>
      %dma_start3A_158 = arith.constant 0 : i32
      %dma_start3A_159 = tpu.memref_slice %arg7[%run_scoped3A, %run_scoped3A_5, %dma_start3A_158] : memref<13x1x256xi32, #tpu.memory_space<vmem>> -> memref<1x1x256xi32, #tpu.memory_space<vmem>>
      %dma_start3A_160 = tpu.memref_squeeze %dma_start3A_159 : memref<1x1x256xi32, #tpu.memory_space<vmem>> -> memref<256xi32, #tpu.memory_space<vmem>>
      %dma_start3A_161 = tpu.memref_slice %arg4[%add3A_4] : memref<106496xi32, #tpu.memory_space<hbm>> -> memref<256xi32, #tpu.memory_space<hbm>>
      %dma_start3A_162 = arith.constant 0 : i32
      %dma_start3A_163 = tpu.memref_slice %arg7[%run_scoped3A, %run_scoped3A_5, %dma_start3A_162] : memref<13x1x256xi32, #tpu.memory_space<vmem>> -> memref<1x1x256xi32, #tpu.memory_space<vmem>>
      %dma_start3A_164 = tpu.memref_squeeze %dma_start3A_163 : memref<1x1x256xi32, #tpu.memory_space<vmem>> -> memref<256xi32, #tpu.memory_space<vmem>>
      %dma_start3A_165 = tpu.memref_slice %arg4[%add3A_4] : memref<106496xi32, #tpu.memory_space<hbm>> -> memref<256xi32, #tpu.memory_space<hbm>>
      tpu.enqueue_dma source(%dma_start3A_165 : memref<256xi32, #tpu.memory_space<hbm>>) target(%dma_start3A_164 : memref<256xi32, #tpu.memory_space<vmem>>) target_semaphore(%run_scoped3A_157 : memref<!tpu.dma_semaphore, #tpu.memory_space<semaphore_mem>>)
      %dma_wait3A_166 = arith.constant 0 : i32
      %dma_wait3A_167 = tpu.memref_slice %arg7[%run_scoped3A, %run_scoped3A_5, %dma_wait3A_166] : memref<13x1x256xi32, #tpu.memory_space<vmem>> -> memref<1x1x256xi32, #tpu.memory_space<vmem>>
      %dma_wait3A_168 = tpu.memref_squeeze %dma_wait3A_167 : memref<1x1x256xi32, #tpu.memory_space<vmem>> -> memref<256xi32, #tpu.memory_space<vmem>>
      %dma_wait3A_169 = tpu.memref_slice %arg4[%add3A_4] : memref<106496xi32, #tpu.memory_space<hbm>> -> memref<256xi32, #tpu.memory_space<hbm>>
      %dma_wait3A_170 = arith.constant 0 : i32
      %dma_wait3A_171 = tpu.memref_slice %arg7[%run_scoped3A, %run_scoped3A_5, %dma_wait3A_170] : memref<13x1x256xi32, #tpu.memory_space<vmem>> -> memref<1x1x256xi32, #tpu.memory_space<vmem>>
      %dma_wait3A_172 = tpu.memref_squeeze %dma_wait3A_171 : memref<1x1x256xi32, #tpu.memory_space<vmem>> -> memref<256xi32, #tpu.memory_space<vmem>>
      %dma_wait3A_173 = tpu.memref_slice %arg4[%add3A_4] : memref<106496xi32, #tpu.memory_space<hbm>> -> memref<256xi32, #tpu.memory_space<hbm>>
      tpu.wait_dma2 semaphore(%run_scoped3A_157 : memref<!tpu.dma_semaphore, #tpu.memory_space<semaphore_mem>>) src(%dma_wait3A_173 : memref<256xi32, #tpu.memory_space<hbm>>) dst(%dma_wait3A_172 : memref<256xi32, #tpu.memory_space<vmem>>)
      tpu.yield
    }) : () -> ()
    %add3A_6 = arith.constant 256 : i32
    %add3A_7 = arith.addi %mul3A_2, %add3A_6 : i32
    %run_scoped3A_8 = arith.constant 1 : i32
    %run_scoped3A_9 = arith.constant 0 : i32
    "tpu.region"() ({
      %run_scoped3A_157 = tpu.sem_alloc : memref<!tpu.dma_semaphore, #tpu.memory_space<semaphore_mem>>
      %dma_start3A_158 = arith.constant 0 : i32
      %dma_start3A_159 = tpu.memref_slice %arg7[%run_scoped3A_8, %run_scoped3A_9, %dma_start3A_158] : memref<13x1x256xi32, #tpu.memory_space<vmem>> -> memref<1x1x256xi32, #tpu.memory_space<vmem>>
      %dma_start3A_160 = tpu.memref_squeeze %dma_start3A_159 : memref<1x1x256xi32, #tpu.memory_space<vmem>> -> memref<256xi32, #tpu.memory_space<vmem>>
      %dma_start3A_161 = tpu.memref_slice %arg4[%add3A_7] : memref<106496xi32, #tpu.memory_space<hbm>> -> memref<256xi32, #tpu.memory_space<hbm>>
      %dma_start3A_162 = arith.constant 0 : i32
      %dma_start3A_163 = tpu.memref_slice %arg7[%run_scoped3A_8, %run_scoped3A_9, %dma_start3A_162] : memref<13x1x256xi32, #tpu.memory_space<vmem>> -> memref<1x1x256xi32, #tpu.memory_space<vmem>>
      %dma_start3A_164 = tpu.memref_squeeze %dma_start3A_163 : memref<1x1x256xi32, #tpu.memory_space<vmem>> -> memref<256xi32, #tpu.memory_space<vmem>>
      %dma_start3A_165 = tpu.memref_slice %arg4[%add3A_7] : memref<106496xi32, #tpu.memory_space<hbm>> -> memref<256xi32, #tpu.memory_space<hbm>>
      tpu.enqueue_dma source(%dma_start3A_165 : memref<256xi32, #tpu.memory_space<hbm>>) target(%dma_start3A_164 : memref<256xi32, #tpu.memory_space<vmem>>) target_semaphore(%run_scoped3A_157 : memref<!tpu.dma_semaphore, #tpu.memory_space<semaphore_mem>>)
      %dma_wait3A_166 = arith.constant 0 : i32
      %dma_wait3A_167 = tpu.memref_slice %arg7[%run_scoped3A_8, %run_scoped3A_9, %dma_wait3A_166] : memref<13x1x256xi32, #tpu.memory_space<vmem>> -> memref<1x1x256xi32, #tpu.memory_space<vmem>>
      %dma_wait3A_168 = tpu.memref_squeeze %dma_wait3A_167 : memref<1x1x256xi32, #tpu.memory_space<vmem>> -> memref<256xi32, #tpu.memory_space<vmem>>
      %dma_wait3A_169 = tpu.memref_slice %arg4[%add3A_7] : memref<106496xi32, #tpu.memory_space<hbm>> -> memref<256xi32, #tpu.memory_space<hbm>>
      %dma_wait3A_170 = arith.constant 0 : i32
      %dma_wait3A_171 = tpu.memref_slice %arg7[%run_scoped3A_8, %run_scoped3A_9, %dma_wait3A_170] : memref<13x1x256xi32, #tpu.memory_space<vmem>> -> memref<1x1x256xi32, #tpu.memory_space<vmem>>
      %dma_wait3A_172 = tpu.memref_squeeze %dma_wait3A_171 : memref<1x1x256xi32, #tpu.memory_space<vmem>> -> memref<256xi32, #tpu.memory_space<vmem>>
      %dma_wait3A_173 = tpu.memref_slice %arg4[%add3A_7] : memref<106496xi32, #tpu.memory_space<hbm>> -> memref<256xi32, #tpu.memory_space<hbm>>
      tpu.wait_dma2 semaphore(%run_scoped3A_157 : memref<!tpu.dma_semaphore, #tpu.memory_space<semaphore_mem>>) src(%dma_wait3A_173 : memref<256xi32, #tpu.memory_space<hbm>>) dst(%dma_wait3A_172 : memref<256xi32, #tpu.memory_space<vmem>>)
      tpu.yield
    }) : () -> ()
    %add3A_10 = arith.constant 512 : i32
    %add3A_11 = arith.addi %mul3A_2, %add3A_10 : i32
    %run_scoped3A_12 = arith.constant 2 : i32
    %run_scoped3A_13 = arith.constant 0 : i32
    "tpu.region"() ({
      %run_scoped3A_157 = tpu.sem_alloc : memref<!tpu.dma_semaphore, #tpu.memory_space<semaphore_mem>>
      %dma_start3A_158 = arith.constant 0 : i32
      %dma_start3A_159 = tpu.memref_slice %arg7[%run_scoped3A_12, %run_scoped3A_13, %dma_start3A_158] : memref<13x1x256xi32, #tpu.memory_space<vmem>> -> memref<1x1x256xi32, #tpu.memory_space<vmem>>
      %dma_start3A_160 = tpu.memref_squeeze %dma_start3A_159 : memref<1x1x256xi32, #tpu.memory_space<vmem>> -> memref<256xi32, #tpu.memory_space<vmem>>
      %dma_start3A_161 = tpu.memref_slice %arg4[%add3A_11] : memref<106496xi32, #tpu.memory_space<hbm>> -> memref<256xi32, #tpu.memory_space<hbm>>
      %dma_start3A_162 = arith.constant 0 : i32
      %dma_start3A_163 = tpu.memref_slice %arg7[%run_scoped3A_12, %run_scoped3A_13, %dma_start3A_162] : memref<13x1x256xi32, #tpu.memory_space<vmem>> -> memref<1x1x256xi32, #tpu.memory_space<vmem>>
      %dma_start3A_164 = tpu.memref_squeeze %dma_start3A_163 : memref<1x1x256xi32, #tpu.memory_space<vmem>> -> memref<256xi32, #tpu.memory_space<vmem>>
      %dma_start3A_165 = tpu.memref_slice %arg4[%add3A_11] : memref<106496xi32, #tpu.memory_space<hbm>> -> memref<256xi32, #tpu.memory_space<hbm>>
      tpu.enqueue_dma source(%dma_start3A_165 : memref<256xi32, #tpu.memory_space<hbm>>) target(%dma_start3A_164 : memref<256xi32, #tpu.memory_space<vmem>>) target_semaphore(%run_scoped3A_157 : memref<!tpu.dma_semaphore, #tpu.memory_space<semaphore_mem>>)
      %dma_wait3A_166 = arith.constant 0 : i32
      %dma_wait3A_167 = tpu.memref_slice %arg7[%run_scoped3A_12, %run_scoped3A_13, %dma_wait3A_166] : memref<13x1x256xi32, #tpu.memory_space<vmem>> -> memref<1x1x256xi32, #tpu.memory_space<vmem>>
      %dma_wait3A_168 = tpu.memref_squeeze %dma_wait3A_167 : memref<1x1x256xi32, #tpu.memory_space<vmem>> -> memref<256xi32, #tpu.memory_space<vmem>>
      %dma_wait3A_169 = tpu.memref_slice %arg4[%add3A_11] : memref<106496xi32, #tpu.memory_space<hbm>> -> memref<256xi32, #tpu.memory_space<hbm>>
      %dma_wait3A_170 = arith.constant 0 : i32
      %dma_wait3A_171 = tpu.memref_slice %arg7[%run_scoped3A_12, %run_scoped3A_13, %dma_wait3A_170] : memref<13x1x256xi32, #tpu.memory_space<vmem>> -> memref<1x1x256xi32, #tpu.memory_space<vmem>>
      %dma_wait3A_172 = tpu.memref_squeeze %dma_wait3A_171 : memref<1x1x256xi32, #tpu.memory_space<vmem>> -> memref<256xi32, #tpu.memory_space<vmem>>
      %dma_wait3A_173 = tpu.memref_slice %arg4[%add3A_11] : memref<106496xi32, #tpu.memory_space<hbm>> -> memref<256xi32, #tpu.memory_space<hbm>>
      tpu.wait_dma2 semaphore(%run_scoped3A_157 : memref<!tpu.dma_semaphore, #tpu.memory_space<semaphore_mem>>) src(%dma_wait3A_173 : memref<256xi32, #tpu.memory_space<hbm>>) dst(%dma_wait3A_172 : memref<256xi32, #tpu.memory_space<vmem>>)
      tpu.yield
    }) : () -> ()
    %add3A_14 = arith.constant 768 : i32
    %add3A_15 = arith.addi %mul3A_2, %add3A_14 : i32
    %run_scoped3A_16 = arith.constant 3 : i32
    %run_scoped3A_17 = arith.constant 0 : i32
    "tpu.region"() ({
      %run_scoped3A_157 = tpu.sem_alloc : memref<!tpu.dma_semaphore, #tpu.memory_space<semaphore_mem>>
      %dma_start3A_158 = arith.constant 0 : i32
      %dma_start3A_159 = tpu.memref_slice %arg7[%run_scoped3A_16, %run_scoped3A_17, %dma_start3A_158] : memref<13x1x256xi32, #tpu.memory_space<vmem>> -> memref<1x1x256xi32, #tpu.memory_space<vmem>>
      %dma_start3A_160 = tpu.memref_squeeze %dma_start3A_159 : memref<1x1x256xi32, #tpu.memory_space<vmem>> -> memref<256xi32, #tpu.memory_space<vmem>>
      %dma_start3A_161 = tpu.memref_slice %arg4[%add3A_15] : memref<106496xi32, #tpu.memory_space<hbm>> -> memref<256xi32, #tpu.memory_space<hbm>>
      %dma_start3A_162 = arith.constant 0 : i32
      %dma_start3A_163 = tpu.memref_slice %arg7[%run_scoped3A_16, %run_scoped3A_17, %dma_start3A_162] : memref<13x1x256xi32, #tpu.memory_space<vmem>> -> memref<1x1x256xi32, #tpu.memory_space<vmem>>
      %dma_start3A_164 = tpu.memref_squeeze %dma_start3A_163 : memref<1x1x256xi32, #tpu.memory_space<vmem>> -> memref<256xi32, #tpu.memory_space<vmem>>
      %dma_start3A_165 = tpu.memref_slice %arg4[%add3A_15] : memref<106496xi32, #tpu.memory_space<hbm>> -> memref<256xi32, #tpu.memory_space<hbm>>
      tpu.enqueue_dma source(%dma_start3A_165 : memref<256xi32, #tpu.memory_space<hbm>>) target(%dma_start3A_164 : memref<256xi32, #tpu.memory_space<vmem>>) target_semaphore(%run_scoped3A_157 : memref<!tpu.dma_semaphore, #tpu.memory_space<semaphore_mem>>)
      %dma_wait3A_166 = arith.constant 0 : i32
      %dma_wait3A_167 = tpu.memref_slice %arg7[%run_scoped3A_16, %run_scoped3A_17, %dma_wait3A_166] : memref<13x1x256xi32, #tpu.memory_space<vmem>> -> memref<1x1x256xi32, #tpu.memory_space<vmem>>
      %dma_wait3A_168 = tpu.memref_squeeze %dma_wait3A_167 : memref<1x1x256xi32, #tpu.memory_space<vmem>> -> memref<256xi32, #tpu.memory_space<vmem>>
      %dma_wait3A_169 = tpu.memref_slice %arg4[%add3A_15] : memref<106496xi32, #tpu.memory_space<hbm>> -> memref<256xi32, #tpu.memory_space<hbm>>
      %dma_wait3A_170 = arith.constant 0 : i32
      %dma_wait3A_171 = tpu.memref_slice %arg7[%run_scoped3A_16, %run_scoped3A_17, %dma_wait3A_170] : memref<13x1x256xi32, #tpu.memory_space<vmem>> -> memref<1x1x256xi32, #tpu.memory_space<vmem>>
      %dma_wait3A_172 = tpu.memref_squeeze %dma_wait3A_171 : memref<1x1x256xi32, #tpu.memory_space<vmem>> -> memref<256xi32, #tpu.memory_space<vmem>>
      %dma_wait3A_173 = tpu.memref_slice %arg4[%add3A_15] : memref<106496xi32, #tpu.memory_space<hbm>> -> memref<256xi32, #tpu.memory_space<hbm>>
      tpu.wait_dma2 semaphore(%run_scoped3A_157 : memref<!tpu.dma_semaphore, #tpu.memory_space<semaphore_mem>>) src(%dma_wait3A_173 : memref<256xi32, #tpu.memory_space<hbm>>) dst(%dma_wait3A_172 : memref<256xi32, #tpu.memory_space<vmem>>)
      tpu.yield
    }) : () -> ()
    %add3A_18 = arith.constant 1024 : i32
    %add3A_19 = arith.addi %mul3A_2, %add3A_18 : i32
    %run_scoped3A_20 = arith.constant 4 : i32
    %run_scoped3A_21 = arith.constant 0 : i32
    "tpu.region"() ({
      %run_scoped3A_157 = tpu.sem_alloc : memref<!tpu.dma_semaphore, #tpu.memory_space<semaphore_mem>>
      %dma_start3A_158 = arith.constant 0 : i32
      %dma_start3A_159 = tpu.memref_slice %arg7[%run_scoped3A_20, %run_scoped3A_21, %dma_start3A_158] : memref<13x1x256xi32, #tpu.memory_space<vmem>> -> memref<1x1x256xi32, #tpu.memory_space<vmem>>
      %dma_start3A_160 = tpu.memref_squeeze %dma_start3A_159 : memref<1x1x256xi32, #tpu.memory_space<vmem>> -> memref<256xi32, #tpu.memory_space<vmem>>
      %dma_start3A_161 = tpu.memref_slice %arg4[%add3A_19] : memref<106496xi32, #tpu.memory_space<hbm>> -> memref<256xi32, #tpu.memory_space<hbm>>
      %dma_start3A_162 = arith.constant 0 : i32
      %dma_start3A_163 = tpu.memref_slice %arg7[%run_scoped3A_20, %run_scoped3A_21, %dma_start3A_162] : memref<13x1x256xi32, #tpu.memory_space<vmem>> -> memref<1x1x256xi32, #tpu.memory_space<vmem>>
      %dma_start3A_164 = tpu.memref_squeeze %dma_start3A_163 : memref<1x1x256xi32, #tpu.memory_space<vmem>> -> memref<256xi32, #tpu.memory_space<vmem>>
      %dma_start3A_165 = tpu.memref_slice %arg4[%add3A_19] : memref<106496xi32, #tpu.memory_space<hbm>> -> memref<256xi32, #tpu.memory_space<hbm>>
      tpu.enqueue_dma source(%dma_start3A_165 : memref<256xi32, #tpu.memory_space<hbm>>) target(%dma_start3A_164 : memref<256xi32, #tpu.memory_space<vmem>>) target_semaphore(%run_scoped3A_157 : memref<!tpu.dma_semaphore, #tpu.memory_space<semaphore_mem>>)
      %dma_wait3A_166 = arith.constant 0 : i32
      %dma_wait3A_167 = tpu.memref_slice %arg7[%run_scoped3A_20, %run_scoped3A_21, %dma_wait3A_166] : memref<13x1x256xi32, #tpu.memory_space<vmem>> -> memref<1x1x256xi32, #tpu.memory_space<vmem>>
      %dma_wait3A_168 = tpu.memref_squeeze %dma_wait3A_167 : memref<1x1x256xi32, #tpu.memory_space<vmem>> -> memref<256xi32, #tpu.memory_space<vmem>>
      %dma_wait3A_169 = tpu.memref_slice %arg4[%add3A_19] : memref<106496xi32, #tpu.memory_space<hbm>> -> memref<256xi32, #tpu.memory_space<hbm>>
      %dma_wait3A_170 = arith.constant 0 : i32
      %dma_wait3A_171 = tpu.memref_slice %arg7[%run_scoped3A_20, %run_scoped3A_21, %dma_wait3A_170] : memref<13x1x256xi32, #tpu.memory_space<vmem>> -> memref<1x1x256xi32, #tpu.memory_space<vmem>>
      %dma_wait3A_172 = tpu.memref_squeeze %dma_wait3A_171 : memref<1x1x256xi32, #tpu.memory_space<vmem>> -> memref<256xi32, #tpu.memory_space<vmem>>
      %dma_wait3A_173 = tpu.memref_slice %arg4[%add3A_19] : memref<106496xi32, #tpu.memory_space<hbm>> -> memref<256xi32, #tpu.memory_space<hbm>>
      tpu.wait_dma2 semaphore(%run_scoped3A_157 : memref<!tpu.dma_semaphore, #tpu.memory_space<semaphore_mem>>) src(%dma_wait3A_173 : memref<256xi32, #tpu.memory_space<hbm>>) dst(%dma_wait3A_172 : memref<256xi32, #tpu.memory_space<vmem>>)
      tpu.yield
    }) : () -> ()
    %add3A_22 = arith.constant 1280 : i32
    %add3A_23 = arith.addi %mul3A_2, %add3A_22 : i32
    %run_scoped3A_24 = arith.constant 5 : i32
    %run_scoped3A_25 = arith.constant 0 : i32
    "tpu.region"() ({
      %run_scoped3A_157 = tpu.sem_alloc : memref<!tpu.dma_semaphore, #tpu.memory_space<semaphore_mem>>
      %dma_start3A_158 = arith.constant 0 : i32
      %dma_start3A_159 = tpu.memref_slice %arg7[%run_scoped3A_24, %run_scoped3A_25, %dma_start3A_158] : memref<13x1x256xi32, #tpu.memory_space<vmem>> -> memref<1x1x256xi32, #tpu.memory_space<vmem>>
      %dma_start3A_160 = tpu.memref_squeeze %dma_start3A_159 : memref<1x1x256xi32, #tpu.memory_space<vmem>> -> memref<256xi32, #tpu.memory_space<vmem>>
      %dma_start3A_161 = tpu.memref_slice %arg4[%add3A_23] : memref<106496xi32, #tpu.memory_space<hbm>> -> memref<256xi32, #tpu.memory_space<hbm>>
      %dma_start3A_162 = arith.constant 0 : i32
      %dma_start3A_163 = tpu.memref_slice %arg7[%run_scoped3A_24, %run_scoped3A_25, %dma_start3A_162] : memref<13x1x256xi32, #tpu.memory_space<vmem>> -> memref<1x1x256xi32, #tpu.memory_space<vmem>>
      %dma_start3A_164 = tpu.memref_squeeze %dma_start3A_163 : memref<1x1x256xi32, #tpu.memory_space<vmem>> -> memref<256xi32, #tpu.memory_space<vmem>>
      %dma_start3A_165 = tpu.memref_slice %arg4[%add3A_23] : memref<106496xi32, #tpu.memory_space<hbm>> -> memref<256xi32, #tpu.memory_space<hbm>>
      tpu.enqueue_dma source(%dma_start3A_165 : memref<256xi32, #tpu.memory_space<hbm>>) target(%dma_start3A_164 : memref<256xi32, #tpu.memory_space<vmem>>) target_semaphore(%run_scoped3A_157 : memref<!tpu.dma_semaphore, #tpu.memory_space<semaphore_mem>>)
      %dma_wait3A_166 = arith.constant 0 : i32
      %dma_wait3A_167 = tpu.memref_slice %arg7[%run_scoped3A_24, %run_scoped3A_25, %dma_wait3A_166] : memref<13x1x256xi32, #tpu.memory_space<vmem>> -> memref<1x1x256xi32, #tpu.memory_space<vmem>>
      %dma_wait3A_168 = tpu.memref_squeeze %dma_wait3A_167 : memref<1x1x256xi32, #tpu.memory_space<vmem>> -> memref<256xi32, #tpu.memory_space<vmem>>
      %dma_wait3A_169 = tpu.memref_slice %arg4[%add3A_23] : memref<106496xi32, #tpu.memory_space<hbm>> -> memref<256xi32, #tpu.memory_space<hbm>>
      %dma_wait3A_170 = arith.constant 0 : i32
      %dma_wait3A_171 = tpu.memref_slice %arg7[%run_scoped3A_24, %run_scoped3A_25, %dma_wait3A_170] : memref<13x1x256xi32, #tpu.memory_space<vmem>> -> memref<1x1x256xi32, #tpu.memory_space<vmem>>
      %dma_wait3A_172 = tpu.memref_squeeze %dma_wait3A_171 : memref<1x1x256xi32, #tpu.memory_space<vmem>> -> memref<256xi32, #tpu.memory_space<vmem>>
      %dma_wait3A_173 = tpu.memref_slice %arg4[%add3A_23] : memref<106496xi32, #tpu.memory_space<hbm>> -> memref<256xi32, #tpu.memory_space<hbm>>
      tpu.wait_dma2 semaphore(%run_scoped3A_157 : memref<!tpu.dma_semaphore, #tpu.memory_space<semaphore_mem>>) src(%dma_wait3A_173 : memref<256xi32, #tpu.memory_space<hbm>>) dst(%dma_wait3A_172 : memref<256xi32, #tpu.memory_space<vmem>>)
      tpu.yield
    }) : () -> ()
    %add3A_26 = arith.constant 1536 : i32
    %add3A_27 = arith.addi %mul3A_2, %add3A_26 : i32
    %run_scoped3A_28 = arith.constant 6 : i32
    %run_scoped3A_29 = arith.constant 0 : i32
    "tpu.region"() ({
      %run_scoped3A_157 = tpu.sem_alloc : memref<!tpu.dma_semaphore, #tpu.memory_space<semaphore_mem>>
      %dma_start3A_158 = arith.constant 0 : i32
      %dma_start3A_159 = tpu.memref_slice %arg7[%run_scoped3A_28, %run_scoped3A_29, %dma_start3A_158] : memref<13x1x256xi32, #tpu.memory_space<vmem>> -> memref<1x1x256xi32, #tpu.memory_space<vmem>>
      %dma_start3A_160 = tpu.memref_squeeze %dma_start3A_159 : memref<1x1x256xi32, #tpu.memory_space<vmem>> -> memref<256xi32, #tpu.memory_space<vmem>>
      %dma_start3A_161 = tpu.memref_slice %arg4[%add3A_27] : memref<106496xi32, #tpu.memory_space<hbm>> -> memref<256xi32, #tpu.memory_space<hbm>>
      %dma_start3A_162 = arith.constant 0 : i32
      %dma_start3A_163 = tpu.memref_slice %arg7[%run_scoped3A_28, %run_scoped3A_29, %dma_start3A_162] : memref<13x1x256xi32, #tpu.memory_space<vmem>> -> memref<1x1x256xi32, #tpu.memory_space<vmem>>
      %dma_start3A_164 = tpu.memref_squeeze %dma_start3A_163 : memref<1x1x256xi32, #tpu.memory_space<vmem>> -> memref<256xi32, #tpu.memory_space<vmem>>
      %dma_start3A_165 = tpu.memref_slice %arg4[%add3A_27] : memref<106496xi32, #tpu.memory_space<hbm>> -> memref<256xi32, #tpu.memory_space<hbm>>
      tpu.enqueue_dma source(%dma_start3A_165 : memref<256xi32, #tpu.memory_space<hbm>>) target(%dma_start3A_164 : memref<256xi32, #tpu.memory_space<vmem>>) target_semaphore(%run_scoped3A_157 : memref<!tpu.dma_semaphore, #tpu.memory_space<semaphore_mem>>)
      %dma_wait3A_166 = arith.constant 0 : i32
      %dma_wait3A_167 = tpu.memref_slice %arg7[%run_scoped3A_28, %run_scoped3A_29, %dma_wait3A_166] : memref<13x1x256xi32, #tpu.memory_space<vmem>> -> memref<1x1x256xi32, #tpu.memory_space<vmem>>
      %dma_wait3A_168 = tpu.memref_squeeze %dma_wait3A_167 : memref<1x1x256xi32, #tpu.memory_space<vmem>> -> memref<256xi32, #tpu.memory_space<vmem>>
      %dma_wait3A_169 = tpu.memref_slice %arg4[%add3A_27] : memref<106496xi32, #tpu.memory_space<hbm>> -> memref<256xi32, #tpu.memory_space<hbm>>
      %dma_wait3A_170 = arith.constant 0 : i32
      %dma_wait3A_171 = tpu.memref_slice %arg7[%run_scoped3A_28, %run_scoped3A_29, %dma_wait3A_170] : memref<13x1x256xi32, #tpu.memory_space<vmem>> -> memref<1x1x256xi32, #tpu.memory_space<vmem>>
      %dma_wait3A_172 = tpu.memref_squeeze %dma_wait3A_171 : memref<1x1x256xi32, #tpu.memory_space<vmem>> -> memref<256xi32, #tpu.memory_space<vmem>>
      %dma_wait3A_173 = tpu.memref_slice %arg4[%add3A_27] : memref<106496xi32, #tpu.memory_space<hbm>> -> memref<256xi32, #tpu.memory_space<hbm>>
      tpu.wait_dma2 semaphore(%run_scoped3A_157 : memref<!tpu.dma_semaphore, #tpu.memory_space<semaphore_mem>>) src(%dma_wait3A_173 : memref<256xi32, #tpu.memory_space<hbm>>) dst(%dma_wait3A_172 : memref<256xi32, #tpu.memory_space<vmem>>)
      tpu.yield
    }) : () -> ()
    %add3A_30 = arith.constant 1792 : i32
    %add3A_31 = arith.addi %mul3A_2, %add3A_30 : i32
    %run_scoped3A_32 = arith.constant 7 : i32
    %run_scoped3A_33 = arith.constant 0 : i32
    "tpu.region"() ({
      %run_scoped3A_157 = tpu.sem_alloc : memref<!tpu.dma_semaphore, #tpu.memory_space<semaphore_mem>>
      %dma_start3A_158 = arith.constant 0 : i32
      %dma_start3A_159 = tpu.memref_slice %arg7[%run_scoped3A_32, %run_scoped3A_33, %dma_start3A_158] : memref<13x1x256xi32, #tpu.memory_space<vmem>> -> memref<1x1x256xi32, #tpu.memory_space<vmem>>
      %dma_start3A_160 = tpu.memref_squeeze %dma_start3A_159 : memref<1x1x256xi32, #tpu.memory_space<vmem>> -> memref<256xi32, #tpu.memory_space<vmem>>
      %dma_start3A_161 = tpu.memref_slice %arg4[%add3A_31] : memref<106496xi32, #tpu.memory_space<hbm>> -> memref<256xi32, #tpu.memory_space<hbm>>
      %dma_start3A_162 = arith.constant 0 : i32
      %dma_start3A_163 = tpu.memref_slice %arg7[%run_scoped3A_32, %run_scoped3A_33, %dma_start3A_162] : memref<13x1x256xi32, #tpu.memory_space<vmem>> -> memref<1x1x256xi32, #tpu.memory_space<vmem>>
      %dma_start3A_164 = tpu.memref_squeeze %dma_start3A_163 : memref<1x1x256xi32, #tpu.memory_space<vmem>> -> memref<256xi32, #tpu.memory_space<vmem>>
      %dma_start3A_165 = tpu.memref_slice %arg4[%add3A_31] : memref<106496xi32, #tpu.memory_space<hbm>> -> memref<256xi32, #tpu.memory_space<hbm>>
      tpu.enqueue_dma source(%dma_start3A_165 : memref<256xi32, #tpu.memory_space<hbm>>) target(%dma_start3A_164 : memref<256xi32, #tpu.memory_space<vmem>>) target_semaphore(%run_scoped3A_157 : memref<!tpu.dma_semaphore, #tpu.memory_space<semaphore_mem>>)
      %dma_wait3A_166 = arith.constant 0 : i32
      %dma_wait3A_167 = tpu.memref_slice %arg7[%run_scoped3A_32, %run_scoped3A_33, %dma_wait3A_166] : memref<13x1x256xi32, #tpu.memory_space<vmem>> -> memref<1x1x256xi32, #tpu.memory_space<vmem>>
      %dma_wait3A_168 = tpu.memref_squeeze %dma_wait3A_167 : memref<1x1x256xi32, #tpu.memory_space<vmem>> -> memref<256xi32, #tpu.memory_space<vmem>>
      %dma_wait3A_169 = tpu.memref_slice %arg4[%add3A_31] : memref<106496xi32, #tpu.memory_space<hbm>> -> memref<256xi32, #tpu.memory_space<hbm>>
      %dma_wait3A_170 = arith.constant 0 : i32
      %dma_wait3A_171 = tpu.memref_slice %arg7[%run_scoped3A_32, %run_scoped3A_33, %dma_wait3A_170] : memref<13x1x256xi32, #tpu.memory_space<vmem>> -> memref<1x1x256xi32, #tpu.memory_space<vmem>>
      %dma_wait3A_172 = tpu.memref_squeeze %dma_wait3A_171 : memref<1x1x256xi32, #tpu.memory_space<vmem>> -> memref<256xi32, #tpu.memory_space<vmem>>
      %dma_wait3A_173 = tpu.memref_slice %arg4[%add3A_31] : memref<106496xi32, #tpu.memory_space<hbm>> -> memref<256xi32, #tpu.memory_space<hbm>>
      tpu.wait_dma2 semaphore(%run_scoped3A_157 : memref<!tpu.dma_semaphore, #tpu.memory_space<semaphore_mem>>) src(%dma_wait3A_173 : memref<256xi32, #tpu.memory_space<hbm>>) dst(%dma_wait3A_172 : memref<256xi32, #tpu.memory_space<vmem>>)
      tpu.yield
    }) : () -> ()
    %add3A_34 = arith.constant 2048 : i32
    %add3A_35 = arith.addi %mul3A_2, %add3A_34 : i32
    %run_scoped3A_36 = arith.constant 8 : i32
    %run_scoped3A_37 = arith.constant 0 : i32
    "tpu.region"() ({
      %run_scoped3A_157 = tpu.sem_alloc : memref<!tpu.dma_semaphore, #tpu.memory_space<semaphore_mem>>
      %dma_start3A_158 = arith.constant 0 : i32
      %dma_start3A_159 = tpu.memref_slice %arg7[%run_scoped3A_36, %run_scoped3A_37, %dma_start3A_158] : memref<13x1x256xi32, #tpu.memory_space<vmem>> -> memref<1x1x256xi32, #tpu.memory_space<vmem>>
      %dma_start3A_160 = tpu.memref_squeeze %dma_start3A_159 : memref<1x1x256xi32, #tpu.memory_space<vmem>> -> memref<256xi32, #tpu.memory_space<vmem>>
      %dma_start3A_161 = tpu.memref_slice %arg4[%add3A_35] : memref<106496xi32, #tpu.memory_space<hbm>> -> memref<256xi32, #tpu.memory_space<hbm>>
      %dma_start3A_162 = arith.constant 0 : i32
      %dma_start3A_163 = tpu.memref_slice %arg7[%run_scoped3A_36, %run_scoped3A_37, %dma_start3A_162] : memref<13x1x256xi32, #tpu.memory_space<vmem>> -> memref<1x1x256xi32, #tpu.memory_space<vmem>>
      %dma_start3A_164 = tpu.memref_squeeze %dma_start3A_163 : memref<1x1x256xi32, #tpu.memory_space<vmem>> -> memref<256xi32, #tpu.memory_space<vmem>>
      %dma_start3A_165 = tpu.memref_slice %arg4[%add3A_35] : memref<106496xi32, #tpu.memory_space<hbm>> -> memref<256xi32, #tpu.memory_space<hbm>>
      tpu.enqueue_dma source(%dma_start3A_165 : memref<256xi32, #tpu.memory_space<hbm>>) target(%dma_start3A_164 : memref<256xi32, #tpu.memory_space<vmem>>) target_semaphore(%run_scoped3A_157 : memref<!tpu.dma_semaphore, #tpu.memory_space<semaphore_mem>>)
      %dma_wait3A_166 = arith.constant 0 : i32
      %dma_wait3A_167 = tpu.memref_slice %arg7[%run_scoped3A_36, %run_scoped3A_37, %dma_wait3A_166] : memref<13x1x256xi32, #tpu.memory_space<vmem>> -> memref<1x1x256xi32, #tpu.memory_space<vmem>>
      %dma_wait3A_168 = tpu.memref_squeeze %dma_wait3A_167 : memref<1x1x256xi32, #tpu.memory_space<vmem>> -> memref<256xi32, #tpu.memory_space<vmem>>
      %dma_wait3A_169 = tpu.memref_slice %arg4[%add3A_35] : memref<106496xi32, #tpu.memory_space<hbm>> -> memref<256xi32, #tpu.memory_space<hbm>>
      %dma_wait3A_170 = arith.constant 0 : i32
      %dma_wait3A_171 = tpu.memref_slice %arg7[%run_scoped3A_36, %run_scoped3A_37, %dma_wait3A_170] : memref<13x1x256xi32, #tpu.memory_space<vmem>> -> memref<1x1x256xi32, #tpu.memory_space<vmem>>
      %dma_wait3A_172 = tpu.memref_squeeze %dma_wait3A_171 : memref<1x1x256xi32, #tpu.memory_space<vmem>> -> memref<256xi32, #tpu.memory_space<vmem>>
      %dma_wait3A_173 = tpu.memref_slice %arg4[%add3A_35] : memref<106496xi32, #tpu.memory_space<hbm>> -> memref<256xi32, #tpu.memory_space<hbm>>
      tpu.wait_dma2 semaphore(%run_scoped3A_157 : memref<!tpu.dma_semaphore, #tpu.memory_space<semaphore_mem>>) src(%dma_wait3A_173 : memref<256xi32, #tpu.memory_space<hbm>>) dst(%dma_wait3A_172 : memref<256xi32, #tpu.memory_space<vmem>>)
      tpu.yield
    }) : () -> ()
    %add3A_38 = arith.constant 2304 : i32
    %add3A_39 = arith.addi %mul3A_2, %add3A_38 : i32
    %run_scoped3A_40 = arith.constant 9 : i32
    %run_scoped3A_41 = arith.constant 0 : i32
    "tpu.region"() ({
      %run_scoped3A_157 = tpu.sem_alloc : memref<!tpu.dma_semaphore, #tpu.memory_space<semaphore_mem>>
      %dma_start3A_158 = arith.constant 0 : i32
      %dma_start3A_159 = tpu.memref_slice %arg7[%run_scoped3A_40, %run_scoped3A_41, %dma_start3A_158] : memref<13x1x256xi32, #tpu.memory_space<vmem>> -> memref<1x1x256xi32, #tpu.memory_space<vmem>>
      %dma_start3A_160 = tpu.memref_squeeze %dma_start3A_159 : memref<1x1x256xi32, #tpu.memory_space<vmem>> -> memref<256xi32, #tpu.memory_space<vmem>>
      %dma_start3A_161 = tpu.memref_slice %arg4[%add3A_39] : memref<106496xi32, #tpu.memory_space<hbm>> -> memref<256xi32, #tpu.memory_space<hbm>>
      %dma_start3A_162 = arith.constant 0 : i32
      %dma_start3A_163 = tpu.memref_slice %arg7[%run_scoped3A_40, %run_scoped3A_41, %dma_start3A_162] : memref<13x1x256xi32, #tpu.memory_space<vmem>> -> memref<1x1x256xi32, #tpu.memory_space<vmem>>
      %dma_start3A_164 = tpu.memref_squeeze %dma_start3A_163 : memref<1x1x256xi32, #tpu.memory_space<vmem>> -> memref<256xi32, #tpu.memory_space<vmem>>
      %dma_start3A_165 = tpu.memref_slice %arg4[%add3A_39] : memref<106496xi32, #tpu.memory_space<hbm>> -> memref<256xi32, #tpu.memory_space<hbm>>
      tpu.enqueue_dma source(%dma_start3A_165 : memref<256xi32, #tpu.memory_space<hbm>>) target(%dma_start3A_164 : memref<256xi32, #tpu.memory_space<vmem>>) target_semaphore(%run_scoped3A_157 : memref<!tpu.dma_semaphore, #tpu.memory_space<semaphore_mem>>)
      %dma_wait3A_166 = arith.constant 0 : i32
      %dma_wait3A_167 = tpu.memref_slice %arg7[%run_scoped3A_40, %run_scoped3A_41, %dma_wait3A_166] : memref<13x1x256xi32, #tpu.memory_space<vmem>> -> memref<1x1x256xi32, #tpu.memory_space<vmem>>
      %dma_wait3A_168 = tpu.memref_squeeze %dma_wait3A_167 : memref<1x1x256xi32, #tpu.memory_space<vmem>> -> memref<256xi32, #tpu.memory_space<vmem>>
      %dma_wait3A_169 = tpu.memref_slice %arg4[%add3A_39] : memref<106496xi32, #tpu.memory_space<hbm>> -> memref<256xi32, #tpu.memory_space<hbm>>
      %dma_wait3A_170 = arith.constant 0 : i32
      %dma_wait3A_171 = tpu.memref_slice %arg7[%run_scoped3A_40, %run_scoped3A_41, %dma_wait3A_170] : memref<13x1x256xi32, #tpu.memory_space<vmem>> -> memref<1x1x256xi32, #tpu.memory_space<vmem>>
      %dma_wait3A_172 = tpu.memref_squeeze %dma_wait3A_171 : memref<1x1x256xi32, #tpu.memory_space<vmem>> -> memref<256xi32, #tpu.memory_space<vmem>>
      %dma_wait3A_173 = tpu.memref_slice %arg4[%add3A_39] : memref<106496xi32, #tpu.memory_space<hbm>> -> memref<256xi32, #tpu.memory_space<hbm>>
      tpu.wait_dma2 semaphore(%run_scoped3A_157 : memref<!tpu.dma_semaphore, #tpu.memory_space<semaphore_mem>>) src(%dma_wait3A_173 : memref<256xi32, #tpu.memory_space<hbm>>) dst(%dma_wait3A_172 : memref<256xi32, #tpu.memory_space<vmem>>)
      tpu.yield
    }) : () -> ()
    %add3A_42 = arith.constant 2560 : i32
    %add3A_43 = arith.addi %mul3A_2, %add3A_42 : i32
    %run_scoped3A_44 = arith.constant 10 : i32
    %run_scoped3A_45 = arith.constant 0 : i32
    "tpu.region"() ({
      %run_scoped3A_157 = tpu.sem_alloc : memref<!tpu.dma_semaphore, #tpu.memory_space<semaphore_mem>>
      %dma_start3A_158 = arith.constant 0 : i32
      %dma_start3A_159 = tpu.memref_slice %arg7[%run_scoped3A_44, %run_scoped3A_45, %dma_start3A_158] : memref<13x1x256xi32, #tpu.memory_space<vmem>> -> memref<1x1x256xi32, #tpu.memory_space<vmem>>
      %dma_start3A_160 = tpu.memref_squeeze %dma_start3A_159 : memref<1x1x256xi32, #tpu.memory_space<vmem>> -> memref<256xi32, #tpu.memory_space<vmem>>
      %dma_start3A_161 = tpu.memref_slice %arg4[%add3A_43] : memref<106496xi32, #tpu.memory_space<hbm>> -> memref<256xi32, #tpu.memory_space<hbm>>
      %dma_start3A_162 = arith.constant 0 : i32
      %dma_start3A_163 = tpu.memref_slice %arg7[%run_scoped3A_44, %run_scoped3A_45, %dma_start3A_162] : memref<13x1x256xi32, #tpu.memory_space<vmem>> -> memref<1x1x256xi32, #tpu.memory_space<vmem>>
      %dma_start3A_164 = tpu.memref_squeeze %dma_start3A_163 : memref<1x1x256xi32, #tpu.memory_space<vmem>> -> memref<256xi32, #tpu.memory_space<vmem>>
      %dma_start3A_165 = tpu.memref_slice %arg4[%add3A_43] : memref<106496xi32, #tpu.memory_space<hbm>> -> memref<256xi32, #tpu.memory_space<hbm>>
      tpu.enqueue_dma source(%dma_start3A_165 : memref<256xi32, #tpu.memory_space<hbm>>) target(%dma_start3A_164 : memref<256xi32, #tpu.memory_space<vmem>>) target_semaphore(%run_scoped3A_157 : memref<!tpu.dma_semaphore, #tpu.memory_space<semaphore_mem>>)
      %dma_wait3A_166 = arith.constant 0 : i32
      %dma_wait3A_167 = tpu.memref_slice %arg7[%run_scoped3A_44, %run_scoped3A_45, %dma_wait3A_166] : memref<13x1x256xi32, #tpu.memory_space<vmem>> -> memref<1x1x256xi32, #tpu.memory_space<vmem>>
      %dma_wait3A_168 = tpu.memref_squeeze %dma_wait3A_167 : memref<1x1x256xi32, #tpu.memory_space<vmem>> -> memref<256xi32, #tpu.memory_space<vmem>>
      %dma_wait3A_169 = tpu.memref_slice %arg4[%add3A_43] : memref<106496xi32, #tpu.memory_space<hbm>> -> memref<256xi32, #tpu.memory_space<hbm>>
      %dma_wait3A_170 = arith.constant 0 : i32
      %dma_wait3A_171 = tpu.memref_slice %arg7[%run_scoped3A_44, %run_scoped3A_45, %dma_wait3A_170] : memref<13x1x256xi32, #tpu.memory_space<vmem>> -> memref<1x1x256xi32, #tpu.memory_space<vmem>>
      %dma_wait3A_172 = tpu.memref_squeeze %dma_wait3A_171 : memref<1x1x256xi32, #tpu.memory_space<vmem>> -> memref<256xi32, #tpu.memory_space<vmem>>
      %dma_wait3A_173 = tpu.memref_slice %arg4[%add3A_43] : memref<106496xi32, #tpu.memory_space<hbm>> -> memref<256xi32, #tpu.memory_space<hbm>>
      tpu.wait_dma2 semaphore(%run_scoped3A_157 : memref<!tpu.dma_semaphore, #tpu.memory_space<semaphore_mem>>) src(%dma_wait3A_173 : memref<256xi32, #tpu.memory_space<hbm>>) dst(%dma_wait3A_172 : memref<256xi32, #tpu.memory_space<vmem>>)
      tpu.yield
    }) : () -> ()
    %add3A_46 = arith.constant 2816 : i32
    %add3A_47 = arith.addi %mul3A_2, %add3A_46 : i32
    %run_scoped3A_48 = arith.constant 11 : i32
    %run_scoped3A_49 = arith.constant 0 : i32
    "tpu.region"() ({
      %run_scoped3A_157 = tpu.sem_alloc : memref<!tpu.dma_semaphore, #tpu.memory_space<semaphore_mem>>
      %dma_start3A_158 = arith.constant 0 : i32
      %dma_start3A_159 = tpu.memref_slice %arg7[%run_scoped3A_48, %run_scoped3A_49, %dma_start3A_158] : memref<13x1x256xi32, #tpu.memory_space<vmem>> -> memref<1x1x256xi32, #tpu.memory_space<vmem>>
      %dma_start3A_160 = tpu.memref_squeeze %dma_start3A_159 : memref<1x1x256xi32, #tpu.memory_space<vmem>> -> memref<256xi32, #tpu.memory_space<vmem>>
      %dma_start3A_161 = tpu.memref_slice %arg4[%add3A_47] : memref<106496xi32, #tpu.memory_space<hbm>> -> memref<256xi32, #tpu.memory_space<hbm>>
      %dma_start3A_162 = arith.constant 0 : i32
      %dma_start3A_163 = tpu.memref_slice %arg7[%run_scoped3A_48, %run_scoped3A_49, %dma_start3A_162] : memref<13x1x256xi32, #tpu.memory_space<vmem>> -> memref<1x1x256xi32, #tpu.memory_space<vmem>>
      %dma_start3A_164 = tpu.memref_squeeze %dma_start3A_163 : memref<1x1x256xi32, #tpu.memory_space<vmem>> -> memref<256xi32, #tpu.memory_space<vmem>>
      %dma_start3A_165 = tpu.memref_slice %arg4[%add3A_47] : memref<106496xi32, #tpu.memory_space<hbm>> -> memref<256xi32, #tpu.memory_space<hbm>>
      tpu.enqueue_dma source(%dma_start3A_165 : memref<256xi32, #tpu.memory_space<hbm>>) target(%dma_start3A_164 : memref<256xi32, #tpu.memory_space<vmem>>) target_semaphore(%run_scoped3A_157 : memref<!tpu.dma_semaphore, #tpu.memory_space<semaphore_mem>>)
      %dma_wait3A_166 = arith.constant 0 : i32
      %dma_wait3A_167 = tpu.memref_slice %arg7[%run_scoped3A_48, %run_scoped3A_49, %dma_wait3A_166] : memref<13x1x256xi32, #tpu.memory_space<vmem>> -> memref<1x1x256xi32, #tpu.memory_space<vmem>>
      %dma_wait3A_168 = tpu.memref_squeeze %dma_wait3A_167 : memref<1x1x256xi32, #tpu.memory_space<vmem>> -> memref<256xi32, #tpu.memory_space<vmem>>
      %dma_wait3A_169 = tpu.memref_slice %arg4[%add3A_47] : memref<106496xi32, #tpu.memory_space<hbm>> -> memref<256xi32, #tpu.memory_space<hbm>>
      %dma_wait3A_170 = arith.constant 0 : i32
      %dma_wait3A_171 = tpu.memref_slice %arg7[%run_scoped3A_48, %run_scoped3A_49, %dma_wait3A_170] : memref<13x1x256xi32, #tpu.memory_space<vmem>> -> memref<1x1x256xi32, #tpu.memory_space<vmem>>
      %dma_wait3A_172 = tpu.memref_squeeze %dma_wait3A_171 : memref<1x1x256xi32, #tpu.memory_space<vmem>> -> memref<256xi32, #tpu.memory_space<vmem>>
      %dma_wait3A_173 = tpu.memref_slice %arg4[%add3A_47] : memref<106496xi32, #tpu.memory_space<hbm>> -> memref<256xi32, #tpu.memory_space<hbm>>
      tpu.wait_dma2 semaphore(%run_scoped3A_157 : memref<!tpu.dma_semaphore, #tpu.memory_space<semaphore_mem>>) src(%dma_wait3A_173 : memref<256xi32, #tpu.memory_space<hbm>>) dst(%dma_wait3A_172 : memref<256xi32, #tpu.memory_space<vmem>>)
      tpu.yield
    }) : () -> ()
    %add3A_50 = arith.constant 3072 : i32
    %add3A_51 = arith.addi %mul3A_2, %add3A_50 : i32
    %run_scoped3A_52 = arith.constant 12 : i32
    %run_scoped3A_53 = arith.constant 0 : i32
    "tpu.region"() ({
      %run_scoped3A_157 = tpu.sem_alloc : memref<!tpu.dma_semaphore, #tpu.memory_space<semaphore_mem>>
      %dma_start3A_158 = arith.constant 0 : i32
      %dma_start3A_159 = tpu.memref_slice %arg7[%run_scoped3A_52, %run_scoped3A_53, %dma_start3A_158] : memref<13x1x256xi32, #tpu.memory_space<vmem>> -> memref<1x1x256xi32, #tpu.memory_space<vmem>>
      %dma_start3A_160 = tpu.memref_squeeze %dma_start3A_159 : memref<1x1x256xi32, #tpu.memory_space<vmem>> -> memref<256xi32, #tpu.memory_space<vmem>>
      %dma_start3A_161 = tpu.memref_slice %arg4[%add3A_51] : memref<106496xi32, #tpu.memory_space<hbm>> -> memref<256xi32, #tpu.memory_space<hbm>>
      %dma_start3A_162 = arith.constant 0 : i32
      %dma_start3A_163 = tpu.memref_slice %arg7[%run_scoped3A_52, %run_scoped3A_53, %dma_start3A_162] : memref<13x1x256xi32, #tpu.memory_space<vmem>> -> memref<1x1x256xi32, #tpu.memory_space<vmem>>
      %dma_start3A_164 = tpu.memref_squeeze %dma_start3A_163 : memref<1x1x256xi32, #tpu.memory_space<vmem>> -> memref<256xi32, #tpu.memory_space<vmem>>
      %dma_start3A_165 = tpu.memref_slice %arg4[%add3A_51] : memref<106496xi32, #tpu.memory_space<hbm>> -> memref<256xi32, #tpu.memory_space<hbm>>
      tpu.enqueue_dma source(%dma_start3A_165 : memref<256xi32, #tpu.memory_space<hbm>>) target(%dma_start3A_164 : memref<256xi32, #tpu.memory_space<vmem>>) target_semaphore(%run_scoped3A_157 : memref<!tpu.dma_semaphore, #tpu.memory_space<semaphore_mem>>)
      %dma_wait3A_166 = arith.constant 0 : i32
      %dma_wait3A_167 = tpu.memref_slice %arg7[%run_scoped3A_52, %run_scoped3A_53, %dma_wait3A_166] : memref<13x1x256xi32, #tpu.memory_space<vmem>> -> memref<1x1x256xi32, #tpu.memory_space<vmem>>
      %dma_wait3A_168 = tpu.memref_squeeze %dma_wait3A_167 : memref<1x1x256xi32, #tpu.memory_space<vmem>> -> memref<256xi32, #tpu.memory_space<vmem>>
      %dma_wait3A_169 = tpu.memref_slice %arg4[%add3A_51] : memref<106496xi32, #tpu.memory_space<hbm>> -> memref<256xi32, #tpu.memory_space<hbm>>
      %dma_wait3A_170 = arith.constant 0 : i32
      %dma_wait3A_171 = tpu.memref_slice %arg7[%run_scoped3A_52, %run_scoped3A_53, %dma_wait3A_170] : memref<13x1x256xi32, #tpu.memory_space<vmem>> -> memref<1x1x256xi32, #tpu.memory_space<vmem>>
      %dma_wait3A_172 = tpu.memref_squeeze %dma_wait3A_171 : memref<1x1x256xi32, #tpu.memory_space<vmem>> -> memref<256xi32, #tpu.memory_space<vmem>>
      %dma_wait3A_173 = tpu.memref_slice %arg4[%add3A_51] : memref<106496xi32, #tpu.memory_space<hbm>> -> memref<256xi32, #tpu.memory_space<hbm>>
      tpu.wait_dma2 semaphore(%run_scoped3A_157 : memref<!tpu.dma_semaphore, #tpu.memory_space<semaphore_mem>>) src(%dma_wait3A_173 : memref<256xi32, #tpu.memory_space<hbm>>) dst(%dma_wait3A_172 : memref<256xi32, #tpu.memory_space<vmem>>)
      tpu.yield
    }) : () -> ()
    %scan3A = arith.constant 0 : i32
    %scan3A_54 = arith.constant -1 : i32
    %scan3A_55 = arith.constant 0 : i32
    %scan3A_56 = arith.constant 208 : i32
    %scan3A_57 = arith.addi %scan3A_55, %scan3A_56 : i32
    %scan3A_58 = arith.constant 1 : i32
    %scan3A_59:2 = scf.for %scan3A_157 = %scan3A_55 to %scan3A_57 step %scan3A_58 iter_args(%scan3A_158 = %scan3A, %scan3A_159 = %scan3A_54) -> (i32, i32)  : i32 {
      %mul3A_160 = arith.constant 16 : i32
      %mul3A_161 = arith.muli %scan3A_157, %mul3A_160 : i32
      %get3A_162 = arith.index_cast %mul3A_161 : i32 to index
      %get3A_163 = tpu.vector_load %arg6[%get3A_162] {strides = array<i32>} : memref<3328xi32, #tpu.memory_space<vmem>>, vector<16xi32>,
      %shift_right_logical3A = arith.constant 9 : i32
      %shift_right_logical3A_164 = vector.broadcast %shift_right_logical3A : i32 to vector<16xi32>
      %shift_right_logical3A_165 = arith.shrui %get3A_163, %shift_right_logical3A_164 : vector<16xi32>
      %mul3A_166 = arith.constant 16 : i32
      %mul3A_167 = arith.muli %scan3A_157, %mul3A_166 : i32
      %broadcast_in_dim3A_168 = vector.broadcast %mul3A_167 : i32 to vector<16xi32>
      %add3A_169 = arith.addi %broadcast_in_dim3A_168, %iota3A : vector<16xi32>
      %sub3A_170 = arith.constant 1 : i32
      %sub3A_171 = vector.broadcast %sub3A_170 : i32 to vector<16xi32>
      %sub3A_172 = arith.subi %add3A_169, %sub3A_171 : vector<16xi32>
      %max3A = arith.constant 0 : i32
      %max3A_173 = vector.broadcast %max3A : i32 to vector<16xi32>
      %max3A_174 = arith.maxsi %sub3A_172, %max3A_173 : vector<16xi32>
      %gather3A = tpu.vector_load_idx %arg6[%max3A_174] : memref<3328xi32, #tpu.memory_space<vmem>>[vector<16xi32>], vector<16xi32>,
      %shift_right_logical3A_175 = arith.constant 9 : i32
      %shift_right_logical3A_176 = vector.broadcast %shift_right_logical3A_175 : i32 to vector<16xi32>
      %shift_right_logical3A_177 = arith.shrui %gather3A, %shift_right_logical3A_176 : vector<16xi32>
      %ne3A_178 = arith.cmpi ne, %shift_right_logical3A_165, %shift_right_logical3A_177 : vector<16xi32>
      %eq3A_179 = arith.constant 0 : i32
      %eq3A_180 = vector.broadcast %eq3A_179 : i32 to vector<16xi32>
      %eq3A_181 = arith.cmpi eq, %add3A_169, %eq3A_180 : vector<16xi32>
      %or3A = arith.ori %ne3A_178, %eq3A_181 : vector<16xi1>
      %swap3A_182 = arith.index_cast %scan3A_158 : i32 to index
      %swap3A_183 = tpu.vector_load %arg8[%swap3A_182] masked %or3A {strides = array<i32>} : memref<3360xi32, #tpu.memory_space<vmem>>, vector<16xi32>, vector<16xi1>
      tpu.vector_store %arg8[%swap3A_182], %shift_right_logical3A_165 masked %or3A {strides = array<i32>} : memref<3360xi32, #tpu.memory_space<vmem>>, vector<16xi32>, vector<16xi1>
      %swap3A_184 = arith.index_cast %scan3A_158 : i32 to index
      %swap3A_185 = tpu.vector_load %arg9[%swap3A_184] masked %or3A {strides = array<i32>} : memref<3360xi32, #tpu.memory_space<vmem>>, vector<16xi32>, vector<16xi1>
      tpu.vector_store %arg9[%swap3A_184], %add3A_169 masked %or3A {strides = array<i32>} : memref<3360xi32, #tpu.memory_space<vmem>>, vector<16xi32>, vector<16xi1>
      %all_reduce_population_count3A = tpu.all_reduce %or3A {dim = 0 : i64, kind = #tpu.reduction_kind<sum>} : vector<16xi1> -> vector<16xi32>
      %reduce_max3A_186 = arith.constant true
      %reduce_max3A_187 = vector.broadcast %reduce_max3A_186 : i1 to vector<16xi1>
      %reduce_max3A_188 = arith.constant -2147483648 : i32
      %reduce_max3A_189 = vector.broadcast %reduce_max3A_188 : i32 to vector<16xi32>
      %reduce_max3A_190 = arith.xori %all_reduce_population_count3A, %reduce_max3A_189 : vector<16xi32>
      %reduce_max3A_191 = tpu.scan <max>, %reduce_max3A_190 masked %reduce_max3A_187 : vector<16xi32>, vector<16xi1> -> vector<16xi32>
      %reduce_max3A_192 = arith.xori %reduce_max3A_191, %reduce_max3A_189 : vector<16xi32>
      %reduce_max3A_193 = vector.extract %reduce_max3A_192[15] : i32 from vector<16xi32>
      %eq3A_194 = arith.constant 15 : i32
      %eq3A_195 = vector.broadcast %eq3A_194 : i32 to vector<16xi32>
      %eq3A_196 = arith.cmpi eq, %iota3A, %eq3A_195 : vector<16xi32>
      %jit3A_197 = arith.constant 0 : i32
      %broadcast_in_dim3A_198 = vector.broadcast %jit3A_197 : i32 to vector<16xi32>
      %select_n3A_199 = arith.select %eq3A_196, %shift_right_logical3A_165, %broadcast_in_dim3A_198 : vector<16xi1>, vector<16xi32>
      %reduce_max3A_200 = arith.constant true
      %reduce_max3A_201 = vector.broadcast %reduce_max3A_200 : i1 to vector<16xi1>
      %reduce_max3A_202 = arith.constant -2147483648 : i32
      %reduce_max3A_203 = vector.broadcast %reduce_max3A_202 : i32 to vector<16xi32>
      %reduce_max3A_204 = arith.xori %select_n3A_199, %reduce_max3A_203 : vector<16xi32>
      %reduce_max3A_205 = tpu.scan <max>, %reduce_max3A_204 masked %reduce_max3A_201 : vector<16xi32>, vector<16xi1> -> vector<16xi32>
      %reduce_max3A_206 = arith.xori %reduce_max3A_205, %reduce_max3A_203 : vector<16xi32>
      %reduce_max3A_207 = vector.extract %reduce_max3A_206[15] : i32 from vector<16xi32>
      %add3A_208 = arith.addi %scan3A_158, %reduce_max3A_193 : i32
      scf.yield %add3A_208, %reduce_max3A_207 : i32, i32
    }
    %scan3A_60 = arith.constant 208 : i32
    %broadcast_in_dim3A = arith.constant 3328 : i32
    %broadcast_in_dim3A_61 = vector.broadcast %broadcast_in_dim3A : i32 to vector<16xi32>
    %swap3A = arith.index_cast %scan3A_59#0 : i32 to index
    %swap3A_62 = tpu.vector_load %arg9[%swap3A] {strides = array<i32>} : memref<3360xi32, #tpu.memory_space<vmem>>, vector<16xi32>,
    tpu.vector_store %arg9[%swap3A], %broadcast_in_dim3A_61 {strides = array<i32>} : memref<3360xi32, #tpu.memory_space<vmem>>, vector<16xi32>,
    %sub3A = arith.constant 1 : i32
    %sub3A_63 = arith.subi %scan3A_59#0, %sub3A : i32
    %min3A = arith.constant 0 : i32
    %min3A_64 = arith.minsi %min3A, %sub3A_63 : i32
    %iota3A_65 = tpu.iota {dimensions = array<i32: 0>} : vector<16xi32>
    %jit3A = arith.constant 16 : i32
    %div3A = arith.divsi %min3A_64, %jit3A : i32
    %sign3A = arith.constant 0 : i32
    %sign3A_66 = arith.cmpi sgt, %min3A_64, %sign3A : i32
    %sign3A_67 = arith.extui %sign3A_66 : i1 to i32
    %sign3A_68 = arith.constant 0 : i32
    %sign3A_69 = arith.cmpi slt, %min3A_64, %sign3A_68 : i32
    %sign3A_70 = arith.extui %sign3A_69 : i1 to i32
    %sign3A_71 = arith.subi %sign3A_67, %sign3A_70 : i32
    %sign3A_72 = arith.constant 0 : i32
    %sign3A_73 = arith.cmpi sgt, %jit3A, %sign3A_72 : i32
    %sign3A_74 = arith.extui %sign3A_73 : i1 to i32
    %sign3A_75 = arith.constant 0 : i32
    %sign3A_76 = arith.cmpi slt, %jit3A, %sign3A_75 : i32
    %sign3A_77 = arith.extui %sign3A_76 : i1 to i32
    %sign3A_78 = arith.subi %sign3A_74, %sign3A_77 : i32
    %ne3A = arith.cmpi ne, %sign3A_71, %sign3A_78 : i32
    %rem3A = arith.remsi %min3A_64, %jit3A : i32
    %ne3A_79 = arith.constant 0 : i32
    %ne3A_80 = arith.cmpi ne, %rem3A, %ne3A_79 : i32
    %and3A = arith.andi %ne3A, %ne3A_80 : i1
    %sub3A_81 = arith.constant 1 : i32
    %sub3A_82 = arith.subi %div3A, %sub3A_81 : i32
    %select_n3A = arith.select %and3A, %sub3A_82, %div3A : i32
    %mul3A_83 = arith.constant 16 : i32
    %mul3A_84 = arith.muli %select_n3A, %mul3A_83 : i32
    %get3A = arith.index_cast %mul3A_84 : i32 to index
    %get3A_85 = tpu.vector_load %arg8[%get3A] {strides = array<i32>} : memref<3360xi32, #tpu.memory_space<vmem>>, vector<16xi32>,
    %jit3A_86 = arith.constant 16 : i32
    %eq3A = arith.constant 0 : i32
    %eq3A_87 = arith.cmpi eq, %jit3A_86, %eq3A : i32
    %jit3A_88 = arith.constant 1 : i32
    %select_n3A_89 = arith.select %eq3A_87, %jit3A_88, %jit3A_86 : i32
    %rem3A_90 = arith.remsi %min3A_64, %select_n3A_89 : i32
    %ne3A_91 = arith.constant 0 : i32
    %ne3A_92 = arith.cmpi ne, %rem3A_90, %ne3A_91 : i32
    %lt3A = arith.constant 0 : i32
    %lt3A_93 = arith.cmpi slt, %rem3A_90, %lt3A : i32
    %lt3A_94 = arith.constant 0 : i32
    %lt3A_95 = arith.cmpi slt, %select_n3A_89, %lt3A_94 : i32
    %ne3A_96 = arith.xori %lt3A_93, %lt3A_95 : i1
    %and3A_97 = arith.andi %ne3A_96, %ne3A_92 : i1
    %add3A_98 = arith.addi %rem3A_90, %select_n3A_89 : i32
    %select_n3A_99 = arith.select %and3A_97, %add3A_98, %rem3A_90 : i32
    %eq3A_100 = vector.broadcast %select_n3A_99 : i32 to vector<16xi32>
    %eq3A_101 = arith.cmpi eq, %iota3A_65, %eq3A_100 : vector<16xi32>
    %jit3A_102 = arith.constant 0 : i32
    %broadcast_in_dim3A_103 = vector.broadcast %jit3A_102 : i32 to vector<16xi32>
    %select_n3A_104 = arith.select %eq3A_101, %get3A_85, %broadcast_in_dim3A_103 : vector<16xi1>, vector<16xi32>
    %reduce_max3A = arith.constant true
    %reduce_max3A_105 = vector.broadcast %reduce_max3A : i1 to vector<16xi1>
    %reduce_max3A_106 = arith.constant -2147483648 : i32
    %reduce_max3A_107 = vector.broadcast %reduce_max3A_106 : i32 to vector<16xi32>
    %reduce_max3A_108 = arith.xori %select_n3A_104, %reduce_max3A_107 : vector<16xi32>
    %reduce_max3A_109 = tpu.scan <max>, %reduce_max3A_108 masked %reduce_max3A_105 : vector<16xi32>, vector<16xi1> -> vector<16xi32>
    %reduce_max3A_110 = arith.xori %reduce_max3A_109, %reduce_max3A_107 : vector<16xi32>
    %reduce_max3A_111 = vector.extract %reduce_max3A_110[15] : i32 from vector<16xi32>
    %mul3A_112 = arith.constant 512 : i32
    %mul3A_113 = arith.muli %reduce_max3A_111, %mul3A_112 : i32
    %dma_start3A = arith.constant 0 : i32
    %dma_start3A_114 = tpu.memref_slice %arg2[%dma_start3A, %mul3A_113] : memref<64x1000000xf32, #tpu.memory_space<hbm>> -> memref<64x512xf32, #tpu.memory_space<hbm>>
    %dma_start3A_115 = arith.constant 0 : i32
    %dma_start3A_116 = tpu.memref_slice %arg2[%dma_start3A_115, %mul3A_113] : memref<64x1000000xf32, #tpu.memory_space<hbm>> -> memref<64x512xf32, #tpu.memory_space<hbm>>
    tpu.enqueue_dma source(%dma_start3A_116 : memref<64x512xf32, #tpu.memory_space<hbm>>) target(%arg10 : memref<64x512xf32, #tpu.memory_space<vmem>>) target_semaphore(%arg13 : memref<!tpu.dma_semaphore, #tpu.memory_space<semaphore_mem>>)
    %add3A_117 = arith.constant 1 : i32
    %add3A_118 = arith.addi %scan3A_59#0, %add3A_117 : i32
    %jit3A_119 = arith.constant 2 : i32
    %div3A_120 = arith.divsi %add3A_118, %jit3A_119 : i32
    %sign3A_121 = arith.constant 0 : i32
    %sign3A_122 = arith.cmpi sgt, %add3A_118, %sign3A_121 : i32
    %sign3A_123 = arith.extui %sign3A_122 : i1 to i32
    %sign3A_124 = arith.constant 0 : i32
    %sign3A_125 = arith.cmpi slt, %add3A_118, %sign3A_124 : i32
    %sign3A_126 = arith.extui %sign3A_125 : i1 to i32
    %sign3A_127 = arith.subi %sign3A_123, %sign3A_126 : i32
    %sign3A_128 = arith.constant 0 : i32
    %sign3A_129 = arith.cmpi sgt, %jit3A_119, %sign3A_128 : i32
    %sign3A_130 = arith.extui %sign3A_129 : i1 to i32
    %sign3A_131 = arith.constant 0 : i32
    %sign3A_132 = arith.cmpi slt, %jit3A_119, %sign3A_131 : i32
    %sign3A_133 = arith.extui %sign3A_132 : i1 to i32
    %sign3A_134 = arith.subi %sign3A_130, %sign3A_133 : i32
    %ne3A_135 = arith.cmpi ne, %sign3A_127, %sign3A_134 : i32
    %rem3A_136 = arith.remsi %add3A_118, %jit3A_119 : i32
    %ne3A_137 = arith.constant 0 : i32
    %ne3A_138 = arith.cmpi ne, %rem3A_136, %ne3A_137 : i32
    %and3A_139 = arith.andi %ne3A_135, %ne3A_138 : i1
    %sub3A_140 = arith.constant 1 : i32
    %sub3A_141 = arith.subi %div3A_120, %sub3A_140 : i32
    %select_n3A_142 = arith.select %and3A_139, %sub3A_141, %div3A_120 : i32
    %while3A = arith.constant 0 : i32
    %while3A_143 = arith.constant 0 : i32
    %while3A_144 = arith.subi %select_n3A_142, %while3A_143 : i32
    %while3A_145 = arith.addi %while3A_143, %while3A_144 : i32
    %while3A_146 = arith.constant 1 : i32
    %while3A_147 = arith.divsi %while3A_144, %while3A_146 : i32
    %while3A_148 = arith.muli %while3A_147, %while3A_146 : i32
    %while3A_149 = arith.addi %while3A_143, %while3A_148 : i32
    %while3A_150 = arith.constant 1 : i32
    scf.for %while3A_157 = %while3A_143 to %while3A_149 step %while3A_150  : i32 {
      %mul3A_158 = arith.constant 2 : i32
      %mul3A_159 = arith.muli %mul3A_158, %while3A_157 : i32
      %dma_wait3A_160 = arith.constant 0 : i32
      %dma_wait3A_161 = arith.constant 0 : i32
      %dma_wait3A_162 = tpu.memref_slice %arg2[%dma_wait3A_160, %dma_wait3A_161] : memref<64x1000000xf32, #tpu.memory_space<hbm>> -> memref<64x512xf32, #tpu.memory_space<hbm>>
      %dma_wait3A_163 = arith.constant 0 : i32
      %dma_wait3A_164 = arith.constant 0 : i32
      %dma_wait3A_165 = tpu.memref_slice %arg2[%dma_wait3A_163, %dma_wait3A_164] : memref<64x1000000xf32, #tpu.memory_space<hbm>> -> memref<64x512xf32, #tpu.memory_space<hbm>>
      tpu.wait_dma2 semaphore(%arg13 : memref<!tpu.dma_semaphore, #tpu.memory_space<semaphore_mem>>) src(%dma_wait3A_165 : memref<64x512xf32, #tpu.memory_space<hbm>>) dst(%arg10 : memref<64x512xf32, #tpu.memory_space<vmem>>)
      %add3A_166 = arith.constant 1 : i32
      %add3A_167 = arith.addi %mul3A_159, %add3A_166 : i32
      %sub3A_168 = arith.constant 1 : i32
      %sub3A_169 = arith.subi %scan3A_59#0, %sub3A_168 : i32
      %min3A_170 = arith.minsi %add3A_167, %sub3A_169 : i32
      %iota3A_171 = tpu.iota {dimensions = array<i32: 0>} : vector<16xi32>
      %jit3A_172 = arith.constant 16 : i32
      %div3A_173 = arith.divsi %min3A_170, %jit3A_172 : i32
      %sign3A_174 = arith.constant 0 : i32
      %sign3A_175 = arith.cmpi sgt, %min3A_170, %sign3A_174 : i32
      %sign3A_176 = arith.extui %sign3A_175 : i1 to i32
      %sign3A_177 = arith.constant 0 : i32
      %sign3A_178 = arith.cmpi slt, %min3A_170, %sign3A_177 : i32
      %sign3A_179 = arith.extui %sign3A_178 : i1 to i32
      %sign3A_180 = arith.subi %sign3A_176, %sign3A_179 : i32
      %sign3A_181 = arith.constant 0 : i32
      %sign3A_182 = arith.cmpi sgt, %jit3A_172, %sign3A_181 : i32
      %sign3A_183 = arith.extui %sign3A_182 : i1 to i32
      %sign3A_184 = arith.constant 0 : i32
      %sign3A_185 = arith.cmpi slt, %jit3A_172, %sign3A_184 : i32
      %sign3A_186 = arith.extui %sign3A_185 : i1 to i32
      %sign3A_187 = arith.subi %sign3A_183, %sign3A_186 : i32
      %ne3A_188 = arith.cmpi ne, %sign3A_180, %sign3A_187 : i32
      %rem3A_189 = arith.remsi %min3A_170, %jit3A_172 : i32
      %ne3A_190 = arith.constant 0 : i32
      %ne3A_191 = arith.cmpi ne, %rem3A_189, %ne3A_190 : i32
      %and3A_192 = arith.andi %ne3A_188, %ne3A_191 : i1
      %sub3A_193 = arith.constant 1 : i32
      %sub3A_194 = arith.subi %div3A_173, %sub3A_193 : i32
      %select_n3A_195 = arith.select %and3A_192, %sub3A_194, %div3A_173 : i32
      %mul3A_196 = arith.constant 16 : i32
      %mul3A_197 = arith.muli %select_n3A_195, %mul3A_196 : i32
      %get3A_198 = arith.index_cast %mul3A_197 : i32 to index
      %get3A_199 = tpu.vector_load %arg8[%get3A_198] {strides = array<i32>} : memref<3360xi32, #tpu.memory_space<vmem>>, vector<16xi32>,
      %jit3A_200 = arith.constant 16 : i32
      %eq3A_201 = arith.constant 0 : i32
      %eq3A_202 = arith.cmpi eq, %jit3A_200, %eq3A_201 : i32
      %jit3A_203 = arith.constant 1 : i32
      %select_n3A_204 = arith.select %eq3A_202, %jit3A_203, %jit3A_200 : i32
      %rem3A_205 = arith.remsi %min3A_170, %select_n3A_204 : i32
      %ne3A_206 = arith.constant 0 : i32
      %ne3A_207 = arith.cmpi ne, %rem3A_205, %ne3A_206 : i32
      %lt3A_208 = arith.constant 0 : i32
      %lt3A_209 = arith.cmpi slt, %rem3A_205, %lt3A_208 : i32
      %lt3A_210 = arith.constant 0 : i32
      %lt3A_211 = arith.cmpi slt, %select_n3A_204, %lt3A_210 : i32
      %ne3A_212 = arith.xori %lt3A_209, %lt3A_211 : i1
      %and3A_213 = arith.andi %ne3A_212, %ne3A_207 : i1
      %add3A_214 = arith.addi %rem3A_205, %select_n3A_204 : i32
      %select_n3A_215 = arith.select %and3A_213, %add3A_214, %rem3A_205 : i32
      %eq3A_216 = vector.broadcast %select_n3A_215 : i32 to vector<16xi32>
      %eq3A_217 = arith.cmpi eq, %iota3A_171, %eq3A_216 : vector<16xi32>
      %jit3A_218 = arith.constant 0 : i32
      %broadcast_in_dim3A_219 = vector.broadcast %jit3A_218 : i32 to vector<16xi32>
      %select_n3A_220 = arith.select %eq3A_217, %get3A_199, %broadcast_in_dim3A_219 : vector<16xi1>, vector<16xi32>
      %reduce_max3A_221 = arith.constant true
      %reduce_max3A_222 = vector.broadcast %reduce_max3A_221 : i1 to vector<16xi1>
      %reduce_max3A_223 = arith.constant -2147483648 : i32
      %reduce_max3A_224 = vector.broadcast %reduce_max3A_223 : i32 to vector<16xi32>
      %reduce_max3A_225 = arith.xori %select_n3A_220, %reduce_max3A_224 : vector<16xi32>
      %reduce_max3A_226 = tpu.scan <max>, %reduce_max3A_225 masked %reduce_max3A_222 : vector<16xi32>, vector<16xi1> -> vector<16xi32>
      %reduce_max3A_227 = arith.xori %reduce_max3A_226, %reduce_max3A_224 : vector<16xi32>
      %reduce_max3A_228 = vector.extract %reduce_max3A_227[15] : i32 from vector<16xi32>
      %mul3A_229 = arith.constant 512 : i32
      %mul3A_230 = arith.muli %reduce_max3A_228, %mul3A_229 : i32
      %dma_start3A_231 = arith.constant 0 : i32
      %dma_start3A_232 = tpu.memref_slice %arg2[%dma_start3A_231, %mul3A_230] : memref<64x1000000xf32, #tpu.memory_space<hbm>> -> memref<64x512xf32, #tpu.memory_space<hbm>>
      %dma_start3A_233 = arith.constant 0 : i32
      %dma_start3A_234 = tpu.memref_slice %arg2[%dma_start3A_233, %mul3A_230] : memref<64x1000000xf32, #tpu.memory_space<hbm>> -> memref<64x512xf32, #tpu.memory_space<hbm>>
      tpu.enqueue_dma source(%dma_start3A_234 : memref<64x512xf32, #tpu.memory_space<hbm>>) target(%arg11 : memref<64x512xf32, #tpu.memory_space<vmem>>) target_semaphore(%arg14 : memref<!tpu.dma_semaphore, #tpu.memory_space<semaphore_mem>>)
      %sub3A_235 = arith.constant 1 : i32
      %sub3A_236 = arith.subi %scan3A_59#0, %sub3A_235 : i32
      %min3A_237 = arith.minsi %mul3A_159, %sub3A_236 : i32
      %iota3A_238 = tpu.iota {dimensions = array<i32: 0>} : vector<16xi32>
      %jit3A_239 = arith.constant 16 : i32
      %div3A_240 = arith.divsi %min3A_237, %jit3A_239 : i32
      %sign3A_241 = arith.constant 0 : i32
      %sign3A_242 = arith.cmpi sgt, %min3A_237, %sign3A_241 : i32
      %sign3A_243 = arith.extui %sign3A_242 : i1 to i32
      %sign3A_244 = arith.constant 0 : i32
      %sign3A_245 = arith.cmpi slt, %min3A_237, %sign3A_244 : i32
      %sign3A_246 = arith.extui %sign3A_245 : i1 to i32
      %sign3A_247 = arith.subi %sign3A_243, %sign3A_246 : i32
      %sign3A_248 = arith.constant 0 : i32
      %sign3A_249 = arith.cmpi sgt, %jit3A_239, %sign3A_248 : i32
      %sign3A_250 = arith.extui %sign3A_249 : i1 to i32
      %sign3A_251 = arith.constant 0 : i32
      %sign3A_252 = arith.cmpi slt, %jit3A_239, %sign3A_251 : i32
      %sign3A_253 = arith.extui %sign3A_252 : i1 to i32
      %sign3A_254 = arith.subi %sign3A_250, %sign3A_253 : i32
      %ne3A_255 = arith.cmpi ne, %sign3A_247, %sign3A_254 : i32
      %rem3A_256 = arith.remsi %min3A_237, %jit3A_239 : i32
      %ne3A_257 = arith.constant 0 : i32
      %ne3A_258 = arith.cmpi ne, %rem3A_256, %ne3A_257 : i32
      %and3A_259 = arith.andi %ne3A_255, %ne3A_258 : i1
      %sub3A_260 = arith.constant 1 : i32
      %sub3A_261 = arith.subi %div3A_240, %sub3A_260 : i32
      %select_n3A_262 = arith.select %and3A_259, %sub3A_261, %div3A_240 : i32
      %mul3A_263 = arith.constant 16 : i32
      %mul3A_264 = arith.muli %select_n3A_262, %mul3A_263 : i32
      %get3A_265 = arith.index_cast %mul3A_264 : i32 to index
      %get3A_266 = tpu.vector_load %arg8[%get3A_265] {strides = array<i32>} : memref<3360xi32, #tpu.memory_space<vmem>>, vector<16xi32>,
      %jit3A_267 = arith.constant 16 : i32
      %eq3A_268 = arith.constant 0 : i32
      %eq3A_269 = arith.cmpi eq, %jit3A_267, %eq3A_268 : i32
      %jit3A_270 = arith.constant 1 : i32
      %select_n3A_271 = arith.select %eq3A_269, %jit3A_270, %jit3A_267 : i32
      %rem3A_272 = arith.remsi %min3A_237, %select_n3A_271 : i32
      %ne3A_273 = arith.constant 0 : i32
      %ne3A_274 = arith.cmpi ne, %rem3A_272, %ne3A_273 : i32
      %lt3A_275 = arith.constant 0 : i32
      %lt3A_276 = arith.cmpi slt, %rem3A_272, %lt3A_275 : i32
      %lt3A_277 = arith.constant 0 : i32
      %lt3A_278 = arith.cmpi slt, %select_n3A_271, %lt3A_277 : i32
      %ne3A_279 = arith.xori %lt3A_276, %lt3A_278 : i1
      %and3A_280 = arith.andi %ne3A_279, %ne3A_274 : i1
      %add3A_281 = arith.addi %rem3A_272, %select_n3A_271 : i32
      %select_n3A_282 = arith.select %and3A_280, %add3A_281, %rem3A_272 : i32
      %eq3A_283 = vector.broadcast %select_n3A_282 : i32 to vector<16xi32>
      %eq3A_284 = arith.cmpi eq, %iota3A_238, %eq3A_283 : vector<16xi32>
      %jit3A_285 = arith.constant 0 : i32
      %broadcast_in_dim3A_286 = vector.broadcast %jit3A_285 : i32 to vector<16xi32>
      %select_n3A_287 = arith.select %eq3A_284, %get3A_266, %broadcast_in_dim3A_286 : vector<16xi1>, vector<16xi32>
      %reduce_max3A_288 = arith.constant true
      %reduce_max3A_289 = vector.broadcast %reduce_max3A_288 : i1 to vector<16xi1>
      %reduce_max3A_290 = arith.constant -2147483648 : i32
      %reduce_max3A_291 = vector.broadcast %reduce_max3A_290 : i32 to vector<16xi32>
      %reduce_max3A_292 = arith.xori %select_n3A_287, %reduce_max3A_291 : vector<16xi32>
      %reduce_max3A_293 = tpu.scan <max>, %reduce_max3A_292 masked %reduce_max3A_289 : vector<16xi32>, vector<16xi1> -> vector<16xi32>
      %reduce_max3A_294 = arith.xori %reduce_max3A_293, %reduce_max3A_291 : vector<16xi32>
      %reduce_max3A_295 = vector.extract %reduce_max3A_294[15] : i32 from vector<16xi32>
      %lt3A_296 = arith.cmpi slt, %mul3A_159, %scan3A_59#0 : i32
      %iota3A_297 = tpu.iota {dimensions = array<i32: 0>} : vector<16xi32>
      %jit3A_298 = arith.constant 16 : i32
      %div3A_299 = arith.divsi %min3A_237, %jit3A_298 : i32
      %sign3A_300 = arith.constant 0 : i32
      %sign3A_301 = arith.cmpi sgt, %min3A_237, %sign3A_300 : i32
      %sign3A_302 = arith.extui %sign3A_301 : i1 to i32
      %sign3A_303 = arith.constant 0 : i32
      %sign3A_304 = arith.cmpi slt, %min3A_237, %sign3A_303 : i32
      %sign3A_305 = arith.extui %sign3A_304 : i1 to i32
      %sign3A_306 = arith.subi %sign3A_302, %sign3A_305 : i32
      %sign3A_307 = arith.constant 0 : i32
      %sign3A_308 = arith.cmpi sgt, %jit3A_298, %sign3A_307 : i32
      %sign3A_309 = arith.extui %sign3A_308 : i1 to i32
      %sign3A_310 = arith.constant 0 : i32
      %sign3A_311 = arith.cmpi slt, %jit3A_298, %sign3A_310 : i32
      %sign3A_312 = arith.extui %sign3A_311 : i1 to i32
      %sign3A_313 = arith.subi %sign3A_309, %sign3A_312 : i32
      %ne3A_314 = arith.cmpi ne, %sign3A_306, %sign3A_313 : i32
      %rem3A_315 = arith.remsi %min3A_237, %jit3A_298 : i32
      %ne3A_316 = arith.constant 0 : i32
      %ne3A_317 = arith.cmpi ne, %rem3A_315, %ne3A_316 : i32
      %and3A_318 = arith.andi %ne3A_314, %ne3A_317 : i1
      %sub3A_319 = arith.constant 1 : i32
      %sub3A_320 = arith.subi %div3A_299, %sub3A_319 : i32
      %select_n3A_321 = arith.select %and3A_318, %sub3A_320, %div3A_299 : i32
      %mul3A_322 = arith.constant 16 : i32
      %mul3A_323 = arith.muli %select_n3A_321, %mul3A_322 : i32
      %get3A_324 = arith.index_cast %mul3A_323 : i32 to index
      %get3A_325 = tpu.vector_load %arg9[%get3A_324] {strides = array<i32>} : memref<3360xi32, #tpu.memory_space<vmem>>, vector<16xi32>,
      %jit3A_326 = arith.constant 16 : i32
      %eq3A_327 = arith.constant 0 : i32
      %eq3A_328 = arith.cmpi eq, %jit3A_326, %eq3A_327 : i32
      %jit3A_329 = arith.constant 1 : i32
      %select_n3A_330 = arith.select %eq3A_328, %jit3A_329, %jit3A_326 : i32
      %rem3A_331 = arith.remsi %min3A_237, %select_n3A_330 : i32
      %ne3A_332 = arith.constant 0 : i32
      %ne3A_333 = arith.cmpi ne, %rem3A_331, %ne3A_332 : i32
      %lt3A_334 = arith.constant 0 : i32
      %lt3A_335 = arith.cmpi slt, %rem3A_331, %lt3A_334 : i32
      %lt3A_336 = arith.constant 0 : i32
      %lt3A_337 = arith.cmpi slt, %select_n3A_330, %lt3A_336 : i32
      %ne3A_338 = arith.xori %lt3A_335, %lt3A_337 : i1
      %and3A_339 = arith.andi %ne3A_338, %ne3A_333 : i1
      %add3A_340 = arith.addi %rem3A_331, %select_n3A_330 : i32
      %select_n3A_341 = arith.select %and3A_339, %add3A_340, %rem3A_331 : i32
      %eq3A_342 = vector.broadcast %select_n3A_341 : i32 to vector<16xi32>
      %eq3A_343 = arith.cmpi eq, %iota3A_297, %eq3A_342 : vector<16xi32>
      %jit3A_344 = arith.constant 0 : i32
      %broadcast_in_dim3A_345 = vector.broadcast %jit3A_344 : i32 to vector<16xi32>
      %select_n3A_346 = arith.select %eq3A_343, %get3A_325, %broadcast_in_dim3A_345 : vector<16xi1>, vector<16xi32>
      %reduce_max3A_347 = arith.constant true
      %reduce_max3A_348 = vector.broadcast %reduce_max3A_347 : i1 to vector<16xi1>
      %reduce_max3A_349 = arith.constant -2147483648 : i32
      %reduce_max3A_350 = vector.broadcast %reduce_max3A_349 : i32 to vector<16xi32>
      %reduce_max3A_351 = arith.xori %select_n3A_346, %reduce_max3A_350 : vector<16xi32>
      %reduce_max3A_352 = tpu.scan <max>, %reduce_max3A_351 masked %reduce_max3A_348 : vector<16xi32>, vector<16xi1> -> vector<16xi32>
      %reduce_max3A_353 = arith.xori %reduce_max3A_352, %reduce_max3A_350 : vector<16xi32>
      %reduce_max3A_354 = vector.extract %reduce_max3A_353[15] : i32 from vector<16xi32>
      %jit3A_355 = arith.constant 0 : i32
      %select_n3A_356 = arith.select %lt3A_296, %reduce_max3A_354, %jit3A_355 : i32
      %lt3A_357 = arith.cmpi slt, %mul3A_159, %scan3A_59#0 : i32
      %add3A_358 = arith.constant 1 : i32
      %add3A_359 = arith.addi %min3A_237, %add3A_358 : i32
      %iota3A_360 = tpu.iota {dimensions = array<i32: 0>} : vector<16xi32>
      %jit3A_361 = arith.constant 16 : i32
      %div3A_362 = arith.divsi %add3A_359, %jit3A_361 : i32
      %sign3A_363 = arith.constant 0 : i32
      %sign3A_364 = arith.cmpi sgt, %add3A_359, %sign3A_363 : i32
      %sign3A_365 = arith.extui %sign3A_364 : i1 to i32
      %sign3A_366 = arith.constant 0 : i32
      %sign3A_367 = arith.cmpi slt, %add3A_359, %sign3A_366 : i32
      %sign3A_368 = arith.extui %sign3A_367 : i1 to i32
      %sign3A_369 = arith.subi %sign3A_365, %sign3A_368 : i32
      %sign3A_370 = arith.constant 0 : i32
      %sign3A_371 = arith.cmpi sgt, %jit3A_361, %sign3A_370 : i32
      %sign3A_372 = arith.extui %sign3A_371 : i1 to i32
      %sign3A_373 = arith.constant 0 : i32
      %sign3A_374 = arith.cmpi slt, %jit3A_361, %sign3A_373 : i32
      %sign3A_375 = arith.extui %sign3A_374 : i1 to i32
      %sign3A_376 = arith.subi %sign3A_372, %sign3A_375 : i32
      %ne3A_377 = arith.cmpi ne, %sign3A_369, %sign3A_376 : i32
      %rem3A_378 = arith.remsi %add3A_359, %jit3A_361 : i32
      %ne3A_379 = arith.constant 0 : i32
      %ne3A_380 = arith.cmpi ne, %rem3A_378, %ne3A_379 : i32
      %and3A_381 = arith.andi %ne3A_377, %ne3A_380 : i1
      %sub3A_382 = arith.constant 1 : i32
      %sub3A_383 = arith.subi %div3A_362, %sub3A_382 : i32
      %select_n3A_384 = arith.select %and3A_381, %sub3A_383, %div3A_362 : i32
      %mul3A_385 = arith.constant 16 : i32
      %mul3A_386 = arith.muli %select_n3A_384, %mul3A_385 : i32
      %get3A_387 = arith.index_cast %mul3A_386 : i32 to index
      %get3A_388 = tpu.vector_load %arg9[%get3A_387] {strides = array<i32>} : memref<3360xi32, #tpu.memory_space<vmem>>, vector<16xi32>,
      %jit3A_389 = arith.constant 16 : i32
      %eq3A_390 = arith.constant 0 : i32
      %eq3A_391 = arith.cmpi eq, %jit3A_389, %eq3A_390 : i32
      %jit3A_392 = arith.constant 1 : i32
      %select_n3A_393 = arith.select %eq3A_391, %jit3A_392, %jit3A_389 : i32
      %rem3A_394 = arith.remsi %add3A_359, %select_n3A_393 : i32
      %ne3A_395 = arith.constant 0 : i32
      %ne3A_396 = arith.cmpi ne, %rem3A_394, %ne3A_395 : i32
      %lt3A_397 = arith.constant 0 : i32
      %lt3A_398 = arith.cmpi slt, %rem3A_394, %lt3A_397 : i32
      %lt3A_399 = arith.constant 0 : i32
      %lt3A_400 = arith.cmpi slt, %select_n3A_393, %lt3A_399 : i32
      %ne3A_401 = arith.xori %lt3A_398, %lt3A_400 : i1
      %and3A_402 = arith.andi %ne3A_401, %ne3A_396 : i1
      %add3A_403 = arith.addi %rem3A_394, %select_n3A_393 : i32
      %select_n3A_404 = arith.select %and3A_402, %add3A_403, %rem3A_394 : i32
      %eq3A_405 = vector.broadcast %select_n3A_404 : i32 to vector<16xi32>
      %eq3A_406 = arith.cmpi eq, %iota3A_360, %eq3A_405 : vector<16xi32>
      %jit3A_407 = arith.constant 0 : i32
      %broadcast_in_dim3A_408 = vector.broadcast %jit3A_407 : i32 to vector<16xi32>
      %select_n3A_409 = arith.select %eq3A_406, %get3A_388, %broadcast_in_dim3A_408 : vector<16xi1>, vector<16xi32>
      %reduce_max3A_410 = arith.constant true
      %reduce_max3A_411 = vector.broadcast %reduce_max3A_410 : i1 to vector<16xi1>
      %reduce_max3A_412 = arith.constant -2147483648 : i32
      %reduce_max3A_413 = vector.broadcast %reduce_max3A_412 : i32 to vector<16xi32>
      %reduce_max3A_414 = arith.xori %select_n3A_409, %reduce_max3A_413 : vector<16xi32>
      %reduce_max3A_415 = tpu.scan <max>, %reduce_max3A_414 masked %reduce_max3A_411 : vector<16xi32>, vector<16xi1> -> vector<16xi32>
      %reduce_max3A_416 = arith.xori %reduce_max3A_415, %reduce_max3A_413 : vector<16xi32>
      %reduce_max3A_417 = vector.extract %reduce_max3A_416[15] : i32 from vector<16xi32>
      %jit3A_418 = arith.constant 0 : i32
      %select_n3A_419 = arith.select %lt3A_357, %reduce_max3A_417, %jit3A_418 : i32
      %mul3A_420 = arith.constant 512 : i32
      %mul3A_421 = arith.muli %reduce_max3A_295, %mul3A_420 : i32
      %jit3A_422 = arith.constant 256 : i32
      %div3A_423 = arith.divsi %select_n3A_356, %jit3A_422 : i32
      %sign3A_424 = arith.constant 0 : i32
      %sign3A_425 = arith.cmpi sgt, %select_n3A_356, %sign3A_424 : i32
      %sign3A_426 = arith.extui %sign3A_425 : i1 to i32
      %sign3A_427 = arith.constant 0 : i32
      %sign3A_428 = arith.cmpi slt, %select_n3A_356, %sign3A_427 : i32
      %sign3A_429 = arith.extui %sign3A_428 : i1 to i32
      %sign3A_430 = arith.subi %sign3A_426, %sign3A_429 : i32
      %sign3A_431 = arith.constant 0 : i32
      %sign3A_432 = arith.cmpi sgt, %jit3A_422, %sign3A_431 : i32
      %sign3A_433 = arith.extui %sign3A_432 : i1 to i32
      %sign3A_434 = arith.constant 0 : i32
      %sign3A_435 = arith.cmpi slt, %jit3A_422, %sign3A_434 : i32
      %sign3A_436 = arith.extui %sign3A_435 : i1 to i32
      %sign3A_437 = arith.subi %sign3A_433, %sign3A_436 : i32
      %ne3A_438 = arith.cmpi ne, %sign3A_430, %sign3A_437 : i32
      %rem3A_439 = arith.remsi %select_n3A_356, %jit3A_422 : i32
      %ne3A_440 = arith.constant 0 : i32
      %ne3A_441 = arith.cmpi ne, %rem3A_439, %ne3A_440 : i32
      %and3A_442 = arith.andi %ne3A_438, %ne3A_441 : i1
      %sub3A_443 = arith.constant 1 : i32
      %sub3A_444 = arith.subi %div3A_423, %sub3A_443 : i32
      %select_n3A_445 = arith.select %and3A_442, %sub3A_444, %div3A_423 : i32
      %add3A_446 = arith.constant 256 : i32
      %add3A_447 = arith.addi %select_n3A_419, %add3A_446 : i32
      %sub3A_448 = arith.constant 1 : i32
      %sub3A_449 = arith.subi %add3A_447, %sub3A_448 : i32
      %jit3A_450 = arith.constant 256 : i32
      %div3A_451 = arith.divsi %sub3A_449, %jit3A_450 : i32
      %sign3A_452 = arith.constant 0 : i32
      %sign3A_453 = arith.cmpi sgt, %sub3A_449, %sign3A_452 : i32
      %sign3A_454 = arith.extui %sign3A_453 : i1 to i32
      %sign3A_455 = arith.constant 0 : i32
      %sign3A_456 = arith.cmpi slt, %sub3A_449, %sign3A_455 : i32
      %sign3A_457 = arith.extui %sign3A_456 : i1 to i32
      %sign3A_458 = arith.subi %sign3A_454, %sign3A_457 : i32
      %sign3A_459 = arith.constant 0 : i32
      %sign3A_460 = arith.cmpi sgt, %jit3A_450, %sign3A_459 : i32
      %sign3A_461 = arith.extui %sign3A_460 : i1 to i32
      %sign3A_462 = arith.constant 0 : i32
      %sign3A_463 = arith.cmpi slt, %jit3A_450, %sign3A_462 : i32
      %sign3A_464 = arith.extui %sign3A_463 : i1 to i32
      %sign3A_465 = arith.subi %sign3A_461, %sign3A_464 : i32
      %ne3A_466 = arith.cmpi ne, %sign3A_458, %sign3A_465 : i32
      %rem3A_467 = arith.remsi %sub3A_449, %jit3A_450 : i32
      %ne3A_468 = arith.constant 0 : i32
      %ne3A_469 = arith.cmpi ne, %rem3A_467, %ne3A_468 : i32
      %and3A_470 = arith.andi %ne3A_466, %ne3A_469 : i1
      %sub3A_471 = arith.constant 1 : i32
      %sub3A_472 = arith.subi %div3A_451, %sub3A_471 : i32
      %select_n3A_473 = arith.select %and3A_470, %sub3A_472, %div3A_451 : i32
      %while3A_474 = arith.constant 0 : i32
      %while3A_475 = arith.subi %select_n3A_473, %select_n3A_445 : i32
      %while3A_476 = arith.addi %select_n3A_445, %while3A_475 : i32
      %while3A_477 = arith.constant 1 : i32
      %while3A_478 = arith.divsi %while3A_475, %while3A_477 : i32
      %while3A_479 = arith.muli %while3A_478, %while3A_477 : i32
      %while3A_480 = arith.addi %select_n3A_445, %while3A_479 : i32
      %while3A_481 = arith.constant 1 : i32
      scf.for %while3A_810 = %select_n3A_445 to %while3A_480 step %while3A_481  : i32 {
        %mul3A_811 = arith.constant 256 : i32
        %mul3A_812 = arith.muli %while3A_810, %mul3A_811 : i32
        %max3A = arith.maxsi %select_n3A_356, %mul3A_812 : i32
        %add3A_813 = arith.constant 1 : i32
        %add3A_814 = arith.addi %while3A_810, %add3A_813 : i32
        %mul3A_815 = arith.constant 256 : i32
        %mul3A_816 = arith.muli %add3A_814, %mul3A_815 : i32
        %min3A_817 = arith.minsi %select_n3A_419, %mul3A_816 : i32
        %parallel_loop3A = arith.constant 1 : i32
        scf.for %parallel_loop3A_824 = %max3A to %min3A_817 step %parallel_loop3A  : i32 {
          %parallel_loop3A_825 = vector.broadcast %parallel_loop3A_824 : i32 to vector<16xi32>
          %parallel_loop3A_826 = tpu.vector_load_idx %arg6[%parallel_loop3A_825] : memref<3328xi32, #tpu.memory_space<vmem>>[vector<16xi32>], vector<16xi32>,
          %parallel_loop3A_827 = vector.broadcast %mul3A_421 : i32 to vector<16xi32>
          %parallel_loop3A_828 = arith.subi %parallel_loop3A_826, %parallel_loop3A_827 : vector<16xi32>
          %parallel_loop3A_829 = arith.constant 256 : i32
          %parallel_loop3A_830 = arith.constant 0 : i32
          %parallel_loop3A_831 = arith.cmpi eq, %parallel_loop3A_829, %parallel_loop3A_830 : i32
          %parallel_loop3A_832 = arith.constant 1 : i32
          %parallel_loop3A_833 = arith.select %parallel_loop3A_831, %parallel_loop3A_832, %parallel_loop3A_829 : i32
          %parallel_loop3A_834 = arith.remsi %parallel_loop3A_824, %parallel_loop3A_833 : i32
          %parallel_loop3A_835 = arith.constant 0 : i32
          %parallel_loop3A_836 = arith.cmpi ne, %parallel_loop3A_834, %parallel_loop3A_835 : i32
          %parallel_loop3A_837 = arith.constant 0 : i32
          %parallel_loop3A_838 = arith.cmpi slt, %parallel_loop3A_834, %parallel_loop3A_837 : i32
          %parallel_loop3A_839 = arith.constant 0 : i32
          %parallel_loop3A_840 = arith.cmpi slt, %parallel_loop3A_833, %parallel_loop3A_839 : i32
          %parallel_loop3A_841 = arith.xori %parallel_loop3A_838, %parallel_loop3A_840 : i1
          %parallel_loop3A_842 = arith.andi %parallel_loop3A_841, %parallel_loop3A_836 : i1
          %parallel_loop3A_843 = arith.addi %parallel_loop3A_834, %parallel_loop3A_833 : i32
          %parallel_loop3A_844 = arith.select %parallel_loop3A_842, %parallel_loop3A_843, %parallel_loop3A_834 : i32
          %parallel_loop3A_845 = vector.broadcast %parallel_loop3A_844 : i32 to vector<16xi32>
          %parallel_loop3A_846 = arith.constant 0 : i32
          %parallel_loop3A_847 = vector.broadcast %parallel_loop3A_846 : i32 to vector<16xi32>
          %parallel_loop3A_848 = arith.addi %iota3A, %parallel_loop3A_847 : vector<16xi32>
          %parallel_loop3A_849 = tpu.vector_load_idx %arg10[%parallel_loop3A_848, %parallel_loop3A_828] : memref<64x512xf32, #tpu.memory_space<vmem>>[vector<16xi32>, vector<16xi32>], vector<16xf32>,
          %parallel_loop3A_850 = arith.constant 0 : i32
          %parallel_loop3A_851 = vector.broadcast %parallel_loop3A_850 : i32 to vector<16xi32>
          %parallel_loop3A_852 = arith.addi %iota3A, %parallel_loop3A_851 : vector<16xi32>
          tpu.vector_store_idx %arg12[%parallel_loop3A_845, %parallel_loop3A_852], %parallel_loop3A_849 : memref<256x128xf32, #tpu.memory_space<vmem>>[vector<16xi32>, vector<16xi32>], vector<16xf32>,
          %parallel_loop3A_853 = arith.constant 16 : i32
          %parallel_loop3A_854 = vector.broadcast %parallel_loop3A_853 : i32 to vector<16xi32>
          %parallel_loop3A_855 = arith.addi %iota3A, %parallel_loop3A_854 : vector<16xi32>
          %parallel_loop3A_856 = tpu.vector_load_idx %arg10[%parallel_loop3A_855, %parallel_loop3A_828] : memref<64x512xf32, #tpu.memory_space<vmem>>[vector<16xi32>, vector<16xi32>], vector<16xf32>,
          %parallel_loop3A_857 = arith.constant 16 : i32
          %parallel_loop3A_858 = vector.broadcast %parallel_loop3A_857 : i32 to vector<16xi32>
          %parallel_loop3A_859 = arith.addi %iota3A, %parallel_loop3A_858 : vector<16xi32>
          tpu.vector_store_idx %arg12[%parallel_loop3A_845, %parallel_loop3A_859], %parallel_loop3A_856 : memref<256x128xf32, #tpu.memory_space<vmem>>[vector<16xi32>, vector<16xi32>], vector<16xf32>,
          %parallel_loop3A_860 = arith.constant 32 : i32
          %parallel_loop3A_861 = vector.broadcast %parallel_loop3A_860 : i32 to vector<16xi32>
          %parallel_loop3A_862 = arith.addi %iota3A, %parallel_loop3A_861 : vector<16xi32>
          %parallel_loop3A_863 = tpu.vector_load_idx %arg10[%parallel_loop3A_862, %parallel_loop3A_828] : memref<64x512xf32, #tpu.memory_space<vmem>>[vector<16xi32>, vector<16xi32>], vector<16xf32>,
          %parallel_loop3A_864 = arith.constant 32 : i32
          %parallel_loop3A_865 = vector.broadcast %parallel_loop3A_864 : i32 to vector<16xi32>
          %parallel_loop3A_866 = arith.addi %iota3A, %parallel_loop3A_865 : vector<16xi32>
          tpu.vector_store_idx %arg12[%parallel_loop3A_845, %parallel_loop3A_866], %parallel_loop3A_863 : memref<256x128xf32, #tpu.memory_space<vmem>>[vector<16xi32>, vector<16xi32>], vector<16xf32>,
          %parallel_loop3A_867 = arith.constant 48 : i32
          %parallel_loop3A_868 = vector.broadcast %parallel_loop3A_867 : i32 to vector<16xi32>
          %parallel_loop3A_869 = arith.addi %iota3A, %parallel_loop3A_868 : vector<16xi32>
          %parallel_loop3A_870 = tpu.vector_load_idx %arg10[%parallel_loop3A_869, %parallel_loop3A_828] : memref<64x512xf32, #tpu.memory_space<vmem>>[vector<16xi32>, vector<16xi32>], vector<16xf32>,
          %parallel_loop3A_871 = arith.constant 48 : i32
          %parallel_loop3A_872 = vector.broadcast %parallel_loop3A_871 : i32 to vector<16xi32>
          %parallel_loop3A_873 = arith.addi %iota3A, %parallel_loop3A_872 : vector<16xi32>
          tpu.vector_store_idx %arg12[%parallel_loop3A_845, %parallel_loop3A_873], %parallel_loop3A_870 : memref<256x128xf32, #tpu.memory_space<vmem>>[vector<16xi32>, vector<16xi32>], vector<16xf32>,
        } {sc.loop_unroll_factor = 8 : i64, sc.parallel_access}
        %add3A_818 = arith.constant 1 : i32
        %add3A_819 = arith.addi %while3A_810, %add3A_818 : i32
        %mul3A_820 = arith.constant 256 : i32
        %mul3A_821 = arith.muli %add3A_819, %mul3A_820 : i32
        %eq3A_822 = arith.cmpi eq, %min3A_817, %mul3A_821 : i32
        %convert_element_type3A = arith.extui %eq3A_822 : i1 to i32
        %cond3A = arith.constant 0 : i32
        %cond3A_823 = arith.cmpi ne, %convert_element_type3A, %cond3A : i32
        scf.if %cond3A_823 {
          %dma_start3A_824 = arith.constant 0 : i32
          %dma_start3A_825 = arith.constant 0 : i32
          %dma_start3A_826 = tpu.memref_slice %arg7[%while3A_810, %dma_start3A_824, %dma_start3A_825] : memref<13x1x256xi32, #tpu.memory_space<vmem>> -> memref<1x1x256xi32, #tpu.memory_space<vmem>>
          %dma_start3A_827 = tpu.memref_squeeze %dma_start3A_826 : memref<1x1x256xi32, #tpu.memory_space<vmem>> -> memref<256xi32, #tpu.memory_space<vmem>>
          %dma_start3A_828 = arith.constant 0 : i32
          %dma_start3A_829 = arith.constant 0 : i32
          %dma_start3A_830 = tpu.memref_slice %arg5[%dma_start3A_828, %dma_start3A_829] : memref<106496x128xf32, #tpu.memory_space<hbm>> -> memref<106496x128xf32, #tpu.memory_space<hbm>>
          tpu.enqueue_indirect_dma source(%arg12 : memref<256x128xf32, #tpu.memory_space<vmem>>) target(%dma_start3A_830 : memref<106496x128xf32, #tpu.memory_space<hbm>>) offsets(%dma_start3A_827 : memref<256xi32, #tpu.memory_space<vmem>>) semaphore(%arg15 : memref<!tpu.dma_semaphore, #tpu.memory_space<semaphore_mem>>)
          %dma_wait3A_831 = arith.constant 0 : i32
          %dma_wait3A_832 = arith.constant 0 : i32
          %dma_wait3A_833 = tpu.memref_slice %arg7[%while3A_810, %dma_wait3A_831, %dma_wait3A_832] : memref<13x1x256xi32, #tpu.memory_space<vmem>> -> memref<1x1x256xi32, #tpu.memory_space<vmem>>
          %dma_wait3A_834 = tpu.memref_squeeze %dma_wait3A_833 : memref<1x1x256xi32, #tpu.memory_space<vmem>> -> memref<256xi32, #tpu.memory_space<vmem>>
          %dma_wait3A_835 = arith.constant 0 : i32
          %dma_wait3A_836 = arith.constant 0 : i32
          %dma_wait3A_837 = tpu.memref_slice %arg5[%dma_wait3A_835, %dma_wait3A_836] : memref<106496x128xf32, #tpu.memory_space<hbm>> -> memref<106496x128xf32, #tpu.memory_space<hbm>>
          tpu.wait_indirect_dma semaphore(%arg15 : memref<!tpu.dma_semaphore, #tpu.memory_space<semaphore_mem>>) src(%arg12 : memref<256x128xf32, #tpu.memory_space<vmem>>) dst(%dma_wait3A_837 : memref<106496x128xf32, #tpu.memory_space<hbm>>)
        } else {
        }
      }
      %while3A_482 = arith.constant 1 : i32
      scf.for %while3A_810 = %while3A_480 to %while3A_476 step %while3A_482  : i32 {
        %mul3A_811 = arith.constant 256 : i32
        %mul3A_812 = arith.muli %while3A_810, %mul3A_811 : i32
        %max3A = arith.maxsi %select_n3A_356, %mul3A_812 : i32
        %add3A_813 = arith.constant 1 : i32
        %add3A_814 = arith.addi %while3A_810, %add3A_813 : i32
        %mul3A_815 = arith.constant 256 : i32
        %mul3A_816 = arith.muli %add3A_814, %mul3A_815 : i32
        %min3A_817 = arith.minsi %select_n3A_419, %mul3A_816 : i32
        %parallel_loop3A = arith.constant 1 : i32
        scf.for %parallel_loop3A_824 = %max3A to %min3A_817 step %parallel_loop3A  : i32 {
          %parallel_loop3A_825 = vector.broadcast %parallel_loop3A_824 : i32 to vector<16xi32>
          %parallel_loop3A_826 = tpu.vector_load_idx %arg6[%parallel_loop3A_825] : memref<3328xi32, #tpu.memory_space<vmem>>[vector<16xi32>], vector<16xi32>,
          %parallel_loop3A_827 = vector.broadcast %mul3A_421 : i32 to vector<16xi32>
          %parallel_loop3A_828 = arith.subi %parallel_loop3A_826, %parallel_loop3A_827 : vector<16xi32>
          %parallel_loop3A_829 = arith.constant 256 : i32
          %parallel_loop3A_830 = arith.constant 0 : i32
          %parallel_loop3A_831 = arith.cmpi eq, %parallel_loop3A_829, %parallel_loop3A_830 : i32
          %parallel_loop3A_832 = arith.constant 1 : i32
          %parallel_loop3A_833 = arith.select %parallel_loop3A_831, %parallel_loop3A_832, %parallel_loop3A_829 : i32
          %parallel_loop3A_834 = arith.remsi %parallel_loop3A_824, %parallel_loop3A_833 : i32
          %parallel_loop3A_835 = arith.constant 0 : i32
          %parallel_loop3A_836 = arith.cmpi ne, %parallel_loop3A_834, %parallel_loop3A_835 : i32
          %parallel_loop3A_837 = arith.constant 0 : i32
          %parallel_loop3A_838 = arith.cmpi slt, %parallel_loop3A_834, %parallel_loop3A_837 : i32
          %parallel_loop3A_839 = arith.constant 0 : i32
          %parallel_loop3A_840 = arith.cmpi slt, %parallel_loop3A_833, %parallel_loop3A_839 : i32
          %parallel_loop3A_841 = arith.xori %parallel_loop3A_838, %parallel_loop3A_840 : i1
          %parallel_loop3A_842 = arith.andi %parallel_loop3A_841, %parallel_loop3A_836 : i1
          %parallel_loop3A_843 = arith.addi %parallel_loop3A_834, %parallel_loop3A_833 : i32
          %parallel_loop3A_844 = arith.select %parallel_loop3A_842, %parallel_loop3A_843, %parallel_loop3A_834 : i32
          %parallel_loop3A_845 = vector.broadcast %parallel_loop3A_844 : i32 to vector<16xi32>
          %parallel_loop3A_846 = arith.constant 0 : i32
          %parallel_loop3A_847 = vector.broadcast %parallel_loop3A_846 : i32 to vector<16xi32>
          %parallel_loop3A_848 = arith.addi %iota3A, %parallel_loop3A_847 : vector<16xi32>
          %parallel_loop3A_849 = tpu.vector_load_idx %arg10[%parallel_loop3A_848, %parallel_loop3A_828] : memref<64x512xf32, #tpu.memory_space<vmem>>[vector<16xi32>, vector<16xi32>], vector<16xf32>,
          %parallel_loop3A_850 = arith.constant 0 : i32
          %parallel_loop3A_851 = vector.broadcast %parallel_loop3A_850 : i32 to vector<16xi32>
          %parallel_loop3A_852 = arith.addi %iota3A, %parallel_loop3A_851 : vector<16xi32>
          tpu.vector_store_idx %arg12[%parallel_loop3A_845, %parallel_loop3A_852], %parallel_loop3A_849 : memref<256x128xf32, #tpu.memory_space<vmem>>[vector<16xi32>, vector<16xi32>], vector<16xf32>,
          %parallel_loop3A_853 = arith.constant 16 : i32
          %parallel_loop3A_854 = vector.broadcast %parallel_loop3A_853 : i32 to vector<16xi32>
          %parallel_loop3A_855 = arith.addi %iota3A, %parallel_loop3A_854 : vector<16xi32>
          %parallel_loop3A_856 = tpu.vector_load_idx %arg10[%parallel_loop3A_855, %parallel_loop3A_828] : memref<64x512xf32, #tpu.memory_space<vmem>>[vector<16xi32>, vector<16xi32>], vector<16xf32>,
          %parallel_loop3A_857 = arith.constant 16 : i32
          %parallel_loop3A_858 = vector.broadcast %parallel_loop3A_857 : i32 to vector<16xi32>
          %parallel_loop3A_859 = arith.addi %iota3A, %parallel_loop3A_858 : vector<16xi32>
          tpu.vector_store_idx %arg12[%parallel_loop3A_845, %parallel_loop3A_859], %parallel_loop3A_856 : memref<256x128xf32, #tpu.memory_space<vmem>>[vector<16xi32>, vector<16xi32>], vector<16xf32>,
          %parallel_loop3A_860 = arith.constant 32 : i32
          %parallel_loop3A_861 = vector.broadcast %parallel_loop3A_860 : i32 to vector<16xi32>
          %parallel_loop3A_862 = arith.addi %iota3A, %parallel_loop3A_861 : vector<16xi32>
          %parallel_loop3A_863 = tpu.vector_load_idx %arg10[%parallel_loop3A_862, %parallel_loop3A_828] : memref<64x512xf32, #tpu.memory_space<vmem>>[vector<16xi32>, vector<16xi32>], vector<16xf32>,
          %parallel_loop3A_864 = arith.constant 32 : i32
          %parallel_loop3A_865 = vector.broadcast %parallel_loop3A_864 : i32 to vector<16xi32>
          %parallel_loop3A_866 = arith.addi %iota3A, %parallel_loop3A_865 : vector<16xi32>
          tpu.vector_store_idx %arg12[%parallel_loop3A_845, %parallel_loop3A_866], %parallel_loop3A_863 : memref<256x128xf32, #tpu.memory_space<vmem>>[vector<16xi32>, vector<16xi32>], vector<16xf32>,
          %parallel_loop3A_867 = arith.constant 48 : i32
          %parallel_loop3A_868 = vector.broadcast %parallel_loop3A_867 : i32 to vector<16xi32>
          %parallel_loop3A_869 = arith.addi %iota3A, %parallel_loop3A_868 : vector<16xi32>
          %parallel_loop3A_870 = tpu.vector_load_idx %arg10[%parallel_loop3A_869, %parallel_loop3A_828] : memref<64x512xf32, #tpu.memory_space<vmem>>[vector<16xi32>, vector<16xi32>], vector<16xf32>,
          %parallel_loop3A_871 = arith.constant 48 : i32
          %parallel_loop3A_872 = vector.broadcast %parallel_loop3A_871 : i32 to vector<16xi32>
          %parallel_loop3A_873 = arith.addi %iota3A, %parallel_loop3A_872 : vector<16xi32>
          tpu.vector_store_idx %arg12[%parallel_loop3A_845, %parallel_loop3A_873], %parallel_loop3A_870 : memref<256x128xf32, #tpu.memory_space<vmem>>[vector<16xi32>, vector<16xi32>], vector<16xf32>,
        } {sc.loop_unroll_factor = 8 : i64, sc.parallel_access}
        %add3A_818 = arith.constant 1 : i32
        %add3A_819 = arith.addi %while3A_810, %add3A_818 : i32
        %mul3A_820 = arith.constant 256 : i32
        %mul3A_821 = arith.muli %add3A_819, %mul3A_820 : i32
        %eq3A_822 = arith.cmpi eq, %min3A_817, %mul3A_821 : i32
        %convert_element_type3A = arith.extui %eq3A_822 : i1 to i32
        %cond3A = arith.constant 0 : i32
        %cond3A_823 = arith.cmpi ne, %convert_element_type3A, %cond3A : i32
        scf.if %cond3A_823 {
          %dma_start3A_824 = arith.constant 0 : i32
          %dma_start3A_825 = arith.constant 0 : i32
          %dma_start3A_826 = tpu.memref_slice %arg7[%while3A_810, %dma_start3A_824, %dma_start3A_825] : memref<13x1x256xi32, #tpu.memory_space<vmem>> -> memref<1x1x256xi32, #tpu.memory_space<vmem>>
          %dma_start3A_827 = tpu.memref_squeeze %dma_start3A_826 : memref<1x1x256xi32, #tpu.memory_space<vmem>> -> memref<256xi32, #tpu.memory_space<vmem>>
          %dma_start3A_828 = arith.constant 0 : i32
          %dma_start3A_829 = arith.constant 0 : i32
          %dma_start3A_830 = tpu.memref_slice %arg5[%dma_start3A_828, %dma_start3A_829] : memref<106496x128xf32, #tpu.memory_space<hbm>> -> memref<106496x128xf32, #tpu.memory_space<hbm>>
          tpu.enqueue_indirect_dma source(%arg12 : memref<256x128xf32, #tpu.memory_space<vmem>>) target(%dma_start3A_830 : memref<106496x128xf32, #tpu.memory_space<hbm>>) offsets(%dma_start3A_827 : memref<256xi32, #tpu.memory_space<vmem>>) semaphore(%arg15 : memref<!tpu.dma_semaphore, #tpu.memory_space<semaphore_mem>>)
          %dma_wait3A_831 = arith.constant 0 : i32
          %dma_wait3A_832 = arith.constant 0 : i32
          %dma_wait3A_833 = tpu.memref_slice %arg7[%while3A_810, %dma_wait3A_831, %dma_wait3A_832] : memref<13x1x256xi32, #tpu.memory_space<vmem>> -> memref<1x1x256xi32, #tpu.memory_space<vmem>>
          %dma_wait3A_834 = tpu.memref_squeeze %dma_wait3A_833 : memref<1x1x256xi32, #tpu.memory_space<vmem>> -> memref<256xi32, #tpu.memory_space<vmem>>
          %dma_wait3A_835 = arith.constant 0 : i32
          %dma_wait3A_836 = arith.constant 0 : i32
          %dma_wait3A_837 = tpu.memref_slice %arg5[%dma_wait3A_835, %dma_wait3A_836] : memref<106496x128xf32, #tpu.memory_space<hbm>> -> memref<106496x128xf32, #tpu.memory_space<hbm>>
          tpu.wait_indirect_dma semaphore(%arg15 : memref<!tpu.dma_semaphore, #tpu.memory_space<semaphore_mem>>) src(%arg12 : memref<256x128xf32, #tpu.memory_space<vmem>>) dst(%dma_wait3A_837 : memref<106496x128xf32, #tpu.memory_space<hbm>>)
        } else {
        }
      }
      %mul3A_483 = arith.constant 2 : i32
      %mul3A_484 = arith.muli %mul3A_483, %while3A_157 : i32
      %add3A_485 = arith.constant 1 : i32
      %add3A_486 = arith.addi %mul3A_484, %add3A_485 : i32
      %dma_wait3A_487 = arith.constant 0 : i32
      %dma_wait3A_488 = arith.constant 0 : i32
      %dma_wait3A_489 = tpu.memref_slice %arg2[%dma_wait3A_487, %dma_wait3A_488] : memref<64x1000000xf32, #tpu.memory_space<hbm>> -> memref<64x512xf32, #tpu.memory_space<hbm>>
      %dma_wait3A_490 = arith.constant 0 : i32
      %dma_wait3A_491 = arith.constant 0 : i32
      %dma_wait3A_492 = tpu.memref_slice %arg2[%dma_wait3A_490, %dma_wait3A_491] : memref<64x1000000xf32, #tpu.memory_space<hbm>> -> memref<64x512xf32, #tpu.memory_space<hbm>>
      tpu.wait_dma2 semaphore(%arg14 : memref<!tpu.dma_semaphore, #tpu.memory_space<semaphore_mem>>) src(%dma_wait3A_492 : memref<64x512xf32, #tpu.memory_space<hbm>>) dst(%arg11 : memref<64x512xf32, #tpu.memory_space<vmem>>)
      %add3A_493 = arith.constant 1 : i32
      %add3A_494 = arith.addi %add3A_486, %add3A_493 : i32
      %sub3A_495 = arith.constant 1 : i32
      %sub3A_496 = arith.subi %scan3A_59#0, %sub3A_495 : i32
      %min3A_497 = arith.minsi %add3A_494, %sub3A_496 : i32
      %iota3A_498 = tpu.iota {dimensions = array<i32: 0>} : vector<16xi32>
      %jit3A_499 = arith.constant 16 : i32
      %div3A_500 = arith.divsi %min3A_497, %jit3A_499 : i32
      %sign3A_501 = arith.constant 0 : i32
      %sign3A_502 = arith.cmpi sgt, %min3A_497, %sign3A_501 : i32
      %sign3A_503 = arith.extui %sign3A_502 : i1 to i32
      %sign3A_504 = arith.constant 0 : i32
      %sign3A_505 = arith.cmpi slt, %min3A_497, %sign3A_504 : i32
      %sign3A_506 = arith.extui %sign3A_505 : i1 to i32
      %sign3A_507 = arith.subi %sign3A_503, %sign3A_506 : i32
      %sign3A_508 = arith.constant 0 : i32
      %sign3A_509 = arith.cmpi sgt, %jit3A_499, %sign3A_508 : i32
      %sign3A_510 = arith.extui %sign3A_509 : i1 to i32
      %sign3A_511 = arith.constant 0 : i32
      %sign3A_512 = arith.cmpi slt, %jit3A_499, %sign3A_511 : i32
      %sign3A_513 = arith.extui %sign3A_512 : i1 to i32
      %sign3A_514 = arith.subi %sign3A_510, %sign3A_513 : i32
      %ne3A_515 = arith.cmpi ne, %sign3A_507, %sign3A_514 : i32
      %rem3A_516 = arith.remsi %min3A_497, %jit3A_499 : i32
      %ne3A_517 = arith.constant 0 : i32
      %ne3A_518 = arith.cmpi ne, %rem3A_516, %ne3A_517 : i32
      %and3A_519 = arith.andi %ne3A_515, %ne3A_518 : i1
      %sub3A_520 = arith.constant 1 : i32
      %sub3A_521 = arith.subi %div3A_500, %sub3A_520 : i32
      %select_n3A_522 = arith.select %and3A_519, %sub3A_521, %div3A_500 : i32
      %mul3A_523 = arith.constant 16 : i32
      %mul3A_524 = arith.muli %select_n3A_522, %mul3A_523 : i32
      %get3A_525 = arith.index_cast %mul3A_524 : i32 to index
      %get3A_526 = tpu.vector_load %arg8[%get3A_525] {strides = array<i32>} : memref<3360xi32, #tpu.memory_space<vmem>>, vector<16xi32>,
      %jit3A_527 = arith.constant 16 : i32
      %eq3A_528 = arith.constant 0 : i32
      %eq3A_529 = arith.cmpi eq, %jit3A_527, %eq3A_528 : i32
      %jit3A_530 = arith.constant 1 : i32
      %select_n3A_531 = arith.select %eq3A_529, %jit3A_530, %jit3A_527 : i32
      %rem3A_532 = arith.remsi %min3A_497, %select_n3A_531 : i32
      %ne3A_533 = arith.constant 0 : i32
      %ne3A_534 = arith.cmpi ne, %rem3A_532, %ne3A_533 : i32
      %lt3A_535 = arith.constant 0 : i32
      %lt3A_536 = arith.cmpi slt, %rem3A_532, %lt3A_535 : i32
      %lt3A_537 = arith.constant 0 : i32
      %lt3A_538 = arith.cmpi slt, %select_n3A_531, %lt3A_537 : i32
      %ne3A_539 = arith.xori %lt3A_536, %lt3A_538 : i1
      %and3A_540 = arith.andi %ne3A_539, %ne3A_534 : i1
      %add3A_541 = arith.addi %rem3A_532, %select_n3A_531 : i32
      %select_n3A_542 = arith.select %and3A_540, %add3A_541, %rem3A_532 : i32
      %eq3A_543 = vector.broadcast %select_n3A_542 : i32 to vector<16xi32>
      %eq3A_544 = arith.cmpi eq, %iota3A_498, %eq3A_543 : vector<16xi32>
      %jit3A_545 = arith.constant 0 : i32
      %broadcast_in_dim3A_546 = vector.broadcast %jit3A_545 : i32 to vector<16xi32>
      %select_n3A_547 = arith.select %eq3A_544, %get3A_526, %broadcast_in_dim3A_546 : vector<16xi1>, vector<16xi32>
      %reduce_max3A_548 = arith.constant true
      %reduce_max3A_549 = vector.broadcast %reduce_max3A_548 : i1 to vector<16xi1>
      %reduce_max3A_550 = arith.constant -2147483648 : i32
      %reduce_max3A_551 = vector.broadcast %reduce_max3A_550 : i32 to vector<16xi32>
      %reduce_max3A_552 = arith.xori %select_n3A_547, %reduce_max3A_551 : vector<16xi32>
      %reduce_max3A_553 = tpu.scan <max>, %reduce_max3A_552 masked %reduce_max3A_549 : vector<16xi32>, vector<16xi1> -> vector<16xi32>
      %reduce_max3A_554 = arith.xori %reduce_max3A_553, %reduce_max3A_551 : vector<16xi32>
      %reduce_max3A_555 = vector.extract %reduce_max3A_554[15] : i32 from vector<16xi32>
      %mul3A_556 = arith.constant 512 : i32
      %mul3A_557 = arith.muli %reduce_max3A_555, %mul3A_556 : i32
      %dma_start3A_558 = arith.constant 0 : i32
      %dma_start3A_559 = tpu.memref_slice %arg2[%dma_start3A_558, %mul3A_557] : memref<64x1000000xf32, #tpu.memory_space<hbm>> -> memref<64x512xf32, #tpu.memory_space<hbm>>
      %dma_start3A_560 = arith.constant 0 : i32
      %dma_start3A_561 = tpu.memref_slice %arg2[%dma_start3A_560, %mul3A_557] : memref<64x1000000xf32, #tpu.memory_space<hbm>> -> memref<64x512xf32, #tpu.memory_space<hbm>>
      tpu.enqueue_dma source(%dma_start3A_561 : memref<64x512xf32, #tpu.memory_space<hbm>>) target(%arg10 : memref<64x512xf32, #tpu.memory_space<vmem>>) target_semaphore(%arg13 : memref<!tpu.dma_semaphore, #tpu.memory_space<semaphore_mem>>)
      %sub3A_562 = arith.constant 1 : i32
      %sub3A_563 = arith.subi %scan3A_59#0, %sub3A_562 : i32
      %min3A_564 = arith.minsi %add3A_486, %sub3A_563 : i32
      %iota3A_565 = tpu.iota {dimensions = array<i32: 0>} : vector<16xi32>
      %jit3A_566 = arith.constant 16 : i32
      %div3A_567 = arith.divsi %min3A_564, %jit3A_566 : i32
      %sign3A_568 = arith.constant 0 : i32
      %sign3A_569 = arith.cmpi sgt, %min3A_564, %sign3A_568 : i32
      %sign3A_570 = arith.extui %sign3A_569 : i1 to i32
      %sign3A_571 = arith.constant 0 : i32
      %sign3A_572 = arith.cmpi slt, %min3A_564, %sign3A_571 : i32
      %sign3A_573 = arith.extui %sign3A_572 : i1 to i32
      %sign3A_574 = arith.subi %sign3A_570, %sign3A_573 : i32
      %sign3A_575 = arith.constant 0 : i32
      %sign3A_576 = arith.cmpi sgt, %jit3A_566, %sign3A_575 : i32
      %sign3A_577 = arith.extui %sign3A_576 : i1 to i32
      %sign3A_578 = arith.constant 0 : i32
      %sign3A_579 = arith.cmpi slt, %jit3A_566, %sign3A_578 : i32
      %sign3A_580 = arith.extui %sign3A_579 : i1 to i32
      %sign3A_581 = arith.subi %sign3A_577, %sign3A_580 : i32
      %ne3A_582 = arith.cmpi ne, %sign3A_574, %sign3A_581 : i32
      %rem3A_583 = arith.remsi %min3A_564, %jit3A_566 : i32
      %ne3A_584 = arith.constant 0 : i32
      %ne3A_585 = arith.cmpi ne, %rem3A_583, %ne3A_584 : i32
      %and3A_586 = arith.andi %ne3A_582, %ne3A_585 : i1
      %sub3A_587 = arith.constant 1 : i32
      %sub3A_588 = arith.subi %div3A_567, %sub3A_587 : i32
      %select_n3A_589 = arith.select %and3A_586, %sub3A_588, %div3A_567 : i32
      %mul3A_590 = arith.constant 16 : i32
      %mul3A_591 = arith.muli %select_n3A_589, %mul3A_590 : i32
      %get3A_592 = arith.index_cast %mul3A_591 : i32 to index
      %get3A_593 = tpu.vector_load %arg8[%get3A_592] {strides = array<i32>} : memref<3360xi32, #tpu.memory_space<vmem>>, vector<16xi32>,
      %jit3A_594 = arith.constant 16 : i32
      %eq3A_595 = arith.constant 0 : i32
      %eq3A_596 = arith.cmpi eq, %jit3A_594, %eq3A_595 : i32
      %jit3A_597 = arith.constant 1 : i32
      %select_n3A_598 = arith.select %eq3A_596, %jit3A_597, %jit3A_594 : i32
      %rem3A_599 = arith.remsi %min3A_564, %select_n3A_598 : i32
      %ne3A_600 = arith.constant 0 : i32
      %ne3A_601 = arith.cmpi ne, %rem3A_599, %ne3A_600 : i32
      %lt3A_602 = arith.constant 0 : i32
      %lt3A_603 = arith.cmpi slt, %rem3A_599, %lt3A_602 : i32
      %lt3A_604 = arith.constant 0 : i32
      %lt3A_605 = arith.cmpi slt, %select_n3A_598, %lt3A_604 : i32
      %ne3A_606 = arith.xori %lt3A_603, %lt3A_605 : i1
      %and3A_607 = arith.andi %ne3A_606, %ne3A_601 : i1
      %add3A_608 = arith.addi %rem3A_599, %select_n3A_598 : i32
      %select_n3A_609 = arith.select %and3A_607, %add3A_608, %rem3A_599 : i32
      %eq3A_610 = vector.broadcast %select_n3A_609 : i32 to vector<16xi32>
      %eq3A_611 = arith.cmpi eq, %iota3A_565, %eq3A_610 : vector<16xi32>
      %jit3A_612 = arith.constant 0 : i32
      %broadcast_in_dim3A_613 = vector.broadcast %jit3A_612 : i32 to vector<16xi32>
      %select_n3A_614 = arith.select %eq3A_611, %get3A_593, %broadcast_in_dim3A_613 : vector<16xi1>, vector<16xi32>
      %reduce_max3A_615 = arith.constant true
      %reduce_max3A_616 = vector.broadcast %reduce_max3A_615 : i1 to vector<16xi1>
      %reduce_max3A_617 = arith.constant -2147483648 : i32
      %reduce_max3A_618 = vector.broadcast %reduce_max3A_617 : i32 to vector<16xi32>
      %reduce_max3A_619 = arith.xori %select_n3A_614, %reduce_max3A_618 : vector<16xi32>
      %reduce_max3A_620 = tpu.scan <max>, %reduce_max3A_619 masked %reduce_max3A_616 : vector<16xi32>, vector<16xi1> -> vector<16xi32>
      %reduce_max3A_621 = arith.xori %reduce_max3A_620, %reduce_max3A_618 : vector<16xi32>
      %reduce_max3A_622 = vector.extract %reduce_max3A_621[15] : i32 from vector<16xi32>
      %lt3A_623 = arith.cmpi slt, %add3A_486, %scan3A_59#0 : i32
      %iota3A_624 = tpu.iota {dimensions = array<i32: 0>} : vector<16xi32>
      %jit3A_625 = arith.constant 16 : i32
      %div3A_626 = arith.divsi %min3A_564, %jit3A_625 : i32
      %sign3A_627 = arith.constant 0 : i32
      %sign3A_628 = arith.cmpi sgt, %min3A_564, %sign3A_627 : i32
      %sign3A_629 = arith.extui %sign3A_628 : i1 to i32
      %sign3A_630 = arith.constant 0 : i32
      %sign3A_631 = arith.cmpi slt, %min3A_564, %sign3A_630 : i32
      %sign3A_632 = arith.extui %sign3A_631 : i1 to i32
      %sign3A_633 = arith.subi %sign3A_629, %sign3A_632 : i32
      %sign3A_634 = arith.constant 0 : i32
      %sign3A_635 = arith.cmpi sgt, %jit3A_625, %sign3A_634 : i32
      %sign3A_636 = arith.extui %sign3A_635 : i1 to i32
      %sign3A_637 = arith.constant 0 : i32
      %sign3A_638 = arith.cmpi slt, %jit3A_625, %sign3A_637 : i32
      %sign3A_639 = arith.extui %sign3A_638 : i1 to i32
      %sign3A_640 = arith.subi %sign3A_636, %sign3A_639 : i32
      %ne3A_641 = arith.cmpi ne, %sign3A_633, %sign3A_640 : i32
      %rem3A_642 = arith.remsi %min3A_564, %jit3A_625 : i32
      %ne3A_643 = arith.constant 0 : i32
      %ne3A_644 = arith.cmpi ne, %rem3A_642, %ne3A_643 : i32
      %and3A_645 = arith.andi %ne3A_641, %ne3A_644 : i1
      %sub3A_646 = arith.constant 1 : i32
      %sub3A_647 = arith.subi %div3A_626, %sub3A_646 : i32
      %select_n3A_648 = arith.select %and3A_645, %sub3A_647, %div3A_626 : i32
      %mul3A_649 = arith.constant 16 : i32
      %mul3A_650 = arith.muli %select_n3A_648, %mul3A_649 : i32
      %get3A_651 = arith.index_cast %mul3A_650 : i32 to index
      %get3A_652 = tpu.vector_load %arg9[%get3A_651] {strides = array<i32>} : memref<3360xi32, #tpu.memory_space<vmem>>, vector<16xi32>,
      %jit3A_653 = arith.constant 16 : i32
      %eq3A_654 = arith.constant 0 : i32
      %eq3A_655 = arith.cmpi eq, %jit3A_653, %eq3A_654 : i32
      %jit3A_656 = arith.constant 1 : i32
      %select_n3A_657 = arith.select %eq3A_655, %jit3A_656, %jit3A_653 : i32
      %rem3A_658 = arith.remsi %min3A_564, %select_n3A_657 : i32
      %ne3A_659 = arith.constant 0 : i32
      %ne3A_660 = arith.cmpi ne, %rem3A_658, %ne3A_659 : i32
      %lt3A_661 = arith.constant 0 : i32
      %lt3A_662 = arith.cmpi slt, %rem3A_658, %lt3A_661 : i32
      %lt3A_663 = arith.constant 0 : i32
      %lt3A_664 = arith.cmpi slt, %select_n3A_657, %lt3A_663 : i32
      %ne3A_665 = arith.xori %lt3A_662, %lt3A_664 : i1
      %and3A_666 = arith.andi %ne3A_665, %ne3A_660 : i1
      %add3A_667 = arith.addi %rem3A_658, %select_n3A_657 : i32
      %select_n3A_668 = arith.select %and3A_666, %add3A_667, %rem3A_658 : i32
      %eq3A_669 = vector.broadcast %select_n3A_668 : i32 to vector<16xi32>
      %eq3A_670 = arith.cmpi eq, %iota3A_624, %eq3A_669 : vector<16xi32>
      %jit3A_671 = arith.constant 0 : i32
      %broadcast_in_dim3A_672 = vector.broadcast %jit3A_671 : i32 to vector<16xi32>
      %select_n3A_673 = arith.select %eq3A_670, %get3A_652, %broadcast_in_dim3A_672 : vector<16xi1>, vector<16xi32>
      %reduce_max3A_674 = arith.constant true
      %reduce_max3A_675 = vector.broadcast %reduce_max3A_674 : i1 to vector<16xi1>
      %reduce_max3A_676 = arith.constant -2147483648 : i32
      %reduce_max3A_677 = vector.broadcast %reduce_max3A_676 : i32 to vector<16xi32>
      %reduce_max3A_678 = arith.xori %select_n3A_673, %reduce_max3A_677 : vector<16xi32>
      %reduce_max3A_679 = tpu.scan <max>, %reduce_max3A_678 masked %reduce_max3A_675 : vector<16xi32>, vector<16xi1> -> vector<16xi32>
      %reduce_max3A_680 = arith.xori %reduce_max3A_679, %reduce_max3A_677 : vector<16xi32>
      %reduce_max3A_681 = vector.extract %reduce_max3A_680[15] : i32 from vector<16xi32>
      %jit3A_682 = arith.constant 0 : i32
      %select_n3A_683 = arith.select %lt3A_623, %reduce_max3A_681, %jit3A_682 : i32
      %lt3A_684 = arith.cmpi slt, %add3A_486, %scan3A_59#0 : i32
      %add3A_685 = arith.constant 1 : i32
      %add3A_686 = arith.addi %min3A_564, %add3A_685 : i32
      %iota3A_687 = tpu.iota {dimensions = array<i32: 0>} : vector<16xi32>
      %jit3A_688 = arith.constant 16 : i32
      %div3A_689 = arith.divsi %add3A_686, %jit3A_688 : i32
      %sign3A_690 = arith.constant 0 : i32
      %sign3A_691 = arith.cmpi sgt, %add3A_686, %sign3A_690 : i32
      %sign3A_692 = arith.extui %sign3A_691 : i1 to i32
      %sign3A_693 = arith.constant 0 : i32
      %sign3A_694 = arith.cmpi slt, %add3A_686, %sign3A_693 : i32
      %sign3A_695 = arith.extui %sign3A_694 : i1 to i32
      %sign3A_696 = arith.subi %sign3A_692, %sign3A_695 : i32
      %sign3A_697 = arith.constant 0 : i32
      %sign3A_698 = arith.cmpi sgt, %jit3A_688, %sign3A_697 : i32
      %sign3A_699 = arith.extui %sign3A_698 : i1 to i32
      %sign3A_700 = arith.constant 0 : i32
      %sign3A_701 = arith.cmpi slt, %jit3A_688, %sign3A_700 : i32
      %sign3A_702 = arith.extui %sign3A_701 : i1 to i32
      %sign3A_703 = arith.subi %sign3A_699, %sign3A_702 : i32
      %ne3A_704 = arith.cmpi ne, %sign3A_696, %sign3A_703 : i32
      %rem3A_705 = arith.remsi %add3A_686, %jit3A_688 : i32
      %ne3A_706 = arith.constant 0 : i32
      %ne3A_707 = arith.cmpi ne, %rem3A_705, %ne3A_706 : i32
      %and3A_708 = arith.andi %ne3A_704, %ne3A_707 : i1
      %sub3A_709 = arith.constant 1 : i32
      %sub3A_710 = arith.subi %div3A_689, %sub3A_709 : i32
      %select_n3A_711 = arith.select %and3A_708, %sub3A_710, %div3A_689 : i32
      %mul3A_712 = arith.constant 16 : i32
      %mul3A_713 = arith.muli %select_n3A_711, %mul3A_712 : i32
      %get3A_714 = arith.index_cast %mul3A_713 : i32 to index
      %get3A_715 = tpu.vector_load %arg9[%get3A_714] {strides = array<i32>} : memref<3360xi32, #tpu.memory_space<vmem>>, vector<16xi32>,
      %jit3A_716 = arith.constant 16 : i32
      %eq3A_717 = arith.constant 0 : i32
      %eq3A_718 = arith.cmpi eq, %jit3A_716, %eq3A_717 : i32
      %jit3A_719 = arith.constant 1 : i32
      %select_n3A_720 = arith.select %eq3A_718, %jit3A_719, %jit3A_716 : i32
      %rem3A_721 = arith.remsi %add3A_686, %select_n3A_720 : i32
      %ne3A_722 = arith.constant 0 : i32
      %ne3A_723 = arith.cmpi ne, %rem3A_721, %ne3A_722 : i32
      %lt3A_724 = arith.constant 0 : i32
      %lt3A_725 = arith.cmpi slt, %rem3A_721, %lt3A_724 : i32
      %lt3A_726 = arith.constant 0 : i32
      %lt3A_727 = arith.cmpi slt, %select_n3A_720, %lt3A_726 : i32
      %ne3A_728 = arith.xori %lt3A_725, %lt3A_727 : i1
      %and3A_729 = arith.andi %ne3A_728, %ne3A_723 : i1
      %add3A_730 = arith.addi %rem3A_721, %select_n3A_720 : i32
      %select_n3A_731 = arith.select %and3A_729, %add3A_730, %rem3A_721 : i32
      %eq3A_732 = vector.broadcast %select_n3A_731 : i32 to vector<16xi32>
      %eq3A_733 = arith.cmpi eq, %iota3A_687, %eq3A_732 : vector<16xi32>
      %jit3A_734 = arith.constant 0 : i32
      %broadcast_in_dim3A_735 = vector.broadcast %jit3A_734 : i32 to vector<16xi32>
      %select_n3A_736 = arith.select %eq3A_733, %get3A_715, %broadcast_in_dim3A_735 : vector<16xi1>, vector<16xi32>
      %reduce_max3A_737 = arith.constant true
      %reduce_max3A_738 = vector.broadcast %reduce_max3A_737 : i1 to vector<16xi1>
      %reduce_max3A_739 = arith.constant -2147483648 : i32
      %reduce_max3A_740 = vector.broadcast %reduce_max3A_739 : i32 to vector<16xi32>
      %reduce_max3A_741 = arith.xori %select_n3A_736, %reduce_max3A_740 : vector<16xi32>
      %reduce_max3A_742 = tpu.scan <max>, %reduce_max3A_741 masked %reduce_max3A_738 : vector<16xi32>, vector<16xi1> -> vector<16xi32>
      %reduce_max3A_743 = arith.xori %reduce_max3A_742, %reduce_max3A_740 : vector<16xi32>
      %reduce_max3A_744 = vector.extract %reduce_max3A_743[15] : i32 from vector<16xi32>
      %jit3A_745 = arith.constant 0 : i32
      %select_n3A_746 = arith.select %lt3A_684, %reduce_max3A_744, %jit3A_745 : i32
      %mul3A_747 = arith.constant 512 : i32
      %mul3A_748 = arith.muli %reduce_max3A_622, %mul3A_747 : i32
      %jit3A_749 = arith.constant 256 : i32
      %div3A_750 = arith.divsi %select_n3A_683, %jit3A_749 : i32
      %sign3A_751 = arith.constant 0 : i32
      %sign3A_752 = arith.cmpi sgt, %select_n3A_683, %sign3A_751 : i32
      %sign3A_753 = arith.extui %sign3A_752 : i1 to i32
      %sign3A_754 = arith.constant 0 : i32
      %sign3A_755 = arith.cmpi slt, %select_n3A_683, %sign3A_754 : i32
      %sign3A_756 = arith.extui %sign3A_755 : i1 to i32
      %sign3A_757 = arith.subi %sign3A_753, %sign3A_756 : i32
      %sign3A_758 = arith.constant 0 : i32
      %sign3A_759 = arith.cmpi sgt, %jit3A_749, %sign3A_758 : i32
      %sign3A_760 = arith.extui %sign3A_759 : i1 to i32
      %sign3A_761 = arith.constant 0 : i32
      %sign3A_762 = arith.cmpi slt, %jit3A_749, %sign3A_761 : i32
      %sign3A_763 = arith.extui %sign3A_762 : i1 to i32
      %sign3A_764 = arith.subi %sign3A_760, %sign3A_763 : i32
      %ne3A_765 = arith.cmpi ne, %sign3A_757, %sign3A_764 : i32
      %rem3A_766 = arith.remsi %select_n3A_683, %jit3A_749 : i32
      %ne3A_767 = arith.constant 0 : i32
      %ne3A_768 = arith.cmpi ne, %rem3A_766, %ne3A_767 : i32
      %and3A_769 = arith.andi %ne3A_765, %ne3A_768 : i1
      %sub3A_770 = arith.constant 1 : i32
      %sub3A_771 = arith.subi %div3A_750, %sub3A_770 : i32
      %select_n3A_772 = arith.select %and3A_769, %sub3A_771, %div3A_750 : i32
      %add3A_773 = arith.constant 256 : i32
      %add3A_774 = arith.addi %select_n3A_746, %add3A_773 : i32
      %sub3A_775 = arith.constant 1 : i32
      %sub3A_776 = arith.subi %add3A_774, %sub3A_775 : i32
      %jit3A_777 = arith.constant 256 : i32
      %div3A_778 = arith.divsi %sub3A_776, %jit3A_777 : i32
      %sign3A_779 = arith.constant 0 : i32
      %sign3A_780 = arith.cmpi sgt, %sub3A_776, %sign3A_779 : i32
      %sign3A_781 = arith.extui %sign3A_780 : i1 to i32
      %sign3A_782 = arith.constant 0 : i32
      %sign3A_783 = arith.cmpi slt, %sub3A_776, %sign3A_782 : i32
      %sign3A_784 = arith.extui %sign3A_783 : i1 to i32
      %sign3A_785 = arith.subi %sign3A_781, %sign3A_784 : i32
      %sign3A_786 = arith.constant 0 : i32
      %sign3A_787 = arith.cmpi sgt, %jit3A_777, %sign3A_786 : i32
      %sign3A_788 = arith.extui %sign3A_787 : i1 to i32
      %sign3A_789 = arith.constant 0 : i32
      %sign3A_790 = arith.cmpi slt, %jit3A_777, %sign3A_789 : i32
      %sign3A_791 = arith.extui %sign3A_790 : i1 to i32
      %sign3A_792 = arith.subi %sign3A_788, %sign3A_791 : i32
      %ne3A_793 = arith.cmpi ne, %sign3A_785, %sign3A_792 : i32
      %rem3A_794 = arith.remsi %sub3A_776, %jit3A_777 : i32
      %ne3A_795 = arith.constant 0 : i32
      %ne3A_796 = arith.cmpi ne, %rem3A_794, %ne3A_795 : i32
      %and3A_797 = arith.andi %ne3A_793, %ne3A_796 : i1
      %sub3A_798 = arith.constant 1 : i32
      %sub3A_799 = arith.subi %div3A_778, %sub3A_798 : i32
      %select_n3A_800 = arith.select %and3A_797, %sub3A_799, %div3A_778 : i32
      %while3A_801 = arith.constant 0 : i32
      %while3A_802 = arith.subi %select_n3A_800, %select_n3A_772 : i32
      %while3A_803 = arith.addi %select_n3A_772, %while3A_802 : i32
      %while3A_804 = arith.constant 1 : i32
      %while3A_805 = arith.divsi %while3A_802, %while3A_804 : i32
      %while3A_806 = arith.muli %while3A_805, %while3A_804 : i32
      %while3A_807 = arith.addi %select_n3A_772, %while3A_806 : i32
      %while3A_808 = arith.constant 1 : i32
      scf.for %while3A_810 = %select_n3A_772 to %while3A_807 step %while3A_808  : i32 {
        %mul3A_811 = arith.constant 256 : i32
        %mul3A_812 = arith.muli %while3A_810, %mul3A_811 : i32
        %max3A = arith.maxsi %select_n3A_683, %mul3A_812 : i32
        %add3A_813 = arith.constant 1 : i32
        %add3A_814 = arith.addi %while3A_810, %add3A_813 : i32
        %mul3A_815 = arith.constant 256 : i32
        %mul3A_816 = arith.muli %add3A_814, %mul3A_815 : i32
        %min3A_817 = arith.minsi %select_n3A_746, %mul3A_816 : i32
        %parallel_loop3A = arith.constant 1 : i32
        scf.for %parallel_loop3A_824 = %max3A to %min3A_817 step %parallel_loop3A  : i32 {
          %parallel_loop3A_825 = vector.broadcast %parallel_loop3A_824 : i32 to vector<16xi32>
          %parallel_loop3A_826 = tpu.vector_load_idx %arg6[%parallel_loop3A_825] : memref<3328xi32, #tpu.memory_space<vmem>>[vector<16xi32>], vector<16xi32>,
          %parallel_loop3A_827 = vector.broadcast %mul3A_748 : i32 to vector<16xi32>
          %parallel_loop3A_828 = arith.subi %parallel_loop3A_826, %parallel_loop3A_827 : vector<16xi32>
          %parallel_loop3A_829 = arith.constant 256 : i32
          %parallel_loop3A_830 = arith.constant 0 : i32
          %parallel_loop3A_831 = arith.cmpi eq, %parallel_loop3A_829, %parallel_loop3A_830 : i32
          %parallel_loop3A_832 = arith.constant 1 : i32
          %parallel_loop3A_833 = arith.select %parallel_loop3A_831, %parallel_loop3A_832, %parallel_loop3A_829 : i32
          %parallel_loop3A_834 = arith.remsi %parallel_loop3A_824, %parallel_loop3A_833 : i32
          %parallel_loop3A_835 = arith.constant 0 : i32
          %parallel_loop3A_836 = arith.cmpi ne, %parallel_loop3A_834, %parallel_loop3A_835 : i32
          %parallel_loop3A_837 = arith.constant 0 : i32
          %parallel_loop3A_838 = arith.cmpi slt, %parallel_loop3A_834, %parallel_loop3A_837 : i32
          %parallel_loop3A_839 = arith.constant 0 : i32
          %parallel_loop3A_840 = arith.cmpi slt, %parallel_loop3A_833, %parallel_loop3A_839 : i32
          %parallel_loop3A_841 = arith.xori %parallel_loop3A_838, %parallel_loop3A_840 : i1
          %parallel_loop3A_842 = arith.andi %parallel_loop3A_841, %parallel_loop3A_836 : i1
          %parallel_loop3A_843 = arith.addi %parallel_loop3A_834, %parallel_loop3A_833 : i32
          %parallel_loop3A_844 = arith.select %parallel_loop3A_842, %parallel_loop3A_843, %parallel_loop3A_834 : i32
          %parallel_loop3A_845 = vector.broadcast %parallel_loop3A_844 : i32 to vector<16xi32>
          %parallel_loop3A_846 = arith.constant 0 : i32
          %parallel_loop3A_847 = vector.broadcast %parallel_loop3A_846 : i32 to vector<16xi32>
          %parallel_loop3A_848 = arith.addi %iota3A, %parallel_loop3A_847 : vector<16xi32>
          %parallel_loop3A_849 = tpu.vector_load_idx %arg11[%parallel_loop3A_848, %parallel_loop3A_828] : memref<64x512xf32, #tpu.memory_space<vmem>>[vector<16xi32>, vector<16xi32>], vector<16xf32>,
          %parallel_loop3A_850 = arith.constant 0 : i32
          %parallel_loop3A_851 = vector.broadcast %parallel_loop3A_850 : i32 to vector<16xi32>
          %parallel_loop3A_852 = arith.addi %iota3A, %parallel_loop3A_851 : vector<16xi32>
          tpu.vector_store_idx %arg12[%parallel_loop3A_845, %parallel_loop3A_852], %parallel_loop3A_849 : memref<256x128xf32, #tpu.memory_space<vmem>>[vector<16xi32>, vector<16xi32>], vector<16xf32>,
          %parallel_loop3A_853 = arith.constant 16 : i32
          %parallel_loop3A_854 = vector.broadcast %parallel_loop3A_853 : i32 to vector<16xi32>
          %parallel_loop3A_855 = arith.addi %iota3A, %parallel_loop3A_854 : vector<16xi32>
          %parallel_loop3A_856 = tpu.vector_load_idx %arg11[%parallel_loop3A_855, %parallel_loop3A_828] : memref<64x512xf32, #tpu.memory_space<vmem>>[vector<16xi32>, vector<16xi32>], vector<16xf32>,
          %parallel_loop3A_857 = arith.constant 16 : i32
          %parallel_loop3A_858 = vector.broadcast %parallel_loop3A_857 : i32 to vector<16xi32>
          %parallel_loop3A_859 = arith.addi %iota3A, %parallel_loop3A_858 : vector<16xi32>
          tpu.vector_store_idx %arg12[%parallel_loop3A_845, %parallel_loop3A_859], %parallel_loop3A_856 : memref<256x128xf32, #tpu.memory_space<vmem>>[vector<16xi32>, vector<16xi32>], vector<16xf32>,
          %parallel_loop3A_860 = arith.constant 32 : i32
          %parallel_loop3A_861 = vector.broadcast %parallel_loop3A_860 : i32 to vector<16xi32>
          %parallel_loop3A_862 = arith.addi %iota3A, %parallel_loop3A_861 : vector<16xi32>
          %parallel_loop3A_863 = tpu.vector_load_idx %arg11[%parallel_loop3A_862, %parallel_loop3A_828] : memref<64x512xf32, #tpu.memory_space<vmem>>[vector<16xi32>, vector<16xi32>], vector<16xf32>,
          %parallel_loop3A_864 = arith.constant 32 : i32
          %parallel_loop3A_865 = vector.broadcast %parallel_loop3A_864 : i32 to vector<16xi32>
          %parallel_loop3A_866 = arith.addi %iota3A, %parallel_loop3A_865 : vector<16xi32>
          tpu.vector_store_idx %arg12[%parallel_loop3A_845, %parallel_loop3A_866], %parallel_loop3A_863 : memref<256x128xf32, #tpu.memory_space<vmem>>[vector<16xi32>, vector<16xi32>], vector<16xf32>,
          %parallel_loop3A_867 = arith.constant 48 : i32
          %parallel_loop3A_868 = vector.broadcast %parallel_loop3A_867 : i32 to vector<16xi32>
          %parallel_loop3A_869 = arith.addi %iota3A, %parallel_loop3A_868 : vector<16xi32>
          %parallel_loop3A_870 = tpu.vector_load_idx %arg11[%parallel_loop3A_869, %parallel_loop3A_828] : memref<64x512xf32, #tpu.memory_space<vmem>>[vector<16xi32>, vector<16xi32>], vector<16xf32>,
          %parallel_loop3A_871 = arith.constant 48 : i32
          %parallel_loop3A_872 = vector.broadcast %parallel_loop3A_871 : i32 to vector<16xi32>
          %parallel_loop3A_873 = arith.addi %iota3A, %parallel_loop3A_872 : vector<16xi32>
          tpu.vector_store_idx %arg12[%parallel_loop3A_845, %parallel_loop3A_873], %parallel_loop3A_870 : memref<256x128xf32, #tpu.memory_space<vmem>>[vector<16xi32>, vector<16xi32>], vector<16xf32>,
        } {sc.loop_unroll_factor = 8 : i64, sc.parallel_access}
        %add3A_818 = arith.constant 1 : i32
        %add3A_819 = arith.addi %while3A_810, %add3A_818 : i32
        %mul3A_820 = arith.constant 256 : i32
        %mul3A_821 = arith.muli %add3A_819, %mul3A_820 : i32
        %eq3A_822 = arith.cmpi eq, %min3A_817, %mul3A_821 : i32
        %convert_element_type3A = arith.extui %eq3A_822 : i1 to i32
        %cond3A = arith.constant 0 : i32
        %cond3A_823 = arith.cmpi ne, %convert_element_type3A, %cond3A : i32
        scf.if %cond3A_823 {
          %dma_start3A_824 = arith.constant 0 : i32
          %dma_start3A_825 = arith.constant 0 : i32
          %dma_start3A_826 = tpu.memref_slice %arg7[%while3A_810, %dma_start3A_824, %dma_start3A_825] : memref<13x1x256xi32, #tpu.memory_space<vmem>> -> memref<1x1x256xi32, #tpu.memory_space<vmem>>
          %dma_start3A_827 = tpu.memref_squeeze %dma_start3A_826 : memref<1x1x256xi32, #tpu.memory_space<vmem>> -> memref<256xi32, #tpu.memory_space<vmem>>
          %dma_start3A_828 = arith.constant 0 : i32
          %dma_start3A_829 = arith.constant 0 : i32
          %dma_start3A_830 = tpu.memref_slice %arg5[%dma_start3A_828, %dma_start3A_829] : memref<106496x128xf32, #tpu.memory_space<hbm>> -> memref<106496x128xf32, #tpu.memory_space<hbm>>
          tpu.enqueue_indirect_dma source(%arg12 : memref<256x128xf32, #tpu.memory_space<vmem>>) target(%dma_start3A_830 : memref<106496x128xf32, #tpu.memory_space<hbm>>) offsets(%dma_start3A_827 : memref<256xi32, #tpu.memory_space<vmem>>) semaphore(%arg15 : memref<!tpu.dma_semaphore, #tpu.memory_space<semaphore_mem>>)
          %dma_wait3A_831 = arith.constant 0 : i32
          %dma_wait3A_832 = arith.constant 0 : i32
          %dma_wait3A_833 = tpu.memref_slice %arg7[%while3A_810, %dma_wait3A_831, %dma_wait3A_832] : memref<13x1x256xi32, #tpu.memory_space<vmem>> -> memref<1x1x256xi32, #tpu.memory_space<vmem>>
          %dma_wait3A_834 = tpu.memref_squeeze %dma_wait3A_833 : memref<1x1x256xi32, #tpu.memory_space<vmem>> -> memref<256xi32, #tpu.memory_space<vmem>>
          %dma_wait3A_835 = arith.constant 0 : i32
          %dma_wait3A_836 = arith.constant 0 : i32
          %dma_wait3A_837 = tpu.memref_slice %arg5[%dma_wait3A_835, %dma_wait3A_836] : memref<106496x128xf32, #tpu.memory_space<hbm>> -> memref<106496x128xf32, #tpu.memory_space<hbm>>
          tpu.wait_indirect_dma semaphore(%arg15 : memref<!tpu.dma_semaphore, #tpu.memory_space<semaphore_mem>>) src(%arg12 : memref<256x128xf32, #tpu.memory_space<vmem>>) dst(%dma_wait3A_837 : memref<106496x128xf32, #tpu.memory_space<hbm>>)
        } else {
        }
      }
      %while3A_809 = arith.constant 1 : i32
      scf.for %while3A_810 = %while3A_807 to %while3A_803 step %while3A_809  : i32 {
        %mul3A_811 = arith.constant 256 : i32
        %mul3A_812 = arith.muli %while3A_810, %mul3A_811 : i32
        %max3A = arith.maxsi %select_n3A_683, %mul3A_812 : i32
        %add3A_813 = arith.constant 1 : i32
        %add3A_814 = arith.addi %while3A_810, %add3A_813 : i32
        %mul3A_815 = arith.constant 256 : i32
        %mul3A_816 = arith.muli %add3A_814, %mul3A_815 : i32
        %min3A_817 = arith.minsi %select_n3A_746, %mul3A_816 : i32
        %parallel_loop3A = arith.constant 1 : i32
        scf.for %parallel_loop3A_824 = %max3A to %min3A_817 step %parallel_loop3A  : i32 {
          %parallel_loop3A_825 = vector.broadcast %parallel_loop3A_824 : i32 to vector<16xi32>
          %parallel_loop3A_826 = tpu.vector_load_idx %arg6[%parallel_loop3A_825] : memref<3328xi32, #tpu.memory_space<vmem>>[vector<16xi32>], vector<16xi32>,
          %parallel_loop3A_827 = vector.broadcast %mul3A_748 : i32 to vector<16xi32>
          %parallel_loop3A_828 = arith.subi %parallel_loop3A_826, %parallel_loop3A_827 : vector<16xi32>
          %parallel_loop3A_829 = arith.constant 256 : i32
          %parallel_loop3A_830 = arith.constant 0 : i32
          %parallel_loop3A_831 = arith.cmpi eq, %parallel_loop3A_829, %parallel_loop3A_830 : i32
          %parallel_loop3A_832 = arith.constant 1 : i32
          %parallel_loop3A_833 = arith.select %parallel_loop3A_831, %parallel_loop3A_832, %parallel_loop3A_829 : i32
          %parallel_loop3A_834 = arith.remsi %parallel_loop3A_824, %parallel_loop3A_833 : i32
          %parallel_loop3A_835 = arith.constant 0 : i32
          %parallel_loop3A_836 = arith.cmpi ne, %parallel_loop3A_834, %parallel_loop3A_835 : i32
          %parallel_loop3A_837 = arith.constant 0 : i32
          %parallel_loop3A_838 = arith.cmpi slt, %parallel_loop3A_834, %parallel_loop3A_837 : i32
          %parallel_loop3A_839 = arith.constant 0 : i32
          %parallel_loop3A_840 = arith.cmpi slt, %parallel_loop3A_833, %parallel_loop3A_839 : i32
          %parallel_loop3A_841 = arith.xori %parallel_loop3A_838, %parallel_loop3A_840 : i1
          %parallel_loop3A_842 = arith.andi %parallel_loop3A_841, %parallel_loop3A_836 : i1
          %parallel_loop3A_843 = arith.addi %parallel_loop3A_834, %parallel_loop3A_833 : i32
          %parallel_loop3A_844 = arith.select %parallel_loop3A_842, %parallel_loop3A_843, %parallel_loop3A_834 : i32
          %parallel_loop3A_845 = vector.broadcast %parallel_loop3A_844 : i32 to vector<16xi32>
          %parallel_loop3A_846 = arith.constant 0 : i32
          %parallel_loop3A_847 = vector.broadcast %parallel_loop3A_846 : i32 to vector<16xi32>
          %parallel_loop3A_848 = arith.addi %iota3A, %parallel_loop3A_847 : vector<16xi32>
          %parallel_loop3A_849 = tpu.vector_load_idx %arg11[%parallel_loop3A_848, %parallel_loop3A_828] : memref<64x512xf32, #tpu.memory_space<vmem>>[vector<16xi32>, vector<16xi32>], vector<16xf32>,
          %parallel_loop3A_850 = arith.constant 0 : i32
          %parallel_loop3A_851 = vector.broadcast %parallel_loop3A_850 : i32 to vector<16xi32>
          %parallel_loop3A_852 = arith.addi %iota3A, %parallel_loop3A_851 : vector<16xi32>
          tpu.vector_store_idx %arg12[%parallel_loop3A_845, %parallel_loop3A_852], %parallel_loop3A_849 : memref<256x128xf32, #tpu.memory_space<vmem>>[vector<16xi32>, vector<16xi32>], vector<16xf32>,
          %parallel_loop3A_853 = arith.constant 16 : i32
          %parallel_loop3A_854 = vector.broadcast %parallel_loop3A_853 : i32 to vector<16xi32>
          %parallel_loop3A_855 = arith.addi %iota3A, %parallel_loop3A_854 : vector<16xi32>
          %parallel_loop3A_856 = tpu.vector_load_idx %arg11[%parallel_loop3A_855, %parallel_loop3A_828] : memref<64x512xf32, #tpu.memory_space<vmem>>[vector<16xi32>, vector<16xi32>], vector<16xf32>,
          %parallel_loop3A_857 = arith.constant 16 : i32
          %parallel_loop3A_858 = vector.broadcast %parallel_loop3A_857 : i32 to vector<16xi32>
          %parallel_loop3A_859 = arith.addi %iota3A, %parallel_loop3A_858 : vector<16xi32>
          tpu.vector_store_idx %arg12[%parallel_loop3A_845, %parallel_loop3A_859], %parallel_loop3A_856 : memref<256x128xf32, #tpu.memory_space<vmem>>[vector<16xi32>, vector<16xi32>], vector<16xf32>,
          %parallel_loop3A_860 = arith.constant 32 : i32
          %parallel_loop3A_861 = vector.broadcast %parallel_loop3A_860 : i32 to vector<16xi32>
          %parallel_loop3A_862 = arith.addi %iota3A, %parallel_loop3A_861 : vector<16xi32>
          %parallel_loop3A_863 = tpu.vector_load_idx %arg11[%parallel_loop3A_862, %parallel_loop3A_828] : memref<64x512xf32, #tpu.memory_space<vmem>>[vector<16xi32>, vector<16xi32>], vector<16xf32>,
          %parallel_loop3A_864 = arith.constant 32 : i32
          %parallel_loop3A_865 = vector.broadcast %parallel_loop3A_864 : i32 to vector<16xi32>
          %parallel_loop3A_866 = arith.addi %iota3A, %parallel_loop3A_865 : vector<16xi32>
          tpu.vector_store_idx %arg12[%parallel_loop3A_845, %parallel_loop3A_866], %parallel_loop3A_863 : memref<256x128xf32, #tpu.memory_space<vmem>>[vector<16xi32>, vector<16xi32>], vector<16xf32>,
          %parallel_loop3A_867 = arith.constant 48 : i32
          %parallel_loop3A_868 = vector.broadcast %parallel_loop3A_867 : i32 to vector<16xi32>
          %parallel_loop3A_869 = arith.addi %iota3A, %parallel_loop3A_868 : vector<16xi32>
          %parallel_loop3A_870 = tpu.vector_load_idx %arg11[%parallel_loop3A_869, %parallel_loop3A_828] : memref<64x512xf32, #tpu.memory_space<vmem>>[vector<16xi32>, vector<16xi32>], vector<16xf32>,
          %parallel_loop3A_871 = arith.constant 48 : i32
          %parallel_loop3A_872 = vector.broadcast %parallel_loop3A_871 : i32 to vector<16xi32>
          %parallel_loop3A_873 = arith.addi %iota3A, %parallel_loop3A_872 : vector<16xi32>
          tpu.vector_store_idx %arg12[%parallel_loop3A_845, %parallel_loop3A_873], %parallel_loop3A_870 : memref<256x128xf32, #tpu.memory_space<vmem>>[vector<16xi32>, vector<16xi32>], vector<16xf32>,
        } {sc.loop_unroll_factor = 8 : i64, sc.parallel_access}
        %add3A_818 = arith.constant 1 : i32
        %add3A_819 = arith.addi %while3A_810, %add3A_818 : i32
        %mul3A_820 = arith.constant 256 : i32
        %mul3A_821 = arith.muli %add3A_819, %mul3A_820 : i32
        %eq3A_822 = arith.cmpi eq, %min3A_817, %mul3A_821 : i32
        %convert_element_type3A = arith.extui %eq3A_822 : i1 to i32
        %cond3A = arith.constant 0 : i32
        %cond3A_823 = arith.cmpi ne, %convert_element_type3A, %cond3A : i32
        scf.if %cond3A_823 {
          %dma_start3A_824 = arith.constant 0 : i32
          %dma_start3A_825 = arith.constant 0 : i32
          %dma_start3A_826 = tpu.memref_slice %arg7[%while3A_810, %dma_start3A_824, %dma_start3A_825] : memref<13x1x256xi32, #tpu.memory_space<vmem>> -> memref<1x1x256xi32, #tpu.memory_space<vmem>>
          %dma_start3A_827 = tpu.memref_squeeze %dma_start3A_826 : memref<1x1x256xi32, #tpu.memory_space<vmem>> -> memref<256xi32, #tpu.memory_space<vmem>>
          %dma_start3A_828 = arith.constant 0 : i32
          %dma_start3A_829 = arith.constant 0 : i32
          %dma_start3A_830 = tpu.memref_slice %arg5[%dma_start3A_828, %dma_start3A_829] : memref<106496x128xf32, #tpu.memory_space<hbm>> -> memref<106496x128xf32, #tpu.memory_space<hbm>>
          tpu.enqueue_indirect_dma source(%arg12 : memref<256x128xf32, #tpu.memory_space<vmem>>) target(%dma_start3A_830 : memref<106496x128xf32, #tpu.memory_space<hbm>>) offsets(%dma_start3A_827 : memref<256xi32, #tpu.memory_space<vmem>>) semaphore(%arg15 : memref<!tpu.dma_semaphore, #tpu.memory_space<semaphore_mem>>)
          %dma_wait3A_831 = arith.constant 0 : i32
          %dma_wait3A_832 = arith.constant 0 : i32
          %dma_wait3A_833 = tpu.memref_slice %arg7[%while3A_810, %dma_wait3A_831, %dma_wait3A_832] : memref<13x1x256xi32, #tpu.memory_space<vmem>> -> memref<1x1x256xi32, #tpu.memory_space<vmem>>
          %dma_wait3A_834 = tpu.memref_squeeze %dma_wait3A_833 : memref<1x1x256xi32, #tpu.memory_space<vmem>> -> memref<256xi32, #tpu.memory_space<vmem>>
          %dma_wait3A_835 = arith.constant 0 : i32
          %dma_wait3A_836 = arith.constant 0 : i32
          %dma_wait3A_837 = tpu.memref_slice %arg5[%dma_wait3A_835, %dma_wait3A_836] : memref<106496x128xf32, #tpu.memory_space<hbm>> -> memref<106496x128xf32, #tpu.memory_space<hbm>>
          tpu.wait_indirect_dma semaphore(%arg15 : memref<!tpu.dma_semaphore, #tpu.memory_space<semaphore_mem>>) src(%arg12 : memref<256x128xf32, #tpu.memory_space<vmem>>) dst(%dma_wait3A_837 : memref<106496x128xf32, #tpu.memory_space<hbm>>)
        } else {
        }
      }
    }
    %while3A_151 = arith.constant 1 : i32
    scf.for %while3A_157 = %while3A_149 to %while3A_145 step %while3A_151  : i32 {
      %mul3A_158 = arith.constant 2 : i32
      %mul3A_159 = arith.muli %mul3A_158, %while3A_157 : i32
      %dma_wait3A_160 = arith.constant 0 : i32
      %dma_wait3A_161 = arith.constant 0 : i32
      %dma_wait3A_162 = tpu.memref_slice %arg2[%dma_wait3A_160, %dma_wait3A_161] : memref<64x1000000xf32, #tpu.memory_space<hbm>> -> memref<64x512xf32, #tpu.memory_space<hbm>>
      %dma_wait3A_163 = arith.constant 0 : i32
      %dma_wait3A_164 = arith.constant 0 : i32
      %dma_wait3A_165 = tpu.memref_slice %arg2[%dma_wait3A_163, %dma_wait3A_164] : memref<64x1000000xf32, #tpu.memory_space<hbm>> -> memref<64x512xf32, #tpu.memory_space<hbm>>
      tpu.wait_dma2 semaphore(%arg13 : memref<!tpu.dma_semaphore, #tpu.memory_space<semaphore_mem>>) src(%dma_wait3A_165 : memref<64x512xf32, #tpu.memory_space<hbm>>) dst(%arg10 : memref<64x512xf32, #tpu.memory_space<vmem>>)
      %add3A_166 = arith.constant 1 : i32
      %add3A_167 = arith.addi %mul3A_159, %add3A_166 : i32
      %sub3A_168 = arith.constant 1 : i32
      %sub3A_169 = arith.subi %scan3A_59#0, %sub3A_168 : i32
      %min3A_170 = arith.minsi %add3A_167, %sub3A_169 : i32
      %iota3A_171 = tpu.iota {dimensions = array<i32: 0>} : vector<16xi32>
      %jit3A_172 = arith.constant 16 : i32
      %div3A_173 = arith.divsi %min3A_170, %jit3A_172 : i32
      %sign3A_174 = arith.constant 0 : i32
      %sign3A_175 = arith.cmpi sgt, %min3A_170, %sign3A_174 : i32
      %sign3A_176 = arith.extui %sign3A_175 : i1 to i32
      %sign3A_177 = arith.constant 0 : i32
      %sign3A_178 = arith.cmpi slt, %min3A_170, %sign3A_177 : i32
      %sign3A_179 = arith.extui %sign3A_178 : i1 to i32
      %sign3A_180 = arith.subi %sign3A_176, %sign3A_179 : i32
      %sign3A_181 = arith.constant 0 : i32
      %sign3A_182 = arith.cmpi sgt, %jit3A_172, %sign3A_181 : i32
      %sign3A_183 = arith.extui %sign3A_182 : i1 to i32
      %sign3A_184 = arith.constant 0 : i32
      %sign3A_185 = arith.cmpi slt, %jit3A_172, %sign3A_184 : i32
      %sign3A_186 = arith.extui %sign3A_185 : i1 to i32
      %sign3A_187 = arith.subi %sign3A_183, %sign3A_186 : i32
      %ne3A_188 = arith.cmpi ne, %sign3A_180, %sign3A_187 : i32
      %rem3A_189 = arith.remsi %min3A_170, %jit3A_172 : i32
      %ne3A_190 = arith.constant 0 : i32
      %ne3A_191 = arith.cmpi ne, %rem3A_189, %ne3A_190 : i32
      %and3A_192 = arith.andi %ne3A_188, %ne3A_191 : i1
      %sub3A_193 = arith.constant 1 : i32
      %sub3A_194 = arith.subi %div3A_173, %sub3A_193 : i32
      %select_n3A_195 = arith.select %and3A_192, %sub3A_194, %div3A_173 : i32
      %mul3A_196 = arith.constant 16 : i32
      %mul3A_197 = arith.muli %select_n3A_195, %mul3A_196 : i32
      %get3A_198 = arith.index_cast %mul3A_197 : i32 to index
      %get3A_199 = tpu.vector_load %arg8[%get3A_198] {strides = array<i32>} : memref<3360xi32, #tpu.memory_space<vmem>>, vector<16xi32>,
      %jit3A_200 = arith.constant 16 : i32
      %eq3A_201 = arith.constant 0 : i32
      %eq3A_202 = arith.cmpi eq, %jit3A_200, %eq3A_201 : i32
      %jit3A_203 = arith.constant 1 : i32
      %select_n3A_204 = arith.select %eq3A_202, %jit3A_203, %jit3A_200 : i32
      %rem3A_205 = arith.remsi %min3A_170, %select_n3A_204 : i32
      %ne3A_206 = arith.constant 0 : i32
      %ne3A_207 = arith.cmpi ne, %rem3A_205, %ne3A_206 : i32
      %lt3A_208 = arith.constant 0 : i32
      %lt3A_209 = arith.cmpi slt, %rem3A_205, %lt3A_208 : i32
      %lt3A_210 = arith.constant 0 : i32
      %lt3A_211 = arith.cmpi slt, %select_n3A_204, %lt3A_210 : i32
      %ne3A_212 = arith.xori %lt3A_209, %lt3A_211 : i1
      %and3A_213 = arith.andi %ne3A_212, %ne3A_207 : i1
      %add3A_214 = arith.addi %rem3A_205, %select_n3A_204 : i32
      %select_n3A_215 = arith.select %and3A_213, %add3A_214, %rem3A_205 : i32
      %eq3A_216 = vector.broadcast %select_n3A_215 : i32 to vector<16xi32>
      %eq3A_217 = arith.cmpi eq, %iota3A_171, %eq3A_216 : vector<16xi32>
      %jit3A_218 = arith.constant 0 : i32
      %broadcast_in_dim3A_219 = vector.broadcast %jit3A_218 : i32 to vector<16xi32>
      %select_n3A_220 = arith.select %eq3A_217, %get3A_199, %broadcast_in_dim3A_219 : vector<16xi1>, vector<16xi32>
      %reduce_max3A_221 = arith.constant true
      %reduce_max3A_222 = vector.broadcast %reduce_max3A_221 : i1 to vector<16xi1>
      %reduce_max3A_223 = arith.constant -2147483648 : i32
      %reduce_max3A_224 = vector.broadcast %reduce_max3A_223 : i32 to vector<16xi32>
      %reduce_max3A_225 = arith.xori %select_n3A_220, %reduce_max3A_224 : vector<16xi32>
      %reduce_max3A_226 = tpu.scan <max>, %reduce_max3A_225 masked %reduce_max3A_222 : vector<16xi32>, vector<16xi1> -> vector<16xi32>
      %reduce_max3A_227 = arith.xori %reduce_max3A_226, %reduce_max3A_224 : vector<16xi32>
      %reduce_max3A_228 = vector.extract %reduce_max3A_227[15] : i32 from vector<16xi32>
      %mul3A_229 = arith.constant 512 : i32
      %mul3A_230 = arith.muli %reduce_max3A_228, %mul3A_229 : i32
      %dma_start3A_231 = arith.constant 0 : i32
      %dma_start3A_232 = tpu.memref_slice %arg2[%dma_start3A_231, %mul3A_230] : memref<64x1000000xf32, #tpu.memory_space<hbm>> -> memref<64x512xf32, #tpu.memory_space<hbm>>
      %dma_start3A_233 = arith.constant 0 : i32
      %dma_start3A_234 = tpu.memref_slice %arg2[%dma_start3A_233, %mul3A_230] : memref<64x1000000xf32, #tpu.memory_space<hbm>> -> memref<64x512xf32, #tpu.memory_space<hbm>>
      tpu.enqueue_dma source(%dma_start3A_234 : memref<64x512xf32, #tpu.memory_space<hbm>>) target(%arg11 : memref<64x512xf32, #tpu.memory_space<vmem>>) target_semaphore(%arg14 : memref<!tpu.dma_semaphore, #tpu.memory_space<semaphore_mem>>)
      %sub3A_235 = arith.constant 1 : i32
      %sub3A_236 = arith.subi %scan3A_59#0, %sub3A_235 : i32
      %min3A_237 = arith.minsi %mul3A_159, %sub3A_236 : i32
      %iota3A_238 = tpu.iota {dimensions = array<i32: 0>} : vector<16xi32>
      %jit3A_239 = arith.constant 16 : i32
      %div3A_240 = arith.divsi %min3A_237, %jit3A_239 : i32
      %sign3A_241 = arith.constant 0 : i32
      %sign3A_242 = arith.cmpi sgt, %min3A_237, %sign3A_241 : i32
      %sign3A_243 = arith.extui %sign3A_242 : i1 to i32
      %sign3A_244 = arith.constant 0 : i32
      %sign3A_245 = arith.cmpi slt, %min3A_237, %sign3A_244 : i32
      %sign3A_246 = arith.extui %sign3A_245 : i1 to i32
      %sign3A_247 = arith.subi %sign3A_243, %sign3A_246 : i32
      %sign3A_248 = arith.constant 0 : i32
      %sign3A_249 = arith.cmpi sgt, %jit3A_239, %sign3A_248 : i32
      %sign3A_250 = arith.extui %sign3A_249 : i1 to i32
      %sign3A_251 = arith.constant 0 : i32
      %sign3A_252 = arith.cmpi slt, %jit3A_239, %sign3A_251 : i32
      %sign3A_253 = arith.extui %sign3A_252 : i1 to i32
      %sign3A_254 = arith.subi %sign3A_250, %sign3A_253 : i32
      %ne3A_255 = arith.cmpi ne, %sign3A_247, %sign3A_254 : i32
      %rem3A_256 = arith.remsi %min3A_237, %jit3A_239 : i32
      %ne3A_257 = arith.constant 0 : i32
      %ne3A_258 = arith.cmpi ne, %rem3A_256, %ne3A_257 : i32
      %and3A_259 = arith.andi %ne3A_255, %ne3A_258 : i1
      %sub3A_260 = arith.constant 1 : i32
      %sub3A_261 = arith.subi %div3A_240, %sub3A_260 : i32
      %select_n3A_262 = arith.select %and3A_259, %sub3A_261, %div3A_240 : i32
      %mul3A_263 = arith.constant 16 : i32
      %mul3A_264 = arith.muli %select_n3A_262, %mul3A_263 : i32
      %get3A_265 = arith.index_cast %mul3A_264 : i32 to index
      %get3A_266 = tpu.vector_load %arg8[%get3A_265] {strides = array<i32>} : memref<3360xi32, #tpu.memory_space<vmem>>, vector<16xi32>,
      %jit3A_267 = arith.constant 16 : i32
      %eq3A_268 = arith.constant 0 : i32
      %eq3A_269 = arith.cmpi eq, %jit3A_267, %eq3A_268 : i32
      %jit3A_270 = arith.constant 1 : i32
      %select_n3A_271 = arith.select %eq3A_269, %jit3A_270, %jit3A_267 : i32
      %rem3A_272 = arith.remsi %min3A_237, %select_n3A_271 : i32
      %ne3A_273 = arith.constant 0 : i32
      %ne3A_274 = arith.cmpi ne, %rem3A_272, %ne3A_273 : i32
      %lt3A_275 = arith.constant 0 : i32
      %lt3A_276 = arith.cmpi slt, %rem3A_272, %lt3A_275 : i32
      %lt3A_277 = arith.constant 0 : i32
      %lt3A_278 = arith.cmpi slt, %select_n3A_271, %lt3A_277 : i32
      %ne3A_279 = arith.xori %lt3A_276, %lt3A_278 : i1
      %and3A_280 = arith.andi %ne3A_279, %ne3A_274 : i1
      %add3A_281 = arith.addi %rem3A_272, %select_n3A_271 : i32
      %select_n3A_282 = arith.select %and3A_280, %add3A_281, %rem3A_272 : i32
      %eq3A_283 = vector.broadcast %select_n3A_282 : i32 to vector<16xi32>
      %eq3A_284 = arith.cmpi eq, %iota3A_238, %eq3A_283 : vector<16xi32>
      %jit3A_285 = arith.constant 0 : i32
      %broadcast_in_dim3A_286 = vector.broadcast %jit3A_285 : i32 to vector<16xi32>
      %select_n3A_287 = arith.select %eq3A_284, %get3A_266, %broadcast_in_dim3A_286 : vector<16xi1>, vector<16xi32>
      %reduce_max3A_288 = arith.constant true
      %reduce_max3A_289 = vector.broadcast %reduce_max3A_288 : i1 to vector<16xi1>
      %reduce_max3A_290 = arith.constant -2147483648 : i32
      %reduce_max3A_291 = vector.broadcast %reduce_max3A_290 : i32 to vector<16xi32>
      %reduce_max3A_292 = arith.xori %select_n3A_287, %reduce_max3A_291 : vector<16xi32>
      %reduce_max3A_293 = tpu.scan <max>, %reduce_max3A_292 masked %reduce_max3A_289 : vector<16xi32>, vector<16xi1> -> vector<16xi32>
      %reduce_max3A_294 = arith.xori %reduce_max3A_293, %reduce_max3A_291 : vector<16xi32>
      %reduce_max3A_295 = vector.extract %reduce_max3A_294[15] : i32 from vector<16xi32>
      %lt3A_296 = arith.cmpi slt, %mul3A_159, %scan3A_59#0 : i32
      %iota3A_297 = tpu.iota {dimensions = array<i32: 0>} : vector<16xi32>
      %jit3A_298 = arith.constant 16 : i32
      %div3A_299 = arith.divsi %min3A_237, %jit3A_298 : i32
      %sign3A_300 = arith.constant 0 : i32
      %sign3A_301 = arith.cmpi sgt, %min3A_237, %sign3A_300 : i32
      %sign3A_302 = arith.extui %sign3A_301 : i1 to i32
      %sign3A_303 = arith.constant 0 : i32
      %sign3A_304 = arith.cmpi slt, %min3A_237, %sign3A_303 : i32
      %sign3A_305 = arith.extui %sign3A_304 : i1 to i32
      %sign3A_306 = arith.subi %sign3A_302, %sign3A_305 : i32
      %sign3A_307 = arith.constant 0 : i32
      %sign3A_308 = arith.cmpi sgt, %jit3A_298, %sign3A_307 : i32
      %sign3A_309 = arith.extui %sign3A_308 : i1 to i32
      %sign3A_310 = arith.constant 0 : i32
      %sign3A_311 = arith.cmpi slt, %jit3A_298, %sign3A_310 : i32
      %sign3A_312 = arith.extui %sign3A_311 : i1 to i32
      %sign3A_313 = arith.subi %sign3A_309, %sign3A_312 : i32
      %ne3A_314 = arith.cmpi ne, %sign3A_306, %sign3A_313 : i32
      %rem3A_315 = arith.remsi %min3A_237, %jit3A_298 : i32
      %ne3A_316 = arith.constant 0 : i32
      %ne3A_317 = arith.cmpi ne, %rem3A_315, %ne3A_316 : i32
      %and3A_318 = arith.andi %ne3A_314, %ne3A_317 : i1
      %sub3A_319 = arith.constant 1 : i32
      %sub3A_320 = arith.subi %div3A_299, %sub3A_319 : i32
      %select_n3A_321 = arith.select %and3A_318, %sub3A_320, %div3A_299 : i32
      %mul3A_322 = arith.constant 16 : i32
      %mul3A_323 = arith.muli %select_n3A_321, %mul3A_322 : i32
      %get3A_324 = arith.index_cast %mul3A_323 : i32 to index
      %get3A_325 = tpu.vector_load %arg9[%get3A_324] {strides = array<i32>} : memref<3360xi32, #tpu.memory_space<vmem>>, vector<16xi32>,
      %jit3A_326 = arith.constant 16 : i32
      %eq3A_327 = arith.constant 0 : i32
      %eq3A_328 = arith.cmpi eq, %jit3A_326, %eq3A_327 : i32
      %jit3A_329 = arith.constant 1 : i32
      %select_n3A_330 = arith.select %eq3A_328, %jit3A_329, %jit3A_326 : i32
      %rem3A_331 = arith.remsi %min3A_237, %select_n3A_330 : i32
      %ne3A_332 = arith.constant 0 : i32
      %ne3A_333 = arith.cmpi ne, %rem3A_331, %ne3A_332 : i32
      %lt3A_334 = arith.constant 0 : i32
      %lt3A_335 = arith.cmpi slt, %rem3A_331, %lt3A_334 : i32
      %lt3A_336 = arith.constant 0 : i32
      %lt3A_337 = arith.cmpi slt, %select_n3A_330, %lt3A_336 : i32
      %ne3A_338 = arith.xori %lt3A_335, %lt3A_337 : i1
      %and3A_339 = arith.andi %ne3A_338, %ne3A_333 : i1
      %add3A_340 = arith.addi %rem3A_331, %select_n3A_330 : i32
      %select_n3A_341 = arith.select %and3A_339, %add3A_340, %rem3A_331 : i32
      %eq3A_342 = vector.broadcast %select_n3A_341 : i32 to vector<16xi32>
      %eq3A_343 = arith.cmpi eq, %iota3A_297, %eq3A_342 : vector<16xi32>
      %jit3A_344 = arith.constant 0 : i32
      %broadcast_in_dim3A_345 = vector.broadcast %jit3A_344 : i32 to vector<16xi32>
      %select_n3A_346 = arith.select %eq3A_343, %get3A_325, %broadcast_in_dim3A_345 : vector<16xi1>, vector<16xi32>
      %reduce_max3A_347 = arith.constant true
      %reduce_max3A_348 = vector.broadcast %reduce_max3A_347 : i1 to vector<16xi1>
      %reduce_max3A_349 = arith.constant -2147483648 : i32
      %reduce_max3A_350 = vector.broadcast %reduce_max3A_349 : i32 to vector<16xi32>
      %reduce_max3A_351 = arith.xori %select_n3A_346, %reduce_max3A_350 : vector<16xi32>
      %reduce_max3A_352 = tpu.scan <max>, %reduce_max3A_351 masked %reduce_max3A_348 : vector<16xi32>, vector<16xi1> -> vector<16xi32>
      %reduce_max3A_353 = arith.xori %reduce_max3A_352, %reduce_max3A_350 : vector<16xi32>
      %reduce_max3A_354 = vector.extract %reduce_max3A_353[15] : i32 from vector<16xi32>
      %jit3A_355 = arith.constant 0 : i32
      %select_n3A_356 = arith.select %lt3A_296, %reduce_max3A_354, %jit3A_355 : i32
      %lt3A_357 = arith.cmpi slt, %mul3A_159, %scan3A_59#0 : i32
      %add3A_358 = arith.constant 1 : i32
      %add3A_359 = arith.addi %min3A_237, %add3A_358 : i32
      %iota3A_360 = tpu.iota {dimensions = array<i32: 0>} : vector<16xi32>
      %jit3A_361 = arith.constant 16 : i32
      %div3A_362 = arith.divsi %add3A_359, %jit3A_361 : i32
      %sign3A_363 = arith.constant 0 : i32
      %sign3A_364 = arith.cmpi sgt, %add3A_359, %sign3A_363 : i32
      %sign3A_365 = arith.extui %sign3A_364 : i1 to i32
      %sign3A_366 = arith.constant 0 : i32
      %sign3A_367 = arith.cmpi slt, %add3A_359, %sign3A_366 : i32
      %sign3A_368 = arith.extui %sign3A_367 : i1 to i32
      %sign3A_369 = arith.subi %sign3A_365, %sign3A_368 : i32
      %sign3A_370 = arith.constant 0 : i32
      %sign3A_371 = arith.cmpi sgt, %jit3A_361, %sign3A_370 : i32
      %sign3A_372 = arith.extui %sign3A_371 : i1 to i32
      %sign3A_373 = arith.constant 0 : i32
      %sign3A_374 = arith.cmpi slt, %jit3A_361, %sign3A_373 : i32
      %sign3A_375 = arith.extui %sign3A_374 : i1 to i32
      %sign3A_376 = arith.subi %sign3A_372, %sign3A_375 : i32
      %ne3A_377 = arith.cmpi ne, %sign3A_369, %sign3A_376 : i32
      %rem3A_378 = arith.remsi %add3A_359, %jit3A_361 : i32
      %ne3A_379 = arith.constant 0 : i32
      %ne3A_380 = arith.cmpi ne, %rem3A_378, %ne3A_379 : i32
      %and3A_381 = arith.andi %ne3A_377, %ne3A_380 : i1
      %sub3A_382 = arith.constant 1 : i32
      %sub3A_383 = arith.subi %div3A_362, %sub3A_382 : i32
      %select_n3A_384 = arith.select %and3A_381, %sub3A_383, %div3A_362 : i32
      %mul3A_385 = arith.constant 16 : i32
      %mul3A_386 = arith.muli %select_n3A_384, %mul3A_385 : i32
      %get3A_387 = arith.index_cast %mul3A_386 : i32 to index
      %get3A_388 = tpu.vector_load %arg9[%get3A_387] {strides = array<i32>} : memref<3360xi32, #tpu.memory_space<vmem>>, vector<16xi32>,
      %jit3A_389 = arith.constant 16 : i32
      %eq3A_390 = arith.constant 0 : i32
      %eq3A_391 = arith.cmpi eq, %jit3A_389, %eq3A_390 : i32
      %jit3A_392 = arith.constant 1 : i32
      %select_n3A_393 = arith.select %eq3A_391, %jit3A_392, %jit3A_389 : i32
      %rem3A_394 = arith.remsi %add3A_359, %select_n3A_393 : i32
      %ne3A_395 = arith.constant 0 : i32
      %ne3A_396 = arith.cmpi ne, %rem3A_394, %ne3A_395 : i32
      %lt3A_397 = arith.constant 0 : i32
      %lt3A_398 = arith.cmpi slt, %rem3A_394, %lt3A_397 : i32
      %lt3A_399 = arith.constant 0 : i32
      %lt3A_400 = arith.cmpi slt, %select_n3A_393, %lt3A_399 : i32
      %ne3A_401 = arith.xori %lt3A_398, %lt3A_400 : i1
      %and3A_402 = arith.andi %ne3A_401, %ne3A_396 : i1
      %add3A_403 = arith.addi %rem3A_394, %select_n3A_393 : i32
      %select_n3A_404 = arith.select %and3A_402, %add3A_403, %rem3A_394 : i32
      %eq3A_405 = vector.broadcast %select_n3A_404 : i32 to vector<16xi32>
      %eq3A_406 = arith.cmpi eq, %iota3A_360, %eq3A_405 : vector<16xi32>
      %jit3A_407 = arith.constant 0 : i32
      %broadcast_in_dim3A_408 = vector.broadcast %jit3A_407 : i32 to vector<16xi32>
      %select_n3A_409 = arith.select %eq3A_406, %get3A_388, %broadcast_in_dim3A_408 : vector<16xi1>, vector<16xi32>
      %reduce_max3A_410 = arith.constant true
      %reduce_max3A_411 = vector.broadcast %reduce_max3A_410 : i1 to vector<16xi1>
      %reduce_max3A_412 = arith.constant -2147483648 : i32
      %reduce_max3A_413 = vector.broadcast %reduce_max3A_412 : i32 to vector<16xi32>
      %reduce_max3A_414 = arith.xori %select_n3A_409, %reduce_max3A_413 : vector<16xi32>
      %reduce_max3A_415 = tpu.scan <max>, %reduce_max3A_414 masked %reduce_max3A_411 : vector<16xi32>, vector<16xi1> -> vector<16xi32>
      %reduce_max3A_416 = arith.xori %reduce_max3A_415, %reduce_max3A_413 : vector<16xi32>
      %reduce_max3A_417 = vector.extract %reduce_max3A_416[15] : i32 from vector<16xi32>
      %jit3A_418 = arith.constant 0 : i32
      %select_n3A_419 = arith.select %lt3A_357, %reduce_max3A_417, %jit3A_418 : i32
      %mul3A_420 = arith.constant 512 : i32
      %mul3A_421 = arith.muli %reduce_max3A_295, %mul3A_420 : i32
      %jit3A_422 = arith.constant 256 : i32
      %div3A_423 = arith.divsi %select_n3A_356, %jit3A_422 : i32
      %sign3A_424 = arith.constant 0 : i32
      %sign3A_425 = arith.cmpi sgt, %select_n3A_356, %sign3A_424 : i32
      %sign3A_426 = arith.extui %sign3A_425 : i1 to i32
      %sign3A_427 = arith.constant 0 : i32
      %sign3A_428 = arith.cmpi slt, %select_n3A_356, %sign3A_427 : i32
      %sign3A_429 = arith.extui %sign3A_428 : i1 to i32
      %sign3A_430 = arith.subi %sign3A_426, %sign3A_429 : i32
      %sign3A_431 = arith.constant 0 : i32
      %sign3A_432 = arith.cmpi sgt, %jit3A_422, %sign3A_431 : i32
      %sign3A_433 = arith.extui %sign3A_432 : i1 to i32
      %sign3A_434 = arith.constant 0 : i32
      %sign3A_435 = arith.cmpi slt, %jit3A_422, %sign3A_434 : i32
      %sign3A_436 = arith.extui %sign3A_435 : i1 to i32
      %sign3A_437 = arith.subi %sign3A_433, %sign3A_436 : i32
      %ne3A_438 = arith.cmpi ne, %sign3A_430, %sign3A_437 : i32
      %rem3A_439 = arith.remsi %select_n3A_356, %jit3A_422 : i32
      %ne3A_440 = arith.constant 0 : i32
      %ne3A_441 = arith.cmpi ne, %rem3A_439, %ne3A_440 : i32
      %and3A_442 = arith.andi %ne3A_438, %ne3A_441 : i1
      %sub3A_443 = arith.constant 1 : i32
      %sub3A_444 = arith.subi %div3A_423, %sub3A_443 : i32
      %select_n3A_445 = arith.select %and3A_442, %sub3A_444, %div3A_423 : i32
      %add3A_446 = arith.constant 256 : i32
      %add3A_447 = arith.addi %select_n3A_419, %add3A_446 : i32
      %sub3A_448 = arith.constant 1 : i32
      %sub3A_449 = arith.subi %add3A_447, %sub3A_448 : i32
      %jit3A_450 = arith.constant 256 : i32
      %div3A_451 = arith.divsi %sub3A_449, %jit3A_450 : i32
      %sign3A_452 = arith.constant 0 : i32
      %sign3A_453 = arith.cmpi sgt, %sub3A_449, %sign3A_452 : i32
      %sign3A_454 = arith.extui %sign3A_453 : i1 to i32
      %sign3A_455 = arith.constant 0 : i32
      %sign3A_456 = arith.cmpi slt, %sub3A_449, %sign3A_455 : i32
      %sign3A_457 = arith.extui %sign3A_456 : i1 to i32
      %sign3A_458 = arith.subi %sign3A_454, %sign3A_457 : i32
      %sign3A_459 = arith.constant 0 : i32
      %sign3A_460 = arith.cmpi sgt, %jit3A_450, %sign3A_459 : i32
      %sign3A_461 = arith.extui %sign3A_460 : i1 to i32
      %sign3A_462 = arith.constant 0 : i32
      %sign3A_463 = arith.cmpi slt, %jit3A_450, %sign3A_462 : i32
      %sign3A_464 = arith.extui %sign3A_463 : i1 to i32
      %sign3A_465 = arith.subi %sign3A_461, %sign3A_464 : i32
      %ne3A_466 = arith.cmpi ne, %sign3A_458, %sign3A_465 : i32
      %rem3A_467 = arith.remsi %sub3A_449, %jit3A_450 : i32
      %ne3A_468 = arith.constant 0 : i32
      %ne3A_469 = arith.cmpi ne, %rem3A_467, %ne3A_468 : i32
      %and3A_470 = arith.andi %ne3A_466, %ne3A_469 : i1
      %sub3A_471 = arith.constant 1 : i32
      %sub3A_472 = arith.subi %div3A_451, %sub3A_471 : i32
      %select_n3A_473 = arith.select %and3A_470, %sub3A_472, %div3A_451 : i32
      %while3A_474 = arith.constant 0 : i32
      %while3A_475 = arith.subi %select_n3A_473, %select_n3A_445 : i32
      %while3A_476 = arith.addi %select_n3A_445, %while3A_475 : i32
      %while3A_477 = arith.constant 1 : i32
      %while3A_478 = arith.divsi %while3A_475, %while3A_477 : i32
      %while3A_479 = arith.muli %while3A_478, %while3A_477 : i32
      %while3A_480 = arith.addi %select_n3A_445, %while3A_479 : i32
      %while3A_481 = arith.constant 1 : i32
      scf.for %while3A_810 = %select_n3A_445 to %while3A_480 step %while3A_481  : i32 {
        %mul3A_811 = arith.constant 256 : i32
        %mul3A_812 = arith.muli %while3A_810, %mul3A_811 : i32
        %max3A = arith.maxsi %select_n3A_356, %mul3A_812 : i32
        %add3A_813 = arith.constant 1 : i32
        %add3A_814 = arith.addi %while3A_810, %add3A_813 : i32
        %mul3A_815 = arith.constant 256 : i32
        %mul3A_816 = arith.muli %add3A_814, %mul3A_815 : i32
        %min3A_817 = arith.minsi %select_n3A_419, %mul3A_816 : i32
        %parallel_loop3A = arith.constant 1 : i32
        scf.for %parallel_loop3A_824 = %max3A to %min3A_817 step %parallel_loop3A  : i32 {
          %parallel_loop3A_825 = vector.broadcast %parallel_loop3A_824 : i32 to vector<16xi32>
          %parallel_loop3A_826 = tpu.vector_load_idx %arg6[%parallel_loop3A_825] : memref<3328xi32, #tpu.memory_space<vmem>>[vector<16xi32>], vector<16xi32>,
          %parallel_loop3A_827 = vector.broadcast %mul3A_421 : i32 to vector<16xi32>
          %parallel_loop3A_828 = arith.subi %parallel_loop3A_826, %parallel_loop3A_827 : vector<16xi32>
          %parallel_loop3A_829 = arith.constant 256 : i32
          %parallel_loop3A_830 = arith.constant 0 : i32
          %parallel_loop3A_831 = arith.cmpi eq, %parallel_loop3A_829, %parallel_loop3A_830 : i32
          %parallel_loop3A_832 = arith.constant 1 : i32
          %parallel_loop3A_833 = arith.select %parallel_loop3A_831, %parallel_loop3A_832, %parallel_loop3A_829 : i32
          %parallel_loop3A_834 = arith.remsi %parallel_loop3A_824, %parallel_loop3A_833 : i32
          %parallel_loop3A_835 = arith.constant 0 : i32
          %parallel_loop3A_836 = arith.cmpi ne, %parallel_loop3A_834, %parallel_loop3A_835 : i32
          %parallel_loop3A_837 = arith.constant 0 : i32
          %parallel_loop3A_838 = arith.cmpi slt, %parallel_loop3A_834, %parallel_loop3A_837 : i32
          %parallel_loop3A_839 = arith.constant 0 : i32
          %parallel_loop3A_840 = arith.cmpi slt, %parallel_loop3A_833, %parallel_loop3A_839 : i32
          %parallel_loop3A_841 = arith.xori %parallel_loop3A_838, %parallel_loop3A_840 : i1
          %parallel_loop3A_842 = arith.andi %parallel_loop3A_841, %parallel_loop3A_836 : i1
          %parallel_loop3A_843 = arith.addi %parallel_loop3A_834, %parallel_loop3A_833 : i32
          %parallel_loop3A_844 = arith.select %parallel_loop3A_842, %parallel_loop3A_843, %parallel_loop3A_834 : i32
          %parallel_loop3A_845 = vector.broadcast %parallel_loop3A_844 : i32 to vector<16xi32>
          %parallel_loop3A_846 = arith.constant 0 : i32
          %parallel_loop3A_847 = vector.broadcast %parallel_loop3A_846 : i32 to vector<16xi32>
          %parallel_loop3A_848 = arith.addi %iota3A, %parallel_loop3A_847 : vector<16xi32>
          %parallel_loop3A_849 = tpu.vector_load_idx %arg10[%parallel_loop3A_848, %parallel_loop3A_828] : memref<64x512xf32, #tpu.memory_space<vmem>>[vector<16xi32>, vector<16xi32>], vector<16xf32>,
          %parallel_loop3A_850 = arith.constant 0 : i32
          %parallel_loop3A_851 = vector.broadcast %parallel_loop3A_850 : i32 to vector<16xi32>
          %parallel_loop3A_852 = arith.addi %iota3A, %parallel_loop3A_851 : vector<16xi32>
          tpu.vector_store_idx %arg12[%parallel_loop3A_845, %parallel_loop3A_852], %parallel_loop3A_849 : memref<256x128xf32, #tpu.memory_space<vmem>>[vector<16xi32>, vector<16xi32>], vector<16xf32>,
          %parallel_loop3A_853 = arith.constant 16 : i32
          %parallel_loop3A_854 = vector.broadcast %parallel_loop3A_853 : i32 to vector<16xi32>
          %parallel_loop3A_855 = arith.addi %iota3A, %parallel_loop3A_854 : vector<16xi32>
          %parallel_loop3A_856 = tpu.vector_load_idx %arg10[%parallel_loop3A_855, %parallel_loop3A_828] : memref<64x512xf32, #tpu.memory_space<vmem>>[vector<16xi32>, vector<16xi32>], vector<16xf32>,
          %parallel_loop3A_857 = arith.constant 16 : i32
          %parallel_loop3A_858 = vector.broadcast %parallel_loop3A_857 : i32 to vector<16xi32>
          %parallel_loop3A_859 = arith.addi %iota3A, %parallel_loop3A_858 : vector<16xi32>
          tpu.vector_store_idx %arg12[%parallel_loop3A_845, %parallel_loop3A_859], %parallel_loop3A_856 : memref<256x128xf32, #tpu.memory_space<vmem>>[vector<16xi32>, vector<16xi32>], vector<16xf32>,
          %parallel_loop3A_860 = arith.constant 32 : i32
          %parallel_loop3A_861 = vector.broadcast %parallel_loop3A_860 : i32 to vector<16xi32>
          %parallel_loop3A_862 = arith.addi %iota3A, %parallel_loop3A_861 : vector<16xi32>
          %parallel_loop3A_863 = tpu.vector_load_idx %arg10[%parallel_loop3A_862, %parallel_loop3A_828] : memref<64x512xf32, #tpu.memory_space<vmem>>[vector<16xi32>, vector<16xi32>], vector<16xf32>,
          %parallel_loop3A_864 = arith.constant 32 : i32
          %parallel_loop3A_865 = vector.broadcast %parallel_loop3A_864 : i32 to vector<16xi32>
          %parallel_loop3A_866 = arith.addi %iota3A, %parallel_loop3A_865 : vector<16xi32>
          tpu.vector_store_idx %arg12[%parallel_loop3A_845, %parallel_loop3A_866], %parallel_loop3A_863 : memref<256x128xf32, #tpu.memory_space<vmem>>[vector<16xi32>, vector<16xi32>], vector<16xf32>,
          %parallel_loop3A_867 = arith.constant 48 : i32
          %parallel_loop3A_868 = vector.broadcast %parallel_loop3A_867 : i32 to vector<16xi32>
          %parallel_loop3A_869 = arith.addi %iota3A, %parallel_loop3A_868 : vector<16xi32>
          %parallel_loop3A_870 = tpu.vector_load_idx %arg10[%parallel_loop3A_869, %parallel_loop3A_828] : memref<64x512xf32, #tpu.memory_space<vmem>>[vector<16xi32>, vector<16xi32>], vector<16xf32>,
          %parallel_loop3A_871 = arith.constant 48 : i32
          %parallel_loop3A_872 = vector.broadcast %parallel_loop3A_871 : i32 to vector<16xi32>
          %parallel_loop3A_873 = arith.addi %iota3A, %parallel_loop3A_872 : vector<16xi32>
          tpu.vector_store_idx %arg12[%parallel_loop3A_845, %parallel_loop3A_873], %parallel_loop3A_870 : memref<256x128xf32, #tpu.memory_space<vmem>>[vector<16xi32>, vector<16xi32>], vector<16xf32>,
        } {sc.loop_unroll_factor = 8 : i64, sc.parallel_access}
        %add3A_818 = arith.constant 1 : i32
        %add3A_819 = arith.addi %while3A_810, %add3A_818 : i32
        %mul3A_820 = arith.constant 256 : i32
        %mul3A_821 = arith.muli %add3A_819, %mul3A_820 : i32
        %eq3A_822 = arith.cmpi eq, %min3A_817, %mul3A_821 : i32
        %convert_element_type3A = arith.extui %eq3A_822 : i1 to i32
        %cond3A = arith.constant 0 : i32
        %cond3A_823 = arith.cmpi ne, %convert_element_type3A, %cond3A : i32
        scf.if %cond3A_823 {
          %dma_start3A_824 = arith.constant 0 : i32
          %dma_start3A_825 = arith.constant 0 : i32
          %dma_start3A_826 = tpu.memref_slice %arg7[%while3A_810, %dma_start3A_824, %dma_start3A_825] : memref<13x1x256xi32, #tpu.memory_space<vmem>> -> memref<1x1x256xi32, #tpu.memory_space<vmem>>
          %dma_start3A_827 = tpu.memref_squeeze %dma_start3A_826 : memref<1x1x256xi32, #tpu.memory_space<vmem>> -> memref<256xi32, #tpu.memory_space<vmem>>
          %dma_start3A_828 = arith.constant 0 : i32
          %dma_start3A_829 = arith.constant 0 : i32
          %dma_start3A_830 = tpu.memref_slice %arg5[%dma_start3A_828, %dma_start3A_829] : memref<106496x128xf32, #tpu.memory_space<hbm>> -> memref<106496x128xf32, #tpu.memory_space<hbm>>
          tpu.enqueue_indirect_dma source(%arg12 : memref<256x128xf32, #tpu.memory_space<vmem>>) target(%dma_start3A_830 : memref<106496x128xf32, #tpu.memory_space<hbm>>) offsets(%dma_start3A_827 : memref<256xi32, #tpu.memory_space<vmem>>) semaphore(%arg15 : memref<!tpu.dma_semaphore, #tpu.memory_space<semaphore_mem>>)
          %dma_wait3A_831 = arith.constant 0 : i32
          %dma_wait3A_832 = arith.constant 0 : i32
          %dma_wait3A_833 = tpu.memref_slice %arg7[%while3A_810, %dma_wait3A_831, %dma_wait3A_832] : memref<13x1x256xi32, #tpu.memory_space<vmem>> -> memref<1x1x256xi32, #tpu.memory_space<vmem>>
          %dma_wait3A_834 = tpu.memref_squeeze %dma_wait3A_833 : memref<1x1x256xi32, #tpu.memory_space<vmem>> -> memref<256xi32, #tpu.memory_space<vmem>>
          %dma_wait3A_835 = arith.constant 0 : i32
          %dma_wait3A_836 = arith.constant 0 : i32
          %dma_wait3A_837 = tpu.memref_slice %arg5[%dma_wait3A_835, %dma_wait3A_836] : memref<106496x128xf32, #tpu.memory_space<hbm>> -> memref<106496x128xf32, #tpu.memory_space<hbm>>
          tpu.wait_indirect_dma semaphore(%arg15 : memref<!tpu.dma_semaphore, #tpu.memory_space<semaphore_mem>>) src(%arg12 : memref<256x128xf32, #tpu.memory_space<vmem>>) dst(%dma_wait3A_837 : memref<106496x128xf32, #tpu.memory_space<hbm>>)
        } else {
        }
      }
      %while3A_482 = arith.constant 1 : i32
      scf.for %while3A_810 = %while3A_480 to %while3A_476 step %while3A_482  : i32 {
        %mul3A_811 = arith.constant 256 : i32
        %mul3A_812 = arith.muli %while3A_810, %mul3A_811 : i32
        %max3A = arith.maxsi %select_n3A_356, %mul3A_812 : i32
        %add3A_813 = arith.constant 1 : i32
        %add3A_814 = arith.addi %while3A_810, %add3A_813 : i32
        %mul3A_815 = arith.constant 256 : i32
        %mul3A_816 = arith.muli %add3A_814, %mul3A_815 : i32
        %min3A_817 = arith.minsi %select_n3A_419, %mul3A_816 : i32
        %parallel_loop3A = arith.constant 1 : i32
        scf.for %parallel_loop3A_824 = %max3A to %min3A_817 step %parallel_loop3A  : i32 {
          %parallel_loop3A_825 = vector.broadcast %parallel_loop3A_824 : i32 to vector<16xi32>
          %parallel_loop3A_826 = tpu.vector_load_idx %arg6[%parallel_loop3A_825] : memref<3328xi32, #tpu.memory_space<vmem>>[vector<16xi32>], vector<16xi32>,
          %parallel_loop3A_827 = vector.broadcast %mul3A_421 : i32 to vector<16xi32>
          %parallel_loop3A_828 = arith.subi %parallel_loop3A_826, %parallel_loop3A_827 : vector<16xi32>
          %parallel_loop3A_829 = arith.constant 256 : i32
          %parallel_loop3A_830 = arith.constant 0 : i32
          %parallel_loop3A_831 = arith.cmpi eq, %parallel_loop3A_829, %parallel_loop3A_830 : i32
          %parallel_loop3A_832 = arith.constant 1 : i32
          %parallel_loop3A_833 = arith.select %parallel_loop3A_831, %parallel_loop3A_832, %parallel_loop3A_829 : i32
          %parallel_loop3A_834 = arith.remsi %parallel_loop3A_824, %parallel_loop3A_833 : i32
          %parallel_loop3A_835 = arith.constant 0 : i32
          %parallel_loop3A_836 = arith.cmpi ne, %parallel_loop3A_834, %parallel_loop3A_835 : i32
          %parallel_loop3A_837 = arith.constant 0 : i32
          %parallel_loop3A_838 = arith.cmpi slt, %parallel_loop3A_834, %parallel_loop3A_837 : i32
          %parallel_loop3A_839 = arith.constant 0 : i32
          %parallel_loop3A_840 = arith.cmpi slt, %parallel_loop3A_833, %parallel_loop3A_839 : i32
          %parallel_loop3A_841 = arith.xori %parallel_loop3A_838, %parallel_loop3A_840 : i1
          %parallel_loop3A_842 = arith.andi %parallel_loop3A_841, %parallel_loop3A_836 : i1
          %parallel_loop3A_843 = arith.addi %parallel_loop3A_834, %parallel_loop3A_833 : i32
          %parallel_loop3A_844 = arith.select %parallel_loop3A_842, %parallel_loop3A_843, %parallel_loop3A_834 : i32
          %parallel_loop3A_845 = vector.broadcast %parallel_loop3A_844 : i32 to vector<16xi32>
          %parallel_loop3A_846 = arith.constant 0 : i32
          %parallel_loop3A_847 = vector.broadcast %parallel_loop3A_846 : i32 to vector<16xi32>
          %parallel_loop3A_848 = arith.addi %iota3A, %parallel_loop3A_847 : vector<16xi32>
          %parallel_loop3A_849 = tpu.vector_load_idx %arg10[%parallel_loop3A_848, %parallel_loop3A_828] : memref<64x512xf32, #tpu.memory_space<vmem>>[vector<16xi32>, vector<16xi32>], vector<16xf32>,
          %parallel_loop3A_850 = arith.constant 0 : i32
          %parallel_loop3A_851 = vector.broadcast %parallel_loop3A_850 : i32 to vector<16xi32>
          %parallel_loop3A_852 = arith.addi %iota3A, %parallel_loop3A_851 : vector<16xi32>
          tpu.vector_store_idx %arg12[%parallel_loop3A_845, %parallel_loop3A_852], %parallel_loop3A_849 : memref<256x128xf32, #tpu.memory_space<vmem>>[vector<16xi32>, vector<16xi32>], vector<16xf32>,
          %parallel_loop3A_853 = arith.constant 16 : i32
          %parallel_loop3A_854 = vector.broadcast %parallel_loop3A_853 : i32 to vector<16xi32>
          %parallel_loop3A_855 = arith.addi %iota3A, %parallel_loop3A_854 : vector<16xi32>
          %parallel_loop3A_856 = tpu.vector_load_idx %arg10[%parallel_loop3A_855, %parallel_loop3A_828] : memref<64x512xf32, #tpu.memory_space<vmem>>[vector<16xi32>, vector<16xi32>], vector<16xf32>,
          %parallel_loop3A_857 = arith.constant 16 : i32
          %parallel_loop3A_858 = vector.broadcast %parallel_loop3A_857 : i32 to vector<16xi32>
          %parallel_loop3A_859 = arith.addi %iota3A, %parallel_loop3A_858 : vector<16xi32>
          tpu.vector_store_idx %arg12[%parallel_loop3A_845, %parallel_loop3A_859], %parallel_loop3A_856 : memref<256x128xf32, #tpu.memory_space<vmem>>[vector<16xi32>, vector<16xi32>], vector<16xf32>,
          %parallel_loop3A_860 = arith.constant 32 : i32
          %parallel_loop3A_861 = vector.broadcast %parallel_loop3A_860 : i32 to vector<16xi32>
          %parallel_loop3A_862 = arith.addi %iota3A, %parallel_loop3A_861 : vector<16xi32>
          %parallel_loop3A_863 = tpu.vector_load_idx %arg10[%parallel_loop3A_862, %parallel_loop3A_828] : memref<64x512xf32, #tpu.memory_space<vmem>>[vector<16xi32>, vector<16xi32>], vector<16xf32>,
          %parallel_loop3A_864 = arith.constant 32 : i32
          %parallel_loop3A_865 = vector.broadcast %parallel_loop3A_864 : i32 to vector<16xi32>
          %parallel_loop3A_866 = arith.addi %iota3A, %parallel_loop3A_865 : vector<16xi32>
          tpu.vector_store_idx %arg12[%parallel_loop3A_845, %parallel_loop3A_866], %parallel_loop3A_863 : memref<256x128xf32, #tpu.memory_space<vmem>>[vector<16xi32>, vector<16xi32>], vector<16xf32>,
          %parallel_loop3A_867 = arith.constant 48 : i32
          %parallel_loop3A_868 = vector.broadcast %parallel_loop3A_867 : i32 to vector<16xi32>
          %parallel_loop3A_869 = arith.addi %iota3A, %parallel_loop3A_868 : vector<16xi32>
          %parallel_loop3A_870 = tpu.vector_load_idx %arg10[%parallel_loop3A_869, %parallel_loop3A_828] : memref<64x512xf32, #tpu.memory_space<vmem>>[vector<16xi32>, vector<16xi32>], vector<16xf32>,
          %parallel_loop3A_871 = arith.constant 48 : i32
          %parallel_loop3A_872 = vector.broadcast %parallel_loop3A_871 : i32 to vector<16xi32>
          %parallel_loop3A_873 = arith.addi %iota3A, %parallel_loop3A_872 : vector<16xi32>
          tpu.vector_store_idx %arg12[%parallel_loop3A_845, %parallel_loop3A_873], %parallel_loop3A_870 : memref<256x128xf32, #tpu.memory_space<vmem>>[vector<16xi32>, vector<16xi32>], vector<16xf32>,
        } {sc.loop_unroll_factor = 8 : i64, sc.parallel_access}
        %add3A_818 = arith.constant 1 : i32
        %add3A_819 = arith.addi %while3A_810, %add3A_818 : i32
        %mul3A_820 = arith.constant 256 : i32
        %mul3A_821 = arith.muli %add3A_819, %mul3A_820 : i32
        %eq3A_822 = arith.cmpi eq, %min3A_817, %mul3A_821 : i32
        %convert_element_type3A = arith.extui %eq3A_822 : i1 to i32
        %cond3A = arith.constant 0 : i32
        %cond3A_823 = arith.cmpi ne, %convert_element_type3A, %cond3A : i32
        scf.if %cond3A_823 {
          %dma_start3A_824 = arith.constant 0 : i32
          %dma_start3A_825 = arith.constant 0 : i32
          %dma_start3A_826 = tpu.memref_slice %arg7[%while3A_810, %dma_start3A_824, %dma_start3A_825] : memref<13x1x256xi32, #tpu.memory_space<vmem>> -> memref<1x1x256xi32, #tpu.memory_space<vmem>>
          %dma_start3A_827 = tpu.memref_squeeze %dma_start3A_826 : memref<1x1x256xi32, #tpu.memory_space<vmem>> -> memref<256xi32, #tpu.memory_space<vmem>>
          %dma_start3A_828 = arith.constant 0 : i32
          %dma_start3A_829 = arith.constant 0 : i32
          %dma_start3A_830 = tpu.memref_slice %arg5[%dma_start3A_828, %dma_start3A_829] : memref<106496x128xf32, #tpu.memory_space<hbm>> -> memref<106496x128xf32, #tpu.memory_space<hbm>>
          tpu.enqueue_indirect_dma source(%arg12 : memref<256x128xf32, #tpu.memory_space<vmem>>) target(%dma_start3A_830 : memref<106496x128xf32, #tpu.memory_space<hbm>>) offsets(%dma_start3A_827 : memref<256xi32, #tpu.memory_space<vmem>>) semaphore(%arg15 : memref<!tpu.dma_semaphore, #tpu.memory_space<semaphore_mem>>)
          %dma_wait3A_831 = arith.constant 0 : i32
          %dma_wait3A_832 = arith.constant 0 : i32
          %dma_wait3A_833 = tpu.memref_slice %arg7[%while3A_810, %dma_wait3A_831, %dma_wait3A_832] : memref<13x1x256xi32, #tpu.memory_space<vmem>> -> memref<1x1x256xi32, #tpu.memory_space<vmem>>
          %dma_wait3A_834 = tpu.memref_squeeze %dma_wait3A_833 : memref<1x1x256xi32, #tpu.memory_space<vmem>> -> memref<256xi32, #tpu.memory_space<vmem>>
          %dma_wait3A_835 = arith.constant 0 : i32
          %dma_wait3A_836 = arith.constant 0 : i32
          %dma_wait3A_837 = tpu.memref_slice %arg5[%dma_wait3A_835, %dma_wait3A_836] : memref<106496x128xf32, #tpu.memory_space<hbm>> -> memref<106496x128xf32, #tpu.memory_space<hbm>>
          tpu.wait_indirect_dma semaphore(%arg15 : memref<!tpu.dma_semaphore, #tpu.memory_space<semaphore_mem>>) src(%arg12 : memref<256x128xf32, #tpu.memory_space<vmem>>) dst(%dma_wait3A_837 : memref<106496x128xf32, #tpu.memory_space<hbm>>)
        } else {
        }
      }
      %mul3A_483 = arith.constant 2 : i32
      %mul3A_484 = arith.muli %mul3A_483, %while3A_157 : i32
      %add3A_485 = arith.constant 1 : i32
      %add3A_486 = arith.addi %mul3A_484, %add3A_485 : i32
      %dma_wait3A_487 = arith.constant 0 : i32
      %dma_wait3A_488 = arith.constant 0 : i32
      %dma_wait3A_489 = tpu.memref_slice %arg2[%dma_wait3A_487, %dma_wait3A_488] : memref<64x1000000xf32, #tpu.memory_space<hbm>> -> memref<64x512xf32, #tpu.memory_space<hbm>>
      %dma_wait3A_490 = arith.constant 0 : i32
      %dma_wait3A_491 = arith.constant 0 : i32
      %dma_wait3A_492 = tpu.memref_slice %arg2[%dma_wait3A_490, %dma_wait3A_491] : memref<64x1000000xf32, #tpu.memory_space<hbm>> -> memref<64x512xf32, #tpu.memory_space<hbm>>
      tpu.wait_dma2 semaphore(%arg14 : memref<!tpu.dma_semaphore, #tpu.memory_space<semaphore_mem>>) src(%dma_wait3A_492 : memref<64x512xf32, #tpu.memory_space<hbm>>) dst(%arg11 : memref<64x512xf32, #tpu.memory_space<vmem>>)
      %add3A_493 = arith.constant 1 : i32
      %add3A_494 = arith.addi %add3A_486, %add3A_493 : i32
      %sub3A_495 = arith.constant 1 : i32
      %sub3A_496 = arith.subi %scan3A_59#0, %sub3A_495 : i32
      %min3A_497 = arith.minsi %add3A_494, %sub3A_496 : i32
      %iota3A_498 = tpu.iota {dimensions = array<i32: 0>} : vector<16xi32>
      %jit3A_499 = arith.constant 16 : i32
      %div3A_500 = arith.divsi %min3A_497, %jit3A_499 : i32
      %sign3A_501 = arith.constant 0 : i32
      %sign3A_502 = arith.cmpi sgt, %min3A_497, %sign3A_501 : i32
      %sign3A_503 = arith.extui %sign3A_502 : i1 to i32
      %sign3A_504 = arith.constant 0 : i32
      %sign3A_505 = arith.cmpi slt, %min3A_497, %sign3A_504 : i32
      %sign3A_506 = arith.extui %sign3A_505 : i1 to i32
      %sign3A_507 = arith.subi %sign3A_503, %sign3A_506 : i32
      %sign3A_508 = arith.constant 0 : i32
      %sign3A_509 = arith.cmpi sgt, %jit3A_499, %sign3A_508 : i32
      %sign3A_510 = arith.extui %sign3A_509 : i1 to i32
      %sign3A_511 = arith.constant 0 : i32
      %sign3A_512 = arith.cmpi slt, %jit3A_499, %sign3A_511 : i32
      %sign3A_513 = arith.extui %sign3A_512 : i1 to i32
      %sign3A_514 = arith.subi %sign3A_510, %sign3A_513 : i32
      %ne3A_515 = arith.cmpi ne, %sign3A_507, %sign3A_514 : i32
      %rem3A_516 = arith.remsi %min3A_497, %jit3A_499 : i32
      %ne3A_517 = arith.constant 0 : i32
      %ne3A_518 = arith.cmpi ne, %rem3A_516, %ne3A_517 : i32
      %and3A_519 = arith.andi %ne3A_515, %ne3A_518 : i1
      %sub3A_520 = arith.constant 1 : i32
      %sub3A_521 = arith.subi %div3A_500, %sub3A_520 : i32
      %select_n3A_522 = arith.select %and3A_519, %sub3A_521, %div3A_500 : i32
      %mul3A_523 = arith.constant 16 : i32
      %mul3A_524 = arith.muli %select_n3A_522, %mul3A_523 : i32
      %get3A_525 = arith.index_cast %mul3A_524 : i32 to index
      %get3A_526 = tpu.vector_load %arg8[%get3A_525] {strides = array<i32>} : memref<3360xi32, #tpu.memory_space<vmem>>, vector<16xi32>,
      %jit3A_527 = arith.constant 16 : i32
      %eq3A_528 = arith.constant 0 : i32
      %eq3A_529 = arith.cmpi eq, %jit3A_527, %eq3A_528 : i32
      %jit3A_530 = arith.constant 1 : i32
      %select_n3A_531 = arith.select %eq3A_529, %jit3A_530, %jit3A_527 : i32
      %rem3A_532 = arith.remsi %min3A_497, %select_n3A_531 : i32
      %ne3A_533 = arith.constant 0 : i32
      %ne3A_534 = arith.cmpi ne, %rem3A_532, %ne3A_533 : i32
      %lt3A_535 = arith.constant 0 : i32
      %lt3A_536 = arith.cmpi slt, %rem3A_532, %lt3A_535 : i32
      %lt3A_537 = arith.constant 0 : i32
      %lt3A_538 = arith.cmpi slt, %select_n3A_531, %lt3A_537 : i32
      %ne3A_539 = arith.xori %lt3A_536, %lt3A_538 : i1
      %and3A_540 = arith.andi %ne3A_539, %ne3A_534 : i1
      %add3A_541 = arith.addi %rem3A_532, %select_n3A_531 : i32
      %select_n3A_542 = arith.select %and3A_540, %add3A_541, %rem3A_532 : i32
      %eq3A_543 = vector.broadcast %select_n3A_542 : i32 to vector<16xi32>
      %eq3A_544 = arith.cmpi eq, %iota3A_498, %eq3A_543 : vector<16xi32>
      %jit3A_545 = arith.constant 0 : i32
      %broadcast_in_dim3A_546 = vector.broadcast %jit3A_545 : i32 to vector<16xi32>
      %select_n3A_547 = arith.select %eq3A_544, %get3A_526, %broadcast_in_dim3A_546 : vector<16xi1>, vector<16xi32>
      %reduce_max3A_548 = arith.constant true
      %reduce_max3A_549 = vector.broadcast %reduce_max3A_548 : i1 to vector<16xi1>
      %reduce_max3A_550 = arith.constant -2147483648 : i32
      %reduce_max3A_551 = vector.broadcast %reduce_max3A_550 : i32 to vector<16xi32>
      %reduce_max3A_552 = arith.xori %select_n3A_547, %reduce_max3A_551 : vector<16xi32>
      %reduce_max3A_553 = tpu.scan <max>, %reduce_max3A_552 masked %reduce_max3A_549 : vector<16xi32>, vector<16xi1> -> vector<16xi32>
      %reduce_max3A_554 = arith.xori %reduce_max3A_553, %reduce_max3A_551 : vector<16xi32>
      %reduce_max3A_555 = vector.extract %reduce_max3A_554[15] : i32 from vector<16xi32>
      %mul3A_556 = arith.constant 512 : i32
      %mul3A_557 = arith.muli %reduce_max3A_555, %mul3A_556 : i32
      %dma_start3A_558 = arith.constant 0 : i32
      %dma_start3A_559 = tpu.memref_slice %arg2[%dma_start3A_558, %mul3A_557] : memref<64x1000000xf32, #tpu.memory_space<hbm>> -> memref<64x512xf32, #tpu.memory_space<hbm>>
      %dma_start3A_560 = arith.constant 0 : i32
      %dma_start3A_561 = tpu.memref_slice %arg2[%dma_start3A_560, %mul3A_557] : memref<64x1000000xf32, #tpu.memory_space<hbm>> -> memref<64x512xf32, #tpu.memory_space<hbm>>
      tpu.enqueue_dma source(%dma_start3A_561 : memref<64x512xf32, #tpu.memory_space<hbm>>) target(%arg10 : memref<64x512xf32, #tpu.memory_space<vmem>>) target_semaphore(%arg13 : memref<!tpu.dma_semaphore, #tpu.memory_space<semaphore_mem>>)
      %sub3A_562 = arith.constant 1 : i32
      %sub3A_563 = arith.subi %scan3A_59#0, %sub3A_562 : i32
      %min3A_564 = arith.minsi %add3A_486, %sub3A_563 : i32
      %iota3A_565 = tpu.iota {dimensions = array<i32: 0>} : vector<16xi32>
      %jit3A_566 = arith.constant 16 : i32
      %div3A_567 = arith.divsi %min3A_564, %jit3A_566 : i32
      %sign3A_568 = arith.constant 0 : i32
      %sign3A_569 = arith.cmpi sgt, %min3A_564, %sign3A_568 : i32
      %sign3A_570 = arith.extui %sign3A_569 : i1 to i32
      %sign3A_571 = arith.constant 0 : i32
      %sign3A_572 = arith.cmpi slt, %min3A_564, %sign3A_571 : i32
      %sign3A_573 = arith.extui %sign3A_572 : i1 to i32
      %sign3A_574 = arith.subi %sign3A_570, %sign3A_573 : i32
      %sign3A_575 = arith.constant 0 : i32
      %sign3A_576 = arith.cmpi sgt, %jit3A_566, %sign3A_575 : i32
      %sign3A_577 = arith.extui %sign3A_576 : i1 to i32
      %sign3A_578 = arith.constant 0 : i32
      %sign3A_579 = arith.cmpi slt, %jit3A_566, %sign3A_578 : i32
      %sign3A_580 = arith.extui %sign3A_579 : i1 to i32
      %sign3A_581 = arith.subi %sign3A_577, %sign3A_580 : i32
      %ne3A_582 = arith.cmpi ne, %sign3A_574, %sign3A_581 : i32
      %rem3A_583 = arith.remsi %min3A_564, %jit3A_566 : i32
      %ne3A_584 = arith.constant 0 : i32
      %ne3A_585 = arith.cmpi ne, %rem3A_583, %ne3A_584 : i32
      %and3A_586 = arith.andi %ne3A_582, %ne3A_585 : i1
      %sub3A_587 = arith.constant 1 : i32
      %sub3A_588 = arith.subi %div3A_567, %sub3A_587 : i32
      %select_n3A_589 = arith.select %and3A_586, %sub3A_588, %div3A_567 : i32
      %mul3A_590 = arith.constant 16 : i32
      %mul3A_591 = arith.muli %select_n3A_589, %mul3A_590 : i32
      %get3A_592 = arith.index_cast %mul3A_591 : i32 to index
      %get3A_593 = tpu.vector_load %arg8[%get3A_592] {strides = array<i32>} : memref<3360xi32, #tpu.memory_space<vmem>>, vector<16xi32>,
      %jit3A_594 = arith.constant 16 : i32
      %eq3A_595 = arith.constant 0 : i32
      %eq3A_596 = arith.cmpi eq, %jit3A_594, %eq3A_595 : i32
      %jit3A_597 = arith.constant 1 : i32
      %select_n3A_598 = arith.select %eq3A_596, %jit3A_597, %jit3A_594 : i32
      %rem3A_599 = arith.remsi %min3A_564, %select_n3A_598 : i32
      %ne3A_600 = arith.constant 0 : i32
      %ne3A_601 = arith.cmpi ne, %rem3A_599, %ne3A_600 : i32
      %lt3A_602 = arith.constant 0 : i32
      %lt3A_603 = arith.cmpi slt, %rem3A_599, %lt3A_602 : i32
      %lt3A_604 = arith.constant 0 : i32
      %lt3A_605 = arith.cmpi slt, %select_n3A_598, %lt3A_604 : i32
      %ne3A_606 = arith.xori %lt3A_603, %lt3A_605 : i1
      %and3A_607 = arith.andi %ne3A_606, %ne3A_601 : i1
      %add3A_608 = arith.addi %rem3A_599, %select_n3A_598 : i32
      %select_n3A_609 = arith.select %and3A_607, %add3A_608, %rem3A_599 : i32
      %eq3A_610 = vector.broadcast %select_n3A_609 : i32 to vector<16xi32>
      %eq3A_611 = arith.cmpi eq, %iota3A_565, %eq3A_610 : vector<16xi32>
      %jit3A_612 = arith.constant 0 : i32
      %broadcast_in_dim3A_613 = vector.broadcast %jit3A_612 : i32 to vector<16xi32>
      %select_n3A_614 = arith.select %eq3A_611, %get3A_593, %broadcast_in_dim3A_613 : vector<16xi1>, vector<16xi32>
      %reduce_max3A_615 = arith.constant true
      %reduce_max3A_616 = vector.broadcast %reduce_max3A_615 : i1 to vector<16xi1>
      %reduce_max3A_617 = arith.constant -2147483648 : i32
      %reduce_max3A_618 = vector.broadcast %reduce_max3A_617 : i32 to vector<16xi32>
      %reduce_max3A_619 = arith.xori %select_n3A_614, %reduce_max3A_618 : vector<16xi32>
      %reduce_max3A_620 = tpu.scan <max>, %reduce_max3A_619 masked %reduce_max3A_616 : vector<16xi32>, vector<16xi1> -> vector<16xi32>
      %reduce_max3A_621 = arith.xori %reduce_max3A_620, %reduce_max3A_618 : vector<16xi32>
      %reduce_max3A_622 = vector.extract %reduce_max3A_621[15] : i32 from vector<16xi32>
      %lt3A_623 = arith.cmpi slt, %add3A_486, %scan3A_59#0 : i32
      %iota3A_624 = tpu.iota {dimensions = array<i32: 0>} : vector<16xi32>
      %jit3A_625 = arith.constant 16 : i32
      %div3A_626 = arith.divsi %min3A_564, %jit3A_625 : i32
      %sign3A_627 = arith.constant 0 : i32
      %sign3A_628 = arith.cmpi sgt, %min3A_564, %sign3A_627 : i32
      %sign3A_629 = arith.extui %sign3A_628 : i1 to i32
      %sign3A_630 = arith.constant 0 : i32
      %sign3A_631 = arith.cmpi slt, %min3A_564, %sign3A_630 : i32
      %sign3A_632 = arith.extui %sign3A_631 : i1 to i32
      %sign3A_633 = arith.subi %sign3A_629, %sign3A_632 : i32
      %sign3A_634 = arith.constant 0 : i32
      %sign3A_635 = arith.cmpi sgt, %jit3A_625, %sign3A_634 : i32
      %sign3A_636 = arith.extui %sign3A_635 : i1 to i32
      %sign3A_637 = arith.constant 0 : i32
      %sign3A_638 = arith.cmpi slt, %jit3A_625, %sign3A_637 : i32
      %sign3A_639 = arith.extui %sign3A_638 : i1 to i32
      %sign3A_640 = arith.subi %sign3A_636, %sign3A_639 : i32
      %ne3A_641 = arith.cmpi ne, %sign3A_633, %sign3A_640 : i32
      %rem3A_642 = arith.remsi %min3A_564, %jit3A_625 : i32
      %ne3A_643 = arith.constant 0 : i32
      %ne3A_644 = arith.cmpi ne, %rem3A_642, %ne3A_643 : i32
      %and3A_645 = arith.andi %ne3A_641, %ne3A_644 : i1
      %sub3A_646 = arith.constant 1 : i32
      %sub3A_647 = arith.subi %div3A_626, %sub3A_646 : i32
      %select_n3A_648 = arith.select %and3A_645, %sub3A_647, %div3A_626 : i32
      %mul3A_649 = arith.constant 16 : i32
      %mul3A_650 = arith.muli %select_n3A_648, %mul3A_649 : i32
      %get3A_651 = arith.index_cast %mul3A_650 : i32 to index
      %get3A_652 = tpu.vector_load %arg9[%get3A_651] {strides = array<i32>} : memref<3360xi32, #tpu.memory_space<vmem>>, vector<16xi32>,
      %jit3A_653 = arith.constant 16 : i32
      %eq3A_654 = arith.constant 0 : i32
      %eq3A_655 = arith.cmpi eq, %jit3A_653, %eq3A_654 : i32
      %jit3A_656 = arith.constant 1 : i32
      %select_n3A_657 = arith.select %eq3A_655, %jit3A_656, %jit3A_653 : i32
      %rem3A_658 = arith.remsi %min3A_564, %select_n3A_657 : i32
      %ne3A_659 = arith.constant 0 : i32
      %ne3A_660 = arith.cmpi ne, %rem3A_658, %ne3A_659 : i32
      %lt3A_661 = arith.constant 0 : i32
      %lt3A_662 = arith.cmpi slt, %rem3A_658, %lt3A_661 : i32
      %lt3A_663 = arith.constant 0 : i32
      %lt3A_664 = arith.cmpi slt, %select_n3A_657, %lt3A_663 : i32
      %ne3A_665 = arith.xori %lt3A_662, %lt3A_664 : i1
      %and3A_666 = arith.andi %ne3A_665, %ne3A_660 : i1
      %add3A_667 = arith.addi %rem3A_658, %select_n3A_657 : i32
      %select_n3A_668 = arith.select %and3A_666, %add3A_667, %rem3A_658 : i32
      %eq3A_669 = vector.broadcast %select_n3A_668 : i32 to vector<16xi32>
      %eq3A_670 = arith.cmpi eq, %iota3A_624, %eq3A_669 : vector<16xi32>
      %jit3A_671 = arith.constant 0 : i32
      %broadcast_in_dim3A_672 = vector.broadcast %jit3A_671 : i32 to vector<16xi32>
      %select_n3A_673 = arith.select %eq3A_670, %get3A_652, %broadcast_in_dim3A_672 : vector<16xi1>, vector<16xi32>
      %reduce_max3A_674 = arith.constant true
      %reduce_max3A_675 = vector.broadcast %reduce_max3A_674 : i1 to vector<16xi1>
      %reduce_max3A_676 = arith.constant -2147483648 : i32
      %reduce_max3A_677 = vector.broadcast %reduce_max3A_676 : i32 to vector<16xi32>
      %reduce_max3A_678 = arith.xori %select_n3A_673, %reduce_max3A_677 : vector<16xi32>
      %reduce_max3A_679 = tpu.scan <max>, %reduce_max3A_678 masked %reduce_max3A_675 : vector<16xi32>, vector<16xi1> -> vector<16xi32>
      %reduce_max3A_680 = arith.xori %reduce_max3A_679, %reduce_max3A_677 : vector<16xi32>
      %reduce_max3A_681 = vector.extract %reduce_max3A_680[15] : i32 from vector<16xi32>
      %jit3A_682 = arith.constant 0 : i32
      %select_n3A_683 = arith.select %lt3A_623, %reduce_max3A_681, %jit3A_682 : i32
      %lt3A_684 = arith.cmpi slt, %add3A_486, %scan3A_59#0 : i32
      %add3A_685 = arith.constant 1 : i32
      %add3A_686 = arith.addi %min3A_564, %add3A_685 : i32
      %iota3A_687 = tpu.iota {dimensions = array<i32: 0>} : vector<16xi32>
      %jit3A_688 = arith.constant 16 : i32
      %div3A_689 = arith.divsi %add3A_686, %jit3A_688 : i32
      %sign3A_690 = arith.constant 0 : i32
      %sign3A_691 = arith.cmpi sgt, %add3A_686, %sign3A_690 : i32
      %sign3A_692 = arith.extui %sign3A_691 : i1 to i32
      %sign3A_693 = arith.constant 0 : i32
      %sign3A_694 = arith.cmpi slt, %add3A_686, %sign3A_693 : i32
      %sign3A_695 = arith.extui %sign3A_694 : i1 to i32
      %sign3A_696 = arith.subi %sign3A_692, %sign3A_695 : i32
      %sign3A_697 = arith.constant 0 : i32
      %sign3A_698 = arith.cmpi sgt, %jit3A_688, %sign3A_697 : i32
      %sign3A_699 = arith.extui %sign3A_698 : i1 to i32
      %sign3A_700 = arith.constant 0 : i32
      %sign3A_701 = arith.cmpi slt, %jit3A_688, %sign3A_700 : i32
      %sign3A_702 = arith.extui %sign3A_701 : i1 to i32
      %sign3A_703 = arith.subi %sign3A_699, %sign3A_702 : i32
      %ne3A_704 = arith.cmpi ne, %sign3A_696, %sign3A_703 : i32
      %rem3A_705 = arith.remsi %add3A_686, %jit3A_688 : i32
      %ne3A_706 = arith.constant 0 : i32
      %ne3A_707 = arith.cmpi ne, %rem3A_705, %ne3A_706 : i32
      %and3A_708 = arith.andi %ne3A_704, %ne3A_707 : i1
      %sub3A_709 = arith.constant 1 : i32
      %sub3A_710 = arith.subi %div3A_689, %sub3A_709 : i32
      %select_n3A_711 = arith.select %and3A_708, %sub3A_710, %div3A_689 : i32
      %mul3A_712 = arith.constant 16 : i32
      %mul3A_713 = arith.muli %select_n3A_711, %mul3A_712 : i32
      %get3A_714 = arith.index_cast %mul3A_713 : i32 to index
      %get3A_715 = tpu.vector_load %arg9[%get3A_714] {strides = array<i32>} : memref<3360xi32, #tpu.memory_space<vmem>>, vector<16xi32>,
      %jit3A_716 = arith.constant 16 : i32
      %eq3A_717 = arith.constant 0 : i32
      %eq3A_718 = arith.cmpi eq, %jit3A_716, %eq3A_717 : i32
      %jit3A_719 = arith.constant 1 : i32
      %select_n3A_720 = arith.select %eq3A_718, %jit3A_719, %jit3A_716 : i32
      %rem3A_721 = arith.remsi %add3A_686, %select_n3A_720 : i32
      %ne3A_722 = arith.constant 0 : i32
      %ne3A_723 = arith.cmpi ne, %rem3A_721, %ne3A_722 : i32
      %lt3A_724 = arith.constant 0 : i32
      %lt3A_725 = arith.cmpi slt, %rem3A_721, %lt3A_724 : i32
      %lt3A_726 = arith.constant 0 : i32
      %lt3A_727 = arith.cmpi slt, %select_n3A_720, %lt3A_726 : i32
      %ne3A_728 = arith.xori %lt3A_725, %lt3A_727 : i1
      %and3A_729 = arith.andi %ne3A_728, %ne3A_723 : i1
      %add3A_730 = arith.addi %rem3A_721, %select_n3A_720 : i32
      %select_n3A_731 = arith.select %and3A_729, %add3A_730, %rem3A_721 : i32
      %eq3A_732 = vector.broadcast %select_n3A_731 : i32 to vector<16xi32>
      %eq3A_733 = arith.cmpi eq, %iota3A_687, %eq3A_732 : vector<16xi32>
      %jit3A_734 = arith.constant 0 : i32
      %broadcast_in_dim3A_735 = vector.broadcast %jit3A_734 : i32 to vector<16xi32>
      %select_n3A_736 = arith.select %eq3A_733, %get3A_715, %broadcast_in_dim3A_735 : vector<16xi1>, vector<16xi32>
      %reduce_max3A_737 = arith.constant true
      %reduce_max3A_738 = vector.broadcast %reduce_max3A_737 : i1 to vector<16xi1>
      %reduce_max3A_739 = arith.constant -2147483648 : i32
      %reduce_max3A_740 = vector.broadcast %reduce_max3A_739 : i32 to vector<16xi32>
      %reduce_max3A_741 = arith.xori %select_n3A_736, %reduce_max3A_740 : vector<16xi32>
      %reduce_max3A_742 = tpu.scan <max>, %reduce_max3A_741 masked %reduce_max3A_738 : vector<16xi32>, vector<16xi1> -> vector<16xi32>
      %reduce_max3A_743 = arith.xori %reduce_max3A_742, %reduce_max3A_740 : vector<16xi32>
      %reduce_max3A_744 = vector.extract %reduce_max3A_743[15] : i32 from vector<16xi32>
      %jit3A_745 = arith.constant 0 : i32
      %select_n3A_746 = arith.select %lt3A_684, %reduce_max3A_744, %jit3A_745 : i32
      %mul3A_747 = arith.constant 512 : i32
      %mul3A_748 = arith.muli %reduce_max3A_622, %mul3A_747 : i32
      %jit3A_749 = arith.constant 256 : i32
      %div3A_750 = arith.divsi %select_n3A_683, %jit3A_749 : i32
      %sign3A_751 = arith.constant 0 : i32
      %sign3A_752 = arith.cmpi sgt, %select_n3A_683, %sign3A_751 : i32
      %sign3A_753 = arith.extui %sign3A_752 : i1 to i32
      %sign3A_754 = arith.constant 0 : i32
      %sign3A_755 = arith.cmpi slt, %select_n3A_683, %sign3A_754 : i32
      %sign3A_756 = arith.extui %sign3A_755 : i1 to i32
      %sign3A_757 = arith.subi %sign3A_753, %sign3A_756 : i32
      %sign3A_758 = arith.constant 0 : i32
      %sign3A_759 = arith.cmpi sgt, %jit3A_749, %sign3A_758 : i32
      %sign3A_760 = arith.extui %sign3A_759 : i1 to i32
      %sign3A_761 = arith.constant 0 : i32
      %sign3A_762 = arith.cmpi slt, %jit3A_749, %sign3A_761 : i32
      %sign3A_763 = arith.extui %sign3A_762 : i1 to i32
      %sign3A_764 = arith.subi %sign3A_760, %sign3A_763 : i32
      %ne3A_765 = arith.cmpi ne, %sign3A_757, %sign3A_764 : i32
      %rem3A_766 = arith.remsi %select_n3A_683, %jit3A_749 : i32
      %ne3A_767 = arith.constant 0 : i32
      %ne3A_768 = arith.cmpi ne, %rem3A_766, %ne3A_767 : i32
      %and3A_769 = arith.andi %ne3A_765, %ne3A_768 : i1
      %sub3A_770 = arith.constant 1 : i32
      %sub3A_771 = arith.subi %div3A_750, %sub3A_770 : i32
      %select_n3A_772 = arith.select %and3A_769, %sub3A_771, %div3A_750 : i32
      %add3A_773 = arith.constant 256 : i32
      %add3A_774 = arith.addi %select_n3A_746, %add3A_773 : i32
      %sub3A_775 = arith.constant 1 : i32
      %sub3A_776 = arith.subi %add3A_774, %sub3A_775 : i32
      %jit3A_777 = arith.constant 256 : i32
      %div3A_778 = arith.divsi %sub3A_776, %jit3A_777 : i32
      %sign3A_779 = arith.constant 0 : i32
      %sign3A_780 = arith.cmpi sgt, %sub3A_776, %sign3A_779 : i32
      %sign3A_781 = arith.extui %sign3A_780 : i1 to i32
      %sign3A_782 = arith.constant 0 : i32
      %sign3A_783 = arith.cmpi slt, %sub3A_776, %sign3A_782 : i32
      %sign3A_784 = arith.extui %sign3A_783 : i1 to i32
      %sign3A_785 = arith.subi %sign3A_781, %sign3A_784 : i32
      %sign3A_786 = arith.constant 0 : i32
      %sign3A_787 = arith.cmpi sgt, %jit3A_777, %sign3A_786 : i32
      %sign3A_788 = arith.extui %sign3A_787 : i1 to i32
      %sign3A_789 = arith.constant 0 : i32
      %sign3A_790 = arith.cmpi slt, %jit3A_777, %sign3A_789 : i32
      %sign3A_791 = arith.extui %sign3A_790 : i1 to i32
      %sign3A_792 = arith.subi %sign3A_788, %sign3A_791 : i32
      %ne3A_793 = arith.cmpi ne, %sign3A_785, %sign3A_792 : i32
      %rem3A_794 = arith.remsi %sub3A_776, %jit3A_777 : i32
      %ne3A_795 = arith.constant 0 : i32
      %ne3A_796 = arith.cmpi ne, %rem3A_794, %ne3A_795 : i32
      %and3A_797 = arith.andi %ne3A_793, %ne3A_796 : i1
      %sub3A_798 = arith.constant 1 : i32
      %sub3A_799 = arith.subi %div3A_778, %sub3A_798 : i32
      %select_n3A_800 = arith.select %and3A_797, %sub3A_799, %div3A_778 : i32
      %while3A_801 = arith.constant 0 : i32
      %while3A_802 = arith.subi %select_n3A_800, %select_n3A_772 : i32
      %while3A_803 = arith.addi %select_n3A_772, %while3A_802 : i32
      %while3A_804 = arith.constant 1 : i32
      %while3A_805 = arith.divsi %while3A_802, %while3A_804 : i32
      %while3A_806 = arith.muli %while3A_805, %while3A_804 : i32
      %while3A_807 = arith.addi %select_n3A_772, %while3A_806 : i32
      %while3A_808 = arith.constant 1 : i32
      scf.for %while3A_810 = %select_n3A_772 to %while3A_807 step %while3A_808  : i32 {
        %mul3A_811 = arith.constant 256 : i32
        %mul3A_812 = arith.muli %while3A_810, %mul3A_811 : i32
        %max3A = arith.maxsi %select_n3A_683, %mul3A_812 : i32
        %add3A_813 = arith.constant 1 : i32
        %add3A_814 = arith.addi %while3A_810, %add3A_813 : i32
        %mul3A_815 = arith.constant 256 : i32
        %mul3A_816 = arith.muli %add3A_814, %mul3A_815 : i32
        %min3A_817 = arith.minsi %select_n3A_746, %mul3A_816 : i32
        %parallel_loop3A = arith.constant 1 : i32
        scf.for %parallel_loop3A_824 = %max3A to %min3A_817 step %parallel_loop3A  : i32 {
          %parallel_loop3A_825 = vector.broadcast %parallel_loop3A_824 : i32 to vector<16xi32>
          %parallel_loop3A_826 = tpu.vector_load_idx %arg6[%parallel_loop3A_825] : memref<3328xi32, #tpu.memory_space<vmem>>[vector<16xi32>], vector<16xi32>,
          %parallel_loop3A_827 = vector.broadcast %mul3A_748 : i32 to vector<16xi32>
          %parallel_loop3A_828 = arith.subi %parallel_loop3A_826, %parallel_loop3A_827 : vector<16xi32>
          %parallel_loop3A_829 = arith.constant 256 : i32
          %parallel_loop3A_830 = arith.constant 0 : i32
          %parallel_loop3A_831 = arith.cmpi eq, %parallel_loop3A_829, %parallel_loop3A_830 : i32
          %parallel_loop3A_832 = arith.constant 1 : i32
          %parallel_loop3A_833 = arith.select %parallel_loop3A_831, %parallel_loop3A_832, %parallel_loop3A_829 : i32
          %parallel_loop3A_834 = arith.remsi %parallel_loop3A_824, %parallel_loop3A_833 : i32
          %parallel_loop3A_835 = arith.constant 0 : i32
          %parallel_loop3A_836 = arith.cmpi ne, %parallel_loop3A_834, %parallel_loop3A_835 : i32
          %parallel_loop3A_837 = arith.constant 0 : i32
          %parallel_loop3A_838 = arith.cmpi slt, %parallel_loop3A_834, %parallel_loop3A_837 : i32
          %parallel_loop3A_839 = arith.constant 0 : i32
          %parallel_loop3A_840 = arith.cmpi slt, %parallel_loop3A_833, %parallel_loop3A_839 : i32
          %parallel_loop3A_841 = arith.xori %parallel_loop3A_838, %parallel_loop3A_840 : i1
          %parallel_loop3A_842 = arith.andi %parallel_loop3A_841, %parallel_loop3A_836 : i1
          %parallel_loop3A_843 = arith.addi %parallel_loop3A_834, %parallel_loop3A_833 : i32
          %parallel_loop3A_844 = arith.select %parallel_loop3A_842, %parallel_loop3A_843, %parallel_loop3A_834 : i32
          %parallel_loop3A_845 = vector.broadcast %parallel_loop3A_844 : i32 to vector<16xi32>
          %parallel_loop3A_846 = arith.constant 0 : i32
          %parallel_loop3A_847 = vector.broadcast %parallel_loop3A_846 : i32 to vector<16xi32>
          %parallel_loop3A_848 = arith.addi %iota3A, %parallel_loop3A_847 : vector<16xi32>
          %parallel_loop3A_849 = tpu.vector_load_idx %arg11[%parallel_loop3A_848, %parallel_loop3A_828] : memref<64x512xf32, #tpu.memory_space<vmem>>[vector<16xi32>, vector<16xi32>], vector<16xf32>,
          %parallel_loop3A_850 = arith.constant 0 : i32
          %parallel_loop3A_851 = vector.broadcast %parallel_loop3A_850 : i32 to vector<16xi32>
          %parallel_loop3A_852 = arith.addi %iota3A, %parallel_loop3A_851 : vector<16xi32>
          tpu.vector_store_idx %arg12[%parallel_loop3A_845, %parallel_loop3A_852], %parallel_loop3A_849 : memref<256x128xf32, #tpu.memory_space<vmem>>[vector<16xi32>, vector<16xi32>], vector<16xf32>,
          %parallel_loop3A_853 = arith.constant 16 : i32
          %parallel_loop3A_854 = vector.broadcast %parallel_loop3A_853 : i32 to vector<16xi32>
          %parallel_loop3A_855 = arith.addi %iota3A, %parallel_loop3A_854 : vector<16xi32>
          %parallel_loop3A_856 = tpu.vector_load_idx %arg11[%parallel_loop3A_855, %parallel_loop3A_828] : memref<64x512xf32, #tpu.memory_space<vmem>>[vector<16xi32>, vector<16xi32>], vector<16xf32>,
          %parallel_loop3A_857 = arith.constant 16 : i32
          %parallel_loop3A_858 = vector.broadcast %parallel_loop3A_857 : i32 to vector<16xi32>
          %parallel_loop3A_859 = arith.addi %iota3A, %parallel_loop3A_858 : vector<16xi32>
          tpu.vector_store_idx %arg12[%parallel_loop3A_845, %parallel_loop3A_859], %parallel_loop3A_856 : memref<256x128xf32, #tpu.memory_space<vmem>>[vector<16xi32>, vector<16xi32>], vector<16xf32>,
          %parallel_loop3A_860 = arith.constant 32 : i32
          %parallel_loop3A_861 = vector.broadcast %parallel_loop3A_860 : i32 to vector<16xi32>
          %parallel_loop3A_862 = arith.addi %iota3A, %parallel_loop3A_861 : vector<16xi32>
          %parallel_loop3A_863 = tpu.vector_load_idx %arg11[%parallel_loop3A_862, %parallel_loop3A_828] : memref<64x512xf32, #tpu.memory_space<vmem>>[vector<16xi32>, vector<16xi32>], vector<16xf32>,
          %parallel_loop3A_864 = arith.constant 32 : i32
          %parallel_loop3A_865 = vector.broadcast %parallel_loop3A_864 : i32 to vector<16xi32>
          %parallel_loop3A_866 = arith.addi %iota3A, %parallel_loop3A_865 : vector<16xi32>
          tpu.vector_store_idx %arg12[%parallel_loop3A_845, %parallel_loop3A_866], %parallel_loop3A_863 : memref<256x128xf32, #tpu.memory_space<vmem>>[vector<16xi32>, vector<16xi32>], vector<16xf32>,
          %parallel_loop3A_867 = arith.constant 48 : i32
          %parallel_loop3A_868 = vector.broadcast %parallel_loop3A_867 : i32 to vector<16xi32>
          %parallel_loop3A_869 = arith.addi %iota3A, %parallel_loop3A_868 : vector<16xi32>
          %parallel_loop3A_870 = tpu.vector_load_idx %arg11[%parallel_loop3A_869, %parallel_loop3A_828] : memref<64x512xf32, #tpu.memory_space<vmem>>[vector<16xi32>, vector<16xi32>], vector<16xf32>,
          %parallel_loop3A_871 = arith.constant 48 : i32
          %parallel_loop3A_872 = vector.broadcast %parallel_loop3A_871 : i32 to vector<16xi32>
          %parallel_loop3A_873 = arith.addi %iota3A, %parallel_loop3A_872 : vector<16xi32>
          tpu.vector_store_idx %arg12[%parallel_loop3A_845, %parallel_loop3A_873], %parallel_loop3A_870 : memref<256x128xf32, #tpu.memory_space<vmem>>[vector<16xi32>, vector<16xi32>], vector<16xf32>,
        } {sc.loop_unroll_factor = 8 : i64, sc.parallel_access}
        %add3A_818 = arith.constant 1 : i32
        %add3A_819 = arith.addi %while3A_810, %add3A_818 : i32
        %mul3A_820 = arith.constant 256 : i32
        %mul3A_821 = arith.muli %add3A_819, %mul3A_820 : i32
        %eq3A_822 = arith.cmpi eq, %min3A_817, %mul3A_821 : i32
        %convert_element_type3A = arith.extui %eq3A_822 : i1 to i32
        %cond3A = arith.constant 0 : i32
        %cond3A_823 = arith.cmpi ne, %convert_element_type3A, %cond3A : i32
        scf.if %cond3A_823 {
          %dma_start3A_824 = arith.constant 0 : i32
          %dma_start3A_825 = arith.constant 0 : i32
          %dma_start3A_826 = tpu.memref_slice %arg7[%while3A_810, %dma_start3A_824, %dma_start3A_825] : memref<13x1x256xi32, #tpu.memory_space<vmem>> -> memref<1x1x256xi32, #tpu.memory_space<vmem>>
          %dma_start3A_827 = tpu.memref_squeeze %dma_start3A_826 : memref<1x1x256xi32, #tpu.memory_space<vmem>> -> memref<256xi32, #tpu.memory_space<vmem>>
          %dma_start3A_828 = arith.constant 0 : i32
          %dma_start3A_829 = arith.constant 0 : i32
          %dma_start3A_830 = tpu.memref_slice %arg5[%dma_start3A_828, %dma_start3A_829] : memref<106496x128xf32, #tpu.memory_space<hbm>> -> memref<106496x128xf32, #tpu.memory_space<hbm>>
          tpu.enqueue_indirect_dma source(%arg12 : memref<256x128xf32, #tpu.memory_space<vmem>>) target(%dma_start3A_830 : memref<106496x128xf32, #tpu.memory_space<hbm>>) offsets(%dma_start3A_827 : memref<256xi32, #tpu.memory_space<vmem>>) semaphore(%arg15 : memref<!tpu.dma_semaphore, #tpu.memory_space<semaphore_mem>>)
          %dma_wait3A_831 = arith.constant 0 : i32
          %dma_wait3A_832 = arith.constant 0 : i32
          %dma_wait3A_833 = tpu.memref_slice %arg7[%while3A_810, %dma_wait3A_831, %dma_wait3A_832] : memref<13x1x256xi32, #tpu.memory_space<vmem>> -> memref<1x1x256xi32, #tpu.memory_space<vmem>>
          %dma_wait3A_834 = tpu.memref_squeeze %dma_wait3A_833 : memref<1x1x256xi32, #tpu.memory_space<vmem>> -> memref<256xi32, #tpu.memory_space<vmem>>
          %dma_wait3A_835 = arith.constant 0 : i32
          %dma_wait3A_836 = arith.constant 0 : i32
          %dma_wait3A_837 = tpu.memref_slice %arg5[%dma_wait3A_835, %dma_wait3A_836] : memref<106496x128xf32, #tpu.memory_space<hbm>> -> memref<106496x128xf32, #tpu.memory_space<hbm>>
          tpu.wait_indirect_dma semaphore(%arg15 : memref<!tpu.dma_semaphore, #tpu.memory_space<semaphore_mem>>) src(%arg12 : memref<256x128xf32, #tpu.memory_space<vmem>>) dst(%dma_wait3A_837 : memref<106496x128xf32, #tpu.memory_space<hbm>>)
        } else {
        }
      }
      %while3A_809 = arith.constant 1 : i32
      scf.for %while3A_810 = %while3A_807 to %while3A_803 step %while3A_809  : i32 {
        %mul3A_811 = arith.constant 256 : i32
        %mul3A_812 = arith.muli %while3A_810, %mul3A_811 : i32
        %max3A = arith.maxsi %select_n3A_683, %mul3A_812 : i32
        %add3A_813 = arith.constant 1 : i32
        %add3A_814 = arith.addi %while3A_810, %add3A_813 : i32
        %mul3A_815 = arith.constant 256 : i32
        %mul3A_816 = arith.muli %add3A_814, %mul3A_815 : i32
        %min3A_817 = arith.minsi %select_n3A_746, %mul3A_816 : i32
        %parallel_loop3A = arith.constant 1 : i32
        scf.for %parallel_loop3A_824 = %max3A to %min3A_817 step %parallel_loop3A  : i32 {
          %parallel_loop3A_825 = vector.broadcast %parallel_loop3A_824 : i32 to vector<16xi32>
          %parallel_loop3A_826 = tpu.vector_load_idx %arg6[%parallel_loop3A_825] : memref<3328xi32, #tpu.memory_space<vmem>>[vector<16xi32>], vector<16xi32>,
          %parallel_loop3A_827 = vector.broadcast %mul3A_748 : i32 to vector<16xi32>
          %parallel_loop3A_828 = arith.subi %parallel_loop3A_826, %parallel_loop3A_827 : vector<16xi32>
          %parallel_loop3A_829 = arith.constant 256 : i32
          %parallel_loop3A_830 = arith.constant 0 : i32
          %parallel_loop3A_831 = arith.cmpi eq, %parallel_loop3A_829, %parallel_loop3A_830 : i32
          %parallel_loop3A_832 = arith.constant 1 : i32
          %parallel_loop3A_833 = arith.select %parallel_loop3A_831, %parallel_loop3A_832, %parallel_loop3A_829 : i32
          %parallel_loop3A_834 = arith.remsi %parallel_loop3A_824, %parallel_loop3A_833 : i32
          %parallel_loop3A_835 = arith.constant 0 : i32
          %parallel_loop3A_836 = arith.cmpi ne, %parallel_loop3A_834, %parallel_loop3A_835 : i32
          %parallel_loop3A_837 = arith.constant 0 : i32
          %parallel_loop3A_838 = arith.cmpi slt, %parallel_loop3A_834, %parallel_loop3A_837 : i32
          %parallel_loop3A_839 = arith.constant 0 : i32
          %parallel_loop3A_840 = arith.cmpi slt, %parallel_loop3A_833, %parallel_loop3A_839 : i32
          %parallel_loop3A_841 = arith.xori %parallel_loop3A_838, %parallel_loop3A_840 : i1
          %parallel_loop3A_842 = arith.andi %parallel_loop3A_841, %parallel_loop3A_836 : i1
          %parallel_loop3A_843 = arith.addi %parallel_loop3A_834, %parallel_loop3A_833 : i32
          %parallel_loop3A_844 = arith.select %parallel_loop3A_842, %parallel_loop3A_843, %parallel_loop3A_834 : i32
          %parallel_loop3A_845 = vector.broadcast %parallel_loop3A_844 : i32 to vector<16xi32>
          %parallel_loop3A_846 = arith.constant 0 : i32
          %parallel_loop3A_847 = vector.broadcast %parallel_loop3A_846 : i32 to vector<16xi32>
          %parallel_loop3A_848 = arith.addi %iota3A, %parallel_loop3A_847 : vector<16xi32>
          %parallel_loop3A_849 = tpu.vector_load_idx %arg11[%parallel_loop3A_848, %parallel_loop3A_828] : memref<64x512xf32, #tpu.memory_space<vmem>>[vector<16xi32>, vector<16xi32>], vector<16xf32>,
          %parallel_loop3A_850 = arith.constant 0 : i32
          %parallel_loop3A_851 = vector.broadcast %parallel_loop3A_850 : i32 to vector<16xi32>
          %parallel_loop3A_852 = arith.addi %iota3A, %parallel_loop3A_851 : vector<16xi32>
          tpu.vector_store_idx %arg12[%parallel_loop3A_845, %parallel_loop3A_852], %parallel_loop3A_849 : memref<256x128xf32, #tpu.memory_space<vmem>>[vector<16xi32>, vector<16xi32>], vector<16xf32>,
          %parallel_loop3A_853 = arith.constant 16 : i32
          %parallel_loop3A_854 = vector.broadcast %parallel_loop3A_853 : i32 to vector<16xi32>
          %parallel_loop3A_855 = arith.addi %iota3A, %parallel_loop3A_854 : vector<16xi32>
          %parallel_loop3A_856 = tpu.vector_load_idx %arg11[%parallel_loop3A_855, %parallel_loop3A_828] : memref<64x512xf32, #tpu.memory_space<vmem>>[vector<16xi32>, vector<16xi32>], vector<16xf32>,
          %parallel_loop3A_857 = arith.constant 16 : i32
          %parallel_loop3A_858 = vector.broadcast %parallel_loop3A_857 : i32 to vector<16xi32>
          %parallel_loop3A_859 = arith.addi %iota3A, %parallel_loop3A_858 : vector<16xi32>
          tpu.vector_store_idx %arg12[%parallel_loop3A_845, %parallel_loop3A_859], %parallel_loop3A_856 : memref<256x128xf32, #tpu.memory_space<vmem>>[vector<16xi32>, vector<16xi32>], vector<16xf32>,
          %parallel_loop3A_860 = arith.constant 32 : i32
          %parallel_loop3A_861 = vector.broadcast %parallel_loop3A_860 : i32 to vector<16xi32>
          %parallel_loop3A_862 = arith.addi %iota3A, %parallel_loop3A_861 : vector<16xi32>
          %parallel_loop3A_863 = tpu.vector_load_idx %arg11[%parallel_loop3A_862, %parallel_loop3A_828] : memref<64x512xf32, #tpu.memory_space<vmem>>[vector<16xi32>, vector<16xi32>], vector<16xf32>,
          %parallel_loop3A_864 = arith.constant 32 : i32
          %parallel_loop3A_865 = vector.broadcast %parallel_loop3A_864 : i32 to vector<16xi32>
          %parallel_loop3A_866 = arith.addi %iota3A, %parallel_loop3A_865 : vector<16xi32>
          tpu.vector_store_idx %arg12[%parallel_loop3A_845, %parallel_loop3A_866], %parallel_loop3A_863 : memref<256x128xf32, #tpu.memory_space<vmem>>[vector<16xi32>, vector<16xi32>], vector<16xf32>,
          %parallel_loop3A_867 = arith.constant 48 : i32
          %parallel_loop3A_868 = vector.broadcast %parallel_loop3A_867 : i32 to vector<16xi32>
          %parallel_loop3A_869 = arith.addi %iota3A, %parallel_loop3A_868 : vector<16xi32>
          %parallel_loop3A_870 = tpu.vector_load_idx %arg11[%parallel_loop3A_869, %parallel_loop3A_828] : memref<64x512xf32, #tpu.memory_space<vmem>>[vector<16xi32>, vector<16xi32>], vector<16xf32>,
          %parallel_loop3A_871 = arith.constant 48 : i32
          %parallel_loop3A_872 = vector.broadcast %parallel_loop3A_871 : i32 to vector<16xi32>
          %parallel_loop3A_873 = arith.addi %iota3A, %parallel_loop3A_872 : vector<16xi32>
          tpu.vector_store_idx %arg12[%parallel_loop3A_845, %parallel_loop3A_873], %parallel_loop3A_870 : memref<256x128xf32, #tpu.memory_space<vmem>>[vector<16xi32>, vector<16xi32>], vector<16xf32>,
        } {sc.loop_unroll_factor = 8 : i64, sc.parallel_access}
        %add3A_818 = arith.constant 1 : i32
        %add3A_819 = arith.addi %while3A_810, %add3A_818 : i32
        %mul3A_820 = arith.constant 256 : i32
        %mul3A_821 = arith.muli %add3A_819, %mul3A_820 : i32
        %eq3A_822 = arith.cmpi eq, %min3A_817, %mul3A_821 : i32
        %convert_element_type3A = arith.extui %eq3A_822 : i1 to i32
        %cond3A = arith.constant 0 : i32
        %cond3A_823 = arith.cmpi ne, %convert_element_type3A, %cond3A : i32
        scf.if %cond3A_823 {
          %dma_start3A_824 = arith.constant 0 : i32
          %dma_start3A_825 = arith.constant 0 : i32
          %dma_start3A_826 = tpu.memref_slice %arg7[%while3A_810, %dma_start3A_824, %dma_start3A_825] : memref<13x1x256xi32, #tpu.memory_space<vmem>> -> memref<1x1x256xi32, #tpu.memory_space<vmem>>
          %dma_start3A_827 = tpu.memref_squeeze %dma_start3A_826 : memref<1x1x256xi32, #tpu.memory_space<vmem>> -> memref<256xi32, #tpu.memory_space<vmem>>
          %dma_start3A_828 = arith.constant 0 : i32
          %dma_start3A_829 = arith.constant 0 : i32
          %dma_start3A_830 = tpu.memref_slice %arg5[%dma_start3A_828, %dma_start3A_829] : memref<106496x128xf32, #tpu.memory_space<hbm>> -> memref<106496x128xf32, #tpu.memory_space<hbm>>
          tpu.enqueue_indirect_dma source(%arg12 : memref<256x128xf32, #tpu.memory_space<vmem>>) target(%dma_start3A_830 : memref<106496x128xf32, #tpu.memory_space<hbm>>) offsets(%dma_start3A_827 : memref<256xi32, #tpu.memory_space<vmem>>) semaphore(%arg15 : memref<!tpu.dma_semaphore, #tpu.memory_space<semaphore_mem>>)
          %dma_wait3A_831 = arith.constant 0 : i32
          %dma_wait3A_832 = arith.constant 0 : i32
          %dma_wait3A_833 = tpu.memref_slice %arg7[%while3A_810, %dma_wait3A_831, %dma_wait3A_832] : memref<13x1x256xi32, #tpu.memory_space<vmem>> -> memref<1x1x256xi32, #tpu.memory_space<vmem>>
          %dma_wait3A_834 = tpu.memref_squeeze %dma_wait3A_833 : memref<1x1x256xi32, #tpu.memory_space<vmem>> -> memref<256xi32, #tpu.memory_space<vmem>>
          %dma_wait3A_835 = arith.constant 0 : i32
          %dma_wait3A_836 = arith.constant 0 : i32
          %dma_wait3A_837 = tpu.memref_slice %arg5[%dma_wait3A_835, %dma_wait3A_836] : memref<106496x128xf32, #tpu.memory_space<hbm>> -> memref<106496x128xf32, #tpu.memory_space<hbm>>
          tpu.wait_indirect_dma semaphore(%arg15 : memref<!tpu.dma_semaphore, #tpu.memory_space<semaphore_mem>>) src(%arg12 : memref<256x128xf32, #tpu.memory_space<vmem>>) dst(%dma_wait3A_837 : memref<106496x128xf32, #tpu.memory_space<hbm>>)
        } else {
        }
      }
    }
    %dma_wait3A = arith.constant 0 : i32
    %dma_wait3A_152 = arith.constant 0 : i32
    %dma_wait3A_153 = tpu.memref_slice %arg2[%dma_wait3A, %dma_wait3A_152] : memref<64x1000000xf32, #tpu.memory_space<hbm>> -> memref<64x512xf32, #tpu.memory_space<hbm>>
    %dma_wait3A_154 = arith.constant 0 : i32
    %dma_wait3A_155 = arith.constant 0 : i32
    %dma_wait3A_156 = tpu.memref_slice %arg2[%dma_wait3A_154, %dma_wait3A_155] : memref<64x1000000xf32, #tpu.memory_space<hbm>> -> memref<64x512xf32, #tpu.memory_space<hbm>>
    tpu.wait_dma2 semaphore(%arg13 : memref<!tpu.dma_semaphore, #tpu.memory_space<semaphore_mem>>) src(%dma_wait3A_156 : memref<64x512xf32, #tpu.memory_space<hbm>>) dst(%arg10 : memref<64x512xf32, #tpu.memory_space<vmem>>)
    return
  }
}

</mosaic_0001>

<sc_bundles>
// kernel: kernel.3.cloned.1.call-start
scs
__scs_entry_jumppad:
0x0: {  	(pc) =	sbr.rel $0x88, $3  }
0x1: {  	(tag) =	ssettag $0x0;
	lr =	simm.s32 $0x1  }
0x2: {  	[smem:$0x3F9F] =	sst lr;
	_ =	strace $0xD0000000  }
0x3: {  	_ = 	snop  }
0x4: {  	_ = 	snop  }
0x5: {  	_ = 	snop  }
0x6: {  	_ = 	snop  }
0x7: {  	_ = 	snop  }
__scs_overlays_trampoline_lowered:
0x8: {  	[smem:$0x3FAE] =	sst s0  }
0x9: {  	[smem:$0x3FAF] =	sst s1  }
0xa: {  	[smem:$0x3FB0] =	sst s2  }
0xb: {  	[smem:$0x3FB1] =	sst s3  }
0xc: {  	[smem:$0x3FB2] =	sst s4  }
0xd: {  	[smem:$0x3FB3] =	sst s5  }
0xe: {  	[smem:$0x3FB4] =	sst s6  }
0xf: {  	[smem:$0x3FB5] =	sst s7  }
0x10: {  	[smem:$0x3FB6] =	sst s8  }
0x11: {  	[smem:$0x3FB7] =	sst s9;
	s0 =	simm.s32 @!p0 $0x0  }
0x12: {  	s1 =	sld [smem:$0x3F9D];
	s0 =	simm.s32 @p0 $0x1  }
0x13: {  	[smem:$0x3FB8] =	sst s0;
	s0 =	simm.s32 @!p1 $0x0  }
0x14: {  	s2 =	sld [smem:$0x3F9C];
	s0 =	simm.s32 @p1 $0x1  }
0x15: {  	[smem:$0x3FB9] =	sst s0;
	s0 =	simm.s32 @!p2 $0x0  }
0x16: {  	s3 =	sld [smem:$0x3FDB];
	s0 =	simm.s32 @p2 $0x1  }
0x17: {  	s4 =	simm.s32 $0x1BF5;
	[smem:$0x3FBB] =	sst s0  }
0x18: {  	s0 =	sld [smem:$0x3F9E];
	_ =	swait.ge [sflag:s4], $0x0  }
0x19: {  	s7 =	sld [smem:$0x3F9F]  }
0x1a: {  	s8 =	sadd.s32 $0xFFFFE003, lr  }
0x1b: {  	s9 =	sadd.s32 $0xFFFFFEF7, lr;
	s5 =	simm.s32 $0xFFFFFFFF;
	p2 =	slt.u32 s8, $0xFFFFF086  }
0x1c: {  	p1 =	slt.u32 s9, $0xF7A;
	s5 =	simm.s32 @!p2 $0x0  }
0x1d: {  	s5 =	simm.s32 @p1 $0x1;
	p0 =	seq.s32 s7, s2  }
0x1e: {  	s7 =	smul.u32 @!p0 $0xF7A, s2;
	p2 =	seq.s32 @!p0 s5, $0x0  }
0x1f: {  	s9 =	smul.u32 $0xF7A, s1;
	s8 =	simm.s32 @!p0 $0x1BF5;
	p2 =	por !p2, p0  }
0x20: {  	[sflag:s8] =	ssyncset.s32 @!p0 $0xFFFFF086;
	s6 =	sadd.s32 @!p0 s3, s7;
	s7 =	simm.s32 @!p0 $0x108  }
0x21: {  	s3 =	sadd.s32 s3, s9;
	s6 =	sadd.s32 @!p0 $0x88, s6;
	s7 =	simm.s32 @p2 $0x1082  }
0x22: {  	[simem:s7], [sflag:s8] =	dma.local @!p0 [hbm:s6], $0xF7A  }
0x23: {  	s9 =	sor.u32 $0xD0000000, s2;
	s6 =	simm.s32 $0x108;
	_ =	swait.ge @!p0 [sflag:s8], $0x0  }
0x24: {  	s3 =	sadd.s32 $0x88, s3;
	s6 =	simm.s32 @!p1 $0x1082;
	[sflag:s4] =	ssyncset.s32 $0xFFFFF086  }
0x25: {  	[simem:s6], [sflag:s4] =	dma.local [hbm:s3], $0xF7A  }
0x26: {  	[smem:$0x3F9F] =	sst s1;
	(tag) =	ssettag s2;
	_ =	strace s9  }
0x27: {  	s1 =	sld [smem:$0x3FAF]  }
0x28: {  	s2 =	sld [smem:$0x3FB0]  }
0x29: {  	s4 =	sld [smem:$0x3FB2]  }
0x2a: {  	p0 =	seq.s32 s5, $0x0;
	s5 =	sld [smem:$0x3FB3]  }
0x2b: {  	s6 =	sld [smem:$0x3FB4]  }
0x2c: {  	s7 =	sld [smem:$0x3FB5]  }
0x2d: {  	s3 =	simm.s32 $0x108;
	s8 =	sld [smem:$0x3FB6]  }
0x2e: {  	s3 =	simm.s32 @!p0 $0x1082;
	s9 =	sld [smem:$0x3FB7]  }
0x2f: {  	lr =	sadd.s32 s0, s3;
	s0 =	sld [smem:$0x3FAE]  }
0x30: {  	s3 =	sld [smem:$0x3FB1]  }
0x31: {  	[smem:$0x3FBA] =	sst s10  }
0x32: {  	s10 =	sld [smem:$0x3FB8];
	_ =	sdelay $0x3  }
0x33: {  	p0 =	seq.s32 s10, $0x1;
	s10 =	sld [smem:$0x3FBA];
	_ =	sdelay $0x3  }
0x34: {  	[smem:$0x3FBA] =	sst s10  }
0x35: {  	s10 =	sld [smem:$0x3FB9];
	_ =	sdelay $0x3  }
0x36: {  	p1 =	seq.s32 s10, $0x1;
	s10 =	sld [smem:$0x3FBA];
	_ =	sdelay $0x3  }
0x37: {  	[smem:$0x3FBA] =	sst s10  }
0x38: {  	s10 =	sld [smem:$0x3FBB]  }
0x39: {  	_ = 	snop;
	(pc) =	sbr.ind lr, $3  }
0x3a: {  	_ = 	snop  }
0x3b: {  	_ = 	snop  }
0x3c: {  	p2 =	seq.s32 s10, $0x1;
	s10 =	sld [smem:$0x3FBA]  }
0x3d: {  	_ =	shalt  }
0x3e: {  	_ =	shalt  }
0x3f: {  	_ =	shalt  }
0x40: {  	_ =	shalt  }
0x41: {  	_ =	shalt  }
0x42: {  	_ =	shalt  }
0x43: {  	_ =	shalt  }
0x44: {  	_ =	shalt  }
0x45: {  	_ =	shalt  }
0x46: {  	_ =	shalt  }
0x47: {  	_ =	shalt  }
0x48: {  	_ =	shalt  }
0x49: {  	_ =	shalt  }
0x4a: {  	_ =	shalt  }
0x4b: {  	_ =	shalt  }
0x4c: {  	_ =	shalt  }
0x4d: {  	_ =	shalt  }
0x4e: {  	_ =	shalt  }
0x4f: {  	_ =	shalt  }
0x50: {  	_ =	shalt  }
0x51: {  	_ =	shalt  }
0x52: {  	_ =	shalt  }
0x53: {  	_ =	shalt  }
0x54: {  	_ =	shalt  }
0x55: {  	_ =	shalt  }
0x56: {  	_ =	shalt  }
0x57: {  	_ =	shalt  }
0x58: {  	_ =	shalt  }
0x59: {  	_ =	shalt  }
0x5a: {  	_ =	shalt  }
0x5b: {  	_ =	shalt  }
0x5c: {  	_ =	shalt  }
0x5d: {  	_ =	shalt  }
0x5e: {  	_ =	shalt  }
0x5f: {  	_ =	shalt  }
0x60: {  	_ =	shalt  }
0x61: {  	_ =	shalt  }
0x62: {  	_ =	shalt  }
0x63: {  	_ =	shalt  }
0x64: {  	_ =	shalt  }
0x65: {  	_ =	shalt  }
0x66: {  	_ =	shalt  }
0x67: {  	_ =	shalt  }
0x68: {  	_ =	shalt  }
0x69: {  	_ =	shalt  }
0x6a: {  	_ =	shalt  }
0x6b: {  	_ =	shalt  }
0x6c: {  	_ =	shalt  }
0x6d: {  	_ =	shalt  }
0x6e: {  	_ =	shalt  }
0x6f: {  	_ =	shalt  }
0x70: {  	_ =	shalt  }
0x71: {  	_ =	shalt  }
0x72: {  	_ =	shalt  }
0x73: {  	_ =	shalt  }
0x74: {  	_ =	shalt  }
0x75: {  	_ =	shalt  }
0x76: {  	_ =	shalt  }
0x77: {  	_ =	shalt  }
0x78: {  	_ =	shalt  }
0x79: {  	_ =	shalt  }
0x7a: {  	_ =	shalt  }
0x7b: {  	_ =	shalt  }
0x7c: {  	_ =	shalt  }
0x7d: {  	_ =	shalt  }
0x7e: {  	_ =	shalt  }
0x7f: {  	_ =	shalt  }
0x80: {  	_ =	shalt  }
0x81: {  	_ =	shalt  }
0x82: {  	_ =	shalt  }
0x83: {  	_ =	shalt  }
0x84: {  	_ =	shalt  }
0x85: {  	_ =	shalt  }
0x86: {  	_ =	shalt  }
0x87: {  	_ =	shalt  }
.Lfunc_end0:
.L_simem_size_0:
called_computation_lowered:
.L_overlay_start_0:
0x88: {  	s2 =	sld [smem:$0x3FD9]  }
0x89: {  	s3 =	sld [smem:$0x3FFE];
	_ =	sdelay $0x1  }
0x8a: {  	s1 =	srdreg.scid  }
0x8b: {  	s0 =	sand.u32 $0x1, s1  }
0x8c: {  	s17 =	sshll.u32 s0, $0xA;
	s2 =	sadd.s32 s3, s2  }
0x8d: {  	s2 =	sadd.s32 s2, s17  }
0x8e: {  	[smem:$0x3FC6] =	sst s2  }
0x8f: {  	_ = 	snop  }
0x90: {  	s2 =	sld [smem:$0x3FC8]  }
0x91: {  	s18 =	sld [smem:$0x3FD0];
	(tm) =	ssettm $0x1  }
0x92: {  	s4 =	sld [smem:$0x3FFB];
	_ =	sdelay $0x3  }
0x93: {  	_ =	strace s4  }
0x94: {  	s4 =	sld [smem:$0x3FFC];
	_ =	sdelay $0x3  }
0x95: {  	_ =	strace s4  }
0x96: {  	s4 =	sld [smem:$0x3FFD];
	_ =	sdelay $0x3  }
0x97: {  	_ =	strace s4  }
0x98: {  	_ =	strace $0x8FFFFFFF  }
0x99: {  	s19 =	sld [smem:$0x3FDB];
	_ =	sdelay $0x1  }
0x9a: {  	s5 =	simm.s32 $_scs_section_size  }
0x9b: {  	s6 =	simm.s32 $_size__tile_overlayer_lowered;
	s7 =	simm.s32 $_tile_overlayer_lowered  }
0x9c: {  	s22 =	simm.s32 $0x1BFF;
	s21 =	sshll.u32 s7, $0x1;
	s4 =	sadd.s32 s5, s19  }
0x9d: {  	s8 =	simm.s32 $0x0;
	s20 =	sshll.u32 s6, $0x1;
	s6 =	sadd.s32 s21, s4  }
0x9e: {  	[timem:s8], [sflag:s22] =	dma.local [hbm:s6], s20  }
0x9f: {  	_ =	swait.ge [sflag:s22], s20  }
0xa0: {  	s5 =	ssub.s32 $0x0, s20;
	[sflag:s22] =	ssyncset.done $0x0  }
0xa1: {  	[sflag:s22] =	ssyncadd.s32 s5;
	_ =	sdelay $0x1  }
0xa2: {  	s23 =	simm.s32 $0x1B8B  }
0xa3: {  	_ =	swait.ge [sflag:s23], $0x1  }
0xa4: {  	[sflag:s23] =	ssyncset.done $0x0  }
0xa5: {  	s25 =	simm.s32 $0x1B8E;
	s24 =	sld [smem:$0x3FFE];
	[sflag:s23] =	ssyncadd.s32 $0xFFFFFFFF  }
0xa6: {  	s26 =	simm.s32 $execute0_lowered;
	[smem:$0x3FD2] =	sst s25  }
0xa7: {  	s6 =	sshll.u32 s26, $0x1;
	_ =	strace $0x80000046;
	[dreg:$0x1] =	wrdreg $0xFFFFFFFF  }
0xa8: {  	s28 =	simm.s32 $_size_execute0_lowered;
	s4 =	sadd.s32 s4, s6;
	[dreg:$0x0] =	wrdreg $0x0  }
0xa9: {  	s6 =	sshll.u32 s28, $0x1;
	[dreg:$0x2] =	wrdreg s4  }
0xaa: {  	[dreg:$0x3] =	wrdreg s6  }
0xab: {  	[dreg:$0x4] =	wrdreg $0xC0  }
0xac: {  	_ =	task [dreg:s8], $0x5FFFF  }
0xad: {  	[dreg:$0x1] =	wrdreg $0xFFFFFFFF  }
0xae: {  	[dreg:$0x0] =	wrdreg $0x60  }
0xaf: {  	[dreg:$0x2] =	wrdreg s2  }
0xb0: {  	[dreg:$0x3] =	wrdreg s18  }
0xb1: {  	[dreg:$0x4] =	wrdreg s24  }
0xb2: {  	[dreg:$0x5] =	wrdreg $0x9  }
0xb3: {  	_ =	task.clear_ibuf [dreg:s8], $0x6FFFF;
	_ =	strace $0x90000046  }
0xb4: {  	s29 =	simm.s32 $0x9;
	_ =	strace $0x80000048  }
0xb5: {  	_ =	swait.ge [sflag:s29], $0x1  }
0xb6: {  	[sflag:s29] =	ssyncadd.s32 $0xFFFFFFFF  }
0xb7: {  	_ =	strace $0x90000048  }
0xb8: {  	_ =	sfence  }
0xb9: {  	s30 =	sld [smem:$0x0];
	_ =	sdelay $0x2  }
0xba: {  	s31 =	sshll.u32 s1, $0xD;
	s1 =	sshrl.u32 s1, $0x2  }
0xbb: {  	s3 =	sand.u32 $0x4000, s31;
	s1 =	sadd.s32 s1, s30  }
0xbc: {  	s0 =	sor.u32 s3, s0;
	s1 =	sshll.u32 s1, $0x11  }
0xbd: {  	s0 =	sor.u32 s1, s0  }
0xbe: {  	s0 =	sadd.s32 $0x8F2B, s0  }
0xbf: {  	[sflag:s0] =	ssyncadd.remote.s32 $0x1  }
0xc0: {  	_ =	sfence.sel $0xFFFF  }
0xc1: {  	[dreg:$0x0] =	wrdreg $0xFFFFFFFF;
	(pc) =	sbr.abs _section_cstart, $3  }
0xc2: {  	[dreg:$0x1] =	wrdreg $0xFFFFFFFF  }
0xc3: {  	_ =	task.clear_ibuf [dreg:s8], $0x2FFFF;
	_ =	strace $0x9FFFFFFF  }
0xc4: {  	(tm) =	ssettm $0x7FFFFFFF  }
0xc5: {  	_ =	shalt  }
tec
execute0_lowered:
.L_overlay_start_1:
0x0: {  	(tag) =	ssettag $0x1  }
0x1: {  	v0 =	vimm.s32 $0x1380;
	vm14 =	vcmask $0x300;
	vm13 =	vcmask $0x704  }
0x2: {  	vm12 =	vcmask $0xB08;
	vm11 =	vcmask $0xF0C;
	vm10 =	vcmask $0x1310  }
0x3: {  	vm9 =	vcmask $0x1714;
	vm8 =	vcmask $0x1B18;
	vm7 =	vcmask $0x1F1C  }
0x4: {  	vm6 =	vcmask $0x2320;
	vm5 =	vcmask $0x2724;
	vm4 =	vcmask $0x2B28  }
0x5: {  	v59 =	vlaneseq.u32;
	vm3 =	vcmask $0x2F2C;
	vm2 =	vcmask $0x3330  }
0x6: {  	vm0 =	vcmask $0x3734;
	v3 =	vimm.s32 $0x3380;
	vm1 =	vcmask $0x3B38  }
0x7: {  	v4 =	vimm.s32 $0x5380;
	v5 =	vimm.s32 $0x7380;
	v0 =	vsel vm14, $0x0, v0  }
0x8: {  	s0 =	srdreg.scid;
	s2 =	stileid.u32;
	v3 =	vsel vm14, $0x2000, v3;
	v4 =	vsel vm14, $0x4000, v4;
	v5 =	vsel vm14, $0x6000, v5  }
0x9: {  	s0 =	sand.u32 $0x1, s0;
	s2 =	sshll.u32 s2, $0x1;
	v9 =	vor.u32 $0x30, v59;
	v0 =	vsel vm13, $0x80, v0;
	v3 =	vsel vm13, $0x2080, v3  }
0xa: {  	s30 =	rddreg [dreg:$0x0];
	s2 =	sor.u32 s0, s2;
	v4 =	vsel vm13, $0x4080, v4;
	s0 =	ssub.s32 $0x2, s0;
	v5 =	vsel vm13, $0x6080, v5;
	v0 =	vsel vm12, $0x100, v0  }
0xb: {  	s1 =	rddreg [dreg:$0x1];
	s2 =	smul.u32 $0xD00, s2;
	v3 =	vsel vm12, $0x2100, v3;
	v4 =	vsel vm12, $0x4100, v4;
	s6 =	sshrl.u32 s0, $0x1;
	v5 =	vsel vm12, $0x6100, v5  }
0xc: {  	s5 =	rddreg [dreg:$0x2];
	s3 =	simm.s32 $0x0;
	v0 =	vsel vm11, $0x180, v0;
	v3 =	vsel vm11, $0x2180, v3;
	v4 =	vsel vm11, $0x4180, v4;
	s0 =	ssub.s32 s0, s6  }
0xd: {  	[smem:$0x7FF] =	sst s3;
	v5 =	vsel vm11, $0x6180, v5;
	v0 =	vsel vm10, $0x200, v0;
	s2 =	sshrl.u32 s2, $0x3;
	v3 =	vsel vm10, $0x2200, v3;
	s0 =	smax.u32 s0, $0x1  }
0xe: {  	_ =	strace $0x80000047;
	v4 =	vsel vm10, $0x4200, v4;
	v5 =	vsel vm10, $0x6200, v5;
	v0 =	vsel vm9, $0x280, v0;
	s1 =	sadd.s32 s1, s2;
	[dreg:$0x12] =	wrdreg s0  }
0xf: {  	s4 =	sadd.s32 $0x3400, s5;
	s5 =	sadd.s32 s5, s2;
	v3 =	vsel vm9, $0x2280, v3;
	v4 =	vsel vm9, $0x4280, v4;
	v5 =	vsel vm9, $0x6280, v5;
	[dreg:$0x5] =	wrdreg s1  }
0x10: {  	v0 =	vsel vm8, $0x300, v0;
	s17 =	sadd.s32 $0x20, s5;
	v3 =	vsel vm8, $0x2300, v3;
	v4 =	vsel vm8, $0x4300, v4;
	[dreg:$0x4] =	wrdreg s5  }
0x11: {  	s18 =	sadd.s32 $0x40, s5;
	v5 =	vsel vm8, $0x6300, v5;
	v0 =	vsel vm7, $0x380, v0;
	[dreg:$0x6] =	wrdreg s17;
	v3 =	vsel vm7, $0x2380, v3  }
0x12: {  	s19 =	sadd.s32 $0x60, s5;
	[dreg:$0x7] =	wrdreg s18;
	v4 =	vsel vm7, $0x4380, v4;
	v5 =	vsel vm7, $0x6380, v5;
	v0 =	vsel vm6, $0x1000, v0  }
0x13: {  	s20 =	sadd.s32 $0x80, s5;
	[dreg:$0x8] =	wrdreg s19;
	v3 =	vsel vm6, $0x3000, v3;
	v4 =	vsel vm6, $0x5000, v4;
	v5 =	vsel vm6, $0x7000, v5  }
0x14: {  	s21 =	sadd.s32 $0xA0, s5;
	[dreg:$0x9] =	wrdreg s20;
	v1 =	vsel vm5, $0x1080, v0;
	v3 =	vsel vm5, $0x3080, v3;
	v4 =	vsel vm5, $0x5080, v4  }
0x15: {  	s22 =	sadd.s32 $0xC0, s5;
	[dreg:$0xa] =	wrdreg s21;
	v5 =	vsel vm5, $0x7080, v5;
	v0 =	vadd.s32 $0xFFFFFFFF, v59;
	v2 =	vsel vm4, $0x1100, v1  }
0x16: {  	s23 =	sadd.s32 $0xE0, s5;
	[dreg:$0xb] =	wrdreg s22;
	v3 =	vsel vm4, $0x3100, v3;
	v4 =	vsel vm4, $0x5100, v4;
	v5 =	vsel vm4, $0x7100, v5  }
0x17: {  	s24 =	sadd.s32 $0x100, s5;
	[dreg:$0xc] =	wrdreg s23;
	v2 =	vsel vm3, $0x1180, v2;
	v3 =	vsel vm3, $0x3180, v3;
	v4 =	vsel vm3, $0x5180, v4  }
.Ltmp0:
0x18: {  	s25 =	sadd.s32 $0x120, s5;
	[dreg:$0xd] =	wrdreg s24;
	v5 =	vsel vm3, $0x7180, v5;
	v2 =	vsel vm2, $0x1200, v2;
	v3 =	vsel vm2, $0x3200, v3;
	(pc) =	sbr.rel .LBB2_1-.Ltmp0, $4  }
0x19: {  	s26 =	sadd.s32 $0x140, s5;
	[dreg:$0xe] =	wrdreg s25;
	v6 =	vsel vm2, $0x5200, v4;
	v7 =	vsel vm2, $0x7200, v5;
	v5 =	vor.u32 $0x10, v59  }
0x1a: {  	s28 =	simm.s32 $0x13500;
	s29 =	sadd.s32 $0x160, s5;
	[dreg:$0xf] =	wrdreg s26;
	v2 =	vsel vm0, $0x1280, v2;
	v3 =	vsel vm0, $0x3280, v3;
	v6 =	vsel vm0, $0x5280, v6  }
0x1b: {  	s2 =	simm.s32 $0x0;
	s31 =	sadd.s32 $0x180, s5;
	[dreg:$0x10] =	wrdreg s29;
	v8 =	vsel vm0, $0x7280, v7;
	v7 =	vor.u32 $0x20, v59;
	v2 =	vsel vm1, $0x1300, v2  }
0x1c: {  	[dreg:$0x11] =	wrdreg s31;
	s23 =	simm.s32 $0x3500;
	s26 =	simm.s32 $0xB500;
	[tilespmem:$0x1FFF0] =	vst v0;
	v3 =	vsel vm1, $0x3300, v3;
	v6 =	vsel vm1, $0x5300, v6;
	v8 =	vsel vm1, $0x7300, v8  }
.LBB2_26:
0x1d: {  	s1 =	simm.s32 $0x1  }
0x1e: {  	_ =	swait.ge [sflag:s1], $0x8000  }
0x1f: {  	s2 =	rddreg [dreg:$0x13]  }
0x20: {  	s0 =	rddreg [dreg:$0x12];
	s2 =	sadd.s32 $0x1, s2  }
0x21: {  	p0 =	sne.s32 s2, s0  }
.Ltmp1:
0x22: {  	_ = 	snop;
	(pc) =	sbr.rel @!p0 .LBB2_27-.Ltmp1, $3  }
0x23: {  	_ =	sdelay $0x1  }
0x24: {  	[sflag:s1] =	ssyncset.done $0x0  }
0x25: {  	v0 =	vld [tilespmem:$0x1FFF0];
	[sflag:s1] =	ssyncadd.s32 $0xFFFF8000  }
.LBB2_1:
0x26: {  	[dreg:$0x13] =	wrdreg s2  }
0x27: {  	s0 =	rddreg [dreg:$0x5];
	s1 =	simm.s32 $0x4  }
0x28: {  	[tilespmem:s3], [sflag:$0x4] =	stream.linear.gather [hbm4b:s0+s3], $0xD00, $0x38;
	[tilespmem:$0x1B500] =	vst v63  }
0x29: {  	_ =	swait.ge [sflag:s1], $0xD00  }
0x2a: {  	[sflag:s1] =	ssyncset.done $0x0  }
0x2b: {  	s25 =	simm.s32 $0xD00;
	s24 =	rddreg [dreg:$0x4];
	[sflag:s1] =	ssyncadd.s32 $0xFFFFF300  }
0x2c: {  	[tilespmem:s25], [sflag:$0x4] =	stream.linear.gather [hbm4b:s24+s3], $0x100, $0x38;
	[tilespmem:$0x1B500] =	vst v63  }
0x2d: {  	_ =	swait.ge [sflag:s1], $0x100  }
0x2e: {  	[sflag:s1] =	ssyncset.done $0x0  }
0x2f: {  	s31 =	simm.s32 $0xE00;
	s29 =	rddreg [dreg:$0x6];
	[sflag:s1] =	ssyncadd.s32 $0xFFFFFF00  }
0x30: {  	[tilespmem:s31], [sflag:$0x4] =	stream.linear.gather [hbm4b:s29+s3], $0x100, $0x38;
	[tilespmem:$0x1B500] =	vst v63  }
0x31: {  	_ =	swait.ge [sflag:s1], $0x100  }
0x32: {  	[sflag:s1] =	ssyncset.done $0x0  }
0x33: {  	s6 =	simm.s32 $0xF00;
	s5 =	rddreg [dreg:$0x7];
	[sflag:s1] =	ssyncadd.s32 $0xFFFFFF00  }
0x34: {  	[tilespmem:s6], [sflag:$0x4] =	stream.linear.gather [hbm4b:s5+s3], $0x100, $0x38;
	[tilespmem:$0x1B500] =	vst v63  }
0x35: {  	_ =	swait.ge [sflag:s1], $0x100  }
0x36: {  	[sflag:s1] =	ssyncset.done $0x0  }
0x37: {  	s8 =	simm.s32 $0x1000;
	s7 =	rddreg [dreg:$0x8];
	[sflag:s1] =	ssyncadd.s32 $0xFFFFFF00  }
0x38: {  	[tilespmem:s8], [sflag:$0x4] =	stream.linear.gather [hbm4b:s7+s3], $0x100, $0x38;
	[tilespmem:$0x1B500] =	vst v63  }
0x39: {  	_ =	swait.ge [sflag:s1], $0x100  }
0x3a: {  	[sflag:s1] =	ssyncset.done $0x0  }
0x3b: {  	s10 =	simm.s32 $0x1100;
	s9 =	rddreg [dreg:$0x9];
	[sflag:s1] =	ssyncadd.s32 $0xFFFFFF00  }
0x3c: {  	[tilespmem:s10], [sflag:$0x4] =	stream.linear.gather [hbm4b:s9+s3], $0x100, $0x38;
	[tilespmem:$0x1B500] =	vst v63  }
0x3d: {  	_ =	swait.ge [sflag:s1], $0x100  }
0x3e: {  	[sflag:s1] =	ssyncset.done $0x0  }
0x3f: {  	s12 =	simm.s32 $0x1200;
	s11 =	rddreg [dreg:$0xa];
	[sflag:s1] =	ssyncadd.s32 $0xFFFFFF00  }
0x40: {  	[tilespmem:s12], [sflag:$0x4] =	stream.linear.gather [hbm4b:s11+s3], $0x100, $0x38;
	[tilespmem:$0x1B500] =	vst v63  }
0x41: {  	_ =	swait.ge [sflag:s1], $0x100  }
0x42: {  	[sflag:s1] =	ssyncset.done $0x0  }
0x43: {  	s14 =	simm.s32 $0x1300;
	s13 =	rddreg [dreg:$0xb];
	[sflag:s1] =	ssyncadd.s32 $0xFFFFFF00  }
0x44: {  	[tilespmem:s14], [sflag:$0x4] =	stream.linear.gather [hbm4b:s13+s3], $0x100, $0x38;
	[tilespmem:$0x1B500] =	vst v63  }
0x45: {  	_ =	swait.ge [sflag:s1], $0x100  }
0x46: {  	[sflag:s1] =	ssyncset.done $0x0  }
0x47: {  	s16 =	simm.s32 $0x1400;
	s15 =	rddreg [dreg:$0xc];
	[sflag:s1] =	ssyncadd.s32 $0xFFFFFF00  }
0x48: {  	[tilespmem:s16], [sflag:$0x4] =	stream.linear.gather [hbm4b:s15+s3], $0x100, $0x38;
	[tilespmem:$0x1B500] =	vst v63  }
0x49: {  	_ =	swait.ge [sflag:s1], $0x100  }
0x4a: {  	[sflag:s1] =	ssyncset.done $0x0  }
0x4b: {  	s18 =	simm.s32 $0x1500;
	s17 =	rddreg [dreg:$0xd];
	[sflag:s1] =	ssyncadd.s32 $0xFFFFFF00  }
0x4c: {  	[tilespmem:s18], [sflag:$0x4] =	stream.linear.gather [hbm4b:s17+s3], $0x100, $0x38;
	[tilespmem:$0x1B500] =	vst v63  }
0x4d: {  	_ =	swait.ge [sflag:s1], $0x100  }
0x4e: {  	[sflag:s1] =	ssyncset.done $0x0  }
0x4f: {  	s20 =	simm.s32 $0x1600;
	s19 =	rddreg [dreg:$0xe];
	[sflag:s1] =	ssyncadd.s32 $0xFFFFFF00  }
0x50: {  	[tilespmem:s20], [sflag:$0x4] =	stream.linear.gather [hbm4b:s19+s3], $0x100, $0x38;
	[tilespmem:$0x1B500] =	vst v63  }
0x51: {  	_ =	swait.ge [sflag:s1], $0x100  }
0x52: {  	[sflag:s1] =	ssyncset.done $0x0  }
0x53: {  	s22 =	simm.s32 $0x1700;
	s21 =	rddreg [dreg:$0xf];
	[sflag:s1] =	ssyncadd.s32 $0xFFFFFF00  }
0x54: {  	[tilespmem:s22], [sflag:$0x4] =	stream.linear.gather [hbm4b:s21+s3], $0x100, $0x38;
	[tilespmem:$0x1B500] =	vst v63  }
0x55: {  	_ =	swait.ge [sflag:s1], $0x100  }
0x56: {  	[sflag:s1] =	ssyncset.done $0x0  }
0x57: {  	s25 =	simm.s32 $0x1800;
	s24 =	rddreg [dreg:$0x10];
	[sflag:s1] =	ssyncadd.s32 $0xFFFFFF00  }
0x58: {  	[tilespmem:s25], [sflag:$0x4] =	stream.linear.gather [hbm4b:s24+s3], $0x100, $0x38;
	[tilespmem:$0x1B500] =	vst v63  }
0x59: {  	_ =	swait.ge [sflag:s1], $0x100  }
0x5a: {  	v10 =	vadd.s32 s3, v0;
	[sflag:s1] =	ssyncset.done $0x0  }
0x5b: {  	vm0 =	vgt.s32 v10, $0x0;
	s31 =	simm.s32 $0x1900;
	s29 =	rddreg [dreg:$0x11];
	[sflag:s1] =	ssyncadd.s32 $0xFFFFFF00  }
0x5c: {  	v10 =	vnsel vm0, $0x0, v10;
	[tilespmem:s31], [sflag:$0x4] =	stream.linear.gather [hbm4b:s29+s3], $0x100, $0x38;
	[tilespmem:$0x1B500] =	vst v63  }
0x5d: {  	_ =	swait.ge [sflag:s1], $0x100  }
0x5e: {  	[sflag:s1] =	ssyncset.done $0x0  }
0x5f: {  	[sflag:s1] =	ssyncadd.s32 $0xFFFFFF00  }
0x60: {  	v11 =	vld [tilespmem:s3+$0x0]  }
0x61: {  	v10 =	vld.idx.msk [tilespmem:v10+s3+$0x0], $0xffff;
	_ =	sdelay $0x1  }
0x62: {  	s1 =	simm.s32 $0x10  }
0x63: {  	v12 =	vadd.s32 s1, v0  }
0x64: {  	v13 =	vmov s3;
	vm0 =	vgt.s32 v12, $0x0  }
0x65: {  	v12 =	vnsel vm0, $0x0, v12;
	v11 =	vshrl.u32 v11, $0x9;
	v10 =	vshrl.u32 v10, $0x9  }
0x66: {  	vm1 =	veq.s32 v13, v59;
	vm0 =	vne.s32 v11, v10  }
0x67: {  	vm0 =	vmor vm1, vm0  }
0x68: {  	v10 =	vor.u32 s3, v59;
	[tilespmem:s3+$0x1A00] =	vst.msk vm0, v11;
	v61 =	vmpcnt.ones.xlane vm0  }
0x69: {  	[tilespmem:s3+$0x2780] =	vst.msk vm0, v10  }
0x6a: {  	v11 =	vld.idx.msk [tilespmem:v12+s3+$0x0], $0xffff;
	v12 =	vxor.u32 $0x80000000, v61  }
0x6b: {  	(xrf0) =	vmax.scan.msk.u32 $0xffff, v12;
	_ =	sdelay $0x5  }
0x6c: {  	v63, _, _ =	vpop (xrf0)  }
0x6d: {  	(v2sf) =	vpush v63, $0xF;
	_ =	sdelay $0x1  }
0x6e: {  	v10 =	vld [tilespmem:s1+$0x0];
	_ =	sdelay $0x4  }
0x6f: {  	v62 =	vmov s1;
	v10 =	vshrl.u32 v10, $0x9;
	v11 =	vshrl.u32 v11, $0x9  }
0x70: {  	vm1 =	veq.s32 v62, v59;
	vm0 =	vne.s32 v10, v11  }
0x71: {  	vm0 =	vmor vm1, vm0  }
0x72: {  	v11 =	vmpcnt.ones.xlane vm0;
	_ =	sdelay $0x1  }
0x73: {  	v11 =	vxor.u32 $0x80000000, v11  }
0x74: {  	s0 =	simm.s32 $0x20;
	(xrf0) =	vmax.scan.msk.u32 $0xffff, v11  }
0x75: {  	s2 =	simm.s32 $0x10;
	s6 =	simm.s32 $0x30;
	s5 =	simm.s32 $0x0;
	v11 =	vadd.s32 s0, v0  }
.LBB2_2:
0x76: {  	p0 =	sne.s32 s6, $0xCF0;
	vm1 =	vgt.s32 v11, $0x0;
	s7 =	spop (v2sf)  }
0x77: {  	v11 =	vnsel vm1, $0x0, v11;
	s5 =	sadd.s32 s7, s5  }
0x78: {  	s5 =	sadd.s32 $0x80000000, s5  }
0x79: {  	v12 =	vor.u32 s1, v59;
	s1 =	smov.u32 s0;
	s0 =	smov.u32 s6;
	[tilespmem:s5+$0x1A00] =	vst.msk vm0, v10  }
0x7a: {  	[tilespmem:s5+$0x2780] =	vst.msk vm0, v12;
	v10, _, _ =	vpop (xrf0)  }
0x7b: {  	(v2sf) =	vpush v10, $0xF  }
0x7c: {  	s2 =	sadd.s32 $0x10, s2;
	v11 =	vld.idx.msk [tilespmem:v11+s3+$0x0], $0xffff  }
0x7d: {  	v10 =	vld [tilespmem:s2+$0x0];
	_ =	sdelay $0x4  }
0x7e: {  	v12 =	vmov s1;
	v11 =	vshrl.u32 v11, $0x9;
	v10 =	vshrl.u32 v10, $0x9  }
0x7f: {  	vm1 =	veq.s32 v12, v59;
	vm0 =	vne.s32 v10, v11  }
0x80: {  	vm0 =	vmor vm1, vm0  }
.Ltmp2:
0x81: {  	v11 =	vmpcnt.ones.xlane vm0;
	(pc) =	sbr.rel @p0 .LBB2_2-.Ltmp2, $4  }
0x82: {  	_ = 	snop  }
0x83: {  	v11 =	vxor.u32 $0x80000000, v11  }
0x84: {  	(xrf0) =	vmax.scan.msk.u32 $0xffff, v11  }
0x85: {  	s6 =	sadd.s32 $0x10, s6;
	v11 =	vadd.s32 s0, v0  }
0x86: {  	vm1 =	vgt.s32 v11, $0x0  }
0x87: {  	s6 =	spop (v2sf);
	v11 =	vnsel vm1, $0x0, v11  }
0x88: {  	s5 =	sadd.s32 s6, s5  }
0x89: {  	s5 =	sadd.s32 $0x80000000, s5  }
0x8a: {  	v12 =	vor.u32 s1, v59;
	[tilespmem:s5+$0x1A00] =	vst.msk vm0, v10  }
0x8b: {  	[tilespmem:s5+$0x2780] =	vst.msk vm0, v12  }
0x8c: {  	s12 =	sadd.s32 $0x10, s2;
	v10 =	vld.idx.msk [tilespmem:v11+s3+$0x0], $0xffff  }
0x8d: {  	v11 =	vld [tilespmem:s12+$0x0];
	_ =	sdelay $0x4  }
0x8e: {  	v63 =	vmov s0;
	v11 =	vshrl.u32 v11, $0x9;
	v10 =	vshrl.u32 v10, $0x9  }
0x8f: {  	vm14 =	veq.s32 v63, v59;
	vm13 =	vne.s32 v11, v10  }
0x90: {  	vm0 =	vmor vm14, vm13  }
0x91: {  	v10 =	vmpcnt.ones.xlane vm0;
	_ =	sdelay $0x1  }
0x92: {  	v10 =	vxor.u32 $0x80000000, v10  }
0x93: {  	(xrf0) =	vmax.scan.msk.u32 $0xffff, v10;
	_ =	sdelay $0x3  }
0x94: {  	v10, _, _ =	vpop (xrf0)  }
0x95: {  	(v2sf) =	vpush v10, $0xF  }
0x96: {  	v10, _, _ =	vpop (xrf0)  }
0x97: {  	(v2sf) =	vpush v10, $0xF;
	_ =	sdelay $0xc  }
0x98: {  	s13 =	spop (v2sf)  }
0x99: {  	s1 =	sadd.s32 s13, s5  }
0x9a: {  	s1 =	sadd.s32 $0x80000000, s1;
	s14 =	spop (v2sf)  }
0x9b: {  	s2 =	sadd.s32 s14, s1  }
0x9c: {  	s7 =	sadd.s32 $0x80000000, s2  }
0x9d: {  	s15 =	sadd.s32 $0xFFFFFFFF, s7  }
0x9e: {  	s16 =	sshra.s32 s15, $0x1F  }
0x9f: {  	s2 =	sand.u32 s16, s15  }
0xa0: {  	s5 =	ssub.s32 $0x0, s2  }
0xa1: {  	s17 =	sand.u32 $0xF, s5  }
0xa2: {  	s6 =	simm.s32 $0xFFFFFFFF;
	p0 =	sne.s32 s17, $0x0  }
0xa3: {  	s5 =	sshrl.u32 s5, $0x4;
	s6 =	simm.s32 @!p0 $0x0  }
0xa4: {  	v10 =	vor.u32 s0, v59;
	[tilespmem:s1+$0x1A00] =	vst.msk vm0, v11;
	s18 =	ssub.s32 s6, s5  }
0xa5: {  	v0 =	vimm.s32 $0xD00;
	[tilespmem:s1+$0x2780] =	vst.msk vm0, v10;
	s0 =	sshll.u32 s18, $0x6  }
0xa6: {  	[tilespmem:s7+$0x2780] =	vst v0;
	s0 =	sshra.s32 s0, $0x2  }
0xa7: {  	v10 =	vld [tilespmem:s0+$0x1A00];
	_ =	sdelay $0x2  }
0xa8: {  	s19 =	sand.u32 $0xF, s2  }
0xa9: {  	v11 =	vmov s19  }
0xaa: {  	vm15 =	veq.s32 v11, v59;
	v10 =	vxor.u32 $0x80000000, v10  }
0xab: {  	v10 =	vnsel vm15, $0x80000000, v10  }
0xac: {  	(xrf0) =	vmax.scan.msk.u32 $0xffff, v10;
	_ =	sdelay $0x5  }
0xad: {  	v10, _, _ =	vpop (xrf0)  }
0xae: {  	(v2sf) =	vpush v10, $0xF;
	_ =	sdelay $0xc  }
0xaf: {  	s21 =	simm.s32 $0x1000;
	s22 =	simm.s32 $0x7A1400  }
0xb0: {  	s1 =	simm.s32 $0x1;
	s24 =	sadd.s32 $0x1, s7;
	p0 =	slt.u32 s7, $0x7FFFFFFF  }
0xb1: {  	s25 =	sshra.s32 s24, $0x1F;
	s1 =	simm.s32 @!p0 $0x0;
	s20 =	spop (v2sf)  }
0xb2: {  	s29 =	sand.u32 $0x1, s24;
	s1 =	sadd.s32 s1, s25;
	s0 =	sshll.u32 s20, $0x9  }
0xb3: {  	p1 =	seq.s32 s29, $0x1;
	p6 =	sne.s32 s1, $0x1;
	s0 =	sand.u32 $0x1FFFFE00, s0  }
0xb4: {  	s31 =	sshrl.u32 s24, $0x1F;
	p0 =	por !p6, !p1;
	s0 =	sadd.s32 s30, s0  }
0xb5: {  	[tilespmem:s23], [sflag:$0x1] =	stream.strided.gather [hbm4b:s0+s21], $0x8000, s22, s21, $0x38;
	[tilespmem:$0x1B500] =	vst v63  }
0xb6: {  	s1 =	simm.s32 $0x1;
	p0 =	por !p0, !p0;
	s0 =	sadd.s32 s31, s24  }
0xb7: {  	s1 =	simm.s32 @!p0 $0x0;
	s0 =	sshra.s32 s0, $0x1  }
0xb8: {  	s0 =	ssub.s32 s0, s1  }
0xb9: {  	p0 =	slt.s32 s0, $0x1  }
.Ltmp3:
0xba: {  	_ = 	snop;
	(pc) =	sbr.rel @!p0 .LBB2_4-.Ltmp3, $4  }
.Ltmp4:
0xbb: {  	_ = 	snop;
	(pc) =	sbr.rel @p0 .LBB2_26-.Ltmp4, $4  }
0xbc: {  	[dreg:$0x14] =	wrdreg s7  }
0xbd: {  	[dreg:$0x15] =	wrdreg s15  }
0xbe: {  	s7 =	simm.s32 $0x0;
	[dreg:$0x16] =	wrdreg s0  }
0xbf: {  	_ = 	snop  }
.LBB2_25:
0xc0: {  	s7 =	rddreg [dreg:$0x17]  }
0xc1: {  	s0 =	rddreg [dreg:$0x16];
	s7 =	sadd.s32 $0x1, s7  }
0xc2: {  	p0 =	sne.s32 s7, s0  }
.Ltmp5:
0xc3: {  	_ = 	snop;
	(pc) =	sbr.rel @!p0 .LBB2_26-.Ltmp5, $1  }
0xc4: {  	_ =	sdelay $0x3  }
.LBB2_4:
0xc5: {  	s0 =	sshllo.u32 s7, $0x1;
	s6 =	rddreg [dreg:$0x15]  }
0xc6: {  	p0 =	slt.s32 s0, s6;
	s2 =	smov.u32 s6  }
0xc7: {  	s2 =	smov.u32 @p0 s0  }
0xc8: {  	[dreg:$0x19] =	wrdreg s0;
	s0 =	sshra.s32 s2, $0x1F  }
0xc9: {  	s0 =	sshrl.u32 s0, $0x1C  }
0xca: {  	s0 =	sadd.s32 s0, s2  }
0xcb: {  	s1 =	sand.u32 $0xFFFFFFF0, s0  }
0xcc: {  	p0 =	slt.s32 s2, $0x1;
	p1 =	sne.s32 s2, s1  }
0xcd: {  	p0 =	por !p0, !p1  }
0xce: {  	s5 =	simm.s32 $0x1;
	s1 =	simm.s32 $0x1;
	p0 =	por !p0, !p0  }
0xcf: {  	_ =	swait.ge [sflag:s5], $0x8000;
	s0 =	sshrl.u32 s0, $0x4;
	s1 =	simm.s32 @!p0 $0x0  }
0xd0: {  	[sflag:s5] =	ssyncset.done $0x0;
	s0 =	ssub.s32 s0, s1  }
0xd1: {  	[sflag:s5] =	ssyncadd.s32 $0xFFFF8000;
	s0 =	sshll.u32 s0, $0x4  }
0xd2: {  	v10 =	vld [tilespmem:s0+$0x1A00];
	_ =	sdelay $0x2  }
0xd3: {  	s9 =	sand.u32 $0xF, s2  }
0xd4: {  	v11 =	vmov s9  }
0xd5: {  	vm0 =	veq.s32 v11, v59;
	v10 =	vxor.u32 $0x80000000, v10  }
0xd6: {  	v10 =	vnsel vm0, $0x80000000, v10  }
0xd7: {  	(xrf0) =	vmax.scan.msk.u32 $0xffff, v10;
	_ =	sdelay $0x5  }
0xd8: {  	v10, _, _ =	vpop (xrf0)  }
0xd9: {  	(v2sf) =	vpush v10, $0xF;
	_ =	sdelay $0xc  }
0xda: {  	s11 =	simm.s32 $0x1000;
	s12 =	simm.s32 $0x7A1400;
	s9 =	sshll.u32 s7, $0x1  }
0xdb: {  	s8 =	simm.s32 $0x1;
	p0 =	slt.s32 s9, s6;
	s1 =	smov.u32 s6  }
0xdc: {  	[dreg:$0x17] =	wrdreg s7;
	s1 =	smov.u32 @p0 s9;
	s10 =	spop (v2sf)  }
0xdd: {  	[dreg:$0x18] =	wrdreg s0;
	s13 =	sshra.s32 s1, $0x1F;
	s0 =	sshll.u32 s10, $0x9  }
0xde: {  	s14 =	sadd.s32 $0x1, s1;
	p0 =	slt.s32 s1, $0x1;
	s0 =	sand.u32 $0x1FFFFE00, s0  }
0xdf: {  	p1 =	slt.u32 s1, $0x7FFFFFFF;
	s15 =	sshra.s32 s14, $0x1F;
	s0 =	sadd.s32 s30, s0  }
0xe0: {  	[tilespmem:s26], [sflag:$0x2] =	stream.strided.gather [hbm4b:s0+s11], $0x8000, s12, s11, $0x38;
	[tilespmem:$0x1B500] =	vst v63  }
0xe1: {  	s8 =	simm.s32 @!p1 $0x0;
	s16 =	sshrl.u32 s15, $0x1C;
	s0 =	sshrl.u32 s13, $0x1C  }
0xe2: {  	s6 =	sadd.s32 s8, s15;
	s7 =	sadd.s32 s16, s14;
	s0 =	sadd.s32 s0, s1  }
0xe3: {  	s8 =	simm.s32 $0x1;
	s17 =	sand.u32 $0xFFFFFFF0, s7;
	s10 =	sand.u32 $0xFFFFFFF0, s0  }
0xe4: {  	p6 =	sne.s32 s6, $0x1;
	p2 =	sne.s32 s14, s17;
	p5 =	sne.s32 s1, s10  }
0xe5: {  	s6 =	simm.s32 $0x1;
	p1 =	por !p2, !p6;
	p0 =	por !p0, !p5  }
0xe6: {  	s7 =	sshrl.u32 s7, $0x4;
	p1 =	por !p1, !p1;
	p0 =	por !p0, !p0  }
0xe7: {  	s8 =	simm.s32 @!p1 $0x0;
	s0 =	sshrl.u32 s0, $0x4;
	s6 =	simm.s32 @!p0 $0x0  }
0xe8: {  	s18 =	ssub.s32 s7, s8;
	s0 =	ssub.s32 s0, s6  }
0xe9: {  	s6 =	sshll.u32 s18, $0x6;
	s0 =	sshll.u32 s0, $0x4  }
0xea: {  	s6 =	sshra.s32 s6, $0x2;
	v10 =	vld [tilespmem:s0+$0x2780]  }
0xeb: {  	v11 =	vld [tilespmem:s6+$0x2780];
	_ =	sdelay $0x1  }
0xec: {  	s1 =	sand.u32 $0xF, s1  }
0xed: {  	s19 =	sand.u32 $0xF, s14;
	v12 =	vmov s1  }
0xee: {  	v63 =	vmov s19;
	vm1 =	veq.s32 v12, v59;
	v10 =	vxor.u32 $0x80000000, v10  }
0xef: {  	vm2 =	veq.s32 v63, v59;
	v11 =	vxor.u32 $0x80000000, v11;
	v10 =	vnsel vm1, $0x80000000, v10  }
0xf0: {  	(xrf0) =	vmax.scan.msk.u32 $0xffff, v10;
	v10 =	vnsel vm2, $0x80000000, v11  }
0xf1: {  	(xrf0) =	vmax.scan.msk.u32 $0xffff, v10;
	_ =	sdelay $0x4  }
0xf2: {  	v10, _, _ =	vpop (xrf0)  }
0xf3: {  	(v2sf) =	vpush v10, $0xF;
	v10, _, _ =	vpop (xrf0)  }
0xf4: {  	(v2sf) =	vpush v10, $0xF;
	_ =	sdelay $0xd  }
0xf5: {  	s21 =	rddreg [dreg:$0x14];
	s20 =	spop (v2sf)  }
0xf6: {  	p0 =	slt.s32 s9, s21;
	s10 =	sxor.u32 $0x80000000, s20;
	s22 =	spop (v2sf)  }
0xf7: {  	s10 =	simm.s32 @!p0 $0x0;
	s11 =	sxor.u32 $0x80000000, s22  }
0xf8: {  	s6 =	simm.s32 $0x1;
	s11 =	simm.s32 @!p0 $0x0;
	s24 =	sshra.s32 s10, $0x1F  }
0xf9: {  	s25 =	sand.u32 $0xFF, s10;
	p3 =	slt.s32 s10, $0x1;
	s1 =	sshrl.u32 s24, $0x18  }
0xfa: {  	p4 =	sne.s32 s25, $0x0;
	s29 =	sadd.s32 $0xFF, s11;
	s1 =	sadd.s32 s1, s10  }
0xfb: {  	p0 =	por !p3, !p4;
	s30 =	sand.u32 $0xFF, s29;
	s31 =	sshra.s32 s29, $0x1F  }
0xfc: {  	p5 =	slt.s32 s29, $0x1;
	s1 =	sshra.s32 s1, $0x8;
	p6 =	sne.s32 s30, $0x0  }
0xfd: {  	p0 =	por !p0, !p0;
	s7 =	sshrl.u32 s31, $0x18;
	p1 =	por !p5, !p6  }
0xfe: {  	s5 =	sadd.s32 s7, s29;
	s7 =	simm.s32 $0x1;
	p1 =	por !p1, !p1  }
0xff: {  	s6 =	simm.s32 @!p0 $0x0;
	s5 =	sshra.s32 s5, $0x8;
	s7 =	simm.s32 @!p1 $0x0  }
0x100: {  	s12 =	ssub.s32 s1, s6;
	s13 =	ssub.s32 s5, s7  }
0x101: {  	p1 =	sge.s32 s12, s13  }
.Ltmp6:
0x102: {  	_ = 	snop;
	(pc) =	sbr.rel @p1 .LBB2_13-.Ltmp6, $1  }
0x103: {  	_ =	sdelay $0x3  }
0x104: {  	v10 =	vld [tilespmem:s0+$0x1A00];
	_ =	sdelay $0x4  }
0x105: {  	v10 =	vxor.u32 $0x80000000, v10  }
0x106: {  	v10 =	vnsel vm1, $0x80000000, v10  }
0x107: {  	(xrf0) =	vmax.scan.msk.u32 $0xffff, v10;
	_ =	sdelay $0x5  }
0x108: {  	v10, _, _ =	vpop (xrf0)  }
0x109: {  	(v2sf) =	vpush v10, $0xF;
	_ =	sdelay $0xc  }
.Ltmp7:
0x10a: {  	s0 =	simm.s32 $0xFFFFFFFF;
	(pc) =	sbr.rel .LBB2_6-.Ltmp7, $4  }
0x10b: {  	s0 =	simm.s32 @!p0 $0x0  }
0x10c: {  	s0 =	sadd.s32 s0, s1;
	s5 =	spop (v2sf)  }
0x10d: {  	s0 =	sshll.u32 s0, $0x8;
	s31 =	sshll.u32 s5, $0x9  }
0x10e: {  	s15 =	sshll.u32 s12, $0x8;
	s14 =	sadd.s32 $0x100, s0;
	v10 =	vmov s31  }
.LBB2_12:
0x10f: {  	p0 =	sgt.s32 s19, s11;
	p1 =	slt.s32 s12, s13  }
0x110: {  	s0 =	sadd.s32 @!p0 $0xD00, s16;
	s1 =	simm.s32 @!p0 $0x100;
	s5 =	simm.s32 @!p0 $0x13500  }
0x111: {  	[hbm4b:s4+s1] =	stream.indirect.scatter @!p0 [tilespmem:s5], [sflag:$0x3], $0x80, s0, s1, $0xb8;
	[tilespmem:$0x1B500] =	vst v63  }
.Ltmp8:
0x112: {  	_ = 	snop;
	(pc) =	sbr.rel @!p1 .LBB2_13-.Ltmp8, $4  }
0x113: {  	s0 =	simm.s32 @!p0 $0x3  }
0x114: {  	_ =	swait.ge @!p0 [sflag:s0], $0x8000  }
0x115: {  	[sflag:s0] =	ssyncset.done @!p0 $0x0  }
0x116: {  	s14 =	sadd.s32 $0x100, s14;
	s15 =	sadd.s32 $0x100, s15;
	[sflag:s0] =	ssyncadd.s32 @!p0 $0xFFFF8000  }
.LBB2_6:
0x117: {  	s16 =	sshll.u32 s12, $0x8;
	s12 =	sadd.s32 $0x1, s12  }
0x118: {  	s19 =	sshll.u32 s12, $0x8;
	p0 =	sgt.s32 s10, s16  }
0x119: {  	s0 =	smov.u32 s16;
	p1 =	slt.s32 s11, s19;
	s17 =	smov.u32 s19  }
0x11a: {  	s0 =	smov.u32 @p0 s10;
	s17 =	smov.u32 @p1 s11  }
0x11b: {  	s18 =	ssub.s32 s17, s0  }
0x11c: {  	s1 =	sshra.s32 s18, $0x1F  }
0x11d: {  	s1 =	sshrl.u32 s1, $0x1D  }
0x11e: {  	s1 =	sadd.s32 s1, s18  }
0x11f: {  	s5 =	sand.u32 $0xFFFFFFF8, s1  }
0x120: {  	s30 =	sadd.s32 s0, s5  }
0x121: {  	p0 =	sge.s32 s0, s30  }
.Ltmp9:
0x122: {  	_ = 	snop;
	(pc) =	sbr.rel @p0 .LBB2_9-.Ltmp9, $1  }
0x123: {  	_ =	sdelay $0x3  }
0x124: {  	p0 =	sgt.s32 s10, s15;
	s0 =	smov.u32 s15  }
0x125: {  	s0 =	smov.u32 @p0 s10  }
0x126: {  	s0 =	sadd.s32 $0x7, s0  }
0x127: {  	s1 =	sadd.s32 $0x1, s0  }
0x128: {  	p1 =	slt.s32 s1, s30  }
.Ltmp10:
0x129: {  	_ = 	snop;
	(pc) =	sbr.rel @!p1 .LBB2_8-.Ltmp10, $3  }
0x12a: {  	_ =	sdelay $0x1  }
0x12b: {  	p0 =	por $0x0, $0x0;
	s31 =	sadd.s32 $0xFFFFFFF9, s0  }
0x12c: {  	s24 =	sadd.s32 $0xFFFFFFFD, s0;
	v49 =	vmov s0;
	s22 =	sadd.s32 $0xFFFFFFFF, s0;
	v45 =	vmov s31;
	s1 =	sadd.s32 $0xFFFFFFFE, s0  }
0x12d: {  	_ =	sdelay $0x1  }
0x12e: {  	s6 =	sadd.s32 $0xFFFFFFFA, s0;
	s7 =	sadd.s32 $0xFFFFFFFC, s0  }
0x12f: {  	v11 =	vmov s24;
	s25 =	sadd.s32 $0xFFFFFFFB, s0;
	s20 =	sand.u32 $0xFF, s31;
	v15 =	vmov s6;
	s6 =	sand.u32 $0xFF, s6  }
0x130: {  	v12 =	vld.idx.msk [tilespmem:v49+s3+$0x0], $0xffff;
	v13 =	vmov s22;
	s8 =	sand.u32 $0xFF, s7;
	v20 =	vmov s25;
	s20 =	sshll.u32 s20, $0x7;
	s25 =	sand.u32 $0xFF, s25  }
0x131: {  	v14 =	vmov s1;
	v17 =	vld.idx.msk [tilespmem:v45+s3+$0x0], $0xffff;
	v18 =	vmov s7;
	s7 =	sshll.u32 s6, $0x7;
	s21 =	sshll.u32 s8, $0x7;
	s6 =	sshll.u32 s25, $0x7  }
0x132: {  	s8 =	sand.u32 $0xFF, s24;
	s24 =	sand.u32 $0xFF, s1;
	v22 =	vor.u32 s20, v59;
	s25 =	sand.u32 $0xFF, s22;
	v28 =	vor.u32 s6, v59  }
0x133: {  	s1 =	sshll.u32 s24, $0x7;
	v33 =	vor.u32 s7, v59;
	v42 =	vor.u32 s21, v59;
	v44 =	vor.u32 s21, v5;
	s25 =	sshll.u32 s25, $0x7  }
0x134: {  	s24 =	sand.u32 $0xFF, s0;
	v36 =	vor.u32 s7, v5;
	s0 =	sadd.s32 $0x8, s0;
	v23 =	vor.u32 s1, v59;
	v52 =	vor.u32 s25, v59;
	v16 =	vld.idx.msk [tilespmem:v11+s3+$0x0], $0xffff  }
0x135: {  	s29 =	sshll.u32 s24, $0x7;
	v49 =	vmov s0;
	v56 =	vor.u32 s25, v5;
	v11 =	vsub.s32 v12, v10;
	v13 =	vld.idx.msk [tilespmem:v13+s3+$0x0], $0xffff  }
0x136: {  	v12 =	vand.u32 $0x7F, v12;
	v14 =	vld.idx.msk [tilespmem:v14+s3+$0x0], $0xffff;
	v25 =	vsub.s32 v17, v10;
	v31 =	vor.u32 s29, v59  }
0x137: {  	s8 =	sshll.u32 s8, $0x7;
	v38 =	vor.u32 s29, v5;
	v43 =	vor.u32 s29, v7;
	v11 =	vshll.u32 v11, $0x3;
	v24 =	vld.idx.msk [tilespmem:v15+s3+$0x0], $0xffff  }
0x138: {  	v17 =	vand.u32 $0x7F, v17;
	v15 =	vor.u32 s8, v59;
	v18 =	vld.idx.msk [tilespmem:v18+s3+$0x0], $0xffff;
	v11 =	vand.u32 $0xFFFFFC00, v11  }
0x139: {  	v19 =	vor.u32 v12, v11;
	v11 =	vor.u32 s7, v9;
	v12 =	vor.u32 s21, v9  }
0x13a: {  	v21 =	vadd.s32 v2, v19;
	v39 =	vadd.s32 v3, v19;
	v63 =	vadd.s32 v6, v19  }
0x13b: {  	v26 =	vand.u32 $0x7F, v16;
	v16 =	vsub.s32 v16, v10;
	v29 =	vsub.s32 v14, v10  }
0x13c: {  	v30 =	vand.u32 $0x7F, v13;
	v13 =	vsub.s32 v13, v10;
	v16 =	vshll.u32 v16, $0x3  }
0x13d: {  	v13 =	vshll.u32 v13, $0x3;
	v27 =	vsub.s32 v18, v10;
	v29 =	vshll.u32 v29, $0x3  }
0x13e: {  	v16 =	vand.u32 $0xFFFFFC00, v16;
	v13 =	vand.u32 $0xFFFFFC00, v13;
	v32 =	vshll.u32 v27, $0x3  }
0x13f: {  	v27 =	vor.u32 s1, v5;
	v62 =	vand.u32 $0xFFFFFC00, v29;
	v29 =	vor.u32 s21, v7;
	v21 =	vld.idx.msk [tilespmem:v21+s23+$0x0], $0xffff  }
0x140: {  	v37 =	vor.u32 v26, v16;
	v16 =	vsub.s32 v24, v10;
	v35 =	vor.u32 v30, v13  }
0x141: {  	v26 =	vld.idx.msk [tilespmem:v20+s3+$0x0], $0xffff;
	v20 =	vor.u32 s8, v5;
	v13 =	vand.u32 $0x7F, v18;
	v18 =	vadd.s32 v2, v35  }
0x142: {  	v24 =	vand.u32 $0x7F, v24;
	v32 =	vand.u32 $0xFFFFFC00, v32;
	v30 =	vor.u32 s6, v5  }
0x143: {  	v16 =	vshll.u32 v16, $0x3;
	v34 =	vor.u32 v13, v32;
	v40 =	vadd.s32 v3, v37  }
0x144: {  	v54 =	vadd.s32 v3, v35;
	v53 =	vadd.s32 v6, v35;
	v16 =	vand.u32 $0xFFFFFC00, v16;
	[tilespmem:v31+s28+$0x0] =	vst.idx.msk $0xffff, v21  }
0x145: {  	v41 =	vadd.s32 v2, v34;
	v55 =	vadd.s32 v3, v34;
	v24 =	vor.u32 v24, v16;
	v39 =	vld.idx.msk [tilespmem:v39+s23+$0x0], $0xffff  }
0x146: {  	v16 =	vor.u32 s8, v7;
	v21 =	vshll.u32 v25, $0x3;
	v25 =	vadd.s32 v2, v37;
	v50 =	vld.idx.msk [tilespmem:v18+s23+$0x0], $0xffff  }
0x147: {  	v58 =	vadd.s32 v2, v24;
	v13 =	vsub.s32 v26, v10;
	v21 =	vand.u32 $0xFFFFFC00, v21  }
0x148: {  	s24 =	sadd.s32 $0x1, s0;
	v46 =	vand.u32 $0x7F, v26;
	v13 =	vshll.u32 v13, $0x3;
	v32 =	vor.u32 v17, v21  }
0x149: {  	p1 =	slt.s32 s24, s30;
	v26 =	vor.u32 s1, v7;
	v13 =	vand.u32 $0xFFFFFC00, v13;
	v57 =	vadd.s32 v2, v32  }
.Ltmp11:
0x14a: {  	s31 =	sadd.s32 $0xFFFFFFF9, s0;
	v31 =	vor.u32 s20, v7;
	v18 =	vor.u32 s6, v7;
	v47 =	vld.idx.msk [tilespmem:v41+s23+$0x0], $0xffff;
	[tilespmem:v38+s28+$0x0] =	vst.idx.msk $0xffff, v39;
	v39 =	vor.u32 v46, v13;
	(pc) =	sbr.rel @!p1 .LBB2_20-.Ltmp11, $4  }
0x14b: {  	v45 =	vmov s31;
	v41 =	vadd.s32 v6, v37;
	[tilespmem:v52+s28+$0x0] =	vst.idx.msk $0xffff, v50;
	v46 =	vld.idx.msk [tilespmem:v25+s23+$0x0], $0xffff;
	v48 =	vadd.s32 v2, v39  }
0x14c: {  	v37 =	vadd.s32 v8, v37;
	v21 =	vor.u32 s7, v7;
	v17 =	vand.u32 $0x7F, v14;
	v54 =	vld.idx.msk [tilespmem:v54+s23+$0x0], $0xffff  }
0x14d: {  	p0 =	por $0x1, $0x1;
	v14 =	vor.u32 s8, v9;
	v38 =	vor.u32 v17, v62;
	v17 =	vor.u32 s1, v9;
	v50 =	vld.idx.msk [tilespmem:v63+s23+$0x0], $0xffff  }
0x14e: {  	s22 =	sadd.s32 $0xFFFFFFFF, s0;
	s24 =	sadd.s32 $0xFFFFFFFD, s0;
	v25 =	vor.u32 s20, v9;
	s1 =	sadd.s32 $0xFFFFFFFE, s0;
	v13 =	vor.u32 s6, v9;
	v51 =	vadd.s32 v2, v38;
	v57 =	vld.idx.msk [tilespmem:v57+s23+$0x0], $0xffff  }
.LBB2_19:
0x14f: {  	s6 =	sadd.s32 $0xFFFFFFFA, s0;
	s7 =	sadd.s32 $0xFFFFFFFB, s0;
	s8 =	sadd.s32 $0xFFFFFFFC, s0;
	v52 =	vmov s24;
	v59 =	vmov s1;
	v60 =	vmov s22;
	[tilespmem:v42+s28+$0x0] =	vst.idx.msk $0xffff, v47  }
0x150: {  	v61 =	vmov s6;
	s6 =	sand.u32 $0xFF, s6;
	v42 =	vmov s7;
	s7 =	sand.u32 $0xFF, s7;
	v62 =	vmov s8;
	s21 =	sand.u32 $0xFF, s8;
	v63 =	vld.idx.msk [tilespmem:v48+s23+$0x0], $0xffff  }
0x151: {  	v19 =	vadd.s32 v8, v19;
	s6 =	sshll.u32 s6, $0x7;
	s8 =	sshll.u32 s7, $0x7;
	s7 =	sshll.u32 s21, $0x7;
	v55 =	vld.idx.msk [tilespmem:v55+s23+$0x0], $0xffff  }
0x152: {  	v1 =	vadd.s32 v3, v32;
	s21 =	sand.u32 $0xFF, s31;
	v48 =	vor.u32 s6, v9;
	v47 =	vor.u32 s7, v9;
	v58 =	vld.idx.msk [tilespmem:v58+s23+$0x0], $0xffff  }
0x153: {  	v4 =	vadd.s32 v6, v34;
	v51 =	vld.idx.msk [tilespmem:v51+s23+$0x0], $0xffff  }
0x154: {  	v0 =	vld.idx.msk [tilespmem:v49+s3+$0x0], $0xffff;
	v49 =	vadd.s32 v3, v24;
	[tilespmem:v56+s28+$0x0] =	vst.idx.msk $0xffff, v54  }
0x155: {  	v54 =	vor.u32 s25, v7;
	v53 =	vld.idx.msk [tilespmem:v53+s23+$0x0], $0xffff;
	[tilespmem:v43+s28+$0x0] =	vst.idx.msk $0xffff, v50  }
0x156: {  	[tilespmem:v22+s28+$0x0] =	vst.idx.msk $0xffff, v57;
	v22 =	vadd.s32 v3, v38;
	v19 =	vld.idx.msk [tilespmem:v19+s23+$0x0], $0xffff  }
0x157: {  	v50 =	vadd.s32 v3, v39;
	v43 =	vld.idx.msk [tilespmem:v60+s3+$0x0], $0xffff;
	[tilespmem:v44+s28+$0x0] =	vst.idx.msk $0xffff, v55;
	v44 =	vor.u32 s29, v9  }
0x158: {  	v1 =	vld.idx.msk [tilespmem:v1+s23+$0x0], $0xffff;
	[tilespmem:v33+s28+$0x0] =	vst.idx.msk $0xffff, v58  }
0x159: {  	v33 =	vor.u32 s20, v5;
	v55 =	vld.idx.msk [tilespmem:v49+s23+$0x0], $0xffff;
	[tilespmem:v28+s28+$0x0] =	vst.idx.msk $0xffff, v63  }
0x15a: {  	v35 =	vadd.s32 v8, v35;
	v28 =	vld.idx.msk [tilespmem:v52+s3+$0x0], $0xffff;
	v52 =	vadd.s32 v6, v32;
	[tilespmem:v23+s28+$0x0] =	vst.idx.msk $0xffff, v51  }
0x15b: {  	v34 =	vadd.s32 v8, v34;
	v23 =	vsub.s32 v0, v10;
	v22 =	vld.idx.msk [tilespmem:v22+s23+$0x0], $0xffff;
	[tilespmem:v54+s28+$0x0] =	vst.idx.msk $0xffff, v53  }
0x15c: {  	v51 =	vadd.s32 v6, v38;
	v23 =	vshll.u32 v23, $0x3;
	v50 =	vld.idx.msk [tilespmem:v50+s23+$0x0], $0xffff;
	[tilespmem:v44+s28+$0x0] =	vst.idx.msk $0xffff, v19  }
0x15d: {  	v0 =	vand.u32 $0x7F, v0;
	v19 =	vand.u32 $0xFFFFFC00, v23;
	v49 =	vld.idx.msk [tilespmem:v45+s3+$0x0], $0xffff;
	[tilespmem:v15+s28+$0x0] =	vst.idx.msk $0xffff, v46  }
0x15e: {  	v19 =	vor.u32 v0, v19;
	[tilespmem:v33+s28+$0x0] =	vst.idx.msk $0xffff, v1;
	v0 =	vld.idx.msk [tilespmem:v40+s23+$0x0], $0xffff  }
0x15f: {  	v33 =	vadd.s32 v2, v19;
	v1 =	vld.idx.msk [tilespmem:v62+s3+$0x0], $0xffff;
	[tilespmem:v36+s28+$0x0] =	vst.idx.msk $0xffff, v55  }
0x160: {  	v45 =	vld.idx.msk [tilespmem:v59+s3+$0x0], $0xffff;
	v59 =	vlaneseq.u32  }
0x161: {  	v40 =	vadd.s32 v6, v24;
	v24 =	vadd.s32 v8, v24;
	v36 =	vld.idx.msk [tilespmem:v52+s23+$0x0], $0xffff;
	[tilespmem:v27+s28+$0x0] =	vst.idx.msk $0xffff, v22  }
0x162: {  	s20 =	sshll.u32 s21, $0x7;
	s21 =	sand.u32 $0xFF, s24;
	v27 =	vadd.s32 v8, v32;
	[tilespmem:v30+s28+$0x0] =	vst.idx.msk $0xffff, v50;
	v30 =	vadd.s32 v6, v39;
	v32 =	vld.idx.msk [tilespmem:v51+s23+$0x0], $0xffff  }
0x163: {  	s1 =	sand.u32 $0xFF, s1;
	s24 =	sshll.u32 s21, $0x7;
	v44 =	vor.u32 s25, v9;
	v22 =	vor.u32 s20, v59;
	v46 =	vsub.s32 v49, v10;
	v4 =	vld.idx.msk [tilespmem:v4+s23+$0x0], $0xffff  }
0x164: {  	s1 =	sshll.u32 s1, $0x7;
	v15 =	vor.u32 s24, v59;
	v51 =	vand.u32 $0x7F, v28;
	v39 =	vadd.s32 v8, v39;
	v50 =	vld.idx.msk [tilespmem:v61+s3+$0x0], $0xffff;
	[tilespmem:v20+s28+$0x0] =	vst.idx.msk $0xffff, v0  }
0x165: {  	s21 =	sand.u32 $0xFF, s0;
	v38 =	vadd.s32 v8, v38;
	v23 =	vor.u32 s1, v59;
	v0 =	vsub.s32 v28, v10;
	v41 =	vld.idx.msk [tilespmem:v41+s23+$0x0], $0xffff  }
0x166: {  	s29 =	sshll.u32 s21, $0x7;
	v54 =	vand.u32 $0x7F, v43;
	v0 =	vshll.u32 v0, $0x3;
	v53 =	vsub.s32 v45, v10;
	v35 =	vld.idx.msk [tilespmem:v35+s23+$0x0], $0xffff  }
0x167: {  	v56 =	vor.u32 s29, v59;
	v20 =	vsub.s32 v43, v10;
	v0 =	vand.u32 $0xFFFFFC00, v0;
	v55 =	vld.idx.msk [tilespmem:v33+s23+$0x0], $0xffff;
	[tilespmem:v31+s28+$0x0] =	vst.idx.msk $0xffff, v36  }
0x168: {  	v52 =	vor.u32 v51, v0;
	v0 =	vshll.u32 v20, $0x3;
	v31 =	vld.idx.msk [tilespmem:v40+s23+$0x0], $0xffff;
	[tilespmem:v26+s28+$0x0] =	vst.idx.msk $0xffff, v32  }
0x169: {  	v28 =	vor.u32 s8, v59;
	v51 =	vor.u32 s29, v5;
	v0 =	vand.u32 $0xFFFFFC00, v0;
	v26 =	vld.idx.msk [tilespmem:v30+s23+$0x0], $0xffff;
	[tilespmem:v29+s28+$0x0] =	vst.idx.msk $0xffff, v4  }
0x16a: {  	v33 =	vor.u32 s6, v59;
	v4 =	vsub.s32 v50, v10;
	v29 =	vld.idx.msk [tilespmem:v42+s3+$0x0], $0xffff;
	v42 =	vor.u32 s7, v59  }
0x16b: {  	v20 =	vor.u32 s24, v5;
	v30 =	vsub.s32 v1, v10;
	v4 =	vshll.u32 v4, $0x3;
	v32 =	vld.idx.msk [tilespmem:v27+s23+$0x0], $0xffff;
	[tilespmem:v16+s28+$0x0] =	vst.idx.msk $0xffff, v41  }
0x16c: {  	v4 =	vand.u32 $0xFFFFFC00, v4;
	v16 =	vshll.u32 v30, $0x3;
	v27 =	vor.u32 s1, v5;
	v38 =	vld.idx.msk [tilespmem:v38+s23+$0x0], $0xffff;
	[tilespmem:v44+s28+$0x0] =	vst.idx.msk $0xffff, v35  }
0x16d: {  	v36 =	vand.u32 $0x7F, v50;
	v41 =	vadd.s32 v3, v19;
	v40 =	vand.u32 $0xFFFFFC00, v16;
	v37 =	vld.idx.msk [tilespmem:v37+s23+$0x0], $0xffff  }
0x16e: {  	v43 =	vor.u32 s29, v7;
	v16 =	vshll.u32 v53, $0x3;
	v35 =	vor.u32 v54, v0;
	[tilespmem:v21+s28+$0x0] =	vst.idx.msk $0xffff, v31;
	v0 =	vld.idx.msk [tilespmem:v34+s23+$0x0], $0xffff  }
0x16f: {  	v1 =	vand.u32 $0x7F, v1;
	v50 =	vand.u32 $0xFFFFFC00, v16;
	v21 =	vadd.s32 v2, v35;
	v53 =	vld.idx.msk [tilespmem:v24+s23+$0x0], $0xffff;
	[tilespmem:v18+s28+$0x0] =	vst.idx.msk $0xffff, v26  }
0x170: {  	v30 =	vor.u32 s8, v5;
	v44 =	vor.u32 s7, v5;
	v54 =	vand.u32 $0x7F, v29;
	[tilespmem:v56+s28+$0x0] =	vst.idx.msk $0xffff, v55;
	v18 =	vld.idx.msk [tilespmem:v39+s23+$0x0], $0xffff  }
0x171: {  	v16 =	vor.u32 s24, v7;
	v24 =	vor.u32 v36, v4;
	v36 =	vor.u32 s6, v5;
	[tilespmem:v25+s28+$0x0] =	vst.idx.msk $0xffff, v32  }
0x172: {  	v34 =	vor.u32 v1, v40;
	v40 =	vadd.s32 v3, v52;
	v1 =	vld.idx.msk [tilespmem:v41+s23+$0x0], $0xffff;
	[tilespmem:v17+s28+$0x0] =	vst.idx.msk $0xffff, v38  }
0x173: {  	v4 =	vsub.s32 v29, v10;
	v26 =	vor.u32 s1, v7;
	v17 =	vadd.s32 v2, v34;
	[tilespmem:v14+s28+$0x0] =	vst.idx.msk $0xffff, v37  }
0x174: {  	s21 =	sand.u32 $0xFF, s22;
	v25 =	vadd.s32 v2, v52;
	v14 =	vshll.u32 v46, $0x3;
	v37 =	vadd.s32 v6, v19;
	[tilespmem:v12+s28+$0x0] =	vst.idx.msk $0xffff, v0  }
0x175: {  	s25 =	sshll.u32 s21, $0x7;
	v31 =	vor.u32 s20, v7;
	v0 =	vand.u32 $0x7F, v49;
	v14 =	vand.u32 $0xFFFFFC00, v14;
	v49 =	vld.idx.msk [tilespmem:v21+s23+$0x0], $0xffff;
	[tilespmem:v11+s28+$0x0] =	vst.idx.msk $0xffff, v53;
	v11 =	vmovc v48  }
0x176: {  	v29 =	vor.u32 s7, v7;
	v12 =	vmovc v47;
	v32 =	vor.u32 v0, v14;
	v0 =	vor.u32 s25, v59;
	[tilespmem:v13+s28+$0x0] =	vst.idx.msk $0xffff, v18  }
0x177: {  	v21 =	vor.u32 s6, v7;
	v18 =	vor.u32 s8, v7;
	v13 =	vadd.s32 v3, v35  }
0x178: {  	s0 =	sadd.s32 $0x8, s0;
	v4 =	vshll.u32 v4, $0x3;
	v47 =	vld.idx.msk [tilespmem:v17+s23+$0x0], $0xffff;
	v17 =	vand.u32 $0x7F, v45  }
0x179: {  	v57 =	vadd.s32 v2, v32;
	[tilespmem:v51+s28+$0x0] =	vst.idx.msk $0xffff, v1;
	v38 =	vor.u32 v17, v50;
	v17 =	vor.u32 s1, v9;
	s1 =	sadd.s32 $0x1, s0  }
0x17a: {  	v41 =	vadd.s32 v6, v52;
	v14 =	vor.u32 s24, v9;
	v1 =	vand.u32 $0xFFFFFC00, v4;
	v46 =	vld.idx.msk [tilespmem:v25+s23+$0x0], $0xffff;
	p1 =	slt.s32 s1, s30  }
.Ltmp12:
0x17b: {  	v39 =	vor.u32 v54, v1;
	(pc) =	sbr.rel @p1 .LBB2_19-.Ltmp12, $4  }
0x17c: {  	v48 =	vadd.s32 v2, v39;
	v51 =	vadd.s32 v2, v38;
	[tilespmem:v0+s28+$0x0] =	vst.idx.msk $0xffff, v49;
	v50 =	vld.idx.msk [tilespmem:v37+s23+$0x0], $0xffff  }
0x17d: {  	v55 =	vadd.s32 v3, v34;
	v53 =	vadd.s32 v6, v35;
	v49 =	vmov s0;
	v54 =	vld.idx.msk [tilespmem:v13+s23+$0x0], $0xffff  }
0x17e: {  	s31 =	sadd.s32 $0xFFFFFFF9, s0;
	v58 =	vadd.s32 v2, v24;
	v56 =	vor.u32 s25, v5;
	v25 =	vor.u32 s20, v9  }
0x17f: {  	s22 =	sadd.s32 $0xFFFFFFFF, s0;
	s24 =	sadd.s32 $0xFFFFFFFD, s0;
	v45 =	vmov s31;
	s1 =	sadd.s32 $0xFFFFFFFE, s0;
	v37 =	vadd.s32 v8, v52;
	v13 =	vor.u32 s8, v9;
	v57 =	vld.idx.msk [tilespmem:v57+s23+$0x0], $0xffff  }
.LBB2_20:
0x180: {  	_ =	sdelay $0x3  }
0x181: {  	v0 =	vld.idx.msk @p0 [tilespmem:v48+s23+$0x0], $0xffff  }
0x182: {  	[tilespmem:v42+s28+$0x0] =	vst.idx.msk @p0 $0xffff, v47;
	v42 =	vld.idx.msk @p0 [tilespmem:v58+s23+$0x0], $0xffff  }
0x183: {  	v4 =	vadd.s32 @p0 v8, v19;
	v48 =	vld.idx.msk @p0 [tilespmem:v51+s23+$0x0], $0xffff  }
0x184: {  	v63 =	vmov s22;
	v49 =	vld.idx.msk [tilespmem:v49+s3+$0x0], $0xffff  }
0x185: {  	v47 =	vadd.s32 @p0 v3, v32;
	v1 =	vld.idx.msk @p0 [tilespmem:v55+s23+$0x0], $0xffff;
	[tilespmem:v15+s28+$0x0] =	vst.idx.msk @p0 $0xffff, v46  }
0x186: {  	v58 =	vmov s24;
	[tilespmem:v56+s28+$0x0] =	vst.idx.msk @p0 $0xffff, v54;
	v40 =	vld.idx.msk @p0 [tilespmem:v40+s23+$0x0], $0xffff  }
0x187: {  	v51 =	vadd.s32 @p0 v3, v24;
	v52 =	vld.idx.msk @p0 [tilespmem:v53+s23+$0x0], $0xffff;
	[tilespmem:v43+s28+$0x0] =	vst.idx.msk @p0 $0xffff, v50  }
0x188: {  	v19 =	vadd.s32 @p0 v3, v39;
	v4 =	vld.idx.msk @p0 [tilespmem:v4+s23+$0x0], $0xffff  }
0x189: {  	v15 =	vadd.s32 @p0 v6, v34;
	[tilespmem:v22+s28+$0x0] =	vst.idx.msk @p0 $0xffff, v57;
	v60 =	vld.idx.msk [tilespmem:v63+s3+$0x0], $0xffff  }
0x18a: {  	v43 =	vadd.s32 @p0 v3, v38;
	[tilespmem:v33+s28+$0x0] =	vst.idx.msk @p0 $0xffff, v42;
	v33 =	vor.u32 @p0 s25, v7;
	v42 =	vld.idx.msk @p0 [tilespmem:v47+s23+$0x0], $0xffff  }
0x18b: {  	s7 =	sadd.s32 $0xFFFFFFFC, s0;
	[tilespmem:v23+s28+$0x0] =	vst.idx.msk @p0 $0xffff, v48;
	v23 =	vor.u32 @p0 s20, v5;
	v61 =	vld.idx.msk [tilespmem:v58+s3+$0x0], $0xffff  }
0x18c: {  	v62 =	vmov s7;
	[tilespmem:v28+s28+$0x0] =	vst.idx.msk @p0 $0xffff, v0;
	v0 =	vor.u32 @p0 s29, v9;
	v47 =	vld.idx.msk @p0 [tilespmem:v51+s23+$0x0], $0xffff  }
0x18d: {  	[tilespmem:v44+s28+$0x0] =	vst.idx.msk @p0 $0xffff, v1;
	v1 =	vadd.s32 @p0 v6, v32;
	v19 =	vld.idx.msk @p0 [tilespmem:v19+s23+$0x0], $0xffff  }
0x18e: {  	v15 =	vld.idx.msk @p0 [tilespmem:v15+s23+$0x0], $0xffff;
	[tilespmem:v20+s28+$0x0] =	vst.idx.msk @p0 $0xffff, v40;
	v20 =	vadd.s32 @p0 v6, v39  }
0x18f: {  	v43 =	vld.idx.msk @p0 [tilespmem:v43+s23+$0x0], $0xffff;
	[tilespmem:v33+s28+$0x0] =	vst.idx.msk @p0 $0xffff, v52  }
0x190: {  	v44 =	vadd.s32 @p0 v6, v38;
	[tilespmem:v23+s28+$0x0] =	vst.idx.msk @p0 $0xffff, v42;
	v23 =	vld.idx.msk [tilespmem:v45+s3+$0x0], $0xffff  }
0x191: {  	s8 =	sadd.s32 $0xFFFFFFFB, s0;
	[tilespmem:v0+s28+$0x0] =	vst.idx.msk @p0 $0xffff, v4;
	v0 =	vmov s1;
	v4 =	vsub.s32 v49, v10;
	v33 =	vld.idx.msk [tilespmem:v62+s3+$0x0], $0xffff  }
0x192: {  	v42 =	vmov s8;
	v1 =	vld.idx.msk @p0 [tilespmem:v1+s23+$0x0], $0xffff;
	v4 =	vshll.u32 v4, $0x3;
	[tilespmem:v30+s28+$0x0] =	vst.idx.msk @p0 $0xffff, v19  }
0x193: {  	s21 =	sand.u32 $0xFF, s0;
	v63 =	vand.u32 $0x7F, v49;
	[tilespmem:v36+s28+$0x0] =	vst.idx.msk @p0 $0xffff, v47;
	v36 =	vadd.s32 @p0 v6, v24;
	v4 =	vand.u32 $0xFFFFFC00, v4;
	v20 =	vld.idx.msk @p0 [tilespmem:v20+s23+$0x0], $0xffff  }
0x194: {  	s6 =	sshll.u32 s21, $0x7;
	v32 =	vadd.s32 @p0 v8, v32;
	[tilespmem:v27+s28+$0x0] =	vst.idx.msk @p0 $0xffff, v43;
	v19 =	vor.u32 v63, v4;
	v4 =	vld.idx.msk @p0 [tilespmem:v41+s23+$0x0], $0xffff  }
0x195: {  	v34 =	vadd.s32 @p0 v8, v34;
	v50 =	vor.u32 s6, v59;
	s20 =	sadd.s32 $0xFFFFFFFA, s0;
	v27 =	vadd.s32 @p0 v8, v35;
	v35 =	vld.idx.msk @p0 [tilespmem:v44+s23+$0x0], $0xffff  }
0x196: {  	v58 =	vor.u32 s6, v5;
	v40 =	vmov s20;
	v45 =	vand.u32 $0x7F, v61;
	v0 =	vld.idx.msk [tilespmem:v0+s3+$0x0], $0xffff  }
0x197: {  	v28 =	vsub.s32 v61, v10;
	v46 =	vsub.s32 v60, v10;
	v24 =	vadd.s32 @p0 v8, v24;
	v62 =	vld.idx.msk [tilespmem:v42+s3+$0x0], $0xffff  }
0x198: {  	v30 =	vadd.s32 @p0 v8, v39;
	v43 =	vadd.s32 v2, v19;
	[tilespmem:v31+s28+$0x0] =	vst.idx.msk @p0 $0xffff, v1;
	v36 =	vld.idx.msk @p0 [tilespmem:v36+s23+$0x0], $0xffff  }
0x199: {  	v47 =	vshll.u32 v28, $0x3;
	v48 =	vshll.u32 v46, $0x3;
	[tilespmem:v29+s28+$0x0] =	vst.idx.msk @p0 $0xffff, v15;
	v29 =	vadd.s32 @p0 v8, v38;
	v28 =	vld.idx.msk @p0 [tilespmem:v32+s23+$0x0], $0xffff  }
0x19a: {  	v49 =	vand.u32 $0xFFFFFC00, v48;
	v54 =	vadd.s32 v3, v19;
	v41 =	vadd.s32 v6, v19;
	v32 =	vld.idx.msk @p0 [tilespmem:v34+s23+$0x0], $0xffff  }
0x19b: {  	v44 =	vsub.s32 v23, v10;
	v51 =	vsub.s32 v33, v10;
	[tilespmem:v18+s28+$0x0] =	vst.idx.msk @p0 $0xffff, v20;
	v27 =	vld.idx.msk @p0 [tilespmem:v27+s23+$0x0], $0xffff  }
0x19c: {  	v1 =	vor.u32 @p0 s25, v9;
	v52 =	vshll.u32 v51, $0x3;
	[tilespmem:v16+s28+$0x0] =	vst.idx.msk @p0 $0xffff, v4;
	v4 =	vld.idx.msk [tilespmem:v40+s3+$0x0], $0xffff;
	v16 =	vand.u32 $0xFFFFFC00, v47  }
0x19d: {  	v55 =	vand.u32 $0x7F, v33;
	s25 =	sand.u32 $0xFF, s7;
	[tilespmem:v26+s28+$0x0] =	vst.idx.msk @p0 $0xffff, v35;
	v26 =	vld.idx.msk [tilespmem:v43+s23+$0x0], $0xffff;
	v15 =	vor.u32 v45, v16;
	v16 =	vand.u32 $0xFFFFFC00, v52  }
0x19e: {  	s29 =	sand.u32 $0xFF, s22;
	v38 =	vand.u32 $0x7F, v23;
	v31 =	vshll.u32 v44, $0x3;
	s0 =	sshll.u32 s25, $0x7;
	v30 =	vld.idx.msk @p0 [tilespmem:v30+s23+$0x0], $0xffff;
	v16 =	vor.u32 v55, v16  }
0x19f: {  	s7 =	sshll.u32 s29, $0x7;
	v63 =	vor.u32 s0, v59;
	v29 =	vld.idx.msk @p0 [tilespmem:v29+s23+$0x0], $0xffff;
	v56 =	vsub.s32 v0, v10;
	v61 =	vadd.s32 v2, v16  }
0x1a0: {  	v35 =	vor.u32 s7, v59;
	v0 =	vand.u32 $0x7F, v0;
	v44 =	vsub.s32 v62, v10;
	[tilespmem:v21+s28+$0x0] =	vst.idx.msk @p0 $0xffff, v36;
	v36 =	vld.idx.msk @p0 [tilespmem:v37+s23+$0x0], $0xffff  }
0x1a1: {  	v52 =	vadd.s32 v2, v15;
	v45 =	vadd.s32 v3, v16;
	[tilespmem:v1+s28+$0x0] =	vst.idx.msk @p0 $0xffff, v27;
	v1 =	vand.u32 $0x7F, v60  }
0x1a2: {  	v40 =	vshll.u32 v56, $0x3;
	v57 =	vsub.s32 v4, v10;
	v1 =	vor.u32 v1, v49;
	[tilespmem:v50+s28+$0x0] =	vst.idx.msk $0xffff, v26  }
0x1a3: {  	[tilespmem:v25+s28+$0x0] =	vst.idx.msk @p0 $0xffff, v28;
	v4 =	vand.u32 $0x7F, v4;
	v60 =	vshll.u32 v57, $0x3;
	v53 =	vadd.s32 v2, v1;
	v37 =	vld.idx.msk [tilespmem:v54+s23+$0x0], $0xffff  }
0x1a4: {  	s21 =	sand.u32 $0xFF, s31;
	s31 =	sand.u32 $0xFF, s1;
	v26 =	vand.u32 $0x7F, v62;
	v20 =	vand.u32 $0xFFFFFC00, v60;
	[tilespmem:v17+s28+$0x0] =	vst.idx.msk @p0 $0xffff, v29;
	v29 =	vshll.u32 v44, $0x3;
	v43 =	vld.idx.msk [tilespmem:v61+s23+$0x0], $0xffff  }
0x1a5: {  	s25 =	sshll.u32 s31, $0x7;
	s31 =	sand.u32 $0xFF, s24;
	v24 =	vld.idx.msk @p0 [tilespmem:v24+s23+$0x0], $0xffff;
	v4 =	vor.u32 v4, v20;
	v20 =	vand.u32 $0xFFFFFC00, v31;
	[tilespmem:v14+s28+$0x0] =	vst.idx.msk @p0 $0xffff, v36;
	v14 =	vand.u32 $0xFFFFFC00, v40  }
0x1a6: {  	s24 =	sshll.u32 s31, $0x7;
	[tilespmem:v12+s28+$0x0] =	vst.idx.msk @p0 $0xffff, v32;
	v47 =	vand.u32 $0xFFFFFC00, v29;
	v20 =	vor.u32 v38, v20;
	v49 =	vadd.s32 v2, v4  }
0x1a7: {  	v61 =	vor.u32 s24, v59;
	v17 =	vor.u32 v26, v47;
	v26 =	vld.idx.msk [tilespmem:v52+s23+$0x0], $0xffff;
	v42 =	vadd.s32 v2, v20  }
0x1a8: {  	v0 =	vor.u32 v0, v14;
	v54 =	vadd.s32 v2, v17;
	v22 =	vld.idx.msk [tilespmem:v53+s23+$0x0], $0xffff;
	[tilespmem:v58+s28+$0x0] =	vst.idx.msk $0xffff, v37  }
0x1a9: {  	s20 =	sand.u32 $0xFF, s20;
	v51 =	vor.u32 s6, v7;
	v46 =	vadd.s32 v2, v0;
	v21 =	vld.idx.msk [tilespmem:v41+s23+$0x0], $0xffff;
	[tilespmem:v63+s28+$0x0] =	vst.idx.msk $0xffff, v43  }
0x1aa: {  	s29 =	sshll.u32 s20, $0x7;
	v39 =	vadd.s32 v3, v1;
	[tilespmem:v11+s28+$0x0] =	vst.idx.msk @p0 $0xffff, v24;
	v11 =	vor.u32 s0, v5;
	v14 =	vld.idx.msk [tilespmem:v45+s23+$0x0], $0xffff  }
0x1ab: {  	s22 =	sshll.u32 s21, $0x7;
	s8 =	sand.u32 $0xFF, s8;
	[tilespmem:v13+s28+$0x0] =	vst.idx.msk @p0 $0xffff, v30;
	v58 =	vor.u32 s29, v59;
	v63 =	vadd.s32 v3, v15;
	v23 =	vld.idx.msk [tilespmem:v49+s23+$0x0], $0xffff  }
0x1ac: {  	s8 =	sshll.u32 s8, $0x7;
	v19 =	vadd.s32 v8, v19;
	v53 =	vor.u32 s22, v59;
	[tilespmem:v61+s28+$0x0] =	vst.idx.msk $0xffff, v26;
	v12 =	vld.idx.msk [tilespmem:v42+s23+$0x0], $0xffff  }
0x1ad: {  	v62 =	vor.u32 s8, v59;
	v57 =	vadd.s32 v3, v20;
	v28 =	vld.idx.msk [tilespmem:v54+s23+$0x0], $0xffff;
	[tilespmem:v35+s28+$0x0] =	vst.idx.msk $0xffff, v22  }
0x1ae: {  	v56 =	vor.u32 s25, v59;
	v34 =	vadd.s32 v3, v17;
	v22 =	vld.idx.msk [tilespmem:v46+s23+$0x0], $0xffff;
	[tilespmem:v51+s28+$0x0] =	vst.idx.msk $0xffff, v21  }
0x1af: {  	v50 =	vor.u32 s7, v5;
	v60 =	vadd.s32 v3, v0;
	v48 =	vld.idx.msk [tilespmem:v39+s23+$0x0], $0xffff;
	[tilespmem:v11+s28+$0x0] =	vst.idx.msk $0xffff, v14  }
0x1b0: {  	v55 =	vadd.s32 v6, v1;
	v41 =	vor.u32 s24, v5;
	v27 =	vld.idx.msk [tilespmem:v63+s23+$0x0], $0xffff;
	[tilespmem:v58+s28+$0x0] =	vst.idx.msk $0xffff, v23  }
0x1b1: {  	v39 =	vor.u32 s6, v9;
	v11 =	vadd.s32 v3, v4;
	v19 =	vld.idx.msk [tilespmem:v19+s23+$0x0], $0xffff;
	[tilespmem:v53+s28+$0x0] =	vst.idx.msk $0xffff, v12  }
0x1b2: {  	v36 =	vor.u32 s22, v5;
	v42 =	vadd.s32 v6, v16;
	[tilespmem:v62+s28+$0x0] =	vst.idx.msk $0xffff, v28;
	v35 =	vld.idx.msk [tilespmem:v57+s23+$0x0], $0xffff  }
0x1b3: {  	v38 =	vadd.s32 v6, v20;
	v45 =	vor.u32 s8, v5;
	v13 =	vld.idx.msk [tilespmem:v34+s23+$0x0], $0xffff;
	[tilespmem:v56+s28+$0x0] =	vst.idx.msk $0xffff, v22  }
0x1b4: {  	v37 =	vor.u32 s25, v5;
	v49 =	vadd.s32 v6, v17;
	[tilespmem:v50+s28+$0x0] =	vst.idx.msk $0xffff, v48;
	v25 =	vld.idx.msk [tilespmem:v60+s23+$0x0], $0xffff  }
0x1b5: {  	v33 =	vor.u32 s7, v7;
	v40 =	vadd.s32 v6, v0;
	[tilespmem:v41+s28+$0x0] =	vst.idx.msk $0xffff, v27;
	v32 =	vld.idx.msk [tilespmem:v55+s23+$0x0], $0xffff  }
0x1b6: {  	v44 =	vadd.s32 v6, v15;
	v43 =	vor.u32 s29, v5;
	v11 =	vld.idx.msk [tilespmem:v11+s23+$0x0], $0xffff;
	[tilespmem:v39+s28+$0x0] =	vst.idx.msk $0xffff, v19  }
0x1b7: {  	v1 =	vadd.s32 v8, v1;
	v51 =	vld.idx.msk [tilespmem:v42+s23+$0x0], $0xffff;
	v50 =	vor.u32 s0, v7;
	[tilespmem:v36+s28+$0x0] =	vst.idx.msk $0xffff, v35  }
0x1b8: {  	v47 =	vadd.s32 v6, v4;
	v46 =	vor.u32 s22, v7;
	[tilespmem:v45+s28+$0x0] =	vst.idx.msk $0xffff, v13;
	v23 =	vld.idx.msk [tilespmem:v38+s23+$0x0], $0xffff  }
0x1b9: {  	v16 =	vadd.s32 v8, v16;
	v57 =	vor.u32 s8, v7;
	v21 =	vld.idx.msk [tilespmem:v49+s23+$0x0], $0xffff;
	[tilespmem:v37+s28+$0x0] =	vst.idx.msk $0xffff, v25  }
0x1ba: {  	v20 =	vadd.s32 v8, v20;
	v48 =	vor.u32 s25, v7;
	[tilespmem:v33+s28+$0x0] =	vst.idx.msk $0xffff, v32;
	v26 =	vld.idx.msk [tilespmem:v40+s23+$0x0], $0xffff  }
0x1bb: {  	v17 =	vadd.s32 v8, v17;
	v52 =	vld.idx.msk [tilespmem:v44+s23+$0x0], $0xffff;
	[tilespmem:v43+s28+$0x0] =	vst.idx.msk $0xffff, v11;
	v11 =	vor.u32 s24, v7  }
0x1bc: {  	v0 =	vadd.s32 v8, v0;
	v54 =	vor.u32 s7, v9;
	[tilespmem:v50+s28+$0x0] =	vst.idx.msk $0xffff, v51;
	v1 =	vld.idx.msk [tilespmem:v1+s23+$0x0], $0xffff  }
0x1bd: {  	v53 =	vadd.s32 v8, v15;
	v55 =	vor.u32 s29, v7;
	v56 =	vld.idx.msk [tilespmem:v47+s23+$0x0], $0xffff;
	[tilespmem:v46+s28+$0x0] =	vst.idx.msk $0xffff, v23  }
0x1be: {  	v4 =	vadd.s32 v8, v4;
	v60 =	vor.u32 s0, v9;
	v61 =	vld.idx.msk [tilespmem:v16+s23+$0x0], $0xffff;
	[tilespmem:v57+s28+$0x0] =	vst.idx.msk $0xffff, v21  }
0x1bf: {  	v58 =	vor.u32 s22, v9;
	v20 =	vld.idx.msk [tilespmem:v20+s23+$0x0], $0xffff;
	[tilespmem:v48+s28+$0x0] =	vst.idx.msk $0xffff, v26  }
0x1c0: {  	v63 =	vor.u32 s8, v9;
	v17 =	vld.idx.msk [tilespmem:v17+s23+$0x0], $0xffff;
	[tilespmem:v11+s28+$0x0] =	vst.idx.msk $0xffff, v52  }
0x1c1: {  	v11 =	vor.u32 s25, v9;
	v0 =	vld.idx.msk [tilespmem:v0+s23+$0x0], $0xffff;
	[tilespmem:v54+s28+$0x0] =	vst.idx.msk $0xffff, v1  }
0x1c2: {  	v1 =	vor.u32 s24, v9;
	v13 =	vld.idx.msk [tilespmem:v53+s23+$0x0], $0xffff;
	[tilespmem:v55+s28+$0x0] =	vst.idx.msk $0xffff, v56  }
0x1c3: {  	v62 =	vor.u32 s29, v9;
	[tilespmem:v60+s28+$0x0] =	vst.idx.msk $0xffff, v61;
	v4 =	vld.idx.msk [tilespmem:v4+s23+$0x0], $0xffff  }
0x1c4: {  	[tilespmem:v58+s28+$0x0] =	vst.idx.msk $0xffff, v20  }
0x1c5: {  	[tilespmem:v63+s28+$0x0] =	vst.idx.msk $0xffff, v17  }
0x1c6: {  	[tilespmem:v11+s28+$0x0] =	vst.idx.msk $0xffff, v0  }
0x1c7: {  	[tilespmem:v1+s28+$0x0] =	vst.idx.msk $0xffff, v13  }
0x1c8: {  	[tilespmem:v62+s28+$0x0] =	vst.idx.msk $0xffff, v4  }
.LBB2_9:
0x1c9: {  	p0 =	sge.s32 s30, s17  }
.Ltmp13:
0x1ca: {  	_ = 	snop;
	(pc) =	sbr.rel @p0 .LBB2_12-.Ltmp13, $1  }
0x1cb: {  	_ =	sdelay $0x3  }
0x1cc: {  	p0 =	slt.s32 s11, s14;
	s0 =	smov.u32 s14;
	s1 =	ssub.s32 s18, s5  }
0x1cd: {  	s0 =	smov.u32 @p0 s11;
	s1 =	ssub.s32 $0x0, s1  }
.LBB2_11:
0x1ce: {  	s5 =	sadd.s32 s1, s0  }
0x1cf: {  	v0 =	vmov s5;
	_ =	sdelay $0x4  }
0x1d0: {  	v0 =	vld.idx.msk [tilespmem:v0+s3+$0x0], $0xffff;
	_ =	sdelay $0x4  }
0x1d1: {  	v1 =	vsub.s32 v0, v10  }
0x1d2: {  	v1 =	vshll.u32 v1, $0x3  }
0x1d3: {  	v0 =	vand.u32 $0x7F, v0;
	v1 =	vand.u32 $0xFFFFFC00, v1  }
0x1d4: {  	v0 =	vor.u32 v0, v1  }
0x1d5: {  	v1 =	vadd.s32 v2, v0;
	_ =	sdelay $0x2  }
0x1d6: {  	s5 =	sand.u32 $0xFF, s5  }
0x1d7: {  	s5 =	sshll.u32 s5, $0x7  }
0x1d8: {  	v4 =	vor.u32 s5, v59;
	v1 =	vld.idx.msk [tilespmem:v1+s23+$0x0], $0xffff  }
0x1d9: {  	v11 =	vadd.s32 v3, v0;
	_ =	sdelay $0x3  }
0x1da: {  	[tilespmem:v4+s28+$0x0] =	vst.idx.msk $0xffff, v1  }
0x1db: {  	v4 =	vor.u32 s5, v5;
	v1 =	vld.idx.msk [tilespmem:v11+s23+$0x0], $0xffff  }
0x1dc: {  	v11 =	vadd.s32 v6, v0;
	_ =	sdelay $0x3  }
0x1dd: {  	[tilespmem:v4+s28+$0x0] =	vst.idx.msk $0xffff, v1  }
0x1de: {  	v4 =	vor.u32 s5, v7;
	v1 =	vld.idx.msk [tilespmem:v11+s23+$0x0], $0xffff  }
0x1df: {  	v0 =	vadd.s32 v8, v0;
	_ =	sdelay $0x3  }
0x1e0: {  	s1 =	sadd.s32 $0x1, s1;
	[tilespmem:v4+s28+$0x0] =	vst.idx.msk $0xffff, v1  }
0x1e1: {  	p0 =	seq.s32 s1, $0x0;
	v1 =	vor.u32 s5, v9;
	v0 =	vld.idx.msk [tilespmem:v0+s23+$0x0], $0xffff  }
.Ltmp14:
0x1e2: {  	_ = 	snop;
	(pc) =	sbr.rel @!p0 .LBB2_11-.Ltmp14, $2  }
0x1e3: {  	_ =	sdelay $0x2  }
0x1e4: {  	[tilespmem:v1+s28+$0x0] =	vst.idx.msk $0xffff, v0  }
.Ltmp15:
0x1e5: {  	_ = 	snop;
	(pc) =	sbr.rel .LBB2_12-.Ltmp15, $1  }
0x1e6: {  	_ =	sdelay $0x3  }
.LBB2_8:
.Ltmp16:
0x1e7: {  	(pc) =	sbr.rel .LBB2_20-.Ltmp16, $2  }
0x1e8: {  	_ =	sdelay $0x2  }
0x1e9: {  	_ = 	snop  }
.LBB2_13:
0x1ea: {  	s0 =	sadd.s32 $0x2, s9;
	s1 =	rddreg [dreg:$0x15]  }
0x1eb: {  	p0 =	slt.s32 s0, s1  }
0x1ec: {  	s1 =	smov.u32 @p0 s0  }
0x1ed: {  	s0 =	sshra.s32 s1, $0x1F  }
0x1ee: {  	s0 =	sshrl.u32 s0, $0x1C  }
0x1ef: {  	s0 =	sadd.s32 s0, s1  }
0x1f0: {  	s5 =	sand.u32 $0xFFFFFFF0, s0  }
0x1f1: {  	p0 =	slt.s32 s1, $0x1;
	p1 =	sne.s32 s1, s5  }
0x1f2: {  	p0 =	por !p0, !p1  }
0x1f3: {  	s5 =	simm.s32 $0x1;
	p0 =	por !p0, !p0  }
0x1f4: {  	s6 =	simm.s32 $0x2;
	s0 =	sshrl.u32 s0, $0x4;
	s5 =	simm.s32 @!p0 $0x0  }
0x1f5: {  	_ =	swait.ge [sflag:s6], $0x8000;
	s0 =	ssub.s32 s0, s5  }
0x1f6: {  	[sflag:s6] =	ssyncset.done $0x0;
	s0 =	sshll.u32 s0, $0x6  }
0x1f7: {  	[sflag:s6] =	ssyncadd.s32 $0xFFFF8000;
	s0 =	sshra.s32 s0, $0x2  }
0x1f8: {  	v0 =	vld [tilespmem:s0+$0x1A00];
	_ =	sdelay $0x2  }
0x1f9: {  	s9 =	sand.u32 $0xF, s1  }
0x1fa: {  	v1 =	vmov s9  }
0x1fb: {  	vm1 =	veq.s32 v1, v59;
	v0 =	vxor.u32 $0x80000000, v0  }
0x1fc: {  	v0 =	vnsel vm1, $0x80000000, v0  }
0x1fd: {  	(xrf0) =	vmax.scan.msk.u32 $0xffff, v0;
	_ =	sdelay $0x5  }
0x1fe: {  	v0, _, _ =	vpop (xrf0)  }
0x1ff: {  	(v2sf) =	vpush v0, $0xF;
	_ =	sdelay $0x7  }
0x200: {  	s13 =	sadd.s32 $0x1, s2  }
0x201: {  	s14 =	sshra.s32 s13, $0x1F  }
0x202: {  	s15 =	sshrl.u32 s14, $0x1C;
	p0 =	slt.u32 s2, $0x7FFFFFFF;
	s2 =	simm.s32 $0x1  }
0x203: {  	s5 =	sadd.s32 s15, s13;
	s2 =	simm.s32 @!p0 $0x0  }
0x204: {  	s1 =	sadd.s32 s2, s14;
	s16 =	sand.u32 $0xFFFFFFF0, s5  }
0x205: {  	p2 =	sne.s32 s1, $0x1;
	p3 =	sne.s32 s13, s16  }
0x206: {  	s11 =	simm.s32 $0x1000;
	s12 =	simm.s32 $0x7A1400;
	p0 =	por !p3, !p2  }
0x207: {  	s1 =	simm.s32 $0x1;
	p0 =	por !p0, !p0;
	s10 =	spop (v2sf)  }
0x208: {  	s17 =	sshrl.u32 s5, $0x4;
	s1 =	simm.s32 @!p0 $0x0;
	s0 =	sshll.u32 s10, $0x9  }
0x209: {  	s30 =	rddreg [dreg:$0x0];
	s1 =	ssub.s32 s17, s1;
	s0 =	sand.u32 $0x1FFFFE00, s0  }
0x20a: {  	s8 =	rddreg [dreg:$0x18];
	s1 =	sshll.u32 s1, $0x6;
	s0 =	sadd.s32 s30, s0  }
0x20b: {  	[tilespmem:s23], [sflag:$0x1] =	stream.strided.gather [hbm4b:s0+s11], $0x8000, s12, s11, $0x38;
	[tilespmem:$0x1B500] =	vst v63  }
0x20c: {  	s1 =	sshra.s32 s1, $0x2;
	v0 =	vld [tilespmem:s8+$0x2780]  }
0x20d: {  	v1 =	vld [tilespmem:s1+$0x2780];
	_ =	sdelay $0x2  }
0x20e: {  	s0 =	sand.u32 $0xF, s13  }
0x20f: {  	v4 =	vmov s0;
	v0 =	vxor.u32 $0x80000000, v0  }
0x210: {  	vm1 =	veq.s32 v4, v59;
	v1 =	vxor.u32 $0x80000000, v1;
	v0 =	vnsel vm0, $0x80000000, v0  }
0x211: {  	(xrf0) =	vmax.scan.msk.u32 $0xffff, v0;
	v0 =	vnsel vm1, $0x80000000, v1  }
0x212: {  	(xrf0) =	vmax.scan.msk.u32 $0xffff, v0;
	_ =	sdelay $0x4  }
0x213: {  	v0, _, _ =	vpop (xrf0)  }
0x214: {  	(v2sf) =	vpush v0, $0xF;
	v0, _, _ =	vpop (xrf0)  }
0x215: {  	(v2sf) =	vpush v0, $0xF;
	_ =	sdelay $0xc  }
0x216: {  	s19 =	rddreg [dreg:$0x14]  }
0x217: {  	s20 =	rddreg [dreg:$0x19];
	s18 =	spop (v2sf)  }
0x218: {  	p0 =	slt.s32 s20, s19;
	s2 =	sxor.u32 $0x80000000, s18;
	s21 =	spop (v2sf)  }
0x219: {  	s2 =	simm.s32 @!p0 $0x0;
	s7 =	sxor.u32 $0x80000000, s21  }
0x21a: {  	s5 =	simm.s32 $0x1;
	s7 =	simm.s32 @!p0 $0x0;
	s22 =	sshra.s32 s2, $0x1F  }
0x21b: {  	s24 =	sand.u32 $0xFF, s2;
	p4 =	slt.s32 s2, $0x1;
	s0 =	sshrl.u32 s22, $0x18  }
0x21c: {  	p5 =	sne.s32 s24, $0x0;
	s25 =	sadd.s32 $0xFF, s7;
	s0 =	sadd.s32 s0, s2  }
0x21d: {  	p0 =	por !p4, !p5;
	s29 =	sand.u32 $0xFF, s25;
	s31 =	sshra.s32 s25, $0x1F  }
0x21e: {  	p6 =	slt.s32 s25, $0x1;
	s0 =	sshra.s32 s0, $0x8;
	p2 =	sne.s32 s29, $0x0  }
0x21f: {  	p0 =	por !p0, !p0;
	s6 =	sshrl.u32 s31, $0x18;
	p1 =	por !p6, !p2  }
0x220: {  	s1 =	sadd.s32 s6, s25;
	s6 =	simm.s32 $0x1;
	p1 =	por !p1, !p1  }
0x221: {  	s5 =	simm.s32 @!p0 $0x0;
	s1 =	sshra.s32 s1, $0x8;
	s6 =	simm.s32 @!p1 $0x0  }
0x222: {  	s9 =	ssub.s32 s0, s5;
	s10 =	ssub.s32 s1, s6  }
0x223: {  	p1 =	sge.s32 s9, s10  }
.Ltmp17:
0x224: {  	_ = 	snop;
	(pc) =	sbr.rel @p1 .LBB2_25-.Ltmp17, $1  }
0x225: {  	_ =	sdelay $0x3  }
0x226: {  	v0 =	vld [tilespmem:s8+$0x1A00];
	_ =	sdelay $0x4  }
0x227: {  	v0 =	vxor.u32 $0x80000000, v0  }
0x228: {  	v0 =	vnsel vm0, $0x80000000, v0  }
0x229: {  	(xrf0) =	vmax.scan.msk.u32 $0xffff, v0;
	_ =	sdelay $0x5  }
0x22a: {  	v0, _, _ =	vpop (xrf0)  }
0x22b: {  	(v2sf) =	vpush v0, $0xF;
	_ =	sdelay $0xc  }
.Ltmp18:
0x22c: {  	s1 =	simm.s32 $0xFFFFFFFF;
	(pc) =	sbr.rel .LBB2_15-.Ltmp18, $4  }
0x22d: {  	s1 =	simm.s32 @!p0 $0x0  }
0x22e: {  	s0 =	sadd.s32 s1, s0;
	s5 =	spop (v2sf)  }
0x22f: {  	s0 =	sshll.u32 s0, $0x8;
	s31 =	sshll.u32 s5, $0x9  }
0x230: {  	s11 =	sshll.u32 s9, $0x8;
	s6 =	sadd.s32 $0x100, s0;
	v10 =	vmov s31  }
.LBB2_24:
0x231: {  	p0 =	sgt.s32 s13, s7;
	p1 =	slt.s32 s9, s10  }
0x232: {  	s0 =	sadd.s32 @!p0 $0xD00, s12;
	s1 =	simm.s32 @!p0 $0x100;
	s5 =	simm.s32 @!p0 $0x13500  }
0x233: {  	[hbm4b:s4+s1] =	stream.indirect.scatter @!p0 [tilespmem:s5], [sflag:$0x3], $0x80, s0, s1, $0xb8;
	[tilespmem:$0x1B500] =	vst v63  }
.Ltmp19:
0x234: {  	_ = 	snop;
	(pc) =	sbr.rel @!p1 .LBB2_25-.Ltmp19, $4  }
0x235: {  	s0 =	simm.s32 @!p0 $0x3  }
0x236: {  	_ =	swait.ge @!p0 [sflag:s0], $0x8000  }
0x237: {  	[sflag:s0] =	ssyncset.done @!p0 $0x0  }
0x238: {  	s6 =	sadd.s32 $0x100, s6;
	s11 =	sadd.s32 $0x100, s11;
	[sflag:s0] =	ssyncadd.s32 @!p0 $0xFFFF8000  }
.LBB2_15:
0x239: {  	s12 =	sshll.u32 s9, $0x8;
	s9 =	sadd.s32 $0x1, s9  }
0x23a: {  	s13 =	sshll.u32 s9, $0x8;
	p0 =	sgt.s32 s2, s12  }
0x23b: {  	s0 =	smov.u32 s12;
	p1 =	slt.s32 s7, s13;
	s15 =	smov.u32 s13  }
0x23c: {  	s0 =	smov.u32 @p0 s2;
	s15 =	smov.u32 @p1 s7  }
0x23d: {  	s14 =	ssub.s32 s15, s0  }
0x23e: {  	s1 =	sshra.s32 s14, $0x1F  }
0x23f: {  	s1 =	sshrl.u32 s1, $0x1D  }
0x240: {  	s1 =	sadd.s32 s1, s14  }
0x241: {  	s5 =	sand.u32 $0xFFFFFFF8, s1  }
0x242: {  	s16 =	sadd.s32 s0, s5  }
0x243: {  	p0 =	sge.s32 s0, s16  }
.Ltmp20:
0x244: {  	_ = 	snop;
	(pc) =	sbr.rel @p0 .LBB2_21-.Ltmp20, $1  }
0x245: {  	_ =	sdelay $0x3  }
0x246: {  	p0 =	sgt.s32 s2, s11;
	s0 =	smov.u32 s11  }
0x247: {  	s0 =	smov.u32 @p0 s2  }
0x248: {  	s0 =	sadd.s32 $0x7, s0  }
0x249: {  	s1 =	sadd.s32 $0x1, s0  }
0x24a: {  	p1 =	slt.s32 s1, s16  }
.Ltmp21:
0x24b: {  	_ = 	snop;
	(pc) =	sbr.rel @!p1 .LBB2_17-.Ltmp21, $3  }
0x24c: {  	_ =	sdelay $0x1  }
0x24d: {  	p0 =	por $0x0, $0x0;
	s24 =	sadd.s32 $0xFFFFFFF9, s0  }
0x24e: {  	s19 =	sadd.s32 $0xFFFFFFFD, s0;
	v49 =	vmov s0;
	s17 =	sadd.s32 $0xFFFFFFFF, s0;
	v45 =	vmov s24;
	s1 =	sadd.s32 $0xFFFFFFFE, s0  }
0x24f: {  	_ = 	snop  }
0x250: {  	s8 =	sadd.s32 $0xFFFFFFFA, s0  }
0x251: {  	v0 =	vmov s19;
	s18 =	sadd.s32 $0xFFFFFFFC, s0;
	s20 =	sadd.s32 $0xFFFFFFFB, s0;
	s19 =	sand.u32 $0xFF, s19  }
0x252: {  	s22 =	sand.u32 $0xFF, s1;
	v13 =	vmov s8;
	s8 =	sand.u32 $0xFF, s8;
	v16 =	vmov s18;
	s18 =	sand.u32 $0xFF, s18  }
0x253: {  	v1 =	vld.idx.msk [tilespmem:v49+s3+$0x0], $0xffff;
	v4 =	vmov s17;
	v11 =	vmov s1;
	s19 =	sshll.u32 s19, $0x7;
	s1 =	sshll.u32 s22, $0x7;
	s22 =	sand.u32 $0xFF, s20  }
0x254: {  	v18 =	vmov s20;
	s25 =	sshll.u32 s8, $0x7;
	s21 =	sshll.u32 s18, $0x7;
	v15 =	vor.u32 s19, v59;
	v23 =	vor.u32 s1, v59;
	s8 =	sshll.u32 s22, $0x7  }
0x255: {  	s29 =	sand.u32 $0xFF, s17;
	s18 =	sand.u32 $0xFF, s24;
	v28 =	vor.u32 s8, v59;
	v33 =	vor.u32 s25, v59;
	v42 =	vor.u32 s21, v59  }
0x256: {  	v14 =	vld.idx.msk [tilespmem:v45+s3+$0x0], $0xffff;
	s24 =	sand.u32 $0xFF, s0;
	s22 =	sshll.u32 s29, $0x7;
	s0 =	sadd.s32 $0x8, s0;
	v30 =	vor.u32 s8, v5;
	v44 =	vor.u32 s21, v5;
	v36 =	vor.u32 s25, v5  }
0x257: {  	s18 =	sshll.u32 s18, $0x7;
	s20 =	sshll.u32 s24, $0x7;
	v50 =	vor.u32 s22, v59;
	v49 =	vmov s0;
	v56 =	vor.u32 s22, v5;
	v0 =	vld.idx.msk [tilespmem:v0+s3+$0x0], $0xffff  }
0x258: {  	v22 =	vor.u32 s18, v59;
	v26 =	vor.u32 s20, v59;
	v12 =	vsub.s32 v1, v10;
	v4 =	vld.idx.msk [tilespmem:v4+s3+$0x0], $0xffff  }
0x259: {  	s24 =	sadd.s32 $0xFFFFFFF9, s0;
	v37 =	vor.u32 s20, v5;
	v43 =	vor.u32 s20, v7;
	v17 =	vld.idx.msk [tilespmem:v11+s3+$0x0], $0xffff;
	v12 =	vshll.u32 v12, $0x3  }
0x25a: {  	v45 =	vmov s24;
	v1 =	vand.u32 $0x7F, v1;
	v16 =	vld.idx.msk [tilespmem:v16+s3+$0x0], $0xffff;
	v12 =	vand.u32 $0xFFFFFC00, v12  }
0x25b: {  	v11 =	vor.u32 s25, v9;
	v21 =	vsub.s32 v14, v10;
	v18 =	vld.idx.msk [tilespmem:v18+s3+$0x0], $0xffff;
	v19 =	vor.u32 v1, v12  }
0x25c: {  	v14 =	vand.u32 $0x7F, v14;
	v12 =	vor.u32 s21, v9;
	v1 =	vadd.s32 v2, v19  }
0x25d: {  	v13 =	vld.idx.msk [tilespmem:v13+s3+$0x0], $0xffff;
	v32 =	vadd.s32 v3, v19;
	v63 =	vadd.s32 v6, v19;
	v20 =	vand.u32 $0x7F, v0  }
0x25e: {  	v0 =	vsub.s32 v0, v10;
	v25 =	vand.u32 $0x7F, v4;
	v4 =	vsub.s32 v4, v10  }
0x25f: {  	v24 =	vsub.s32 v17, v10;
	v0 =	vshll.u32 v0, $0x3;
	v4 =	vshll.u32 v4, $0x3  }
0x260: {  	v29 =	vsub.s32 v16, v10;
	v24 =	vshll.u32 v24, $0x3;
	v39 =	vand.u32 $0x7F, v18  }
0x261: {  	v0 =	vand.u32 $0xFFFFFC00, v0;
	v4 =	vand.u32 $0xFFFFFC00, v4;
	v29 =	vshll.u32 v29, $0x3  }
0x262: {  	v0 =	vor.u32 v20, v0;
	v20 =	vsub.s32 v13, v10;
	v13 =	vand.u32 $0x7F, v13;
	v1 =	vld.idx.msk [tilespmem:v1+s26+$0x0], $0xffff  }
0x263: {  	v29 =	vand.u32 $0xFFFFFC00, v29;
	v35 =	vor.u32 v25, v4;
	v4 =	vand.u32 $0x7F, v16  }
0x264: {  	v25 =	vand.u32 $0xFFFFFC00, v24;
	v16 =	vor.u32 s19, v7;
	v38 =	vadd.s32 v2, v35  }
0x265: {  	v27 =	vshll.u32 v20, $0x3;
	v20 =	vor.u32 s19, v5;
	v34 =	vor.u32 v4, v29  }
0x266: {  	v40 =	vadd.s32 v3, v0;
	v4 =	vsub.s32 v18, v10;
	v31 =	vand.u32 $0xFFFFFC00, v27  }
0x267: {  	v24 =	vor.u32 v13, v31;
	v13 =	vadd.s32 v2, v34;
	[tilespmem:v26+s28+$0x0] =	vst.idx.msk $0xffff, v1;
	v1 =	vshll.u32 v21, $0x3  }
0x268: {  	v62 =	vadd.s32 v2, v0;
	v29 =	vor.u32 s21, v7;
	v46 =	vld.idx.msk [tilespmem:v32+s26+$0x0], $0xffff;
	v1 =	vand.u32 $0xFFFFFC00, v1  }
0x269: {  	v18 =	vor.u32 s8, v7;
	v52 =	vadd.s32 v3, v35;
	v32 =	vor.u32 v14, v1;
	v1 =	vld.idx.msk [tilespmem:v38+s26+$0x0], $0xffff  }
0x26a: {  	s31 =	sadd.s32 $0x1, s0;
	v41 =	vadd.s32 v6, v0;
	v53 =	vadd.s32 v6, v35;
	v4 =	vshll.u32 v4, $0x3  }
0x26b: {  	p1 =	slt.s32 s31, s16;
	v27 =	vor.u32 s1, v5;
	v4 =	vand.u32 $0xFFFFFC00, v4;
	v57 =	vadd.s32 v2, v32  }
.Ltmp22:
0x26c: {  	v55 =	vadd.s32 v3, v34;
	v39 =	vor.u32 v39, v4;
	v58 =	vadd.s32 v2, v24;
	v47 =	vld.idx.msk [tilespmem:v13+s26+$0x0], $0xffff;
	(pc) =	sbr.rel @!p1 .LBB2_30-.Ltmp22, $4  }
0x26d: {  	v31 =	vor.u32 s18, v7;
	v48 =	vadd.s32 v2, v39;
	v26 =	vor.u32 s1, v7;
	[tilespmem:v37+s28+$0x0] =	vst.idx.msk $0xffff, v46;
	v46 =	vld.idx.msk [tilespmem:v62+s26+$0x0], $0xffff  }
0x26e: {  	v21 =	vor.u32 s25, v7;
	v13 =	vand.u32 $0x7F, v17;
	v14 =	vor.u32 s19, v9;
	[tilespmem:v50+s28+$0x0] =	vst.idx.msk $0xffff, v1;
	v50 =	vld.idx.msk [tilespmem:v63+s26+$0x0], $0xffff  }
0x26f: {  	p0 =	por $0x1, $0x1;
	v17 =	vor.u32 s1, v9;
	v38 =	vor.u32 v13, v25;
	v25 =	vor.u32 s18, v9;
	v54 =	vld.idx.msk [tilespmem:v52+s26+$0x0], $0xffff  }
0x270: {  	s17 =	sadd.s32 $0xFFFFFFFF, s0;
	s19 =	sadd.s32 $0xFFFFFFFD, s0;
	s1 =	sadd.s32 $0xFFFFFFFE, s0;
	v13 =	vor.u32 s8, v9;
	v51 =	vadd.s32 v2, v38;
	v37 =	vadd.s32 v8, v0;
	v57 =	vld.idx.msk [tilespmem:v57+s26+$0x0], $0xffff  }
.LBB2_29:
0x271: {  	s8 =	sadd.s32 $0xFFFFFFFA, s0;
	s21 =	sadd.s32 $0xFFFFFFFB, s0;
	s25 =	sadd.s32 $0xFFFFFFFC, s0;
	v0 =	vmov s19;
	v1 =	vmov s1;
	v4 =	vmov s17;
	[tilespmem:v42+s28+$0x0] =	vst.idx.msk $0xffff, v47  }
0x272: {  	v52 =	vmov s8;
	s8 =	sand.u32 $0xFF, s8;
	v42 =	vmov s21;
	s21 =	sand.u32 $0xFF, s21;
	v59 =	vmov s25;
	s29 =	sand.u32 $0xFF, s25;
	v60 =	vld.idx.msk [tilespmem:v48+s26+$0x0], $0xffff  }
0x273: {  	v19 =	vadd.s32 v8, v19;
	s25 =	sshll.u32 s8, $0x7;
	s8 =	sshll.u32 s21, $0x7;
	s29 =	sshll.u32 s29, $0x7;
	v55 =	vld.idx.msk [tilespmem:v55+s26+$0x0], $0xffff  }
0x274: {  	v61 =	vadd.s32 v3, v32;
	s21 =	sand.u32 $0xFF, s24;
	v48 =	vor.u32 s25, v9;
	v47 =	vor.u32 s29, v9;
	v58 =	vld.idx.msk [tilespmem:v58+s26+$0x0], $0xffff  }
0x275: {  	v62 =	vadd.s32 v6, v34;
	v51 =	vld.idx.msk [tilespmem:v51+s26+$0x0], $0xffff  }
0x276: {  	v63 =	vld.idx.msk [tilespmem:v49+s3+$0x0], $0xffff;
	v49 =	vadd.s32 v3, v24;
	[tilespmem:v56+s28+$0x0] =	vst.idx.msk $0xffff, v54  }
0x277: {  	v54 =	vor.u32 s22, v7;
	v53 =	vld.idx.msk [tilespmem:v53+s26+$0x0], $0xffff;
	[tilespmem:v43+s28+$0x0] =	vst.idx.msk $0xffff, v50  }
0x278: {  	[tilespmem:v22+s28+$0x0] =	vst.idx.msk $0xffff, v57;
	v22 =	vadd.s32 v3, v38;
	v19 =	vld.idx.msk [tilespmem:v19+s26+$0x0], $0xffff  }
0x279: {  	v43 =	vadd.s32 v3, v39;
	v4 =	vld.idx.msk [tilespmem:v4+s3+$0x0], $0xffff;
	[tilespmem:v44+s28+$0x0] =	vst.idx.msk $0xffff, v55;
	v44 =	vor.u32 s20, v9  }
0x27a: {  	v50 =	vld.idx.msk [tilespmem:v61+s26+$0x0], $0xffff;
	[tilespmem:v33+s28+$0x0] =	vst.idx.msk $0xffff, v58  }
0x27b: {  	v33 =	vor.u32 s18, v5;
	v55 =	vld.idx.msk [tilespmem:v49+s26+$0x0], $0xffff;
	[tilespmem:v28+s28+$0x0] =	vst.idx.msk $0xffff, v60  }
0x27c: {  	v35 =	vadd.s32 v8, v35;
	v28 =	vadd.s32 v6, v32;
	v0 =	vld.idx.msk [tilespmem:v0+s3+$0x0], $0xffff;
	[tilespmem:v23+s28+$0x0] =	vst.idx.msk $0xffff, v51  }
0x27d: {  	v34 =	vadd.s32 v8, v34;
	v23 =	vsub.s32 v63, v10;
	v22 =	vld.idx.msk [tilespmem:v22+s26+$0x0], $0xffff;
	[tilespmem:v54+s28+$0x0] =	vst.idx.msk $0xffff, v53  }
0x27e: {  	v51 =	vadd.s32 v6, v38;
	v23 =	vshll.u32 v23, $0x3;
	v43 =	vld.idx.msk [tilespmem:v43+s26+$0x0], $0xffff;
	[tilespmem:v44+s28+$0x0] =	vst.idx.msk $0xffff, v19  }
0x27f: {  	v19 =	vand.u32 $0x7F, v63;
	v23 =	vand.u32 $0xFFFFFC00, v23;
	v49 =	vld.idx.msk [tilespmem:v45+s3+$0x0], $0xffff;
	[tilespmem:v15+s28+$0x0] =	vst.idx.msk $0xffff, v46  }
0x280: {  	v19 =	vor.u32 v19, v23;
	[tilespmem:v33+s28+$0x0] =	vst.idx.msk $0xffff, v50;
	v23 =	vld.idx.msk [tilespmem:v40+s26+$0x0], $0xffff  }
0x281: {  	v33 =	vadd.s32 v2, v19;
	v40 =	vld.idx.msk [tilespmem:v59+s3+$0x0], $0xffff;
	v59 =	vlaneseq.u32;
	[tilespmem:v36+s28+$0x0] =	vst.idx.msk $0xffff, v55  }
0x282: {  	v38 =	vadd.s32 v8, v38;
	v50 =	vand.u32 $0x7F, v0;
	v0 =	vsub.s32 v0, v10;
	v45 =	vld.idx.msk [tilespmem:v1+s3+$0x0], $0xffff  }
0x283: {  	v1 =	vld.idx.msk [tilespmem:v28+s26+$0x0], $0xffff;
	v28 =	vadd.s32 v6, v24;
	v24 =	vadd.s32 v8, v24;
	[tilespmem:v27+s28+$0x0] =	vst.idx.msk $0xffff, v22  }
0x284: {  	s19 =	sand.u32 $0xFF, s19;
	s18 =	sshll.u32 s21, $0x7;
	v27 =	vadd.s32 v8, v32;
	[tilespmem:v30+s28+$0x0] =	vst.idx.msk $0xffff, v43;
	v30 =	vadd.s32 v6, v39;
	v32 =	vld.idx.msk [tilespmem:v51+s26+$0x0], $0xffff  }
0x285: {  	s1 =	sand.u32 $0xFF, s1;
	s19 =	sshll.u32 s19, $0x7;
	v22 =	vor.u32 s18, v59;
	v46 =	vsub.s32 v49, v10;
	v43 =	vor.u32 s22, v9;
	v36 =	vld.idx.msk [tilespmem:v62+s26+$0x0], $0xffff  }
0x286: {  	s1 =	sshll.u32 s1, $0x7;
	s20 =	sand.u32 $0xFF, s0;
	v53 =	vand.u32 $0x7F, v4;
	v15 =	vor.u32 s19, v59;
	v39 =	vadd.s32 v8, v39;
	v44 =	vld.idx.msk [tilespmem:v52+s3+$0x0], $0xffff;
	[tilespmem:v20+s28+$0x0] =	vst.idx.msk $0xffff, v23  }
0x287: {  	s20 =	sshll.u32 s20, $0x7;
	v4 =	vsub.s32 v4, v10;
	v0 =	vshll.u32 v0, $0x3;
	v23 =	vor.u32 s1, v59;
	v41 =	vld.idx.msk [tilespmem:v41+s26+$0x0], $0xffff  }
0x288: {  	v55 =	vor.u32 s20, v59;
	v0 =	vand.u32 $0xFFFFFC00, v0;
	v51 =	vsub.s32 v45, v10;
	v35 =	vld.idx.msk [tilespmem:v35+s26+$0x0], $0xffff  }
0x289: {  	v52 =	vor.u32 v50, v0;
	v0 =	vshll.u32 v4, $0x3;
	v4 =	vor.u32 s20, v5;
	v54 =	vld.idx.msk [tilespmem:v33+s26+$0x0], $0xffff;
	[tilespmem:v31+s28+$0x0] =	vst.idx.msk $0xffff, v1  }
0x28a: {  	v0 =	vand.u32 $0xFFFFFC00, v0;
	v33 =	vor.u32 s25, v59;
	v31 =	vsub.s32 v40, v10;
	v1 =	vld.idx.msk [tilespmem:v28+s26+$0x0], $0xffff;
	[tilespmem:v26+s28+$0x0] =	vst.idx.msk $0xffff, v32  }
0x28b: {  	v28 =	vor.u32 s8, v59;
	v26 =	vld.idx.msk [tilespmem:v30+s26+$0x0], $0xffff;
	[tilespmem:v29+s28+$0x0] =	vst.idx.msk $0xffff, v36;
	v20 =	vsub.s32 v44, v10;
	v36 =	vand.u32 $0x7F, v44  }
0x28c: {  	v44 =	vor.u32 s29, v5;
	v29 =	vld.idx.msk [tilespmem:v42+s3+$0x0], $0xffff;
	v42 =	vor.u32 s29, v59;
	v30 =	vshll.u32 v20, $0x3  }
0x28d: {  	v20 =	vor.u32 s19, v5;
	v32 =	vld.idx.msk [tilespmem:v27+s26+$0x0], $0xffff;
	[tilespmem:v16+s28+$0x0] =	vst.idx.msk $0xffff, v41;
	v16 =	vand.u32 $0xFFFFFC00, v30;
	v30 =	vshll.u32 v31, $0x3  }
0x28e: {  	v27 =	vor.u32 s1, v5;
	v41 =	vadd.s32 v3, v19;
	v31 =	vld.idx.msk [tilespmem:v38+s26+$0x0], $0xffff;
	[tilespmem:v43+s28+$0x0] =	vst.idx.msk $0xffff, v35;
	v38 =	vand.u32 $0xFFFFFC00, v30  }
0x28f: {  	v30 =	vshll.u32 v51, $0x3;
	v35 =	vor.u32 v53, v0;
	v43 =	vor.u32 s20, v7;
	v37 =	vld.idx.msk [tilespmem:v37+s26+$0x0], $0xffff  }
0x290: {  	v50 =	vand.u32 $0xFFFFFC00, v30;
	v30 =	vor.u32 s8, v5;
	[tilespmem:v21+s28+$0x0] =	vst.idx.msk $0xffff, v1;
	v0 =	vld.idx.msk [tilespmem:v34+s26+$0x0], $0xffff;
	v21 =	vadd.s32 v2, v35  }
0x291: {  	v1 =	vand.u32 $0x7F, v40;
	v40 =	vadd.s32 v3, v52;
	v51 =	vld.idx.msk [tilespmem:v24+s26+$0x0], $0xffff;
	[tilespmem:v18+s28+$0x0] =	vst.idx.msk $0xffff, v26;
	v53 =	vand.u32 $0x7F, v29  }
0x292: {  	v24 =	vor.u32 v36, v16;
	v36 =	vor.u32 s25, v5;
	v16 =	vor.u32 s19, v7;
	[tilespmem:v55+s28+$0x0] =	vst.idx.msk $0xffff, v54;
	v18 =	vld.idx.msk [tilespmem:v39+s26+$0x0], $0xffff  }
0x293: {  	v34 =	vor.u32 v1, v38;
	v26 =	vor.u32 s1, v7;
	v54 =	vadd.s32 v6, v19;
	[tilespmem:v25+s28+$0x0] =	vst.idx.msk $0xffff, v32  }
0x294: {  	v25 =	vadd.s32 v2, v34;
	v1 =	vld.idx.msk [tilespmem:v41+s26+$0x0], $0xffff;
	[tilespmem:v17+s28+$0x0] =	vst.idx.msk $0xffff, v31;
	v17 =	vsub.s32 v29, v10  }
0x295: {  	s17 =	sand.u32 $0xFF, s17;
	v31 =	vor.u32 s18, v7;
	v29 =	vor.u32 s29, v7;
	[tilespmem:v14+s28+$0x0] =	vst.idx.msk $0xffff, v37;
	v14 =	vshll.u32 v46, $0x3  }
0x296: {  	s22 =	sshll.u32 s17, $0x7;
	v37 =	vadd.s32 v2, v52;
	[tilespmem:v12+s28+$0x0] =	vst.idx.msk $0xffff, v0;
	v0 =	vand.u32 $0x7F, v49;
	v14 =	vand.u32 $0xFFFFFC00, v14  }
0x297: {  	v49 =	vld.idx.msk [tilespmem:v21+s26+$0x0], $0xffff;
	[tilespmem:v11+s28+$0x0] =	vst.idx.msk $0xffff, v51;
	v11 =	vmov v48;
	v32 =	vor.u32 v0, v14;
	v0 =	vor.u32 s22, v59  }
0x298: {  	v12 =	vmovc v47;
	v21 =	vor.u32 s25, v7;
	v14 =	vshll.u32 v17, $0x3;
	v17 =	vand.u32 $0x7F, v45;
	[tilespmem:v13+s28+$0x0] =	vst.idx.msk $0xffff, v18  }
0x299: {  	s0 =	sadd.s32 $0x8, s0;
	v18 =	vor.u32 s8, v7;
	v13 =	vadd.s32 v3, v35;
	v57 =	vadd.s32 v2, v32  }
0x29a: {  	v38 =	vor.u32 v17, v50;
	v17 =	vor.u32 s1, v9;
	s1 =	sadd.s32 $0x1, s0;
	v47 =	vld.idx.msk [tilespmem:v25+s26+$0x0], $0xffff;
	[tilespmem:v4+s28+$0x0] =	vst.idx.msk $0xffff, v1  }
0x29b: {  	v41 =	vadd.s32 v6, v52;
	p1 =	slt.s32 s1, s16;
	v1 =	vand.u32 $0xFFFFFC00, v14;
	v14 =	vor.u32 s19, v9;
	v46 =	vld.idx.msk [tilespmem:v37+s26+$0x0], $0xffff  }
.Ltmp23:
0x29c: {  	v39 =	vor.u32 v53, v1;
	(pc) =	sbr.rel @p1 .LBB2_29-.Ltmp23, $4  }
0x29d: {  	v51 =	vadd.s32 v2, v38;
	v48 =	vadd.s32 v2, v39;
	[tilespmem:v0+s28+$0x0] =	vst.idx.msk $0xffff, v49;
	v50 =	vld.idx.msk [tilespmem:v54+s26+$0x0], $0xffff  }
0x29e: {  	v55 =	vadd.s32 v3, v34;
	v53 =	vadd.s32 v6, v35;
	v49 =	vmov s0;
	v54 =	vld.idx.msk [tilespmem:v13+s26+$0x0], $0xffff  }
0x29f: {  	s24 =	sadd.s32 $0xFFFFFFF9, s0;
	v56 =	vor.u32 s22, v5;
	v58 =	vadd.s32 v2, v24;
	v25 =	vor.u32 s18, v9  }
0x2a0: {  	s17 =	sadd.s32 $0xFFFFFFFF, s0;
	v45 =	vmov s24;
	s1 =	sadd.s32 $0xFFFFFFFE, s0;
	s19 =	sadd.s32 $0xFFFFFFFD, s0;
	v37 =	vadd.s32 v8, v52;
	v13 =	vor.u32 s8, v9;
	v57 =	vld.idx.msk [tilespmem:v57+s26+$0x0], $0xffff  }
.LBB2_30:
0x2a1: {  	_ =	sdelay $0x3  }
0x2a2: {  	v0 =	vld.idx.msk @p0 [tilespmem:v48+s26+$0x0], $0xffff  }
0x2a3: {  	[tilespmem:v42+s28+$0x0] =	vst.idx.msk @p0 $0xffff, v47;
	v42 =	vld.idx.msk @p0 [tilespmem:v58+s26+$0x0], $0xffff  }
0x2a4: {  	v4 =	vadd.s32 @p0 v8, v19;
	v48 =	vld.idx.msk @p0 [tilespmem:v51+s26+$0x0], $0xffff  }
0x2a5: {  	v63 =	vmov s17;
	v49 =	vld.idx.msk [tilespmem:v49+s3+$0x0], $0xffff  }
0x2a6: {  	v47 =	vadd.s32 @p0 v3, v32;
	v1 =	vld.idx.msk @p0 [tilespmem:v55+s26+$0x0], $0xffff;
	[tilespmem:v15+s28+$0x0] =	vst.idx.msk @p0 $0xffff, v46  }
0x2a7: {  	v58 =	vmov s19;
	v40 =	vld.idx.msk @p0 [tilespmem:v40+s26+$0x0], $0xffff;
	[tilespmem:v56+s28+$0x0] =	vst.idx.msk @p0 $0xffff, v54  }
0x2a8: {  	v51 =	vadd.s32 @p0 v3, v24;
	[tilespmem:v43+s28+$0x0] =	vst.idx.msk @p0 $0xffff, v50;
	v52 =	vld.idx.msk @p0 [tilespmem:v53+s26+$0x0], $0xffff  }
0x2a9: {  	v19 =	vadd.s32 @p0 v3, v39;
	[tilespmem:v22+s28+$0x0] =	vst.idx.msk @p0 $0xffff, v57;
	v4 =	vld.idx.msk @p0 [tilespmem:v4+s26+$0x0], $0xffff  }
0x2aa: {  	v43 =	vadd.s32 @p0 v3, v38;
	v60 =	vld.idx.msk [tilespmem:v63+s3+$0x0], $0xffff;
	[tilespmem:v33+s28+$0x0] =	vst.idx.msk @p0 $0xffff, v42;
	v33 =	vor.u32 @p0 s22, v7  }
0x2ab: {  	v15 =	vadd.s32 @p0 v6, v34;
	v42 =	vld.idx.msk @p0 [tilespmem:v47+s26+$0x0], $0xffff;
	[tilespmem:v23+s28+$0x0] =	vst.idx.msk @p0 $0xffff, v48;
	v23 =	vor.u32 @p0 s18, v5  }
0x2ac: {  	s21 =	sadd.s32 $0xFFFFFFFC, s0;
	[tilespmem:v28+s28+$0x0] =	vst.idx.msk @p0 $0xffff, v0;
	v0 =	vor.u32 @p0 s20, v9;
	v61 =	vld.idx.msk [tilespmem:v58+s3+$0x0], $0xffff  }
0x2ad: {  	v62 =	vmov s21;
	v47 =	vld.idx.msk @p0 [tilespmem:v51+s26+$0x0], $0xffff;
	[tilespmem:v44+s28+$0x0] =	vst.idx.msk @p0 $0xffff, v1  }
0x2ae: {  	v1 =	vadd.s32 @p0 v6, v32;
	v19 =	vld.idx.msk @p0 [tilespmem:v19+s26+$0x0], $0xffff;
	[tilespmem:v20+s28+$0x0] =	vst.idx.msk @p0 $0xffff, v40  }
0x2af: {  	v43 =	vld.idx.msk @p0 [tilespmem:v43+s26+$0x0], $0xffff;
	v20 =	vadd.s32 @p0 v6, v39;
	[tilespmem:v33+s28+$0x0] =	vst.idx.msk @p0 $0xffff, v52  }
0x2b0: {  	v44 =	vadd.s32 @p0 v6, v38;
	v15 =	vld.idx.msk @p0 [tilespmem:v15+s26+$0x0], $0xffff;
	[tilespmem:v23+s28+$0x0] =	vst.idx.msk @p0 $0xffff, v42  }
0x2b1: {  	v34 =	vadd.s32 @p0 v8, v34;
	v23 =	vld.idx.msk [tilespmem:v45+s3+$0x0], $0xffff;
	[tilespmem:v0+s28+$0x0] =	vst.idx.msk @p0 $0xffff, v4  }
0x2b2: {  	s20 =	sadd.s32 $0xFFFFFFFA, s0;
	v63 =	vand.u32 $0x7F, v49;
	s18 =	sadd.s32 $0xFFFFFFFB, s0;
	v32 =	vadd.s32 @p0 v8, v32;
	v0 =	vmov s1;
	v33 =	vld.idx.msk [tilespmem:v62+s3+$0x0], $0xffff;
	[tilespmem:v36+s28+$0x0] =	vst.idx.msk @p0 $0xffff, v47  }
0x2b3: {  	v40 =	vmov s20;
	v4 =	vsub.s32 v49, v10;
	v42 =	vmov s18;
	v1 =	vld.idx.msk @p0 [tilespmem:v1+s26+$0x0], $0xffff;
	[tilespmem:v30+s28+$0x0] =	vst.idx.msk @p0 $0xffff, v19  }
0x2b4: {  	v45 =	vand.u32 $0x7F, v61;
	v4 =	vshll.u32 v4, $0x3;
	v36 =	vadd.s32 @p0 v6, v24;
	[tilespmem:v27+s28+$0x0] =	vst.idx.msk @p0 $0xffff, v43;
	v20 =	vld.idx.msk @p0 [tilespmem:v20+s26+$0x0], $0xffff  }
0x2b5: {  	v28 =	vsub.s32 v61, v10;
	v27 =	vadd.s32 @p0 v8, v35;
	v4 =	vand.u32 $0xFFFFFC00, v4;
	v35 =	vld.idx.msk @p0 [tilespmem:v44+s26+$0x0], $0xffff  }
0x2b6: {  	v46 =	vsub.s32 v60, v10;
	v24 =	vadd.s32 @p0 v8, v24;
	v19 =	vor.u32 v63, v4;
	v4 =	vld.idx.msk @p0 [tilespmem:v41+s26+$0x0], $0xffff  }
0x2b7: {  	v30 =	vadd.s32 @p0 v8, v39;
	v47 =	vshll.u32 v28, $0x3;
	v48 =	vshll.u32 v46, $0x3;
	v0 =	vld.idx.msk [tilespmem:v0+s3+$0x0], $0xffff  }
0x2b8: {  	[tilespmem:v29+s28+$0x0] =	vst.idx.msk @p0 $0xffff, v15;
	v29 =	vadd.s32 @p0 v8, v38;
	v43 =	vadd.s32 v2, v19;
	v62 =	vld.idx.msk [tilespmem:v42+s3+$0x0], $0xffff  }
0x2b9: {  	v49 =	vand.u32 $0xFFFFFC00, v48;
	v54 =	vadd.s32 v3, v19;
	v41 =	vadd.s32 v6, v19;
	v36 =	vld.idx.msk @p0 [tilespmem:v36+s26+$0x0], $0xffff  }
0x2ba: {  	v44 =	vsub.s32 v23, v10;
	v51 =	vsub.s32 v33, v10;
	[tilespmem:v31+s28+$0x0] =	vst.idx.msk @p0 $0xffff, v1;
	v27 =	vld.idx.msk @p0 [tilespmem:v27+s26+$0x0], $0xffff  }
0x2bb: {  	v55 =	vand.u32 $0x7F, v33;
	v38 =	vand.u32 $0x7F, v23;
	v1 =	vor.u32 @p0 s22, v9;
	s22 =	sand.u32 $0xFF, s0;
	v28 =	vld.idx.msk @p0 [tilespmem:v32+s26+$0x0], $0xffff  }
0x2bc: {  	s25 =	sand.u32 $0xFF, s21;
	v52 =	vshll.u32 v51, $0x3;
	v31 =	vshll.u32 v44, $0x3;
	s8 =	sshll.u32 s22, $0x7;
	[tilespmem:v16+s28+$0x0] =	vst.idx.msk @p0 $0xffff, v4;
	v4 =	vld.idx.msk [tilespmem:v40+s3+$0x0], $0xffff;
	v16 =	vand.u32 $0xFFFFFC00, v47  }
0x2bd: {  	s29 =	sand.u32 $0xFF, s17;
	s0 =	sshll.u32 s25, $0x7;
	[tilespmem:v26+s28+$0x0] =	vst.idx.msk @p0 $0xffff, v35;
	v50 =	vor.u32 s8, v59;
	v26 =	vld.idx.msk [tilespmem:v43+s26+$0x0], $0xffff;
	v15 =	vor.u32 v45, v16;
	v16 =	vand.u32 $0xFFFFFC00, v52  }
0x2be: {  	s17 =	sshll.u32 s29, $0x7;
	[tilespmem:v18+s28+$0x0] =	vst.idx.msk @p0 $0xffff, v20;
	v32 =	vld.idx.msk @p0 [tilespmem:v34+s26+$0x0], $0xffff;
	v63 =	vor.u32 s0, v59;
	v58 =	vor.u32 s8, v5;
	v16 =	vor.u32 v55, v16  }
0x2bf: {  	v35 =	vor.u32 s17, v59;
	v29 =	vld.idx.msk @p0 [tilespmem:v29+s26+$0x0], $0xffff;
	v56 =	vsub.s32 v0, v10;
	v61 =	vadd.s32 v2, v16  }
0x2c0: {  	v30 =	vld.idx.msk @p0 [tilespmem:v30+s26+$0x0], $0xffff;
	v44 =	vsub.s32 v62, v10;
	v52 =	vadd.s32 v2, v15;
	[tilespmem:v21+s28+$0x0] =	vst.idx.msk @p0 $0xffff, v36  }
0x2c1: {  	v0 =	vand.u32 $0x7F, v0;
	v36 =	vld.idx.msk @p0 [tilespmem:v37+s26+$0x0], $0xffff;
	v45 =	vadd.s32 v3, v16;
	[tilespmem:v1+s28+$0x0] =	vst.idx.msk @p0 $0xffff, v27;
	v1 =	vand.u32 $0x7F, v60  }
0x2c2: {  	v40 =	vshll.u32 v56, $0x3;
	v1 =	vor.u32 v1, v49;
	v57 =	vsub.s32 v4, v10;
	[tilespmem:v50+s28+$0x0] =	vst.idx.msk $0xffff, v26  }
0x2c3: {  	[tilespmem:v25+s28+$0x0] =	vst.idx.msk @p0 $0xffff, v28;
	v4 =	vand.u32 $0x7F, v4;
	v53 =	vadd.s32 v2, v1;
	v60 =	vshll.u32 v57, $0x3;
	v37 =	vld.idx.msk [tilespmem:v54+s26+$0x0], $0xffff  }
0x2c4: {  	s31 =	sand.u32 $0xFF, s24;
	[tilespmem:v17+s28+$0x0] =	vst.idx.msk @p0 $0xffff, v29;
	v26 =	vand.u32 $0x7F, v62;
	v29 =	vshll.u32 v44, $0x3;
	v20 =	vand.u32 $0xFFFFFC00, v60;
	v43 =	vld.idx.msk [tilespmem:v61+s26+$0x0], $0xffff  }
0x2c5: {  	s22 =	sshll.u32 s31, $0x7;
	s31 =	sand.u32 $0xFF, s19;
	[tilespmem:v12+s28+$0x0] =	vst.idx.msk @p0 $0xffff, v32;
	v24 =	vld.idx.msk @p0 [tilespmem:v24+s26+$0x0], $0xffff;
	v47 =	vand.u32 $0xFFFFFC00, v29;
	v4 =	vor.u32 v4, v20;
	v20 =	vand.u32 $0xFFFFFC00, v31  }
0x2c6: {  	s19 =	sshll.u32 s31, $0x7;
	[tilespmem:v14+s28+$0x0] =	vst.idx.msk @p0 $0xffff, v36;
	v14 =	vand.u32 $0xFFFFFC00, v40;
	v17 =	vor.u32 v26, v47;
	v49 =	vadd.s32 v2, v4  }
0x2c7: {  	v61 =	vor.u32 s19, v59;
	v26 =	vld.idx.msk [tilespmem:v52+s26+$0x0], $0xffff;
	v20 =	vor.u32 v38, v20;
	v54 =	vadd.s32 v2, v17  }
0x2c8: {  	v0 =	vor.u32 v0, v14;
	v42 =	vadd.s32 v2, v20;
	v22 =	vld.idx.msk [tilespmem:v53+s26+$0x0], $0xffff;
	[tilespmem:v58+s28+$0x0] =	vst.idx.msk $0xffff, v37  }
0x2c9: {  	s24 =	sand.u32 $0xFF, s20;
	v51 =	vor.u32 s8, v7;
	v46 =	vadd.s32 v2, v0;
	v21 =	vld.idx.msk [tilespmem:v41+s26+$0x0], $0xffff;
	[tilespmem:v63+s28+$0x0] =	vst.idx.msk $0xffff, v43  }
0x2ca: {  	s29 =	sshll.u32 s24, $0x7;
	s18 =	sand.u32 $0xFF, s18;
	v39 =	vadd.s32 v3, v1;
	[tilespmem:v11+s28+$0x0] =	vst.idx.msk @p0 $0xffff, v24;
	v11 =	vor.u32 s0, v5;
	v14 =	vld.idx.msk [tilespmem:v45+s26+$0x0], $0xffff  }
0x2cb: {  	s18 =	sshll.u32 s18, $0x7;
	[tilespmem:v13+s28+$0x0] =	vst.idx.msk @p0 $0xffff, v30;
	v58 =	vor.u32 s29, v59;
	v63 =	vadd.s32 v3, v15;
	v23 =	vld.idx.msk [tilespmem:v49+s26+$0x0], $0xffff  }
0x2cc: {  	s21 =	sand.u32 $0xFF, s1;
	v19 =	vadd.s32 v8, v19;
	v62 =	vor.u32 s18, v59;
	[tilespmem:v61+s28+$0x0] =	vst.idx.msk $0xffff, v26;
	v28 =	vld.idx.msk [tilespmem:v54+s26+$0x0], $0xffff  }
0x2cd: {  	s25 =	sshll.u32 s21, $0x7;
	v34 =	vadd.s32 v3, v17;
	v53 =	vor.u32 s22, v59;
	v12 =	vld.idx.msk [tilespmem:v42+s26+$0x0], $0xffff;
	[tilespmem:v35+s28+$0x0] =	vst.idx.msk $0xffff, v22  }
0x2ce: {  	v56 =	vor.u32 s25, v59;
	v57 =	vadd.s32 v3, v20;
	v22 =	vld.idx.msk [tilespmem:v46+s26+$0x0], $0xffff;
	[tilespmem:v51+s28+$0x0] =	vst.idx.msk $0xffff, v21  }
0x2cf: {  	v50 =	vor.u32 s17, v5;
	v60 =	vadd.s32 v3, v0;
	v48 =	vld.idx.msk [tilespmem:v39+s26+$0x0], $0xffff;
	[tilespmem:v11+s28+$0x0] =	vst.idx.msk $0xffff, v14  }
0x2d0: {  	v55 =	vadd.s32 v6, v1;
	v41 =	vor.u32 s19, v5;
	v27 =	vld.idx.msk [tilespmem:v63+s26+$0x0], $0xffff;
	[tilespmem:v58+s28+$0x0] =	vst.idx.msk $0xffff, v23  }
0x2d1: {  	v39 =	vor.u32 s8, v9;
	v11 =	vadd.s32 v3, v4;
	v19 =	vld.idx.msk [tilespmem:v19+s26+$0x0], $0xffff;
	[tilespmem:v62+s28+$0x0] =	vst.idx.msk $0xffff, v28  }
0x2d2: {  	v45 =	vor.u32 s18, v5;
	v42 =	vadd.s32 v6, v16;
	[tilespmem:v53+s28+$0x0] =	vst.idx.msk $0xffff, v12;
	v13 =	vld.idx.msk [tilespmem:v34+s26+$0x0], $0xffff  }
0x2d3: {  	v36 =	vor.u32 s22, v5;
	v49 =	vadd.s32 v6, v17;
	[tilespmem:v56+s28+$0x0] =	vst.idx.msk $0xffff, v22;
	v35 =	vld.idx.msk [tilespmem:v57+s26+$0x0], $0xffff  }
0x2d4: {  	v38 =	vadd.s32 v6, v20;
	v37 =	vor.u32 s25, v5;
	[tilespmem:v50+s28+$0x0] =	vst.idx.msk $0xffff, v48;
	v25 =	vld.idx.msk [tilespmem:v60+s26+$0x0], $0xffff  }
0x2d5: {  	v33 =	vor.u32 s17, v7;
	v40 =	vadd.s32 v6, v0;
	v32 =	vld.idx.msk [tilespmem:v55+s26+$0x0], $0xffff;
	[tilespmem:v41+s28+$0x0] =	vst.idx.msk $0xffff, v27  }
0x2d6: {  	v44 =	vadd.s32 v6, v15;
	v43 =	vor.u32 s29, v5;
	v11 =	vld.idx.msk [tilespmem:v11+s26+$0x0], $0xffff;
	[tilespmem:v39+s28+$0x0] =	vst.idx.msk $0xffff, v19  }
0x2d7: {  	v1 =	vadd.s32 v8, v1;
	v51 =	vld.idx.msk [tilespmem:v42+s26+$0x0], $0xffff;
	v50 =	vor.u32 s0, v7;
	[tilespmem:v45+s28+$0x0] =	vst.idx.msk $0xffff, v13  }
0x2d8: {  	v47 =	vadd.s32 v6, v4;
	v57 =	vor.u32 s18, v7;
	[tilespmem:v36+s28+$0x0] =	vst.idx.msk $0xffff, v35;
	v21 =	vld.idx.msk [tilespmem:v49+s26+$0x0], $0xffff  }
0x2d9: {  	v16 =	vadd.s32 v8, v16;
	v46 =	vor.u32 s22, v7;
	[tilespmem:v37+s28+$0x0] =	vst.idx.msk $0xffff, v25;
	v23 =	vld.idx.msk [tilespmem:v38+s26+$0x0], $0xffff  }
0x2da: {  	v17 =	vadd.s32 v8, v17;
	v48 =	vor.u32 s25, v7;
	[tilespmem:v33+s28+$0x0] =	vst.idx.msk $0xffff, v32;
	v26 =	vld.idx.msk [tilespmem:v40+s26+$0x0], $0xffff  }
0x2db: {  	v20 =	vadd.s32 v8, v20;
	v52 =	vld.idx.msk [tilespmem:v44+s26+$0x0], $0xffff;
	[tilespmem:v43+s28+$0x0] =	vst.idx.msk $0xffff, v11;
	v11 =	vor.u32 s19, v7  }
0x2dc: {  	v0 =	vadd.s32 v8, v0;
	v54 =	vor.u32 s17, v9;
	[tilespmem:v50+s28+$0x0] =	vst.idx.msk $0xffff, v51;
	v1 =	vld.idx.msk [tilespmem:v1+s26+$0x0], $0xffff  }
0x2dd: {  	v53 =	vadd.s32 v8, v15;
	v55 =	vor.u32 s29, v7;
	v56 =	vld.idx.msk [tilespmem:v47+s26+$0x0], $0xffff;
	[tilespmem:v57+s28+$0x0] =	vst.idx.msk $0xffff, v21  }
0x2de: {  	v4 =	vadd.s32 v8, v4;
	v60 =	vor.u32 s0, v9;
	v61 =	vld.idx.msk [tilespmem:v16+s26+$0x0], $0xffff;
	[tilespmem:v46+s28+$0x0] =	vst.idx.msk $0xffff, v23  }
0x2df: {  	v63 =	vor.u32 s18, v9;
	v17 =	vld.idx.msk [tilespmem:v17+s26+$0x0], $0xffff;
	[tilespmem:v48+s28+$0x0] =	vst.idx.msk $0xffff, v26  }
0x2e0: {  	v58 =	vor.u32 s22, v9;
	v20 =	vld.idx.msk [tilespmem:v20+s26+$0x0], $0xffff;
	[tilespmem:v11+s28+$0x0] =	vst.idx.msk $0xffff, v52  }
0x2e1: {  	v11 =	vor.u32 s25, v9;
	v0 =	vld.idx.msk [tilespmem:v0+s26+$0x0], $0xffff;
	[tilespmem:v54+s28+$0x0] =	vst.idx.msk $0xffff, v1  }
0x2e2: {  	v1 =	vor.u32 s19, v9;
	v13 =	vld.idx.msk [tilespmem:v53+s26+$0x0], $0xffff;
	[tilespmem:v55+s28+$0x0] =	vst.idx.msk $0xffff, v56  }
0x2e3: {  	v62 =	vor.u32 s29, v9;
	[tilespmem:v60+s28+$0x0] =	vst.idx.msk $0xffff, v61;
	v4 =	vld.idx.msk [tilespmem:v4+s26+$0x0], $0xffff  }
0x2e4: {  	[tilespmem:v63+s28+$0x0] =	vst.idx.msk $0xffff, v17  }
0x2e5: {  	[tilespmem:v58+s28+$0x0] =	vst.idx.msk $0xffff, v20  }
0x2e6: {  	[tilespmem:v11+s28+$0x0] =	vst.idx.msk $0xffff, v0  }
0x2e7: {  	[tilespmem:v1+s28+$0x0] =	vst.idx.msk $0xffff, v13  }
0x2e8: {  	[tilespmem:v62+s28+$0x0] =	vst.idx.msk $0xffff, v4  }
.LBB2_21:
0x2e9: {  	p0 =	sge.s32 s16, s15  }
.Ltmp24:
0x2ea: {  	_ = 	snop;
	(pc) =	sbr.rel @p0 .LBB2_24-.Ltmp24, $1  }
0x2eb: {  	_ =	sdelay $0x3  }
0x2ec: {  	p0 =	slt.s32 s7, s6;
	s0 =	smov.u32 s6;
	s1 =	ssub.s32 s14, s5  }
0x2ed: {  	s0 =	smov.u32 @p0 s7;
	s1 =	ssub.s32 $0x0, s1  }
.LBB2_23:
0x2ee: {  	s5 =	sadd.s32 s1, s0  }
0x2ef: {  	v0 =	vmov s5;
	_ =	sdelay $0x4  }
0x2f0: {  	v0 =	vld.idx.msk [tilespmem:v0+s3+$0x0], $0xffff;
	_ =	sdelay $0x4  }
0x2f1: {  	v1 =	vsub.s32 v0, v10  }
0x2f2: {  	v1 =	vshll.u32 v1, $0x3  }
0x2f3: {  	v0 =	vand.u32 $0x7F, v0;
	v1 =	vand.u32 $0xFFFFFC00, v1  }
0x2f4: {  	v0 =	vor.u32 v0, v1  }
0x2f5: {  	v1 =	vadd.s32 v2, v0;
	_ =	sdelay $0x2  }
0x2f6: {  	s5 =	sand.u32 $0xFF, s5  }
0x2f7: {  	s5 =	sshll.u32 s5, $0x7  }
0x2f8: {  	v4 =	vor.u32 s5, v59;
	v1 =	vld.idx.msk [tilespmem:v1+s26+$0x0], $0xffff  }
0x2f9: {  	v11 =	vadd.s32 v3, v0;
	_ =	sdelay $0x3  }
0x2fa: {  	[tilespmem:v4+s28+$0x0] =	vst.idx.msk $0xffff, v1  }
0x2fb: {  	v4 =	vor.u32 s5, v5;
	v1 =	vld.idx.msk [tilespmem:v11+s26+$0x0], $0xffff  }
0x2fc: {  	v11 =	vadd.s32 v6, v0;
	_ =	sdelay $0x3  }
0x2fd: {  	[tilespmem:v4+s28+$0x0] =	vst.idx.msk $0xffff, v1  }
0x2fe: {  	v4 =	vor.u32 s5, v7;
	v1 =	vld.idx.msk [tilespmem:v11+s26+$0x0], $0xffff  }
0x2ff: {  	v0 =	vadd.s32 v8, v0;
	_ =	sdelay $0x3  }
0x300: {  	s1 =	sadd.s32 $0x1, s1;
	[tilespmem:v4+s28+$0x0] =	vst.idx.msk $0xffff, v1  }
0x301: {  	p0 =	seq.s32 s1, $0x0;
	v1 =	vor.u32 s5, v9;
	v0 =	vld.idx.msk [tilespmem:v0+s26+$0x0], $0xffff  }
.Ltmp25:
0x302: {  	_ = 	snop;
	(pc) =	sbr.rel @!p0 .LBB2_23-.Ltmp25, $2  }
0x303: {  	_ =	sdelay $0x2  }
0x304: {  	[tilespmem:v1+s28+$0x0] =	vst.idx.msk $0xffff, v0  }
.Ltmp26:
0x305: {  	_ = 	snop;
	(pc) =	sbr.rel .LBB2_24-.Ltmp26, $1  }
0x306: {  	_ =	sdelay $0x3  }
.LBB2_17:
.Ltmp27:
0x307: {  	(pc) =	sbr.rel .LBB2_30-.Ltmp27, $2  }
0x308: {  	_ =	sdelay $0x2  }
0x309: {  	_ = 	snop  }
.LBB2_27:
0x30a: {  	_ =	sfence.sel $0x180000  }
0x30b: {  	[bflag:$0x0] =	sbarrier.arrive $0xFFFF  }
0x30c: {  	_ =	strace $0x90000047  }
0x30d: {  	s0 =	stileid.u32;
	[bflag:$0x2] =	sbarrier.arrive $0xFFFF  }
0x30e: {  	p0 =	sne.s32 s0, $0x0;
	s0 =	rddreg [dreg:$0x3]  }
0x30f: {  	s0 =	sadd.s32 @!p0 $0x100000, s0  }
0x310: {  	[sflag:s0] =	ssyncadd.tile.s32 @!p0 $0x1;
	_ =	shalt  }
.Lfunc_end2:
_tile_overlayer_lowered:
.L_overlay_start_2:
0x311: {  	(tag) =	ssettag $0x2  }
0x312: {  	s0 =	rddreg [dreg:$0x0];
	s2 =	stileid.u32  }
0x313: {  	s1 =	rddreg [dreg:$0x1];
	p0 =	sne.s32 s2, $0x0  }
0x314: {  	s3 =	rddreg [dreg:$0x2];
	[bflag:$0x3] =	sbarrier.arrive $0xFFFF;
	s2 =	simm.s32 @!p0 $0x1C04  }
0x315: {  	[timem:s3], [sflag:s2] =	dma.local @!p0 [hbm:s0], s1  }
0x316: {  	s0 =	simm.s32 @!p0 $0x4  }
0x317: {  	_ =	swait.ge @!p0 [sflag:s0], s1  }
0x318: {  	s1 =	ssub.s32 @!p0 $0x0, s1;
	[sflag:s0] =	ssyncset.done @!p0 $0x0  }
0x319: {  	[sflag:s0] =	ssyncadd.s32 @!p0 s1  }
0x31a: {  	[bflag:$0x3] =	sbarrier.arrive $0xFFFF  }
0x31b: {  	_ =	shalt  }

</sc_bundles>
